<compile_context>
chip_gen: v7x
topology: tpu7x:2x2x1
jax: 0.10.2.dev20260603
libtpu: 0.0.44.dev20260713+nightly
codegen_flags: <defaults>
</compile_context>

<pallas_src>
import functools

import jax
import jax.numpy as jnp
from jax import lax
from jax.experimental import pallas as pl
from jax.experimental.pallas import tpu as pltpu
from jax.experimental.pallas import tpu_sc as plsc

_PREC = lax.Precision.HIGHEST
_NW = 32
_CHUNK = 64
_GRAN = _NW * _CHUNK * 2


def _silu(x):
    return x / (1.0 + jnp.exp(-x))


def _row_block(n, cap):
    b = 8
    for c in range(8, cap + 1, 8):
        if n % c == 0:
            b = c
    return b


def _bf16_hi(x):
    b = jax.lax.bitcast_convert_type(x, jnp.uint32)
    r = b + jnp.uint32(0x7FFF) + ((b >> 16) & jnp.uint32(1))
    return r & jnp.uint32(0xFFFF0000)


def _rowmm(x, w, b, splits):
    n, d = x.shape
    m = w.shape[1]
    bn = _row_block(n, 2048)
    sw = m // splits

    def body(x_ref, w_ref, b_ref, *outs):
        acc = jnp.dot(x_ref[...], w_ref[...], precision=_PREC,
                      preferred_element_type=jnp.float32) + b_ref[...]
        for j, o in enumerate(outs):
            hi = _bf16_hi(acc[:, j * sw:j * sw + 128])
            lo = _bf16_hi(acc[:, j * sw + 128:j * sw + 256]) >> 16
            o[...] = jax.lax.bitcast_convert_type(hi | lo, jnp.int32)

    outs = tuple(jax.ShapeDtypeStruct((n, 128), jnp.int32)
                 for _ in range(splits))
    return pl.pallas_call(
        body,
        grid=(n // bn,),
        in_specs=[
            pl.BlockSpec((bn, d), lambda i: (i, 0)),
            pl.BlockSpec((d, m), lambda i: (0, 0)),
            pl.BlockSpec((1, m), lambda i: (0, 0)),
        ],
        out_specs=tuple(pl.BlockSpec((bn, 128), lambda i: (i, 0))
                        for _ in range(splits)),
        out_shape=outs,
    )(x, w, b.reshape(1, m))


def _sc_gather(t_src_ll, t_dst_ll, x_src_ll, x_dst_ll, src_ll, dst_ll,
               t_src_rl, t_dst_rl, x_src_rl, x_dst_rl, src_rl, dst_rl):
    e_ll = src_ll.shape[0]
    e_rl = src_rl.shape[0]
    dx = x_src_ll.shape[1]
    ei_max = max(e_ll, e_rl) // _NW
    mesh = plsc.VectorSubcoreMesh(core_axis_name="c", subcore_axis_name="s")

    @functools.partial(
        pl.kernel,
        out_type=(jax.ShapeDtypeStruct((e_ll, 128), jnp.int32),
                  jax.ShapeDtypeStruct((e_ll, 128), jnp.int32),
                  jax.ShapeDtypeStruct((e_ll, dx), jnp.float32),
                  jax.ShapeDtypeStruct((e_rl, 128), jnp.int32),
                  jax.ShapeDtypeStruct((e_rl, 128), jnp.int32),
                  jax.ShapeDtypeStruct((e_rl, dx), jnp.float32)),
        mesh=mesh,
        scratch_types=[
            pltpu.VMEM((ei_max,), jnp.int32),
            pltpu.VMEM((ei_max,), jnp.int32),
            pltpu.VMEM((_CHUNK, 128), jnp.int32),
            pltpu.VMEM((_CHUNK, 128), jnp.int32),
            pltpu.VMEM((_CHUNK, dx), jnp.float32),
            pltpu.VMEM((_CHUNK, dx), jnp.float32),
            pltpu.VMEM((_CHUNK, 128), jnp.int32),
            pltpu.VMEM((_CHUNK, 128), jnp.int32),
            pltpu.VMEM((_CHUNK, dx), jnp.float32),
            pltpu.VMEM((_CHUNK, dx), jnp.float32),
            pltpu.SemaphoreType.DMA,
            pltpu.SemaphoreType.DMA,
            pltpu.SemaphoreType.DMA,
            pltpu.SemaphoreType.DMA,
        ],
    )
    def k(tsll_h, tdll_h, xsll_h, xdll_h, sll_h, dll_h,
          tsrl_h, tdrl_h, xsrl_h, xdrl_h, srl_h, drl_h,
          gsll_h, gdll_h, xfll_h, gsrl_h, gdrl_h, xfrl_h,
          idx_s, idx_d, ts0, td0, xs0, xd0, ts1, td1, xs1, xd1,
          sg0, sg1, sw0, sw1):
        wid = lax.axis_index("c") * 16 + lax.axis_index("s")
        slots = (((ts0, td0, xs0, xd0), sg0, sw0),
                 ((ts1, td1, xs1, xd1), sg1, sw1))

        def run(tsrc_h, tdst_h, xsrc_h, xdst_h, src_h, dst_h,
                gs_h, gd_h, xf_h, e):
            e_per_w = e // _NW
            n_chunks = e_per_w // _CHUNK
            base_w = wid * e_per_w
            pltpu.sync_copy(src_h.at[pl.ds(base_w, e_per_w)],
                            idx_s.at[pl.ds(0, e_per_w)])
            pltpu.sync_copy(dst_h.at[pl.ds(base_w, e_per_w)],
                            idx_d.at[pl.ds(0, e_per_w)])

            def out_slices(i):
                base = base_w + i * _CHUNK
                return (gs_h.at[pl.ds(base, _CHUNK)],
                        gd_h.at[pl.ds(base, _CHUNK)],
                        xf_h.at[pl.ds(base, _CHUNK)])

            def tables(i):
                isl = idx_s.at[pl.ds(i * _CHUNK, _CHUNK)]
                idl = idx_d.at[pl.ds(i * _CHUNK, _CHUNK)]
                return (tsrc_h.at[isl], tdst_h.at[idl],
                        xsrc_h.at[isl], xdst_h.at[idl])

            def issue(slot, i, reclaim):
                bufs, sg, sw = slots[slot]
                if reclaim:
                    for b, o in zip(bufs[:3], out_slices(i)):
                        pltpu.make_async_copy(b, o, sw).wait()
                for t, b in zip(tables(i), bufs):
                    pltpu.async_copy(t, b, sg)

            def complete(slot, i):
                bufs, sg, sw = slots[slot]
                for t, b in zip(tables(i), bufs):
                    pltpu.make_async_copy(t, b, sg).wait()
                xs_b, xd_b = bufs[2], bufs[3]

                def vrow(r, carry):
                    for g in range(dx // 16):
                        xs_b[r, pl.ds(g * 16, 16)] = (
                            xs_b[r, pl.ds(g * 16, 16)]
                            - xd_b[r, pl.ds(g * 16, 16)])
                    return carry

                lax.fori_loop(0, _CHUNK, vrow, 0)
                for b, o in zip(bufs[:3], out_slices(i)):
                    pltpu.async_copy(b, o, sw)

            issue(0, 0, False)
            issue(1, 1, False)

            def pair(p, carry):
                complete(0, 2 * p)
                issue(0, 2 * p + 2, True)
                complete(1, 2 * p + 1)
                issue(1, 2 * p + 3, True)
                return carry

            lax.fori_loop(0, n_chunks // 2 - 1, pair, 0)
            complete(0, n_chunks - 2)
            complete(1, n_chunks - 1)
            for bufs, sg, sw in slots:
                for b, o in zip(bufs[:3], out_slices(0)):
                    pltpu.make_async_copy(b, o, sw).wait()

        run(tsll_h, tdll_h, xsll_h, xdll_h, sll_h, dll_h,
            gsll_h, gdll_h, xfll_h, e_ll)
        run(tsrl_h, tdrl_h, xsrl_h, xdrl_h, srl_h, drl_h,
            gsrl_h, gdrl_h, xfrl_h, e_rl)

    return k(t_src_ll, t_dst_ll, x_src_ll, x_dst_ll, src_ll, dst_ll,
             t_src_rl, t_dst_rl, x_src_rl, x_dst_rl, src_rl, dst_rl)


def _tc_edge(gs, gd, xdf, w2e, b2e, w2c, b2c, wde, wdc):
    e = gs.shape[0]
    h = 128
    be = 1024

    def unpack(v):
        u = jax.lax.bitcast_convert_type(v, jnp.uint32)
        hi = jax.lax.bitcast_convert_type(u & jnp.uint32(0xFFFF0000),
                                          jnp.float32)
        lo = jax.lax.bitcast_convert_type(u << 16, jnp.float32)
        return hi, lo

    def body(gs_ref, gd_ref, xdf_ref, w2e_ref, b2e_ref, w2c_ref,
             b2c_ref, wde_ref, wdc_ref, oh_ref, ox_ref):
        xdiff = xdf_ref[...]
        d2 = jnp.sum(xdiff * xdiff, axis=1, keepdims=True)
        dij = jnp.sqrt(d2)
        xn = xdiff / (dij + 1e-9)
        se, sc = unpack(gs_ref[...])
        de, dc = unpack(gd_ref[...])
        ue = se + de + dij * wde_ref[...]
        uc = sc + dc + dij * wdc_ref[...]
        a = _silu(ue).astype(jnp.bfloat16)
        mh = _silu(jnp.dot(a, w2e_ref[...].astype(jnp.bfloat16),
                           preferred_element_type=jnp.float32) + b2e_ref[...])
        c = _silu(uc)
        s = _silu(jnp.sum(c * w2c_ref[...], axis=1, keepdims=True) + b2c_ref[...])
        oh_ref[...] = mh
        ox_ref[...] = s * xn

    return pl.pallas_call(
        body,
        grid=(e // be,),
        in_specs=[
            pl.BlockSpec((be, h), lambda i: (i, 0)),
            pl.BlockSpec((be, h), lambda i: (i, 0)),
            pl.BlockSpec((be, h), lambda i: (i, 0)),
            pl.BlockSpec((h, h), lambda i: (0, 0)),
            pl.BlockSpec((1, h), lambda i: (0, 0)),
            pl.BlockSpec((1, h), lambda i: (0, 0)),
            pl.BlockSpec((1, 1), lambda i: (0, 0)),
            pl.BlockSpec((1, h), lambda i: (0, 0)),
            pl.BlockSpec((1, h), lambda i: (0, 0)),
        ],
        out_specs=(pl.BlockSpec((be, h), lambda i: (i, 0)),
                   pl.BlockSpec((be, h), lambda i: (i, 0))),
        out_shape=(jax.ShapeDtypeStruct((e, h), jnp.float32),
                   jax.ShapeDtypeStruct((e, h), jnp.float32)),
    )(gs, gd, xdf, w2e, b2e.reshape(1, h), w2c.reshape(1, h),
      b2c.reshape(1, 1), wde.reshape(1, h), wdc.reshape(1, h))


def _sc_scatter(dst_ll, m_ll, dst_rl, m_rl, zeros_hbm):
    nacc, hh = zeros_hbm.shape
    c2 = _CHUNK * 2
    e_ll = dst_ll.shape[0]
    e_rl = dst_rl.shape[0]
    rpt = nacc // 16
    mesh = plsc.VectorSubcoreMesh(core_axis_name="c", subcore_axis_name="s")

    @functools.partial(
        pl.kernel,
        out_type=jax.ShapeDtypeStruct((2, nacc, hh), jnp.float32),
        mesh=mesh,
        scratch_types=[
            pltpu.VMEM((c2,), jnp.int32),
            pltpu.VMEM((c2,), jnp.int32),
            pltpu.VMEM((c2, hh), jnp.float32),
            pltpu.VMEM((c2, hh), jnp.float32),
            pltpu.VMEM_SHARED((nacc, hh), jnp.float32),
            pltpu.SemaphoreType.DMA,
            pltpu.SemaphoreType.DMA,
        ],
    )
    def k(dll_h, mll_h, drl_h, mrl_h, z_h, o_h, i0, i1, m0, m1, acc, sl0, sl1):
        cid = lax.axis_index("c")
        sid = lax.axis_index("s")
        wid = cid * 16 + sid
        r0 = sid * rpt
        pltpu.sync_copy(z_h.at[pl.ds(r0, rpt)], acc.at[pl.ds(r0, rpt)])
        plsc.subcore_barrier()
        slots = ((m0, i0, sl0), (m1, i1, sl1))

        def run(dst_h, m_h, e):
            e_per_w = e // _NW
            n_chunks = e_per_w // c2
            base_w = wid * e_per_w

            def load(slot, i):
                m_v, i_v, sem = slots[slot]
                base = base_w + i * c2
                pltpu.async_copy(dst_h.at[pl.ds(base, c2)], i_v, sem)
                pltpu.async_copy(m_h.at[pl.ds(base, c2)], m_v, sem)

            def scat(slot, i):
                m_v, i_v, sem = slots[slot]
                base = base_w + i * c2
                pltpu.make_async_copy(dst_h.at[pl.ds(base, c2)], i_v, sem).wait()
                pltpu.make_async_copy(m_h.at[pl.ds(base, c2)], m_v, sem).wait()
                pltpu.sync_copy(m_v, acc.at[i_v], add=True)

            load(0, 0)
            load(1, 1)

            def pair(p, carry):
                scat(0, 2 * p)
                load(0, 2 * p + 2)
                scat(1, 2 * p + 1)
                load(1, 2 * p + 3)
                return carry

            lax.fori_loop(0, n_chunks // 2 - 1, pair, 0)
            scat(0, n_chunks - 2)
            scat(1, n_chunks - 1)

        run(dll_h, mll_h, e_ll)
        run(drl_h, mrl_h, e_rl)
        plsc.subcore_barrier()
        pltpu.sync_copy(acc.at[pl.ds(r0, rpt)], o_h.at[cid, pl.ds(r0, rpt)])

    return k(dst_ll, m_ll, dst_rl, m_rl, zeros_hbm)


def _tc_final(h, xp, ah0, ah1, ax0, ax1, wn1a, wn1b, bn1, wn2, bn2):
    n, d = h.shape
    wx = xp.shape[1]
    bn = _row_block(n, 2048)

    def body(h_ref, xp_ref, ah0_ref, ah1_ref, ax0_ref, ax1_ref,
             wn1a_ref, wn1b_ref, bn1_ref, wn2_ref, bn2_ref, oh_ref, ox_ref):
        hv = h_ref[...]
        hn = ah0_ref[...] + ah1_ref[...]
        t = _silu(jnp.dot(hv, wn1a_ref[...], precision=_PREC,
                          preferred_element_type=jnp.float32)
                  + jnp.dot(hn, wn1b_ref[...], precision=_PREC,
                            preferred_element_type=jnp.float32)
                  + bn1_ref[...])
        oh_ref[...] = hv + jnp.dot(t, wn2_ref[...], precision=_PREC,
                                   preferred_element_type=jnp.float32) + bn2_ref[...]
        ox_ref[...] = xp_ref[...] + ax0_ref[...] + ax1_ref[...]

    return pl.pallas_call(
        body,
        grid=(n // bn,),
        in_specs=[
            pl.BlockSpec((bn, d), lambda i: (i, 0)),
            pl.BlockSpec((bn, wx), lambda i: (i, 0)),
            pl.BlockSpec((bn, d), lambda i: (i, 0)),
            pl.BlockSpec((bn, d), lambda i: (i, 0)),
            pl.BlockSpec((bn, wx), lambda i: (i, 0)),
            pl.BlockSpec((bn, wx), lambda i: (i, 0)),
            pl.BlockSpec((d, d), lambda i: (0, 0)),
            pl.BlockSpec((d, d), lambda i: (0, 0)),
            pl.BlockSpec((1, d), lambda i: (0, 0)),
            pl.BlockSpec((d, d), lambda i: (0, 0)),
            pl.BlockSpec((1, d), lambda i: (0, 0)),
        ],
        out_specs=(pl.BlockSpec((bn, d), lambda i: (i, 0)),
                   pl.BlockSpec((bn, wx), lambda i: (i, 0))),
        out_shape=(jax.ShapeDtypeStruct((n, d), jnp.float32),
                   jax.ShapeDtypeStruct((n, wx), jnp.float32)),
    )(h, xp, ah0, ah1, ax0, ax1, wn1a, wn1b, bn1.reshape(1, d), wn2,
      bn2.reshape(1, d))


def _pad_edges(src, dst, dummy):
    e = src.shape[0]
    e_pad = -(-e // _GRAN) * _GRAN
    pad = e_pad - e
    if pad:
        src = jnp.concatenate([src, jnp.zeros((pad,), jnp.int32)])
        dst = jnp.concatenate([dst, jnp.full((pad,), dummy, jnp.int32)])
    return src, dst


def kernel(h_lig, h_rec, x_lig, x_rec, edge_index_ll, edge_index_rl,
           W1e_ll, b1e_ll, W2e_ll, b2e_ll, W1c_ll, b1c_ll, W2c_ll, b2c_ll,
           W1e_rl, b1e_rl, W2e_rl, b2e_rl, W1c_rl, b1c_rl, W2c_rl, b2c_rl,
           Wn1, bn1, Wn2, bn2):
    n_lig, d = h_lig.shape

    w_lig = jnp.concatenate(
        [W1e_ll[:d], W1c_ll[:d], W1e_ll[d:2 * d], W1c_ll[d:2 * d],
         W1e_rl[d:2 * d], W1c_rl[d:2 * d]], axis=1)
    b_lig = jnp.concatenate(
        [jnp.zeros((2 * d,), jnp.float32), b1e_ll, b1c_ll, b1e_rl, b1c_rl])
    x_lig_p = jnp.pad(x_lig, ((0, 0), (0, d - x_lig.shape[1])))
    x_rec_p = jnp.pad(x_rec, ((0, 0), (0, d - x_rec.shape[1])))
    t_src_ll, t_dst_ll, t_dst_rl = _rowmm(h_lig, w_lig, b_lig, 3)
    w_rec = jnp.concatenate([W1e_rl[:d], W1c_rl[:d]], axis=1)
    (t_src_rl,) = _rowmm(h_rec, w_rec, jnp.zeros((2 * d,), jnp.float32), 1)

    src_ll, dst_ll = _pad_edges(edge_index_ll[0], edge_index_ll[1], n_lig)
    src_rl, dst_rl = _pad_edges(edge_index_rl[0], edge_index_rl[1], n_lig)
    (gs_ll, gd_ll, xf_ll,
     gs_rl, gd_rl, xf_rl) = _sc_gather(
        t_src_ll, t_dst_ll, x_lig_p, x_lig_p, src_ll, dst_ll,
        t_src_rl, t_dst_rl, x_rec_p, x_lig_p, src_rl, dst_rl)

    mh_ll, mx_ll = _tc_edge(gs_ll, gd_ll, xf_ll,
                            W2e_ll, b2e_ll, W2c_ll[:, 0], b2c_ll,
                            W1e_ll[2 * d], W1c_ll[2 * d])
    mh_rl, mx_rl = _tc_edge(gs_rl, gd_rl, xf_rl,
                            W2e_rl, b2e_rl, W2c_rl[:, 0], b2c_rl,
                            W1e_rl[2 * d], W1c_rl[2 * d])

    nacc = -(-(n_lig + 1) // 128) * 128
    zh = jnp.zeros((nacc, d), jnp.float32)
    acc_h = _sc_scatter(dst_ll, mh_ll, dst_rl, mh_rl, zh)
    acc_x = _sc_scatter(dst_ll, mx_ll, dst_rl, mx_rl, zh)

    h_out, xp_out = _tc_final(
        h_lig, x_lig_p,
        acc_h[0, :n_lig], acc_h[1, :n_lig], acc_x[0, :n_lig], acc_x[1, :n_lig],
        Wn1[:d], Wn1[d:], bn1, Wn2, bn2)

    return (h_out, h_rec, xp_out[:, :x_lig.shape[1]], x_rec)

# --- scband reference (transcript-rebuilt; emitter-appended) ---
"""Pipeline reference for scband-lig-rec-conv-29059748725051 (READ-ONLY COPY).

The authoritative reference and input builder live on the scoring server;
editing this copy changes nothing except your own understanding.
"""

import jax, jax.numpy as jnp
import numpy as np

N_LIG, N_REC, D, H = 10000, 40000, 128, 128
E_LL, E_RL = 160000, 400000
FIN = 2 * D + 1

def silu(x):
    return x * jax.nn.sigmoid(x)

def setup_inputs(seed: int = 0):
    key = jax.random.key(seed)
    ks = jax.random.split(key, 40)
    inp = {}
    inp['h_lig'] = jax.random.normal(ks[0], (N_LIG, D), jnp.float32)
    inp['h_rec'] = jax.random.normal(ks[1], (N_REC, D), jnp.float32)
    inp['x_lig'] = jax.random.normal(ks[2], (N_LIG, 3), jnp.float32)
    inp['x_rec'] = jax.random.normal(ks[3], (N_REC, 3), jnp.float32)
    inp['edge_index_ll'] = jax.random.randint(ks[4], (2, E_LL), 0, N_LIG, jnp.int32)
    inp['edge_index_rl'] = jax.random.randint(ks[5], (2, E_RL), 0, N_LIG, jnp.int32)
    i = 6
    for et in ('ll', 'rl'):
        inp['W1e_' + et] = jax.random.normal(ks[i], (FIN, H), jnp.float32) * 0.05; i += 1
        inp['b1e_' + et] = jnp.zeros((H,), jnp.float32)
        inp['W2e_' + et] = jax.random.normal(ks[i], (H, H), jnp.float32) * 0.05; i += 1
        inp['b2e_' + et] = jnp.zeros((H,), jnp.float32)
        inp['W1c_' + et] = jax.random.normal(ks[i], (FIN, H), jnp.float32) * 0.05; i += 1
        inp['b1c_' + et] = jnp.zeros((H,), jnp.float32)
        inp['W2c_' + et] = jax.random.normal(ks[i], (H, 1), jnp.float32) * 0.05; i += 1
        inp['b2c_' + et] = jnp.zeros((1,), jnp.float32)
    inp['Wn1'] = jax.random.normal(ks[i], (D + H, H), jnp.float32) * 0.05; i += 1
    inp['bn1'] = jnp.zeros((H,), jnp.float32)
    inp['Wn2'] = jax.random.normal(ks[i], (H, D), jnp.float32) * 0.05
    inp['bn2'] = jnp.zeros((D,), jnp.float32)
    return inp

def _mlp2(f, W1, b1, W2, b2, final_act):
    h = silu(f @ W1 + b1)
    h = h @ W2 + b2
    return silu(h) if final_act else h

def _etype_messages(h_src, h_dst, x_src, x_dst, ei, W1e, b1e, W2e, b2e, W1c, b1c, W2c, b2c):
    src, dst = ei[0], ei[1]
    x_diff = x_src[src] - x_dst[dst]
    dij = jnp.linalg.norm(x_diff, axis=1, keepdims=True)
    x_diff = x_diff / (dij + 1e-09)
    f = jnp.concatenate([h_src[src], h_dst[dst], dij], axis=-1)
    msg_h = _mlp2(f, W1e, b1e, W2e, b2e, True)
    msg_x = _mlp2(f, W1c, b1c, W2c, b2c, True) * x_diff
    return msg_h, msg_x, dst

def reference(h_lig, h_rec, x_lig, x_rec, edge_index_ll, edge_index_rl,
              W1e_ll, b1e_ll, W2e_ll, b2e_ll, W1c_ll, b1c_ll, W2c_ll, b2c_ll,
              W1e_rl, b1e_rl, W2e_rl, b2e_rl, W1c_rl, b1c_rl, W2c_rl, b2c_rl,
              Wn1, bn1, Wn2, bn2):
    mh_ll, mx_ll, dst_ll = _etype_messages(h_lig, h_lig, x_lig, x_lig, edge_index_ll,
                                           W1e_ll, b1e_ll, W2e_ll, b2e_ll, W1c_ll, b1c_ll, W2c_ll, b2c_ll)
    mh_rl, mx_rl, dst_rl = _etype_messages(h_rec, h_lig, x_rec, x_lig, edge_index_rl,
                                           W1e_rl, b1e_rl, W2e_rl, b2e_rl, W1c_rl, b1c_rl, W2c_rl, b2c_rl)
    h_neigh = jax.ops.segment_sum(mh_ll, dst_ll, num_segments=N_LIG) + jax.ops.segment_sum(mh_rl, dst_rl, num_segments=N_LIG)
    x_neigh = jax.ops.segment_sum(mx_ll, dst_ll, num_segments=N_LIG) + jax.ops.segment_sum(mx_rl, dst_rl, num_segments=N_LIG)
    node_in = jnp.concatenate([h_lig, h_neigh], axis=-1)
    h_lig_out = h_lig + _mlp2(node_in, Wn1, bn1, Wn2, bn2, False)
    x_lig_out = x_lig + x_neigh
    return (h_lig_out, h_rec, x_lig_out, x_rec)

if __name__ == "__main__":
    import jax
    _d = setup_inputs()
    print(jax.jit(kernel)(*tuple(_d.values())))

</pallas_src>

<mosaic_0001>
#map = affine_map<(d0, d1) -> (0)>
#map1 = affine_map<(d0, d1) -> (0, 0)>
#map2 = affine_map<(d0, d1) -> (0, 0, 0)>
module attributes {stable_mosaic.version = 14 : i64} {
  func.func @k(%arg0: i32, %arg1: i32, %arg2: memref<163840xi32, #tpu.memory_space<hbm>>, %arg3: memref<163840x128xf32, #tpu.memory_space<hbm>>, %arg4: memref<401408xi32, #tpu.memory_space<hbm>>, %arg5: memref<401408x128xf32, #tpu.memory_space<hbm>>, %arg6: memref<10112x128xf32, #tpu.memory_space<hbm>>, %arg7: memref<2x10112x128xf32, #tpu.memory_space<hbm>>, %arg8: memref<128xi32, #tpu.memory_space<vmem>>, %arg9: memref<128xi32, #tpu.memory_space<vmem>>, %arg10: memref<128x128xf32, #tpu.memory_space<vmem>>, %arg11: memref<128x128xf32, #tpu.memory_space<vmem>>, %arg12: memref<10112x128xf32, #tpu.memory_space<vmem_shared>>, %arg13: memref<!tpu.dma_semaphore, #tpu.memory_space<semaphore_mem>>, %arg14: memref<!tpu.dma_semaphore, #tpu.memory_space<semaphore_mem>>) attributes {dimension_semantics = [#tpu.dimension_semantics<core_parallel>, #tpu.dimension_semantics<subcore_parallel>], iteration_bounds = array<i64: 2, 16>, scalar_prefetch = 0 : i64, scratch_operands = 7 : i64, tpu.core_type = #tpu.core_type<sc_vector_subcore>, window_params = [{transform_indices = #map}, {transform_indices = #map1}, {transform_indices = #map}, {transform_indices = #map1}, {transform_indices = #map1}, {transform_indices = #map2}]} {
    %mul3A = arith.constant 16 : i32
    %mul3A_0 = arith.muli %arg0, %mul3A : i32
    %add3A = arith.addi %mul3A_0, %arg1 : i32
    %mul3A_1 = arith.constant 632 : i32
    %mul3A_2 = arith.muli %arg1, %mul3A_1 : i32
    "tpu.region"() ({
      %run_scoped3A = tpu.sem_alloc : memref<!tpu.dma_semaphore, #tpu.memory_space<semaphore_mem>>
      %dma_start3A_81 = arith.constant 0 : i32
      %dma_start3A_82 = tpu.memref_slice %arg12[%mul3A_2, %dma_start3A_81] : memref<10112x128xf32, #tpu.memory_space<vmem_shared>> -> memref<632x128xf32, #tpu.memory_space<vmem_shared>>
      %dma_start3A_83 = arith.constant 0 : i32
      %dma_start3A_84 = tpu.memref_slice %arg6[%mul3A_2, %dma_start3A_83] : memref<10112x128xf32, #tpu.memory_space<hbm>> -> memref<632x128xf32, #tpu.memory_space<hbm>>
      tpu.enqueue_dma source(%dma_start3A_84 : memref<632x128xf32, #tpu.memory_space<hbm>>) target(%dma_start3A_82 : memref<632x128xf32, #tpu.memory_space<vmem_shared>>) target_semaphore(%run_scoped3A : memref<!tpu.dma_semaphore, #tpu.memory_space<semaphore_mem>>)
      %dma_wait3A_85 = arith.constant 0 : i32
      %dma_wait3A_86 = tpu.memref_slice %arg12[%mul3A_2, %dma_wait3A_85] : memref<10112x128xf32, #tpu.memory_space<vmem_shared>> -> memref<632x128xf32, #tpu.memory_space<vmem_shared>>
      %dma_wait3A_87 = arith.constant 0 : i32
      %dma_wait3A_88 = tpu.memref_slice %arg6[%mul3A_2, %dma_wait3A_87] : memref<10112x128xf32, #tpu.memory_space<hbm>> -> memref<632x128xf32, #tpu.memory_space<hbm>>
      tpu.wait_dma2 semaphore(%run_scoped3A : memref<!tpu.dma_semaphore, #tpu.memory_space<semaphore_mem>>) src(%dma_wait3A_88 : memref<632x128xf32, #tpu.memory_space<hbm>>) dst(%dma_wait3A_86 : memref<632x128xf32, #tpu.memory_space<vmem_shared>>)
      tpu.yield
    }) : () -> ()
    %barrier3A = arith.constant 0 : index
    tpu.barrier barrier_id(%barrier3A)
    %mul3A_3 = arith.constant 5120 : i32
    %mul3A_4 = arith.muli %add3A, %mul3A_3 : i32
    %add3A_5 = arith.constant 0 : i32
    %add3A_6 = arith.addi %mul3A_4, %add3A_5 : i32
    %dma_start3A = tpu.memref_slice %arg2[%add3A_6] : memref<163840xi32, #tpu.memory_space<hbm>> -> memref<128xi32, #tpu.memory_space<hbm>>
    %dma_start3A_7 = tpu.memref_slice %arg2[%add3A_6] : memref<163840xi32, #tpu.memory_space<hbm>> -> memref<128xi32, #tpu.memory_space<hbm>>
    tpu.enqueue_dma source(%dma_start3A_7 : memref<128xi32, #tpu.memory_space<hbm>>) target(%arg8 : memref<128xi32, #tpu.memory_space<vmem>>) target_semaphore(%arg13 : memref<!tpu.dma_semaphore, #tpu.memory_space<semaphore_mem>>)
    %dma_start3A_8 = arith.constant 0 : i32
    %dma_start3A_9 = tpu.memref_slice %arg3[%add3A_6, %dma_start3A_8] : memref<163840x128xf32, #tpu.memory_space<hbm>> -> memref<128x128xf32, #tpu.memory_space<hbm>>
    %dma_start3A_10 = arith.constant 0 : i32
    %dma_start3A_11 = tpu.memref_slice %arg3[%add3A_6, %dma_start3A_10] : memref<163840x128xf32, #tpu.memory_space<hbm>> -> memref<128x128xf32, #tpu.memory_space<hbm>>
    tpu.enqueue_dma source(%dma_start3A_11 : memref<128x128xf32, #tpu.memory_space<hbm>>) target(%arg10 : memref<128x128xf32, #tpu.memory_space<vmem>>) target_semaphore(%arg13 : memref<!tpu.dma_semaphore, #tpu.memory_space<semaphore_mem>>)
    %add3A_12 = arith.constant 128 : i32
    %add3A_13 = arith.addi %mul3A_4, %add3A_12 : i32
    %dma_start3A_14 = tpu.memref_slice %arg2[%add3A_13] : memref<163840xi32, #tpu.memory_space<hbm>> -> memref<128xi32, #tpu.memory_space<hbm>>
    %dma_start3A_15 = tpu.memref_slice %arg2[%add3A_13] : memref<163840xi32, #tpu.memory_space<hbm>> -> memref<128xi32, #tpu.memory_space<hbm>>
    tpu.enqueue_dma source(%dma_start3A_15 : memref<128xi32, #tpu.memory_space<hbm>>) target(%arg9 : memref<128xi32, #tpu.memory_space<vmem>>) target_semaphore(%arg14 : memref<!tpu.dma_semaphore, #tpu.memory_space<semaphore_mem>>)
    %dma_start3A_16 = arith.constant 0 : i32
    %dma_start3A_17 = tpu.memref_slice %arg3[%add3A_13, %dma_start3A_16] : memref<163840x128xf32, #tpu.memory_space<hbm>> -> memref<128x128xf32, #tpu.memory_space<hbm>>
    %dma_start3A_18 = arith.constant 0 : i32
    %dma_start3A_19 = tpu.memref_slice %arg3[%add3A_13, %dma_start3A_18] : memref<163840x128xf32, #tpu.memory_space<hbm>> -> memref<128x128xf32, #tpu.memory_space<hbm>>
    tpu.enqueue_dma source(%dma_start3A_19 : memref<128x128xf32, #tpu.memory_space<hbm>>) target(%arg11 : memref<128x128xf32, #tpu.memory_space<vmem>>) target_semaphore(%arg14 : memref<!tpu.dma_semaphore, #tpu.memory_space<semaphore_mem>>)
    %scan3A = arith.constant 0 : i32
    %scan3A_20 = arith.constant 0 : i32
    %scan3A_21 = arith.constant 19 : i32
    %scan3A_22 = arith.addi %scan3A_20, %scan3A_21 : i32
    %scan3A_23 = arith.constant 1 : i32
    scf.for %scan3A_81 = %scan3A_20 to %scan3A_22 step %scan3A_23  : i32 {
      %mul3A_82 = arith.constant 2 : i32
      %mul3A_83 = arith.muli %mul3A_82, %scan3A_81 : i32
      %mul3A_84 = arith.constant 128 : i32
      %mul3A_85 = arith.muli %mul3A_83, %mul3A_84 : i32
      %add3A_86 = arith.addi %mul3A_4, %mul3A_85 : i32
      %dma_wait3A_87 = tpu.memref_slice %arg2[%add3A_86] : memref<163840xi32, #tpu.memory_space<hbm>> -> memref<128xi32, #tpu.memory_space<hbm>>
      %dma_wait3A_88 = tpu.memref_slice %arg2[%add3A_86] : memref<163840xi32, #tpu.memory_space<hbm>> -> memref<128xi32, #tpu.memory_space<hbm>>
      tpu.wait_dma2 semaphore(%arg13 : memref<!tpu.dma_semaphore, #tpu.memory_space<semaphore_mem>>) src(%dma_wait3A_88 : memref<128xi32, #tpu.memory_space<hbm>>) dst(%arg8 : memref<128xi32, #tpu.memory_space<vmem>>)
      %dma_wait3A_89 = arith.constant 0 : i32
      %dma_wait3A_90 = tpu.memref_slice %arg3[%add3A_86, %dma_wait3A_89] : memref<163840x128xf32, #tpu.memory_space<hbm>> -> memref<128x128xf32, #tpu.memory_space<hbm>>
      %dma_wait3A_91 = arith.constant 0 : i32
      %dma_wait3A_92 = tpu.memref_slice %arg3[%add3A_86, %dma_wait3A_91] : memref<163840x128xf32, #tpu.memory_space<hbm>> -> memref<128x128xf32, #tpu.memory_space<hbm>>
      tpu.wait_dma2 semaphore(%arg13 : memref<!tpu.dma_semaphore, #tpu.memory_space<semaphore_mem>>) src(%dma_wait3A_92 : memref<128x128xf32, #tpu.memory_space<hbm>>) dst(%arg10 : memref<128x128xf32, #tpu.memory_space<vmem>>)
      "tpu.region"() ({
        %run_scoped3A = tpu.sem_alloc : memref<!tpu.dma_semaphore, #tpu.memory_space<semaphore_mem>>
        %dma_start3A_132 = arith.constant 0 : i32
        %dma_start3A_133 = arith.constant 0 : i32
        %dma_start3A_134 = tpu.memref_slice %arg12[%dma_start3A_132, %dma_start3A_133] : memref<10112x128xf32, #tpu.memory_space<vmem_shared>> -> memref<10112x128xf32, #tpu.memory_space<vmem_shared>>
        tpu.enqueue_indirect_dma source(%arg10 : memref<128x128xf32, #tpu.memory_space<vmem>>) target(%dma_start3A_134 : memref<10112x128xf32, #tpu.memory_space<vmem_shared>>) offsets(%arg8 : memref<128xi32, #tpu.memory_space<vmem>>) semaphore(%run_scoped3A : memref<!tpu.dma_semaphore, #tpu.memory_space<semaphore_mem>>) {add = true}
        %dma_wait3A_135 = arith.constant 0 : i32
        %dma_wait3A_136 = arith.constant 0 : i32
        %dma_wait3A_137 = tpu.memref_slice %arg12[%dma_wait3A_135, %dma_wait3A_136] : memref<10112x128xf32, #tpu.memory_space<vmem_shared>> -> memref<10112x128xf32, #tpu.memory_space<vmem_shared>>
        tpu.wait_indirect_dma semaphore(%run_scoped3A : memref<!tpu.dma_semaphore, #tpu.memory_space<semaphore_mem>>) src(%arg10 : memref<128x128xf32, #tpu.memory_space<vmem>>) dst(%dma_wait3A_137 : memref<10112x128xf32, #tpu.memory_space<vmem_shared>>)
        tpu.yield
      }) : () -> ()
      %mul3A_93 = arith.constant 2 : i32
      %mul3A_94 = arith.muli %mul3A_93, %scan3A_81 : i32
      %add3A_95 = arith.constant 2 : i32
      %add3A_96 = arith.addi %mul3A_94, %add3A_95 : i32
      %mul3A_97 = arith.constant 128 : i32
      %mul3A_98 = arith.muli %add3A_96, %mul3A_97 : i32
      %add3A_99 = arith.addi %mul3A_4, %mul3A_98 : i32
      %dma_start3A_100 = tpu.memref_slice %arg2[%add3A_99] : memref<163840xi32, #tpu.memory_space<hbm>> -> memref<128xi32, #tpu.memory_space<hbm>>
      %dma_start3A_101 = tpu.memref_slice %arg2[%add3A_99] : memref<163840xi32, #tpu.memory_space<hbm>> -> memref<128xi32, #tpu.memory_space<hbm>>
      tpu.enqueue_dma source(%dma_start3A_101 : memref<128xi32, #tpu.memory_space<hbm>>) target(%arg8 : memref<128xi32, #tpu.memory_space<vmem>>) target_semaphore(%arg13 : memref<!tpu.dma_semaphore, #tpu.memory_space<semaphore_mem>>)
      %dma_start3A_102 = arith.constant 0 : i32
      %dma_start3A_103 = tpu.memref_slice %arg3[%add3A_99, %dma_start3A_102] : memref<163840x128xf32, #tpu.memory_space<hbm>> -> memref<128x128xf32, #tpu.memory_space<hbm>>
      %dma_start3A_104 = arith.constant 0 : i32
      %dma_start3A_105 = tpu.memref_slice %arg3[%add3A_99, %dma_start3A_104] : memref<163840x128xf32, #tpu.memory_space<hbm>> -> memref<128x128xf32, #tpu.memory_space<hbm>>
      tpu.enqueue_dma source(%dma_start3A_105 : memref<128x128xf32, #tpu.memory_space<hbm>>) target(%arg10 : memref<128x128xf32, #tpu.memory_space<vmem>>) target_semaphore(%arg13 : memref<!tpu.dma_semaphore, #tpu.memory_space<semaphore_mem>>)
      %mul3A_106 = arith.constant 2 : i32
      %mul3A_107 = arith.muli %mul3A_106, %scan3A_81 : i32
      %add3A_108 = arith.constant 1 : i32
      %add3A_109 = arith.addi %mul3A_107, %add3A_108 : i32
      %mul3A_110 = arith.constant 128 : i32
      %mul3A_111 = arith.muli %add3A_109, %mul3A_110 : i32
      %add3A_112 = arith.addi %mul3A_4, %mul3A_111 : i32
      %dma_wait3A_113 = tpu.memref_slice %arg2[%add3A_112] : memref<163840xi32, #tpu.memory_space<hbm>> -> memref<128xi32, #tpu.memory_space<hbm>>
      %dma_wait3A_114 = tpu.memref_slice %arg2[%add3A_112] : memref<163840xi32, #tpu.memory_space<hbm>> -> memref<128xi32, #tpu.memory_space<hbm>>
      tpu.wait_dma2 semaphore(%arg14 : memref<!tpu.dma_semaphore, #tpu.memory_space<semaphore_mem>>) src(%dma_wait3A_114 : memref<128xi32, #tpu.memory_space<hbm>>) dst(%arg9 : memref<128xi32, #tpu.memory_space<vmem>>)
      %dma_wait3A_115 = arith.constant 0 : i32
      %dma_wait3A_116 = tpu.memref_slice %arg3[%add3A_112, %dma_wait3A_115] : memref<163840x128xf32, #tpu.memory_space<hbm>> -> memref<128x128xf32, #tpu.memory_space<hbm>>
      %dma_wait3A_117 = arith.constant 0 : i32
      %dma_wait3A_118 = tpu.memref_slice %arg3[%add3A_112, %dma_wait3A_117] : memref<163840x128xf32, #tpu.memory_space<hbm>> -> memref<128x128xf32, #tpu.memory_space<hbm>>
      tpu.wait_dma2 semaphore(%arg14 : memref<!tpu.dma_semaphore, #tpu.memory_space<semaphore_mem>>) src(%dma_wait3A_118 : memref<128x128xf32, #tpu.memory_space<hbm>>) dst(%arg11 : memref<128x128xf32, #tpu.memory_space<vmem>>)
      "tpu.region"() ({
        %run_scoped3A = tpu.sem_alloc : memref<!tpu.dma_semaphore, #tpu.memory_space<semaphore_mem>>
        %dma_start3A_132 = arith.constant 0 : i32
        %dma_start3A_133 = arith.constant 0 : i32
        %dma_start3A_134 = tpu.memref_slice %arg12[%dma_start3A_132, %dma_start3A_133] : memref<10112x128xf32, #tpu.memory_space<vmem_shared>> -> memref<10112x128xf32, #tpu.memory_space<vmem_shared>>
        tpu.enqueue_indirect_dma source(%arg11 : memref<128x128xf32, #tpu.memory_space<vmem>>) target(%dma_start3A_134 : memref<10112x128xf32, #tpu.memory_space<vmem_shared>>) offsets(%arg9 : memref<128xi32, #tpu.memory_space<vmem>>) semaphore(%run_scoped3A : memref<!tpu.dma_semaphore, #tpu.memory_space<semaphore_mem>>) {add = true}
        %dma_wait3A_135 = arith.constant 0 : i32
        %dma_wait3A_136 = arith.constant 0 : i32
        %dma_wait3A_137 = tpu.memref_slice %arg12[%dma_wait3A_135, %dma_wait3A_136] : memref<10112x128xf32, #tpu.memory_space<vmem_shared>> -> memref<10112x128xf32, #tpu.memory_space<vmem_shared>>
        tpu.wait_indirect_dma semaphore(%run_scoped3A : memref<!tpu.dma_semaphore, #tpu.memory_space<semaphore_mem>>) src(%arg11 : memref<128x128xf32, #tpu.memory_space<vmem>>) dst(%dma_wait3A_137 : memref<10112x128xf32, #tpu.memory_space<vmem_shared>>)
        tpu.yield
      }) : () -> ()
      %mul3A_119 = arith.constant 2 : i32
      %mul3A_120 = arith.muli %mul3A_119, %scan3A_81 : i32
      %add3A_121 = arith.constant 3 : i32
      %add3A_122 = arith.addi %mul3A_120, %add3A_121 : i32
      %mul3A_123 = arith.constant 128 : i32
      %mul3A_124 = arith.muli %add3A_122, %mul3A_123 : i32
      %add3A_125 = arith.addi %mul3A_4, %mul3A_124 : i32
      %dma_start3A_126 = tpu.memref_slice %arg2[%add3A_125] : memref<163840xi32, #tpu.memory_space<hbm>> -> memref<128xi32, #tpu.memory_space<hbm>>
      %dma_start3A_127 = tpu.memref_slice %arg2[%add3A_125] : memref<163840xi32, #tpu.memory_space<hbm>> -> memref<128xi32, #tpu.memory_space<hbm>>
      tpu.enqueue_dma source(%dma_start3A_127 : memref<128xi32, #tpu.memory_space<hbm>>) target(%arg9 : memref<128xi32, #tpu.memory_space<vmem>>) target_semaphore(%arg14 : memref<!tpu.dma_semaphore, #tpu.memory_space<semaphore_mem>>)
      %dma_start3A_128 = arith.constant 0 : i32
      %dma_start3A_129 = tpu.memref_slice %arg3[%add3A_125, %dma_start3A_128] : memref<163840x128xf32, #tpu.memory_space<hbm>> -> memref<128x128xf32, #tpu.memory_space<hbm>>
      %dma_start3A_130 = arith.constant 0 : i32
      %dma_start3A_131 = tpu.memref_slice %arg3[%add3A_125, %dma_start3A_130] : memref<163840x128xf32, #tpu.memory_space<hbm>> -> memref<128x128xf32, #tpu.memory_space<hbm>>
      tpu.enqueue_dma source(%dma_start3A_131 : memref<128x128xf32, #tpu.memory_space<hbm>>) target(%arg11 : memref<128x128xf32, #tpu.memory_space<vmem>>) target_semaphore(%arg14 : memref<!tpu.dma_semaphore, #tpu.memory_space<semaphore_mem>>)
    }
    %scan3A_24 = arith.constant 19 : i32
    %add3A_25 = arith.constant 4864 : i32
    %add3A_26 = arith.addi %mul3A_4, %add3A_25 : i32
    %dma_wait3A = tpu.memref_slice %arg2[%add3A_26] : memref<163840xi32, #tpu.memory_space<hbm>> -> memref<128xi32, #tpu.memory_space<hbm>>
    %dma_wait3A_27 = tpu.memref_slice %arg2[%add3A_26] : memref<163840xi32, #tpu.memory_space<hbm>> -> memref<128xi32, #tpu.memory_space<hbm>>
    tpu.wait_dma2 semaphore(%arg13 : memref<!tpu.dma_semaphore, #tpu.memory_space<semaphore_mem>>) src(%dma_wait3A_27 : memref<128xi32, #tpu.memory_space<hbm>>) dst(%arg8 : memref<128xi32, #tpu.memory_space<vmem>>)
    %dma_wait3A_28 = arith.constant 0 : i32
    %dma_wait3A_29 = tpu.memref_slice %arg3[%add3A_26, %dma_wait3A_28] : memref<163840x128xf32, #tpu.memory_space<hbm>> -> memref<128x128xf32, #tpu.memory_space<hbm>>
    %dma_wait3A_30 = arith.constant 0 : i32
    %dma_wait3A_31 = tpu.memref_slice %arg3[%add3A_26, %dma_wait3A_30] : memref<163840x128xf32, #tpu.memory_space<hbm>> -> memref<128x128xf32, #tpu.memory_space<hbm>>
    tpu.wait_dma2 semaphore(%arg13 : memref<!tpu.dma_semaphore, #tpu.memory_space<semaphore_mem>>) src(%dma_wait3A_31 : memref<128x128xf32, #tpu.memory_space<hbm>>) dst(%arg10 : memref<128x128xf32, #tpu.memory_space<vmem>>)
    "tpu.region"() ({
      %run_scoped3A = tpu.sem_alloc : memref<!tpu.dma_semaphore, #tpu.memory_space<semaphore_mem>>
      %dma_start3A_81 = arith.constant 0 : i32
      %dma_start3A_82 = arith.constant 0 : i32
      %dma_start3A_83 = tpu.memref_slice %arg12[%dma_start3A_81, %dma_start3A_82] : memref<10112x128xf32, #tpu.memory_space<vmem_shared>> -> memref<10112x128xf32, #tpu.memory_space<vmem_shared>>
      tpu.enqueue_indirect_dma source(%arg10 : memref<128x128xf32, #tpu.memory_space<vmem>>) target(%dma_start3A_83 : memref<10112x128xf32, #tpu.memory_space<vmem_shared>>) offsets(%arg8 : memref<128xi32, #tpu.memory_space<vmem>>) semaphore(%run_scoped3A : memref<!tpu.dma_semaphore, #tpu.memory_space<semaphore_mem>>) {add = true}
      %dma_wait3A_84 = arith.constant 0 : i32
      %dma_wait3A_85 = arith.constant 0 : i32
      %dma_wait3A_86 = tpu.memref_slice %arg12[%dma_wait3A_84, %dma_wait3A_85] : memref<10112x128xf32, #tpu.memory_space<vmem_shared>> -> memref<10112x128xf32, #tpu.memory_space<vmem_shared>>
      tpu.wait_indirect_dma semaphore(%run_scoped3A : memref<!tpu.dma_semaphore, #tpu.memory_space<semaphore_mem>>) src(%arg10 : memref<128x128xf32, #tpu.memory_space<vmem>>) dst(%dma_wait3A_86 : memref<10112x128xf32, #tpu.memory_space<vmem_shared>>)
      tpu.yield
    }) : () -> ()
    %add3A_32 = arith.constant 4992 : i32
    %add3A_33 = arith.addi %mul3A_4, %add3A_32 : i32
    %dma_wait3A_34 = tpu.memref_slice %arg2[%add3A_33] : memref<163840xi32, #tpu.memory_space<hbm>> -> memref<128xi32, #tpu.memory_space<hbm>>
    %dma_wait3A_35 = tpu.memref_slice %arg2[%add3A_33] : memref<163840xi32, #tpu.memory_space<hbm>> -> memref<128xi32, #tpu.memory_space<hbm>>
    tpu.wait_dma2 semaphore(%arg14 : memref<!tpu.dma_semaphore, #tpu.memory_space<semaphore_mem>>) src(%dma_wait3A_35 : memref<128xi32, #tpu.memory_space<hbm>>) dst(%arg9 : memref<128xi32, #tpu.memory_space<vmem>>)
    %dma_wait3A_36 = arith.constant 0 : i32
    %dma_wait3A_37 = tpu.memref_slice %arg3[%add3A_33, %dma_wait3A_36] : memref<163840x128xf32, #tpu.memory_space<hbm>> -> memref<128x128xf32, #tpu.memory_space<hbm>>
    %dma_wait3A_38 = arith.constant 0 : i32
    %dma_wait3A_39 = tpu.memref_slice %arg3[%add3A_33, %dma_wait3A_38] : memref<163840x128xf32, #tpu.memory_space<hbm>> -> memref<128x128xf32, #tpu.memory_space<hbm>>
    tpu.wait_dma2 semaphore(%arg14 : memref<!tpu.dma_semaphore, #tpu.memory_space<semaphore_mem>>) src(%dma_wait3A_39 : memref<128x128xf32, #tpu.memory_space<hbm>>) dst(%arg11 : memref<128x128xf32, #tpu.memory_space<vmem>>)
    "tpu.region"() ({
      %run_scoped3A = tpu.sem_alloc : memref<!tpu.dma_semaphore, #tpu.memory_space<semaphore_mem>>
      %dma_start3A_81 = arith.constant 0 : i32
      %dma_start3A_82 = arith.constant 0 : i32
      %dma_start3A_83 = tpu.memref_slice %arg12[%dma_start3A_81, %dma_start3A_82] : memref<10112x128xf32, #tpu.memory_space<vmem_shared>> -> memref<10112x128xf32, #tpu.memory_space<vmem_shared>>
      tpu.enqueue_indirect_dma source(%arg11 : memref<128x128xf32, #tpu.memory_space<vmem>>) target(%dma_start3A_83 : memref<10112x128xf32, #tpu.memory_space<vmem_shared>>) offsets(%arg9 : memref<128xi32, #tpu.memory_space<vmem>>) semaphore(%run_scoped3A : memref<!tpu.dma_semaphore, #tpu.memory_space<semaphore_mem>>) {add = true}
      %dma_wait3A_84 = arith.constant 0 : i32
      %dma_wait3A_85 = arith.constant 0 : i32
      %dma_wait3A_86 = tpu.memref_slice %arg12[%dma_wait3A_84, %dma_wait3A_85] : memref<10112x128xf32, #tpu.memory_space<vmem_shared>> -> memref<10112x128xf32, #tpu.memory_space<vmem_shared>>
      tpu.wait_indirect_dma semaphore(%run_scoped3A : memref<!tpu.dma_semaphore, #tpu.memory_space<semaphore_mem>>) src(%arg11 : memref<128x128xf32, #tpu.memory_space<vmem>>) dst(%dma_wait3A_86 : memref<10112x128xf32, #tpu.memory_space<vmem_shared>>)
      tpu.yield
    }) : () -> ()
    %mul3A_40 = arith.constant 12544 : i32
    %mul3A_41 = arith.muli %add3A, %mul3A_40 : i32
    %add3A_42 = arith.constant 0 : i32
    %add3A_43 = arith.addi %mul3A_41, %add3A_42 : i32
    %dma_start3A_44 = tpu.memref_slice %arg4[%add3A_43] : memref<401408xi32, #tpu.memory_space<hbm>> -> memref<128xi32, #tpu.memory_space<hbm>>
    %dma_start3A_45 = tpu.memref_slice %arg4[%add3A_43] : memref<401408xi32, #tpu.memory_space<hbm>> -> memref<128xi32, #tpu.memory_space<hbm>>
    tpu.enqueue_dma source(%dma_start3A_45 : memref<128xi32, #tpu.memory_space<hbm>>) target(%arg8 : memref<128xi32, #tpu.memory_space<vmem>>) target_semaphore(%arg13 : memref<!tpu.dma_semaphore, #tpu.memory_space<semaphore_mem>>)
    %dma_start3A_46 = arith.constant 0 : i32
    %dma_start3A_47 = tpu.memref_slice %arg5[%add3A_43, %dma_start3A_46] : memref<401408x128xf32, #tpu.memory_space<hbm>> -> memref<128x128xf32, #tpu.memory_space<hbm>>
    %dma_start3A_48 = arith.constant 0 : i32
    %dma_start3A_49 = tpu.memref_slice %arg5[%add3A_43, %dma_start3A_48] : memref<401408x128xf32, #tpu.memory_space<hbm>> -> memref<128x128xf32, #tpu.memory_space<hbm>>
    tpu.enqueue_dma source(%dma_start3A_49 : memref<128x128xf32, #tpu.memory_space<hbm>>) target(%arg10 : memref<128x128xf32, #tpu.memory_space<vmem>>) target_semaphore(%arg13 : memref<!tpu.dma_semaphore, #tpu.memory_space<semaphore_mem>>)
    %add3A_50 = arith.constant 128 : i32
    %add3A_51 = arith.addi %mul3A_41, %add3A_50 : i32
    %dma_start3A_52 = tpu.memref_slice %arg4[%add3A_51] : memref<401408xi32, #tpu.memory_space<hbm>> -> memref<128xi32, #tpu.memory_space<hbm>>
    %dma_start3A_53 = tpu.memref_slice %arg4[%add3A_51] : memref<401408xi32, #tpu.memory_space<hbm>> -> memref<128xi32, #tpu.memory_space<hbm>>
    tpu.enqueue_dma source(%dma_start3A_53 : memref<128xi32, #tpu.memory_space<hbm>>) target(%arg9 : memref<128xi32, #tpu.memory_space<vmem>>) target_semaphore(%arg14 : memref<!tpu.dma_semaphore, #tpu.memory_space<semaphore_mem>>)
    %dma_start3A_54 = arith.constant 0 : i32
    %dma_start3A_55 = tpu.memref_slice %arg5[%add3A_51, %dma_start3A_54] : memref<401408x128xf32, #tpu.memory_space<hbm>> -> memref<128x128xf32, #tpu.memory_space<hbm>>
    %dma_start3A_56 = arith.constant 0 : i32
    %dma_start3A_57 = tpu.memref_slice %arg5[%add3A_51, %dma_start3A_56] : memref<401408x128xf32, #tpu.memory_space<hbm>> -> memref<128x128xf32, #tpu.memory_space<hbm>>
    tpu.enqueue_dma source(%dma_start3A_57 : memref<128x128xf32, #tpu.memory_space<hbm>>) target(%arg11 : memref<128x128xf32, #tpu.memory_space<vmem>>) target_semaphore(%arg14 : memref<!tpu.dma_semaphore, #tpu.memory_space<semaphore_mem>>)
    %scan3A_58 = arith.constant 0 : i32
    %scan3A_59 = arith.constant 0 : i32
    %scan3A_60 = arith.constant 48 : i32
    %scan3A_61 = arith.addi %scan3A_59, %scan3A_60 : i32
    %scan3A_62 = arith.constant 1 : i32
    scf.for %scan3A_81 = %scan3A_59 to %scan3A_61 step %scan3A_62  : i32 {
      %mul3A_82 = arith.constant 2 : i32
      %mul3A_83 = arith.muli %mul3A_82, %scan3A_81 : i32
      %mul3A_84 = arith.constant 128 : i32
      %mul3A_85 = arith.muli %mul3A_83, %mul3A_84 : i32
      %add3A_86 = arith.addi %mul3A_41, %mul3A_85 : i32
      %dma_wait3A_87 = tpu.memref_slice %arg4[%add3A_86] : memref<401408xi32, #tpu.memory_space<hbm>> -> memref<128xi32, #tpu.memory_space<hbm>>
      %dma_wait3A_88 = tpu.memref_slice %arg4[%add3A_86] : memref<401408xi32, #tpu.memory_space<hbm>> -> memref<128xi32, #tpu.memory_space<hbm>>
      tpu.wait_dma2 semaphore(%arg13 : memref<!tpu.dma_semaphore, #tpu.memory_space<semaphore_mem>>) src(%dma_wait3A_88 : memref<128xi32, #tpu.memory_space<hbm>>) dst(%arg8 : memref<128xi32, #tpu.memory_space<vmem>>)
      %dma_wait3A_89 = arith.constant 0 : i32
      %dma_wait3A_90 = tpu.memref_slice %arg5[%add3A_86, %dma_wait3A_89] : memref<401408x128xf32, #tpu.memory_space<hbm>> -> memref<128x128xf32, #tpu.memory_space<hbm>>
      %dma_wait3A_91 = arith.constant 0 : i32
      %dma_wait3A_92 = tpu.memref_slice %arg5[%add3A_86, %dma_wait3A_91] : memref<401408x128xf32, #tpu.memory_space<hbm>> -> memref<128x128xf32, #tpu.memory_space<hbm>>
      tpu.wait_dma2 semaphore(%arg13 : memref<!tpu.dma_semaphore, #tpu.memory_space<semaphore_mem>>) src(%dma_wait3A_92 : memref<128x128xf32, #tpu.memory_space<hbm>>) dst(%arg10 : memref<128x128xf32, #tpu.memory_space<vmem>>)
      "tpu.region"() ({
        %run_scoped3A = tpu.sem_alloc : memref<!tpu.dma_semaphore, #tpu.memory_space<semaphore_mem>>
        %dma_start3A_132 = arith.constant 0 : i32
        %dma_start3A_133 = arith.constant 0 : i32
        %dma_start3A_134 = tpu.memref_slice %arg12[%dma_start3A_132, %dma_start3A_133] : memref<10112x128xf32, #tpu.memory_space<vmem_shared>> -> memref<10112x128xf32, #tpu.memory_space<vmem_shared>>
        tpu.enqueue_indirect_dma source(%arg10 : memref<128x128xf32, #tpu.memory_space<vmem>>) target(%dma_start3A_134 : memref<10112x128xf32, #tpu.memory_space<vmem_shared>>) offsets(%arg8 : memref<128xi32, #tpu.memory_space<vmem>>) semaphore(%run_scoped3A : memref<!tpu.dma_semaphore, #tpu.memory_space<semaphore_mem>>) {add = true}
        %dma_wait3A_135 = arith.constant 0 : i32
        %dma_wait3A_136 = arith.constant 0 : i32
        %dma_wait3A_137 = tpu.memref_slice %arg12[%dma_wait3A_135, %dma_wait3A_136] : memref<10112x128xf32, #tpu.memory_space<vmem_shared>> -> memref<10112x128xf32, #tpu.memory_space<vmem_shared>>
        tpu.wait_indirect_dma semaphore(%run_scoped3A : memref<!tpu.dma_semaphore, #tpu.memory_space<semaphore_mem>>) src(%arg10 : memref<128x128xf32, #tpu.memory_space<vmem>>) dst(%dma_wait3A_137 : memref<10112x128xf32, #tpu.memory_space<vmem_shared>>)
        tpu.yield
      }) : () -> ()
      %mul3A_93 = arith.constant 2 : i32
      %mul3A_94 = arith.muli %mul3A_93, %scan3A_81 : i32
      %add3A_95 = arith.constant 2 : i32
      %add3A_96 = arith.addi %mul3A_94, %add3A_95 : i32
      %mul3A_97 = arith.constant 128 : i32
      %mul3A_98 = arith.muli %add3A_96, %mul3A_97 : i32
      %add3A_99 = arith.addi %mul3A_41, %mul3A_98 : i32
      %dma_start3A_100 = tpu.memref_slice %arg4[%add3A_99] : memref<401408xi32, #tpu.memory_space<hbm>> -> memref<128xi32, #tpu.memory_space<hbm>>
      %dma_start3A_101 = tpu.memref_slice %arg4[%add3A_99] : memref<401408xi32, #tpu.memory_space<hbm>> -> memref<128xi32, #tpu.memory_space<hbm>>
      tpu.enqueue_dma source(%dma_start3A_101 : memref<128xi32, #tpu.memory_space<hbm>>) target(%arg8 : memref<128xi32, #tpu.memory_space<vmem>>) target_semaphore(%arg13 : memref<!tpu.dma_semaphore, #tpu.memory_space<semaphore_mem>>)
      %dma_start3A_102 = arith.constant 0 : i32
      %dma_start3A_103 = tpu.memref_slice %arg5[%add3A_99, %dma_start3A_102] : memref<401408x128xf32, #tpu.memory_space<hbm>> -> memref<128x128xf32, #tpu.memory_space<hbm>>
      %dma_start3A_104 = arith.constant 0 : i32
      %dma_start3A_105 = tpu.memref_slice %arg5[%add3A_99, %dma_start3A_104] : memref<401408x128xf32, #tpu.memory_space<hbm>> -> memref<128x128xf32, #tpu.memory_space<hbm>>
      tpu.enqueue_dma source(%dma_start3A_105 : memref<128x128xf32, #tpu.memory_space<hbm>>) target(%arg10 : memref<128x128xf32, #tpu.memory_space<vmem>>) target_semaphore(%arg13 : memref<!tpu.dma_semaphore, #tpu.memory_space<semaphore_mem>>)
      %mul3A_106 = arith.constant 2 : i32
      %mul3A_107 = arith.muli %mul3A_106, %scan3A_81 : i32
      %add3A_108 = arith.constant 1 : i32
      %add3A_109 = arith.addi %mul3A_107, %add3A_108 : i32
      %mul3A_110 = arith.constant 128 : i32
      %mul3A_111 = arith.muli %add3A_109, %mul3A_110 : i32
      %add3A_112 = arith.addi %mul3A_41, %mul3A_111 : i32
      %dma_wait3A_113 = tpu.memref_slice %arg4[%add3A_112] : memref<401408xi32, #tpu.memory_space<hbm>> -> memref<128xi32, #tpu.memory_space<hbm>>
      %dma_wait3A_114 = tpu.memref_slice %arg4[%add3A_112] : memref<401408xi32, #tpu.memory_space<hbm>> -> memref<128xi32, #tpu.memory_space<hbm>>
      tpu.wait_dma2 semaphore(%arg14 : memref<!tpu.dma_semaphore, #tpu.memory_space<semaphore_mem>>) src(%dma_wait3A_114 : memref<128xi32, #tpu.memory_space<hbm>>) dst(%arg9 : memref<128xi32, #tpu.memory_space<vmem>>)
      %dma_wait3A_115 = arith.constant 0 : i32
      %dma_wait3A_116 = tpu.memref_slice %arg5[%add3A_112, %dma_wait3A_115] : memref<401408x128xf32, #tpu.memory_space<hbm>> -> memref<128x128xf32, #tpu.memory_space<hbm>>
      %dma_wait3A_117 = arith.constant 0 : i32
      %dma_wait3A_118 = tpu.memref_slice %arg5[%add3A_112, %dma_wait3A_117] : memref<401408x128xf32, #tpu.memory_space<hbm>> -> memref<128x128xf32, #tpu.memory_space<hbm>>
      tpu.wait_dma2 semaphore(%arg14 : memref<!tpu.dma_semaphore, #tpu.memory_space<semaphore_mem>>) src(%dma_wait3A_118 : memref<128x128xf32, #tpu.memory_space<hbm>>) dst(%arg11 : memref<128x128xf32, #tpu.memory_space<vmem>>)
      "tpu.region"() ({
        %run_scoped3A = tpu.sem_alloc : memref<!tpu.dma_semaphore, #tpu.memory_space<semaphore_mem>>
        %dma_start3A_132 = arith.constant 0 : i32
        %dma_start3A_133 = arith.constant 0 : i32
        %dma_start3A_134 = tpu.memref_slice %arg12[%dma_start3A_132, %dma_start3A_133] : memref<10112x128xf32, #tpu.memory_space<vmem_shared>> -> memref<10112x128xf32, #tpu.memory_space<vmem_shared>>
        tpu.enqueue_indirect_dma source(%arg11 : memref<128x128xf32, #tpu.memory_space<vmem>>) target(%dma_start3A_134 : memref<10112x128xf32, #tpu.memory_space<vmem_shared>>) offsets(%arg9 : memref<128xi32, #tpu.memory_space<vmem>>) semaphore(%run_scoped3A : memref<!tpu.dma_semaphore, #tpu.memory_space<semaphore_mem>>) {add = true}
        %dma_wait3A_135 = arith.constant 0 : i32
        %dma_wait3A_136 = arith.constant 0 : i32
        %dma_wait3A_137 = tpu.memref_slice %arg12[%dma_wait3A_135, %dma_wait3A_136] : memref<10112x128xf32, #tpu.memory_space<vmem_shared>> -> memref<10112x128xf32, #tpu.memory_space<vmem_shared>>
        tpu.wait_indirect_dma semaphore(%run_scoped3A : memref<!tpu.dma_semaphore, #tpu.memory_space<semaphore_mem>>) src(%arg11 : memref<128x128xf32, #tpu.memory_space<vmem>>) dst(%dma_wait3A_137 : memref<10112x128xf32, #tpu.memory_space<vmem_shared>>)
        tpu.yield
      }) : () -> ()
      %mul3A_119 = arith.constant 2 : i32
      %mul3A_120 = arith.muli %mul3A_119, %scan3A_81 : i32
      %add3A_121 = arith.constant 3 : i32
      %add3A_122 = arith.addi %mul3A_120, %add3A_121 : i32
      %mul3A_123 = arith.constant 128 : i32
      %mul3A_124 = arith.muli %add3A_122, %mul3A_123 : i32
      %add3A_125 = arith.addi %mul3A_41, %mul3A_124 : i32
      %dma_start3A_126 = tpu.memref_slice %arg4[%add3A_125] : memref<401408xi32, #tpu.memory_space<hbm>> -> memref<128xi32, #tpu.memory_space<hbm>>
      %dma_start3A_127 = tpu.memref_slice %arg4[%add3A_125] : memref<401408xi32, #tpu.memory_space<hbm>> -> memref<128xi32, #tpu.memory_space<hbm>>
      tpu.enqueue_dma source(%dma_start3A_127 : memref<128xi32, #tpu.memory_space<hbm>>) target(%arg9 : memref<128xi32, #tpu.memory_space<vmem>>) target_semaphore(%arg14 : memref<!tpu.dma_semaphore, #tpu.memory_space<semaphore_mem>>)
      %dma_start3A_128 = arith.constant 0 : i32
      %dma_start3A_129 = tpu.memref_slice %arg5[%add3A_125, %dma_start3A_128] : memref<401408x128xf32, #tpu.memory_space<hbm>> -> memref<128x128xf32, #tpu.memory_space<hbm>>
      %dma_start3A_130 = arith.constant 0 : i32
      %dma_start3A_131 = tpu.memref_slice %arg5[%add3A_125, %dma_start3A_130] : memref<401408x128xf32, #tpu.memory_space<hbm>> -> memref<128x128xf32, #tpu.memory_space<hbm>>
      tpu.enqueue_dma source(%dma_start3A_131 : memref<128x128xf32, #tpu.memory_space<hbm>>) target(%arg11 : memref<128x128xf32, #tpu.memory_space<vmem>>) target_semaphore(%arg14 : memref<!tpu.dma_semaphore, #tpu.memory_space<semaphore_mem>>)
    }
    %scan3A_63 = arith.constant 48 : i32
    %add3A_64 = arith.constant 12288 : i32
    %add3A_65 = arith.addi %mul3A_41, %add3A_64 : i32
    %dma_wait3A_66 = tpu.memref_slice %arg4[%add3A_65] : memref<401408xi32, #tpu.memory_space<hbm>> -> memref<128xi32, #tpu.memory_space<hbm>>
    %dma_wait3A_67 = tpu.memref_slice %arg4[%add3A_65] : memref<401408xi32, #tpu.memory_space<hbm>> -> memref<128xi32, #tpu.memory_space<hbm>>
    tpu.wait_dma2 semaphore(%arg13 : memref<!tpu.dma_semaphore, #tpu.memory_space<semaphore_mem>>) src(%dma_wait3A_67 : memref<128xi32, #tpu.memory_space<hbm>>) dst(%arg8 : memref<128xi32, #tpu.memory_space<vmem>>)
    %dma_wait3A_68 = arith.constant 0 : i32
    %dma_wait3A_69 = tpu.memref_slice %arg5[%add3A_65, %dma_wait3A_68] : memref<401408x128xf32, #tpu.memory_space<hbm>> -> memref<128x128xf32, #tpu.memory_space<hbm>>
    %dma_wait3A_70 = arith.constant 0 : i32
    %dma_wait3A_71 = tpu.memref_slice %arg5[%add3A_65, %dma_wait3A_70] : memref<401408x128xf32, #tpu.memory_space<hbm>> -> memref<128x128xf32, #tpu.memory_space<hbm>>
    tpu.wait_dma2 semaphore(%arg13 : memref<!tpu.dma_semaphore, #tpu.memory_space<semaphore_mem>>) src(%dma_wait3A_71 : memref<128x128xf32, #tpu.memory_space<hbm>>) dst(%arg10 : memref<128x128xf32, #tpu.memory_space<vmem>>)
    "tpu.region"() ({
      %run_scoped3A = tpu.sem_alloc : memref<!tpu.dma_semaphore, #tpu.memory_space<semaphore_mem>>
      %dma_start3A_81 = arith.constant 0 : i32
      %dma_start3A_82 = arith.constant 0 : i32
      %dma_start3A_83 = tpu.memref_slice %arg12[%dma_start3A_81, %dma_start3A_82] : memref<10112x128xf32, #tpu.memory_space<vmem_shared>> -> memref<10112x128xf32, #tpu.memory_space<vmem_shared>>
      tpu.enqueue_indirect_dma source(%arg10 : memref<128x128xf32, #tpu.memory_space<vmem>>) target(%dma_start3A_83 : memref<10112x128xf32, #tpu.memory_space<vmem_shared>>) offsets(%arg8 : memref<128xi32, #tpu.memory_space<vmem>>) semaphore(%run_scoped3A : memref<!tpu.dma_semaphore, #tpu.memory_space<semaphore_mem>>) {add = true}
      %dma_wait3A_84 = arith.constant 0 : i32
      %dma_wait3A_85 = arith.constant 0 : i32
      %dma_wait3A_86 = tpu.memref_slice %arg12[%dma_wait3A_84, %dma_wait3A_85] : memref<10112x128xf32, #tpu.memory_space<vmem_shared>> -> memref<10112x128xf32, #tpu.memory_space<vmem_shared>>
      tpu.wait_indirect_dma semaphore(%run_scoped3A : memref<!tpu.dma_semaphore, #tpu.memory_space<semaphore_mem>>) src(%arg10 : memref<128x128xf32, #tpu.memory_space<vmem>>) dst(%dma_wait3A_86 : memref<10112x128xf32, #tpu.memory_space<vmem_shared>>)
      tpu.yield
    }) : () -> ()
    %add3A_72 = arith.constant 12416 : i32
    %add3A_73 = arith.addi %mul3A_41, %add3A_72 : i32
    %dma_wait3A_74 = tpu.memref_slice %arg4[%add3A_73] : memref<401408xi32, #tpu.memory_space<hbm>> -> memref<128xi32, #tpu.memory_space<hbm>>
    %dma_wait3A_75 = tpu.memref_slice %arg4[%add3A_73] : memref<401408xi32, #tpu.memory_space<hbm>> -> memref<128xi32, #tpu.memory_space<hbm>>
    tpu.wait_dma2 semaphore(%arg14 : memref<!tpu.dma_semaphore, #tpu.memory_space<semaphore_mem>>) src(%dma_wait3A_75 : memref<128xi32, #tpu.memory_space<hbm>>) dst(%arg9 : memref<128xi32, #tpu.memory_space<vmem>>)
    %dma_wait3A_76 = arith.constant 0 : i32
    %dma_wait3A_77 = tpu.memref_slice %arg5[%add3A_73, %dma_wait3A_76] : memref<401408x128xf32, #tpu.memory_space<hbm>> -> memref<128x128xf32, #tpu.memory_space<hbm>>
    %dma_wait3A_78 = arith.constant 0 : i32
    %dma_wait3A_79 = tpu.memref_slice %arg5[%add3A_73, %dma_wait3A_78] : memref<401408x128xf32, #tpu.memory_space<hbm>> -> memref<128x128xf32, #tpu.memory_space<hbm>>
    tpu.wait_dma2 semaphore(%arg14 : memref<!tpu.dma_semaphore, #tpu.memory_space<semaphore_mem>>) src(%dma_wait3A_79 : memref<128x128xf32, #tpu.memory_space<hbm>>) dst(%arg11 : memref<128x128xf32, #tpu.memory_space<vmem>>)
    "tpu.region"() ({
      %run_scoped3A = tpu.sem_alloc : memref<!tpu.dma_semaphore, #tpu.memory_space<semaphore_mem>>
      %dma_start3A_81 = arith.constant 0 : i32
      %dma_start3A_82 = arith.constant 0 : i32
      %dma_start3A_83 = tpu.memref_slice %arg12[%dma_start3A_81, %dma_start3A_82] : memref<10112x128xf32, #tpu.memory_space<vmem_shared>> -> memref<10112x128xf32, #tpu.memory_space<vmem_shared>>
      tpu.enqueue_indirect_dma source(%arg11 : memref<128x128xf32, #tpu.memory_space<vmem>>) target(%dma_start3A_83 : memref<10112x128xf32, #tpu.memory_space<vmem_shared>>) offsets(%arg9 : memref<128xi32, #tpu.memory_space<vmem>>) semaphore(%run_scoped3A : memref<!tpu.dma_semaphore, #tpu.memory_space<semaphore_mem>>) {add = true}
      %dma_wait3A_84 = arith.constant 0 : i32
      %dma_wait3A_85 = arith.constant 0 : i32
      %dma_wait3A_86 = tpu.memref_slice %arg12[%dma_wait3A_84, %dma_wait3A_85] : memref<10112x128xf32, #tpu.memory_space<vmem_shared>> -> memref<10112x128xf32, #tpu.memory_space<vmem_shared>>
      tpu.wait_indirect_dma semaphore(%run_scoped3A : memref<!tpu.dma_semaphore, #tpu.memory_space<semaphore_mem>>) src(%arg11 : memref<128x128xf32, #tpu.memory_space<vmem>>) dst(%dma_wait3A_86 : memref<10112x128xf32, #tpu.memory_space<vmem_shared>>)
      tpu.yield
    }) : () -> ()
    %barrier3A_80 = arith.constant 0 : index
    tpu.barrier barrier_id(%barrier3A_80)
    "tpu.region"() ({
      %run_scoped3A = tpu.sem_alloc : memref<!tpu.dma_semaphore, #tpu.memory_space<semaphore_mem>>
      %dma_start3A_81 = arith.constant 0 : i32
      %dma_start3A_82 = tpu.memref_slice %arg7[%arg0, %mul3A_2, %dma_start3A_81] : memref<2x10112x128xf32, #tpu.memory_space<hbm>> -> memref<1x632x128xf32, #tpu.memory_space<hbm>>
      %dma_start3A_83 = tpu.memref_squeeze %dma_start3A_82 : memref<1x632x128xf32, #tpu.memory_space<hbm>> -> memref<632x128xf32, #tpu.memory_space<hbm>>
      %dma_start3A_84 = arith.constant 0 : i32
      %dma_start3A_85 = tpu.memref_slice %arg12[%mul3A_2, %dma_start3A_84] : memref<10112x128xf32, #tpu.memory_space<vmem_shared>> -> memref<632x128xf32, #tpu.memory_space<vmem_shared>>
      tpu.enqueue_dma source(%dma_start3A_85 : memref<632x128xf32, #tpu.memory_space<vmem_shared>>) target(%dma_start3A_83 : memref<632x128xf32, #tpu.memory_space<hbm>>) target_semaphore(%run_scoped3A : memref<!tpu.dma_semaphore, #tpu.memory_space<semaphore_mem>>)
      %dma_wait3A_86 = arith.constant 0 : i32
      %dma_wait3A_87 = tpu.memref_slice %arg7[%arg0, %mul3A_2, %dma_wait3A_86] : memref<2x10112x128xf32, #tpu.memory_space<hbm>> -> memref<1x632x128xf32, #tpu.memory_space<hbm>>
      %dma_wait3A_88 = tpu.memref_squeeze %dma_wait3A_87 : memref<1x632x128xf32, #tpu.memory_space<hbm>> -> memref<632x128xf32, #tpu.memory_space<hbm>>
      %dma_wait3A_89 = arith.constant 0 : i32
      %dma_wait3A_90 = tpu.memref_slice %arg12[%mul3A_2, %dma_wait3A_89] : memref<10112x128xf32, #tpu.memory_space<vmem_shared>> -> memref<632x128xf32, #tpu.memory_space<vmem_shared>>
      tpu.wait_dma2 semaphore(%run_scoped3A : memref<!tpu.dma_semaphore, #tpu.memory_space<semaphore_mem>>) src(%dma_wait3A_90 : memref<632x128xf32, #tpu.memory_space<vmem_shared>>) dst(%dma_wait3A_88 : memref<632x128xf32, #tpu.memory_space<hbm>>)
      tpu.yield
    }) : () -> ()
    return
  }
}

#map = affine_map<(d0, d1) -> (0)>
#map1 = affine_map<(d0, d1) -> (0, 0)>
#map2 = affine_map<(d0, d1) -> (0, 0, 0)>
module attributes {stable_mosaic.version = 14 : i64} {
  func.func @k(%arg0: i32, %arg1: i32, %arg2: memref<163840xi32, #tpu.memory_space<hbm>>, %arg3: memref<163840x128xf32, #tpu.memory_space<hbm>>, %arg4: memref<401408xi32, #tpu.memory_space<hbm>>, %arg5: memref<401408x128xf32, #tpu.memory_space<hbm>>, %arg6: memref<10112x128xf32, #tpu.memory_space<hbm>>, %arg7: memref<2x10112x128xf32, #tpu.memory_space<hbm>>, %arg8: memref<128xi32, #tpu.memory_space<vmem>>, %arg9: memref<128xi32, #tpu.memory_space<vmem>>, %arg10: memref<128x128xf32, #tpu.memory_space<vmem>>, %arg11: memref<128x128xf32, #tpu.memory_space<vmem>>, %arg12: memref<10112x128xf32, #tpu.memory_space<vmem_shared>>, %arg13: memref<!tpu.dma_semaphore, #tpu.memory_space<semaphore_mem>>, %arg14: memref<!tpu.dma_semaphore, #tpu.memory_space<semaphore_mem>>) attributes {dimension_semantics = [#tpu.dimension_semantics<core_parallel>, #tpu.dimension_semantics<subcore_parallel>], iteration_bounds = array<i64: 2, 16>, scalar_prefetch = 0 : i64, scratch_operands = 7 : i64, tpu.core_type = #tpu.core_type<sc_vector_subcore>, window_params = [{transform_indices = #map}, {transform_indices = #map1}, {transform_indices = #map}, {transform_indices = #map1}, {transform_indices = #map1}, {transform_indices = #map2}]} {
    %mul3A = arith.constant 16 : i32
    %mul3A_0 = arith.muli %arg0, %mul3A : i32
    %add3A = arith.addi %mul3A_0, %arg1 : i32
    %mul3A_1 = arith.constant 632 : i32
    %mul3A_2 = arith.muli %arg1, %mul3A_1 : i32
    "tpu.region"() ({
      %run_scoped3A = tpu.sem_alloc : memref<!tpu.dma_semaphore, #tpu.memory_space<semaphore_mem>>
      %dma_start3A_81 = arith.constant 0 : i32
      %dma_start3A_82 = tpu.memref_slice %arg12[%mul3A_2, %dma_start3A_81] : memref<10112x128xf32, #tpu.memory_space<vmem_shared>> -> memref<632x128xf32, #tpu.memory_space<vmem_shared>>
      %dma_start3A_83 = arith.constant 0 : i32
      %dma_start3A_84 = tpu.memref_slice %arg6[%mul3A_2, %dma_start3A_83] : memref<10112x128xf32, #tpu.memory_space<hbm>> -> memref<632x128xf32, #tpu.memory_space<hbm>>
      tpu.enqueue_dma source(%dma_start3A_84 : memref<632x128xf32, #tpu.memory_space<hbm>>) target(%dma_start3A_82 : memref<632x128xf32, #tpu.memory_space<vmem_shared>>) target_semaphore(%run_scoped3A : memref<!tpu.dma_semaphore, #tpu.memory_space<semaphore_mem>>)
      %dma_wait3A_85 = arith.constant 0 : i32
      %dma_wait3A_86 = tpu.memref_slice %arg12[%mul3A_2, %dma_wait3A_85] : memref<10112x128xf32, #tpu.memory_space<vmem_shared>> -> memref<632x128xf32, #tpu.memory_space<vmem_shared>>
      %dma_wait3A_87 = arith.constant 0 : i32
      %dma_wait3A_88 = tpu.memref_slice %arg6[%mul3A_2, %dma_wait3A_87] : memref<10112x128xf32, #tpu.memory_space<hbm>> -> memref<632x128xf32, #tpu.memory_space<hbm>>
      tpu.wait_dma2 semaphore(%run_scoped3A : memref<!tpu.dma_semaphore, #tpu.memory_space<semaphore_mem>>) src(%dma_wait3A_88 : memref<632x128xf32, #tpu.memory_space<hbm>>) dst(%dma_wait3A_86 : memref<632x128xf32, #tpu.memory_space<vmem_shared>>)
      tpu.yield
    }) : () -> ()
    %barrier3A = arith.constant 0 : index
    tpu.barrier barrier_id(%barrier3A)
    %mul3A_3 = arith.constant 5120 : i32
    %mul3A_4 = arith.muli %add3A, %mul3A_3 : i32
    %add3A_5 = arith.constant 0 : i32
    %add3A_6 = arith.addi %mul3A_4, %add3A_5 : i32
    %dma_start3A = tpu.memref_slice %arg2[%add3A_6] : memref<163840xi32, #tpu.memory_space<hbm>> -> memref<128xi32, #tpu.memory_space<hbm>>
    %dma_start3A_7 = tpu.memref_slice %arg2[%add3A_6] : memref<163840xi32, #tpu.memory_space<hbm>> -> memref<128xi32, #tpu.memory_space<hbm>>
    tpu.enqueue_dma source(%dma_start3A_7 : memref<128xi32, #tpu.memory_space<hbm>>) target(%arg8 : memref<128xi32, #tpu.memory_space<vmem>>) target_semaphore(%arg13 : memref<!tpu.dma_semaphore, #tpu.memory_space<semaphore_mem>>)
    %dma_start3A_8 = arith.constant 0 : i32
    %dma_start3A_9 = tpu.memref_slice %arg3[%add3A_6, %dma_start3A_8] : memref<163840x128xf32, #tpu.memory_space<hbm>> -> memref<128x128xf32, #tpu.memory_space<hbm>>
    %dma_start3A_10 = arith.constant 0 : i32
    %dma_start3A_11 = tpu.memref_slice %arg3[%add3A_6, %dma_start3A_10] : memref<163840x128xf32, #tpu.memory_space<hbm>> -> memref<128x128xf32, #tpu.memory_space<hbm>>
    tpu.enqueue_dma source(%dma_start3A_11 : memref<128x128xf32, #tpu.memory_space<hbm>>) target(%arg10 : memref<128x128xf32, #tpu.memory_space<vmem>>) target_semaphore(%arg13 : memref<!tpu.dma_semaphore, #tpu.memory_space<semaphore_mem>>)
    %add3A_12 = arith.constant 128 : i32
    %add3A_13 = arith.addi %mul3A_4, %add3A_12 : i32
    %dma_start3A_14 = tpu.memref_slice %arg2[%add3A_13] : memref<163840xi32, #tpu.memory_space<hbm>> -> memref<128xi32, #tpu.memory_space<hbm>>
    %dma_start3A_15 = tpu.memref_slice %arg2[%add3A_13] : memref<163840xi32, #tpu.memory_space<hbm>> -> memref<128xi32, #tpu.memory_space<hbm>>
    tpu.enqueue_dma source(%dma_start3A_15 : memref<128xi32, #tpu.memory_space<hbm>>) target(%arg9 : memref<128xi32, #tpu.memory_space<vmem>>) target_semaphore(%arg14 : memref<!tpu.dma_semaphore, #tpu.memory_space<semaphore_mem>>)
    %dma_start3A_16 = arith.constant 0 : i32
    %dma_start3A_17 = tpu.memref_slice %arg3[%add3A_13, %dma_start3A_16] : memref<163840x128xf32, #tpu.memory_space<hbm>> -> memref<128x128xf32, #tpu.memory_space<hbm>>
    %dma_start3A_18 = arith.constant 0 : i32
    %dma_start3A_19 = tpu.memref_slice %arg3[%add3A_13, %dma_start3A_18] : memref<163840x128xf32, #tpu.memory_space<hbm>> -> memref<128x128xf32, #tpu.memory_space<hbm>>
    tpu.enqueue_dma source(%dma_start3A_19 : memref<128x128xf32, #tpu.memory_space<hbm>>) target(%arg11 : memref<128x128xf32, #tpu.memory_space<vmem>>) target_semaphore(%arg14 : memref<!tpu.dma_semaphore, #tpu.memory_space<semaphore_mem>>)
    %scan3A = arith.constant 0 : i32
    %scan3A_20 = arith.constant 0 : i32
    %scan3A_21 = arith.constant 19 : i32
    %scan3A_22 = arith.addi %scan3A_20, %scan3A_21 : i32
    %scan3A_23 = arith.constant 1 : i32
    scf.for %scan3A_81 = %scan3A_20 to %scan3A_22 step %scan3A_23  : i32 {
      %mul3A_82 = arith.constant 2 : i32
      %mul3A_83 = arith.muli %mul3A_82, %scan3A_81 : i32
      %mul3A_84 = arith.constant 128 : i32
      %mul3A_85 = arith.muli %mul3A_83, %mul3A_84 : i32
      %add3A_86 = arith.addi %mul3A_4, %mul3A_85 : i32
      %dma_wait3A_87 = tpu.memref_slice %arg2[%add3A_86] : memref<163840xi32, #tpu.memory_space<hbm>> -> memref<128xi32, #tpu.memory_space<hbm>>
      %dma_wait3A_88 = tpu.memref_slice %arg2[%add3A_86] : memref<163840xi32, #tpu.memory_space<hbm>> -> memref<128xi32, #tpu.memory_space<hbm>>
      tpu.wait_dma2 semaphore(%arg13 : memref<!tpu.dma_semaphore, #tpu.memory_space<semaphore_mem>>) src(%dma_wait3A_88 : memref<128xi32, #tpu.memory_space<hbm>>) dst(%arg8 : memref<128xi32, #tpu.memory_space<vmem>>)
      %dma_wait3A_89 = arith.constant 0 : i32
      %dma_wait3A_90 = tpu.memref_slice %arg3[%add3A_86, %dma_wait3A_89] : memref<163840x128xf32, #tpu.memory_space<hbm>> -> memref<128x128xf32, #tpu.memory_space<hbm>>
      %dma_wait3A_91 = arith.constant 0 : i32
      %dma_wait3A_92 = tpu.memref_slice %arg3[%add3A_86, %dma_wait3A_91] : memref<163840x128xf32, #tpu.memory_space<hbm>> -> memref<128x128xf32, #tpu.memory_space<hbm>>
      tpu.wait_dma2 semaphore(%arg13 : memref<!tpu.dma_semaphore, #tpu.memory_space<semaphore_mem>>) src(%dma_wait3A_92 : memref<128x128xf32, #tpu.memory_space<hbm>>) dst(%arg10 : memref<128x128xf32, #tpu.memory_space<vmem>>)
      "tpu.region"() ({
        %run_scoped3A = tpu.sem_alloc : memref<!tpu.dma_semaphore, #tpu.memory_space<semaphore_mem>>
        %dma_start3A_132 = arith.constant 0 : i32
        %dma_start3A_133 = arith.constant 0 : i32
        %dma_start3A_134 = tpu.memref_slice %arg12[%dma_start3A_132, %dma_start3A_133] : memref<10112x128xf32, #tpu.memory_space<vmem_shared>> -> memref<10112x128xf32, #tpu.memory_space<vmem_shared>>
        tpu.enqueue_indirect_dma source(%arg10 : memref<128x128xf32, #tpu.memory_space<vmem>>) target(%dma_start3A_134 : memref<10112x128xf32, #tpu.memory_space<vmem_shared>>) offsets(%arg8 : memref<128xi32, #tpu.memory_space<vmem>>) semaphore(%run_scoped3A : memref<!tpu.dma_semaphore, #tpu.memory_space<semaphore_mem>>) {add = true}
        %dma_wait3A_135 = arith.constant 0 : i32
        %dma_wait3A_136 = arith.constant 0 : i32
        %dma_wait3A_137 = tpu.memref_slice %arg12[%dma_wait3A_135, %dma_wait3A_136] : memref<10112x128xf32, #tpu.memory_space<vmem_shared>> -> memref<10112x128xf32, #tpu.memory_space<vmem_shared>>
        tpu.wait_indirect_dma semaphore(%run_scoped3A : memref<!tpu.dma_semaphore, #tpu.memory_space<semaphore_mem>>) src(%arg10 : memref<128x128xf32, #tpu.memory_space<vmem>>) dst(%dma_wait3A_137 : memref<10112x128xf32, #tpu.memory_space<vmem_shared>>)
        tpu.yield
      }) : () -> ()
      %mul3A_93 = arith.constant 2 : i32
      %mul3A_94 = arith.muli %mul3A_93, %scan3A_81 : i32
      %add3A_95 = arith.constant 2 : i32
      %add3A_96 = arith.addi %mul3A_94, %add3A_95 : i32
      %mul3A_97 = arith.constant 128 : i32
      %mul3A_98 = arith.muli %add3A_96, %mul3A_97 : i32
      %add3A_99 = arith.addi %mul3A_4, %mul3A_98 : i32
      %dma_start3A_100 = tpu.memref_slice %arg2[%add3A_99] : memref<163840xi32, #tpu.memory_space<hbm>> -> memref<128xi32, #tpu.memory_space<hbm>>
      %dma_start3A_101 = tpu.memref_slice %arg2[%add3A_99] : memref<163840xi32, #tpu.memory_space<hbm>> -> memref<128xi32, #tpu.memory_space<hbm>>
      tpu.enqueue_dma source(%dma_start3A_101 : memref<128xi32, #tpu.memory_space<hbm>>) target(%arg8 : memref<128xi32, #tpu.memory_space<vmem>>) target_semaphore(%arg13 : memref<!tpu.dma_semaphore, #tpu.memory_space<semaphore_mem>>)
      %dma_start3A_102 = arith.constant 0 : i32
      %dma_start3A_103 = tpu.memref_slice %arg3[%add3A_99, %dma_start3A_102] : memref<163840x128xf32, #tpu.memory_space<hbm>> -> memref<128x128xf32, #tpu.memory_space<hbm>>
      %dma_start3A_104 = arith.constant 0 : i32
      %dma_start3A_105 = tpu.memref_slice %arg3[%add3A_99, %dma_start3A_104] : memref<163840x128xf32, #tpu.memory_space<hbm>> -> memref<128x128xf32, #tpu.memory_space<hbm>>
      tpu.enqueue_dma source(%dma_start3A_105 : memref<128x128xf32, #tpu.memory_space<hbm>>) target(%arg10 : memref<128x128xf32, #tpu.memory_space<vmem>>) target_semaphore(%arg13 : memref<!tpu.dma_semaphore, #tpu.memory_space<semaphore_mem>>)
      %mul3A_106 = arith.constant 2 : i32
      %mul3A_107 = arith.muli %mul3A_106, %scan3A_81 : i32
      %add3A_108 = arith.constant 1 : i32
      %add3A_109 = arith.addi %mul3A_107, %add3A_108 : i32
      %mul3A_110 = arith.constant 128 : i32
      %mul3A_111 = arith.muli %add3A_109, %mul3A_110 : i32
      %add3A_112 = arith.addi %mul3A_4, %mul3A_111 : i32
      %dma_wait3A_113 = tpu.memref_slice %arg2[%add3A_112] : memref<163840xi32, #tpu.memory_space<hbm>> -> memref<128xi32, #tpu.memory_space<hbm>>
      %dma_wait3A_114 = tpu.memref_slice %arg2[%add3A_112] : memref<163840xi32, #tpu.memory_space<hbm>> -> memref<128xi32, #tpu.memory_space<hbm>>
      tpu.wait_dma2 semaphore(%arg14 : memref<!tpu.dma_semaphore, #tpu.memory_space<semaphore_mem>>) src(%dma_wait3A_114 : memref<128xi32, #tpu.memory_space<hbm>>) dst(%arg9 : memref<128xi32, #tpu.memory_space<vmem>>)
      %dma_wait3A_115 = arith.constant 0 : i32
      %dma_wait3A_116 = tpu.memref_slice %arg3[%add3A_112, %dma_wait3A_115] : memref<163840x128xf32, #tpu.memory_space<hbm>> -> memref<128x128xf32, #tpu.memory_space<hbm>>
      %dma_wait3A_117 = arith.constant 0 : i32
      %dma_wait3A_118 = tpu.memref_slice %arg3[%add3A_112, %dma_wait3A_117] : memref<163840x128xf32, #tpu.memory_space<hbm>> -> memref<128x128xf32, #tpu.memory_space<hbm>>
      tpu.wait_dma2 semaphore(%arg14 : memref<!tpu.dma_semaphore, #tpu.memory_space<semaphore_mem>>) src(%dma_wait3A_118 : memref<128x128xf32, #tpu.memory_space<hbm>>) dst(%arg11 : memref<128x128xf32, #tpu.memory_space<vmem>>)
      "tpu.region"() ({
        %run_scoped3A = tpu.sem_alloc : memref<!tpu.dma_semaphore, #tpu.memory_space<semaphore_mem>>
        %dma_start3A_132 = arith.constant 0 : i32
        %dma_start3A_133 = arith.constant 0 : i32
        %dma_start3A_134 = tpu.memref_slice %arg12[%dma_start3A_132, %dma_start3A_133] : memref<10112x128xf32, #tpu.memory_space<vmem_shared>> -> memref<10112x128xf32, #tpu.memory_space<vmem_shared>>
        tpu.enqueue_indirect_dma source(%arg11 : memref<128x128xf32, #tpu.memory_space<vmem>>) target(%dma_start3A_134 : memref<10112x128xf32, #tpu.memory_space<vmem_shared>>) offsets(%arg9 : memref<128xi32, #tpu.memory_space<vmem>>) semaphore(%run_scoped3A : memref<!tpu.dma_semaphore, #tpu.memory_space<semaphore_mem>>) {add = true}
        %dma_wait3A_135 = arith.constant 0 : i32
        %dma_wait3A_136 = arith.constant 0 : i32
        %dma_wait3A_137 = tpu.memref_slice %arg12[%dma_wait3A_135, %dma_wait3A_136] : memref<10112x128xf32, #tpu.memory_space<vmem_shared>> -> memref<10112x128xf32, #tpu.memory_space<vmem_shared>>
        tpu.wait_indirect_dma semaphore(%run_scoped3A : memref<!tpu.dma_semaphore, #tpu.memory_space<semaphore_mem>>) src(%arg11 : memref<128x128xf32, #tpu.memory_space<vmem>>) dst(%dma_wait3A_137 : memref<10112x128xf32, #tpu.memory_space<vmem_shared>>)
        tpu.yield
      }) : () -> ()
      %mul3A_119 = arith.constant 2 : i32
      %mul3A_120 = arith.muli %mul3A_119, %scan3A_81 : i32
      %add3A_121 = arith.constant 3 : i32
      %add3A_122 = arith.addi %mul3A_120, %add3A_121 : i32
      %mul3A_123 = arith.constant 128 : i32
      %mul3A_124 = arith.muli %add3A_122, %mul3A_123 : i32
      %add3A_125 = arith.addi %mul3A_4, %mul3A_124 : i32
      %dma_start3A_126 = tpu.memref_slice %arg2[%add3A_125] : memref<163840xi32, #tpu.memory_space<hbm>> -> memref<128xi32, #tpu.memory_space<hbm>>
      %dma_start3A_127 = tpu.memref_slice %arg2[%add3A_125] : memref<163840xi32, #tpu.memory_space<hbm>> -> memref<128xi32, #tpu.memory_space<hbm>>
      tpu.enqueue_dma source(%dma_start3A_127 : memref<128xi32, #tpu.memory_space<hbm>>) target(%arg9 : memref<128xi32, #tpu.memory_space<vmem>>) target_semaphore(%arg14 : memref<!tpu.dma_semaphore, #tpu.memory_space<semaphore_mem>>)
      %dma_start3A_128 = arith.constant 0 : i32
      %dma_start3A_129 = tpu.memref_slice %arg3[%add3A_125, %dma_start3A_128] : memref<163840x128xf32, #tpu.memory_space<hbm>> -> memref<128x128xf32, #tpu.memory_space<hbm>>
      %dma_start3A_130 = arith.constant 0 : i32
      %dma_start3A_131 = tpu.memref_slice %arg3[%add3A_125, %dma_start3A_130] : memref<163840x128xf32, #tpu.memory_space<hbm>> -> memref<128x128xf32, #tpu.memory_space<hbm>>
      tpu.enqueue_dma source(%dma_start3A_131 : memref<128x128xf32, #tpu.memory_space<hbm>>) target(%arg11 : memref<128x128xf32, #tpu.memory_space<vmem>>) target_semaphore(%arg14 : memref<!tpu.dma_semaphore, #tpu.memory_space<semaphore_mem>>)
    }
    %scan3A_24 = arith.constant 19 : i32
    %add3A_25 = arith.constant 4864 : i32
    %add3A_26 = arith.addi %mul3A_4, %add3A_25 : i32
    %dma_wait3A = tpu.memref_slice %arg2[%add3A_26] : memref<163840xi32, #tpu.memory_space<hbm>> -> memref<128xi32, #tpu.memory_space<hbm>>
    %dma_wait3A_27 = tpu.memref_slice %arg2[%add3A_26] : memref<163840xi32, #tpu.memory_space<hbm>> -> memref<128xi32, #tpu.memory_space<hbm>>
    tpu.wait_dma2 semaphore(%arg13 : memref<!tpu.dma_semaphore, #tpu.memory_space<semaphore_mem>>) src(%dma_wait3A_27 : memref<128xi32, #tpu.memory_space<hbm>>) dst(%arg8 : memref<128xi32, #tpu.memory_space<vmem>>)
    %dma_wait3A_28 = arith.constant 0 : i32
    %dma_wait3A_29 = tpu.memref_slice %arg3[%add3A_26, %dma_wait3A_28] : memref<163840x128xf32, #tpu.memory_space<hbm>> -> memref<128x128xf32, #tpu.memory_space<hbm>>
    %dma_wait3A_30 = arith.constant 0 : i32
    %dma_wait3A_31 = tpu.memref_slice %arg3[%add3A_26, %dma_wait3A_30] : memref<163840x128xf32, #tpu.memory_space<hbm>> -> memref<128x128xf32, #tpu.memory_space<hbm>>
    tpu.wait_dma2 semaphore(%arg13 : memref<!tpu.dma_semaphore, #tpu.memory_space<semaphore_mem>>) src(%dma_wait3A_31 : memref<128x128xf32, #tpu.memory_space<hbm>>) dst(%arg10 : memref<128x128xf32, #tpu.memory_space<vmem>>)
    "tpu.region"() ({
      %run_scoped3A = tpu.sem_alloc : memref<!tpu.dma_semaphore, #tpu.memory_space<semaphore_mem>>
      %dma_start3A_81 = arith.constant 0 : i32
      %dma_start3A_82 = arith.constant 0 : i32
      %dma_start3A_83 = tpu.memref_slice %arg12[%dma_start3A_81, %dma_start3A_82] : memref<10112x128xf32, #tpu.memory_space<vmem_shared>> -> memref<10112x128xf32, #tpu.memory_space<vmem_shared>>
      tpu.enqueue_indirect_dma source(%arg10 : memref<128x128xf32, #tpu.memory_space<vmem>>) target(%dma_start3A_83 : memref<10112x128xf32, #tpu.memory_space<vmem_shared>>) offsets(%arg8 : memref<128xi32, #tpu.memory_space<vmem>>) semaphore(%run_scoped3A : memref<!tpu.dma_semaphore, #tpu.memory_space<semaphore_mem>>) {add = true}
      %dma_wait3A_84 = arith.constant 0 : i32
      %dma_wait3A_85 = arith.constant 0 : i32
      %dma_wait3A_86 = tpu.memref_slice %arg12[%dma_wait3A_84, %dma_wait3A_85] : memref<10112x128xf32, #tpu.memory_space<vmem_shared>> -> memref<10112x128xf32, #tpu.memory_space<vmem_shared>>
      tpu.wait_indirect_dma semaphore(%run_scoped3A : memref<!tpu.dma_semaphore, #tpu.memory_space<semaphore_mem>>) src(%arg10 : memref<128x128xf32, #tpu.memory_space<vmem>>) dst(%dma_wait3A_86 : memref<10112x128xf32, #tpu.memory_space<vmem_shared>>)
      tpu.yield
    }) : () -> ()
    %add3A_32 = arith.constant 4992 : i32
    %add3A_33 = arith.addi %mul3A_4, %add3A_32 : i32
    %dma_wait3A_34 = tpu.memref_slice %arg2[%add3A_33] : memref<163840xi32, #tpu.memory_space<hbm>> -> memref<128xi32, #tpu.memory_space<hbm>>
    %dma_wait3A_35 = tpu.memref_slice %arg2[%add3A_33] : memref<163840xi32, #tpu.memory_space<hbm>> -> memref<128xi32, #tpu.memory_space<hbm>>
    tpu.wait_dma2 semaphore(%arg14 : memref<!tpu.dma_semaphore, #tpu.memory_space<semaphore_mem>>) src(%dma_wait3A_35 : memref<128xi32, #tpu.memory_space<hbm>>) dst(%arg9 : memref<128xi32, #tpu.memory_space<vmem>>)
    %dma_wait3A_36 = arith.constant 0 : i32
    %dma_wait3A_37 = tpu.memref_slice %arg3[%add3A_33, %dma_wait3A_36] : memref<163840x128xf32, #tpu.memory_space<hbm>> -> memref<128x128xf32, #tpu.memory_space<hbm>>
    %dma_wait3A_38 = arith.constant 0 : i32
    %dma_wait3A_39 = tpu.memref_slice %arg3[%add3A_33, %dma_wait3A_38] : memref<163840x128xf32, #tpu.memory_space<hbm>> -> memref<128x128xf32, #tpu.memory_space<hbm>>
    tpu.wait_dma2 semaphore(%arg14 : memref<!tpu.dma_semaphore, #tpu.memory_space<semaphore_mem>>) src(%dma_wait3A_39 : memref<128x128xf32, #tpu.memory_space<hbm>>) dst(%arg11 : memref<128x128xf32, #tpu.memory_space<vmem>>)
    "tpu.region"() ({
      %run_scoped3A = tpu.sem_alloc : memref<!tpu.dma_semaphore, #tpu.memory_space<semaphore_mem>>
      %dma_start3A_81 = arith.constant 0 : i32
      %dma_start3A_82 = arith.constant 0 : i32
      %dma_start3A_83 = tpu.memref_slice %arg12[%dma_start3A_81, %dma_start3A_82] : memref<10112x128xf32, #tpu.memory_space<vmem_shared>> -> memref<10112x128xf32, #tpu.memory_space<vmem_shared>>
      tpu.enqueue_indirect_dma source(%arg11 : memref<128x128xf32, #tpu.memory_space<vmem>>) target(%dma_start3A_83 : memref<10112x128xf32, #tpu.memory_space<vmem_shared>>) offsets(%arg9 : memref<128xi32, #tpu.memory_space<vmem>>) semaphore(%run_scoped3A : memref<!tpu.dma_semaphore, #tpu.memory_space<semaphore_mem>>) {add = true}
      %dma_wait3A_84 = arith.constant 0 : i32
      %dma_wait3A_85 = arith.constant 0 : i32
      %dma_wait3A_86 = tpu.memref_slice %arg12[%dma_wait3A_84, %dma_wait3A_85] : memref<10112x128xf32, #tpu.memory_space<vmem_shared>> -> memref<10112x128xf32, #tpu.memory_space<vmem_shared>>
      tpu.wait_indirect_dma semaphore(%run_scoped3A : memref<!tpu.dma_semaphore, #tpu.memory_space<semaphore_mem>>) src(%arg11 : memref<128x128xf32, #tpu.memory_space<vmem>>) dst(%dma_wait3A_86 : memref<10112x128xf32, #tpu.memory_space<vmem_shared>>)
      tpu.yield
    }) : () -> ()
    %mul3A_40 = arith.constant 12544 : i32
    %mul3A_41 = arith.muli %add3A, %mul3A_40 : i32
    %add3A_42 = arith.constant 0 : i32
    %add3A_43 = arith.addi %mul3A_41, %add3A_42 : i32
    %dma_start3A_44 = tpu.memref_slice %arg4[%add3A_43] : memref<401408xi32, #tpu.memory_space<hbm>> -> memref<128xi32, #tpu.memory_space<hbm>>
    %dma_start3A_45 = tpu.memref_slice %arg4[%add3A_43] : memref<401408xi32, #tpu.memory_space<hbm>> -> memref<128xi32, #tpu.memory_space<hbm>>
    tpu.enqueue_dma source(%dma_start3A_45 : memref<128xi32, #tpu.memory_space<hbm>>) target(%arg8 : memref<128xi32, #tpu.memory_space<vmem>>) target_semaphore(%arg13 : memref<!tpu.dma_semaphore, #tpu.memory_space<semaphore_mem>>)
    %dma_start3A_46 = arith.constant 0 : i32
    %dma_start3A_47 = tpu.memref_slice %arg5[%add3A_43, %dma_start3A_46] : memref<401408x128xf32, #tpu.memory_space<hbm>> -> memref<128x128xf32, #tpu.memory_space<hbm>>
    %dma_start3A_48 = arith.constant 0 : i32
    %dma_start3A_49 = tpu.memref_slice %arg5[%add3A_43, %dma_start3A_48] : memref<401408x128xf32, #tpu.memory_space<hbm>> -> memref<128x128xf32, #tpu.memory_space<hbm>>
    tpu.enqueue_dma source(%dma_start3A_49 : memref<128x128xf32, #tpu.memory_space<hbm>>) target(%arg10 : memref<128x128xf32, #tpu.memory_space<vmem>>) target_semaphore(%arg13 : memref<!tpu.dma_semaphore, #tpu.memory_space<semaphore_mem>>)
    %add3A_50 = arith.constant 128 : i32
    %add3A_51 = arith.addi %mul3A_41, %add3A_50 : i32
    %dma_start3A_52 = tpu.memref_slice %arg4[%add3A_51] : memref<401408xi32, #tpu.memory_space<hbm>> -> memref<128xi32, #tpu.memory_space<hbm>>
    %dma_start3A_53 = tpu.memref_slice %arg4[%add3A_51] : memref<401408xi32, #tpu.memory_space<hbm>> -> memref<128xi32, #tpu.memory_space<hbm>>
    tpu.enqueue_dma source(%dma_start3A_53 : memref<128xi32, #tpu.memory_space<hbm>>) target(%arg9 : memref<128xi32, #tpu.memory_space<vmem>>) target_semaphore(%arg14 : memref<!tpu.dma_semaphore, #tpu.memory_space<semaphore_mem>>)
    %dma_start3A_54 = arith.constant 0 : i32
    %dma_start3A_55 = tpu.memref_slice %arg5[%add3A_51, %dma_start3A_54] : memref<401408x128xf32, #tpu.memory_space<hbm>> -> memref<128x128xf32, #tpu.memory_space<hbm>>
    %dma_start3A_56 = arith.constant 0 : i32
    %dma_start3A_57 = tpu.memref_slice %arg5[%add3A_51, %dma_start3A_56] : memref<401408x128xf32, #tpu.memory_space<hbm>> -> memref<128x128xf32, #tpu.memory_space<hbm>>
    tpu.enqueue_dma source(%dma_start3A_57 : memref<128x128xf32, #tpu.memory_space<hbm>>) target(%arg11 : memref<128x128xf32, #tpu.memory_space<vmem>>) target_semaphore(%arg14 : memref<!tpu.dma_semaphore, #tpu.memory_space<semaphore_mem>>)
    %scan3A_58 = arith.constant 0 : i32
    %scan3A_59 = arith.constant 0 : i32
    %scan3A_60 = arith.constant 48 : i32
    %scan3A_61 = arith.addi %scan3A_59, %scan3A_60 : i32
    %scan3A_62 = arith.constant 1 : i32
    scf.for %scan3A_81 = %scan3A_59 to %scan3A_61 step %scan3A_62  : i32 {
      %mul3A_82 = arith.constant 2 : i32
      %mul3A_83 = arith.muli %mul3A_82, %scan3A_81 : i32
      %mul3A_84 = arith.constant 128 : i32
      %mul3A_85 = arith.muli %mul3A_83, %mul3A_84 : i32
      %add3A_86 = arith.addi %mul3A_41, %mul3A_85 : i32
      %dma_wait3A_87 = tpu.memref_slice %arg4[%add3A_86] : memref<401408xi32, #tpu.memory_space<hbm>> -> memref<128xi32, #tpu.memory_space<hbm>>
      %dma_wait3A_88 = tpu.memref_slice %arg4[%add3A_86] : memref<401408xi32, #tpu.memory_space<hbm>> -> memref<128xi32, #tpu.memory_space<hbm>>
      tpu.wait_dma2 semaphore(%arg13 : memref<!tpu.dma_semaphore, #tpu.memory_space<semaphore_mem>>) src(%dma_wait3A_88 : memref<128xi32, #tpu.memory_space<hbm>>) dst(%arg8 : memref<128xi32, #tpu.memory_space<vmem>>)
      %dma_wait3A_89 = arith.constant 0 : i32
      %dma_wait3A_90 = tpu.memref_slice %arg5[%add3A_86, %dma_wait3A_89] : memref<401408x128xf32, #tpu.memory_space<hbm>> -> memref<128x128xf32, #tpu.memory_space<hbm>>
      %dma_wait3A_91 = arith.constant 0 : i32
      %dma_wait3A_92 = tpu.memref_slice %arg5[%add3A_86, %dma_wait3A_91] : memref<401408x128xf32, #tpu.memory_space<hbm>> -> memref<128x128xf32, #tpu.memory_space<hbm>>
      tpu.wait_dma2 semaphore(%arg13 : memref<!tpu.dma_semaphore, #tpu.memory_space<semaphore_mem>>) src(%dma_wait3A_92 : memref<128x128xf32, #tpu.memory_space<hbm>>) dst(%arg10 : memref<128x128xf32, #tpu.memory_space<vmem>>)
      "tpu.region"() ({
        %run_scoped3A = tpu.sem_alloc : memref<!tpu.dma_semaphore, #tpu.memory_space<semaphore_mem>>
        %dma_start3A_132 = arith.constant 0 : i32
        %dma_start3A_133 = arith.constant 0 : i32
        %dma_start3A_134 = tpu.memref_slice %arg12[%dma_start3A_132, %dma_start3A_133] : memref<10112x128xf32, #tpu.memory_space<vmem_shared>> -> memref<10112x128xf32, #tpu.memory_space<vmem_shared>>
        tpu.enqueue_indirect_dma source(%arg10 : memref<128x128xf32, #tpu.memory_space<vmem>>) target(%dma_start3A_134 : memref<10112x128xf32, #tpu.memory_space<vmem_shared>>) offsets(%arg8 : memref<128xi32, #tpu.memory_space<vmem>>) semaphore(%run_scoped3A : memref<!tpu.dma_semaphore, #tpu.memory_space<semaphore_mem>>) {add = true}
        %dma_wait3A_135 = arith.constant 0 : i32
        %dma_wait3A_136 = arith.constant 0 : i32
        %dma_wait3A_137 = tpu.memref_slice %arg12[%dma_wait3A_135, %dma_wait3A_136] : memref<10112x128xf32, #tpu.memory_space<vmem_shared>> -> memref<10112x128xf32, #tpu.memory_space<vmem_shared>>
        tpu.wait_indirect_dma semaphore(%run_scoped3A : memref<!tpu.dma_semaphore, #tpu.memory_space<semaphore_mem>>) src(%arg10 : memref<128x128xf32, #tpu.memory_space<vmem>>) dst(%dma_wait3A_137 : memref<10112x128xf32, #tpu.memory_space<vmem_shared>>)
        tpu.yield
      }) : () -> ()
      %mul3A_93 = arith.constant 2 : i32
      %mul3A_94 = arith.muli %mul3A_93, %scan3A_81 : i32
      %add3A_95 = arith.constant 2 : i32
      %add3A_96 = arith.addi %mul3A_94, %add3A_95 : i32
      %mul3A_97 = arith.constant 128 : i32
      %mul3A_98 = arith.muli %add3A_96, %mul3A_97 : i32
      %add3A_99 = arith.addi %mul3A_41, %mul3A_98 : i32
      %dma_start3A_100 = tpu.memref_slice %arg4[%add3A_99] : memref<401408xi32, #tpu.memory_space<hbm>> -> memref<128xi32, #tpu.memory_space<hbm>>
      %dma_start3A_101 = tpu.memref_slice %arg4[%add3A_99] : memref<401408xi32, #tpu.memory_space<hbm>> -> memref<128xi32, #tpu.memory_space<hbm>>
      tpu.enqueue_dma source(%dma_start3A_101 : memref<128xi32, #tpu.memory_space<hbm>>) target(%arg8 : memref<128xi32, #tpu.memory_space<vmem>>) target_semaphore(%arg13 : memref<!tpu.dma_semaphore, #tpu.memory_space<semaphore_mem>>)
      %dma_start3A_102 = arith.constant 0 : i32
      %dma_start3A_103 = tpu.memref_slice %arg5[%add3A_99, %dma_start3A_102] : memref<401408x128xf32, #tpu.memory_space<hbm>> -> memref<128x128xf32, #tpu.memory_space<hbm>>
      %dma_start3A_104 = arith.constant 0 : i32
      %dma_start3A_105 = tpu.memref_slice %arg5[%add3A_99, %dma_start3A_104] : memref<401408x128xf32, #tpu.memory_space<hbm>> -> memref<128x128xf32, #tpu.memory_space<hbm>>
      tpu.enqueue_dma source(%dma_start3A_105 : memref<128x128xf32, #tpu.memory_space<hbm>>) target(%arg10 : memref<128x128xf32, #tpu.memory_space<vmem>>) target_semaphore(%arg13 : memref<!tpu.dma_semaphore, #tpu.memory_space<semaphore_mem>>)
      %mul3A_106 = arith.constant 2 : i32
      %mul3A_107 = arith.muli %mul3A_106, %scan3A_81 : i32
      %add3A_108 = arith.constant 1 : i32
      %add3A_109 = arith.addi %mul3A_107, %add3A_108 : i32
      %mul3A_110 = arith.constant 128 : i32
      %mul3A_111 = arith.muli %add3A_109, %mul3A_110 : i32
      %add3A_112 = arith.addi %mul3A_41, %mul3A_111 : i32
      %dma_wait3A_113 = tpu.memref_slice %arg4[%add3A_112] : memref<401408xi32, #tpu.memory_space<hbm>> -> memref<128xi32, #tpu.memory_space<hbm>>
      %dma_wait3A_114 = tpu.memref_slice %arg4[%add3A_112] : memref<401408xi32, #tpu.memory_space<hbm>> -> memref<128xi32, #tpu.memory_space<hbm>>
      tpu.wait_dma2 semaphore(%arg14 : memref<!tpu.dma_semaphore, #tpu.memory_space<semaphore_mem>>) src(%dma_wait3A_114 : memref<128xi32, #tpu.memory_space<hbm>>) dst(%arg9 : memref<128xi32, #tpu.memory_space<vmem>>)
      %dma_wait3A_115 = arith.constant 0 : i32
      %dma_wait3A_116 = tpu.memref_slice %arg5[%add3A_112, %dma_wait3A_115] : memref<401408x128xf32, #tpu.memory_space<hbm>> -> memref<128x128xf32, #tpu.memory_space<hbm>>
      %dma_wait3A_117 = arith.constant 0 : i32
      %dma_wait3A_118 = tpu.memref_slice %arg5[%add3A_112, %dma_wait3A_117] : memref<401408x128xf32, #tpu.memory_space<hbm>> -> memref<128x128xf32, #tpu.memory_space<hbm>>
      tpu.wait_dma2 semaphore(%arg14 : memref<!tpu.dma_semaphore, #tpu.memory_space<semaphore_mem>>) src(%dma_wait3A_118 : memref<128x128xf32, #tpu.memory_space<hbm>>) dst(%arg11 : memref<128x128xf32, #tpu.memory_space<vmem>>)
      "tpu.region"() ({
        %run_scoped3A = tpu.sem_alloc : memref<!tpu.dma_semaphore, #tpu.memory_space<semaphore_mem>>
        %dma_start3A_132 = arith.constant 0 : i32
        %dma_start3A_133 = arith.constant 0 : i32
        %dma_start3A_134 = tpu.memref_slice %arg12[%dma_start3A_132, %dma_start3A_133] : memref<10112x128xf32, #tpu.memory_space<vmem_shared>> -> memref<10112x128xf32, #tpu.memory_space<vmem_shared>>
        tpu.enqueue_indirect_dma source(%arg11 : memref<128x128xf32, #tpu.memory_space<vmem>>) target(%dma_start3A_134 : memref<10112x128xf32, #tpu.memory_space<vmem_shared>>) offsets(%arg9 : memref<128xi32, #tpu.memory_space<vmem>>) semaphore(%run_scoped3A : memref<!tpu.dma_semaphore, #tpu.memory_space<semaphore_mem>>) {add = true}
        %dma_wait3A_135 = arith.constant 0 : i32
        %dma_wait3A_136 = arith.constant 0 : i32
        %dma_wait3A_137 = tpu.memref_slice %arg12[%dma_wait3A_135, %dma_wait3A_136] : memref<10112x128xf32, #tpu.memory_space<vmem_shared>> -> memref<10112x128xf32, #tpu.memory_space<vmem_shared>>
        tpu.wait_indirect_dma semaphore(%run_scoped3A : memref<!tpu.dma_semaphore, #tpu.memory_space<semaphore_mem>>) src(%arg11 : memref<128x128xf32, #tpu.memory_space<vmem>>) dst(%dma_wait3A_137 : memref<10112x128xf32, #tpu.memory_space<vmem_shared>>)
        tpu.yield
      }) : () -> ()
      %mul3A_119 = arith.constant 2 : i32
      %mul3A_120 = arith.muli %mul3A_119, %scan3A_81 : i32
      %add3A_121 = arith.constant 3 : i32
      %add3A_122 = arith.addi %mul3A_120, %add3A_121 : i32
      %mul3A_123 = arith.constant 128 : i32
      %mul3A_124 = arith.muli %add3A_122, %mul3A_123 : i32
      %add3A_125 = arith.addi %mul3A_41, %mul3A_124 : i32
      %dma_start3A_126 = tpu.memref_slice %arg4[%add3A_125] : memref<401408xi32, #tpu.memory_space<hbm>> -> memref<128xi32, #tpu.memory_space<hbm>>
      %dma_start3A_127 = tpu.memref_slice %arg4[%add3A_125] : memref<401408xi32, #tpu.memory_space<hbm>> -> memref<128xi32, #tpu.memory_space<hbm>>
      tpu.enqueue_dma source(%dma_start3A_127 : memref<128xi32, #tpu.memory_space<hbm>>) target(%arg9 : memref<128xi32, #tpu.memory_space<vmem>>) target_semaphore(%arg14 : memref<!tpu.dma_semaphore, #tpu.memory_space<semaphore_mem>>)
      %dma_start3A_128 = arith.constant 0 : i32
      %dma_start3A_129 = tpu.memref_slice %arg5[%add3A_125, %dma_start3A_128] : memref<401408x128xf32, #tpu.memory_space<hbm>> -> memref<128x128xf32, #tpu.memory_space<hbm>>
      %dma_start3A_130 = arith.constant 0 : i32
      %dma_start3A_131 = tpu.memref_slice %arg5[%add3A_125, %dma_start3A_130] : memref<401408x128xf32, #tpu.memory_space<hbm>> -> memref<128x128xf32, #tpu.memory_space<hbm>>
      tpu.enqueue_dma source(%dma_start3A_131 : memref<128x128xf32, #tpu.memory_space<hbm>>) target(%arg11 : memref<128x128xf32, #tpu.memory_space<vmem>>) target_semaphore(%arg14 : memref<!tpu.dma_semaphore, #tpu.memory_space<semaphore_mem>>)
    }
    %scan3A_63 = arith.constant 48 : i32
    %add3A_64 = arith.constant 12288 : i32
    %add3A_65 = arith.addi %mul3A_41, %add3A_64 : i32
    %dma_wait3A_66 = tpu.memref_slice %arg4[%add3A_65] : memref<401408xi32, #tpu.memory_space<hbm>> -> memref<128xi32, #tpu.memory_space<hbm>>
    %dma_wait3A_67 = tpu.memref_slice %arg4[%add3A_65] : memref<401408xi32, #tpu.memory_space<hbm>> -> memref<128xi32, #tpu.memory_space<hbm>>
    tpu.wait_dma2 semaphore(%arg13 : memref<!tpu.dma_semaphore, #tpu.memory_space<semaphore_mem>>) src(%dma_wait3A_67 : memref<128xi32, #tpu.memory_space<hbm>>) dst(%arg8 : memref<128xi32, #tpu.memory_space<vmem>>)
    %dma_wait3A_68 = arith.constant 0 : i32
    %dma_wait3A_69 = tpu.memref_slice %arg5[%add3A_65, %dma_wait3A_68] : memref<401408x128xf32, #tpu.memory_space<hbm>> -> memref<128x128xf32, #tpu.memory_space<hbm>>
    %dma_wait3A_70 = arith.constant 0 : i32
    %dma_wait3A_71 = tpu.memref_slice %arg5[%add3A_65, %dma_wait3A_70] : memref<401408x128xf32, #tpu.memory_space<hbm>> -> memref<128x128xf32, #tpu.memory_space<hbm>>
    tpu.wait_dma2 semaphore(%arg13 : memref<!tpu.dma_semaphore, #tpu.memory_space<semaphore_mem>>) src(%dma_wait3A_71 : memref<128x128xf32, #tpu.memory_space<hbm>>) dst(%arg10 : memref<128x128xf32, #tpu.memory_space<vmem>>)
    "tpu.region"() ({
      %run_scoped3A = tpu.sem_alloc : memref<!tpu.dma_semaphore, #tpu.memory_space<semaphore_mem>>
      %dma_start3A_81 = arith.constant 0 : i32
      %dma_start3A_82 = arith.constant 0 : i32
      %dma_start3A_83 = tpu.memref_slice %arg12[%dma_start3A_81, %dma_start3A_82] : memref<10112x128xf32, #tpu.memory_space<vmem_shared>> -> memref<10112x128xf32, #tpu.memory_space<vmem_shared>>
      tpu.enqueue_indirect_dma source(%arg10 : memref<128x128xf32, #tpu.memory_space<vmem>>) target(%dma_start3A_83 : memref<10112x128xf32, #tpu.memory_space<vmem_shared>>) offsets(%arg8 : memref<128xi32, #tpu.memory_space<vmem>>) semaphore(%run_scoped3A : memref<!tpu.dma_semaphore, #tpu.memory_space<semaphore_mem>>) {add = true}
      %dma_wait3A_84 = arith.constant 0 : i32
      %dma_wait3A_85 = arith.constant 0 : i32
      %dma_wait3A_86 = tpu.memref_slice %arg12[%dma_wait3A_84, %dma_wait3A_85] : memref<10112x128xf32, #tpu.memory_space<vmem_shared>> -> memref<10112x128xf32, #tpu.memory_space<vmem_shared>>
      tpu.wait_indirect_dma semaphore(%run_scoped3A : memref<!tpu.dma_semaphore, #tpu.memory_space<semaphore_mem>>) src(%arg10 : memref<128x128xf32, #tpu.memory_space<vmem>>) dst(%dma_wait3A_86 : memref<10112x128xf32, #tpu.memory_space<vmem_shared>>)
      tpu.yield
    }) : () -> ()
    %add3A_72 = arith.constant 12416 : i32
    %add3A_73 = arith.addi %mul3A_41, %add3A_72 : i32
    %dma_wait3A_74 = tpu.memref_slice %arg4[%add3A_73] : memref<401408xi32, #tpu.memory_space<hbm>> -> memref<128xi32, #tpu.memory_space<hbm>>
    %dma_wait3A_75 = tpu.memref_slice %arg4[%add3A_73] : memref<401408xi32, #tpu.memory_space<hbm>> -> memref<128xi32, #tpu.memory_space<hbm>>
    tpu.wait_dma2 semaphore(%arg14 : memref<!tpu.dma_semaphore, #tpu.memory_space<semaphore_mem>>) src(%dma_wait3A_75 : memref<128xi32, #tpu.memory_space<hbm>>) dst(%arg9 : memref<128xi32, #tpu.memory_space<vmem>>)
    %dma_wait3A_76 = arith.constant 0 : i32
    %dma_wait3A_77 = tpu.memref_slice %arg5[%add3A_73, %dma_wait3A_76] : memref<401408x128xf32, #tpu.memory_space<hbm>> -> memref<128x128xf32, #tpu.memory_space<hbm>>
    %dma_wait3A_78 = arith.constant 0 : i32
    %dma_wait3A_79 = tpu.memref_slice %arg5[%add3A_73, %dma_wait3A_78] : memref<401408x128xf32, #tpu.memory_space<hbm>> -> memref<128x128xf32, #tpu.memory_space<hbm>>
    tpu.wait_dma2 semaphore(%arg14 : memref<!tpu.dma_semaphore, #tpu.memory_space<semaphore_mem>>) src(%dma_wait3A_79 : memref<128x128xf32, #tpu.memory_space<hbm>>) dst(%arg11 : memref<128x128xf32, #tpu.memory_space<vmem>>)
    "tpu.region"() ({
      %run_scoped3A = tpu.sem_alloc : memref<!tpu.dma_semaphore, #tpu.memory_space<semaphore_mem>>
      %dma_start3A_81 = arith.constant 0 : i32
      %dma_start3A_82 = arith.constant 0 : i32
      %dma_start3A_83 = tpu.memref_slice %arg12[%dma_start3A_81, %dma_start3A_82] : memref<10112x128xf32, #tpu.memory_space<vmem_shared>> -> memref<10112x128xf32, #tpu.memory_space<vmem_shared>>
      tpu.enqueue_indirect_dma source(%arg11 : memref<128x128xf32, #tpu.memory_space<vmem>>) target(%dma_start3A_83 : memref<10112x128xf32, #tpu.memory_space<vmem_shared>>) offsets(%arg9 : memref<128xi32, #tpu.memory_space<vmem>>) semaphore(%run_scoped3A : memref<!tpu.dma_semaphore, #tpu.memory_space<semaphore_mem>>) {add = true}
      %dma_wait3A_84 = arith.constant 0 : i32
      %dma_wait3A_85 = arith.constant 0 : i32
      %dma_wait3A_86 = tpu.memref_slice %arg12[%dma_wait3A_84, %dma_wait3A_85] : memref<10112x128xf32, #tpu.memory_space<vmem_shared>> -> memref<10112x128xf32, #tpu.memory_space<vmem_shared>>
      tpu.wait_indirect_dma semaphore(%run_scoped3A : memref<!tpu.dma_semaphore, #tpu.memory_space<semaphore_mem>>) src(%arg11 : memref<128x128xf32, #tpu.memory_space<vmem>>) dst(%dma_wait3A_86 : memref<10112x128xf32, #tpu.memory_space<vmem_shared>>)
      tpu.yield
    }) : () -> ()
    %barrier3A_80 = arith.constant 0 : index
    tpu.barrier barrier_id(%barrier3A_80)
    "tpu.region"() ({
      %run_scoped3A = tpu.sem_alloc : memref<!tpu.dma_semaphore, #tpu.memory_space<semaphore_mem>>
      %dma_start3A_81 = arith.constant 0 : i32
      %dma_start3A_82 = tpu.memref_slice %arg7[%arg0, %mul3A_2, %dma_start3A_81] : memref<2x10112x128xf32, #tpu.memory_space<hbm>> -> memref<1x632x128xf32, #tpu.memory_space<hbm>>
      %dma_start3A_83 = tpu.memref_squeeze %dma_start3A_82 : memref<1x632x128xf32, #tpu.memory_space<hbm>> -> memref<632x128xf32, #tpu.memory_space<hbm>>
      %dma_start3A_84 = arith.constant 0 : i32
      %dma_start3A_85 = tpu.memref_slice %arg12[%mul3A_2, %dma_start3A_84] : memref<10112x128xf32, #tpu.memory_space<vmem_shared>> -> memref<632x128xf32, #tpu.memory_space<vmem_shared>>
      tpu.enqueue_dma source(%dma_start3A_85 : memref<632x128xf32, #tpu.memory_space<vmem_shared>>) target(%dma_start3A_83 : memref<632x128xf32, #tpu.memory_space<hbm>>) target_semaphore(%run_scoped3A : memref<!tpu.dma_semaphore, #tpu.memory_space<semaphore_mem>>)
      %dma_wait3A_86 = arith.constant 0 : i32
      %dma_wait3A_87 = tpu.memref_slice %arg7[%arg0, %mul3A_2, %dma_wait3A_86] : memref<2x10112x128xf32, #tpu.memory_space<hbm>> -> memref<1x632x128xf32, #tpu.memory_space<hbm>>
      %dma_wait3A_88 = tpu.memref_squeeze %dma_wait3A_87 : memref<1x632x128xf32, #tpu.memory_space<hbm>> -> memref<632x128xf32, #tpu.memory_space<hbm>>
      %dma_wait3A_89 = arith.constant 0 : i32
      %dma_wait3A_90 = tpu.memref_slice %arg12[%mul3A_2, %dma_wait3A_89] : memref<10112x128xf32, #tpu.memory_space<vmem_shared>> -> memref<632x128xf32, #tpu.memory_space<vmem_shared>>
      tpu.wait_dma2 semaphore(%run_scoped3A : memref<!tpu.dma_semaphore, #tpu.memory_space<semaphore_mem>>) src(%dma_wait3A_90 : memref<632x128xf32, #tpu.memory_space<vmem_shared>>) dst(%dma_wait3A_88 : memref<632x128xf32, #tpu.memory_space<hbm>>)
      tpu.yield
    }) : () -> ()
    return
  }
}

#map = affine_map<(d0, d1) -> (0, 0)>
#map1 = affine_map<(d0, d1) -> (0)>
module attributes {stable_mosaic.version = 14 : i64} {
  func.func @k(%arg0: i32, %arg1: i32, %arg2: memref<10000x128xi32, #tpu.memory_space<hbm>>, %arg3: memref<10000x128xi32, #tpu.memory_space<hbm>>, %arg4: memref<10000x128xf32, #tpu.memory_space<hbm>>, %arg5: memref<10000x128xf32, #tpu.memory_space<hbm>>, %arg6: memref<163840xi32, #tpu.memory_space<hbm>>, %arg7: memref<163840xi32, #tpu.memory_space<hbm>>, %arg8: memref<40000x128xi32, #tpu.memory_space<hbm>>, %arg9: memref<10000x128xi32, #tpu.memory_space<hbm>>, %arg10: memref<40000x128xf32, #tpu.memory_space<hbm>>, %arg11: memref<10000x128xf32, #tpu.memory_space<hbm>>, %arg12: memref<401408xi32, #tpu.memory_space<hbm>>, %arg13: memref<401408xi32, #tpu.memory_space<hbm>>, %arg14: memref<163840x128xi32, #tpu.memory_space<hbm>>, %arg15: memref<163840x128xi32, #tpu.memory_space<hbm>>, %arg16: memref<163840x128xf32, #tpu.memory_space<hbm>>, %arg17: memref<401408x128xi32, #tpu.memory_space<hbm>>, %arg18: memref<401408x128xi32, #tpu.memory_space<hbm>>, %arg19: memref<401408x128xf32, #tpu.memory_space<hbm>>, %arg20: memref<12544xi32, #tpu.memory_space<vmem>>, %arg21: memref<12544xi32, #tpu.memory_space<vmem>>, %arg22: memref<64x128xi32, #tpu.memory_space<vmem>>, %arg23: memref<64x128xi32, #tpu.memory_space<vmem>>, %arg24: memref<64x128xf32, #tpu.memory_space<vmem>>, %arg25: memref<64x128xf32, #tpu.memory_space<vmem>>, %arg26: memref<64x128xi32, #tpu.memory_space<vmem>>, %arg27: memref<64x128xi32, #tpu.memory_space<vmem>>, %arg28: memref<64x128xf32, #tpu.memory_space<vmem>>, %arg29: memref<64x128xf32, #tpu.memory_space<vmem>>, %arg30: memref<!tpu.dma_semaphore, #tpu.memory_space<semaphore_mem>>, %arg31: memref<!tpu.dma_semaphore, #tpu.memory_space<semaphore_mem>>, %arg32: memref<!tpu.dma_semaphore, #tpu.memory_space<semaphore_mem>>, %arg33: memref<!tpu.dma_semaphore, #tpu.memory_space<semaphore_mem>>) attributes {dimension_semantics = [#tpu.dimension_semantics<core_parallel>, #tpu.dimension_semantics<subcore_parallel>], iteration_bounds = array<i64: 2, 16>, scalar_prefetch = 0 : i64, scratch_operands = 14 : i64, tpu.core_type = #tpu.core_type<sc_vector_subcore>, window_params = [{transform_indices = #map}, {transform_indices = #map}, {transform_indices = #map}, {transform_indices = #map}, {transform_indices = #map1}, {transform_indices = #map1}, {transform_indices = #map}, {transform_indices = #map}, {transform_indices = #map}, {transform_indices = #map}, {transform_indices = #map1}, {transform_indices = #map1}, {transform_indices = #map}, {transform_indices = #map}, {transform_indices = #map}, {transform_indices = #map}, {transform_indices = #map}, {transform_indices = #map}]} {
    %mul3A = arith.constant 16 : i32
    %mul3A_0 = arith.muli %arg0, %mul3A : i32
    %add3A = arith.addi %mul3A_0, %arg1 : i32
    %mul3A_1 = arith.constant 5120 : i32
    %mul3A_2 = arith.muli %add3A, %mul3A_1 : i32
    "tpu.region"() ({
      %run_scoped3A = tpu.sem_alloc : memref<!tpu.dma_semaphore, #tpu.memory_space<semaphore_mem>>
      %dma_start3A_310 = arith.constant 0 : i32
      %dma_start3A_311 = tpu.memref_slice %arg20[%dma_start3A_310] : memref<12544xi32, #tpu.memory_space<vmem>> -> memref<5120xi32, #tpu.memory_space<vmem>>
      %dma_start3A_312 = tpu.memref_slice %arg6[%mul3A_2] : memref<163840xi32, #tpu.memory_space<hbm>> -> memref<5120xi32, #tpu.memory_space<hbm>>
      %dma_start3A_313 = arith.constant 0 : i32
      %dma_start3A_314 = tpu.memref_slice %arg20[%dma_start3A_313] : memref<12544xi32, #tpu.memory_space<vmem>> -> memref<5120xi32, #tpu.memory_space<vmem>>
      %dma_start3A_315 = tpu.memref_slice %arg6[%mul3A_2] : memref<163840xi32, #tpu.memory_space<hbm>> -> memref<5120xi32, #tpu.memory_space<hbm>>
      tpu.enqueue_dma source(%dma_start3A_315 : memref<5120xi32, #tpu.memory_space<hbm>>) target(%dma_start3A_314 : memref<5120xi32, #tpu.memory_space<vmem>>) target_semaphore(%run_scoped3A : memref<!tpu.dma_semaphore, #tpu.memory_space<semaphore_mem>>)
      %dma_wait3A_316 = arith.constant 0 : i32
      %dma_wait3A_317 = tpu.memref_slice %arg20[%dma_wait3A_316] : memref<12544xi32, #tpu.memory_space<vmem>> -> memref<5120xi32, #tpu.memory_space<vmem>>
      %dma_wait3A_318 = tpu.memref_slice %arg6[%mul3A_2] : memref<163840xi32, #tpu.memory_space<hbm>> -> memref<5120xi32, #tpu.memory_space<hbm>>
      %dma_wait3A_319 = arith.constant 0 : i32
      %dma_wait3A_320 = tpu.memref_slice %arg20[%dma_wait3A_319] : memref<12544xi32, #tpu.memory_space<vmem>> -> memref<5120xi32, #tpu.memory_space<vmem>>
      %dma_wait3A_321 = tpu.memref_slice %arg6[%mul3A_2] : memref<163840xi32, #tpu.memory_space<hbm>> -> memref<5120xi32, #tpu.memory_space<hbm>>
      tpu.wait_dma2 semaphore(%run_scoped3A : memref<!tpu.dma_semaphore, #tpu.memory_space<semaphore_mem>>) src(%dma_wait3A_321 : memref<5120xi32, #tpu.memory_space<hbm>>) dst(%dma_wait3A_320 : memref<5120xi32, #tpu.memory_space<vmem>>)
      tpu.yield
    }) : () -> ()
    "tpu.region"() ({
      %run_scoped3A = tpu.sem_alloc : memref<!tpu.dma_semaphore, #tpu.memory_space<semaphore_mem>>
      %dma_start3A_310 = arith.constant 0 : i32
      %dma_start3A_311 = tpu.memref_slice %arg21[%dma_start3A_310] : memref<12544xi32, #tpu.memory_space<vmem>> -> memref<5120xi32, #tpu.memory_space<vmem>>
      %dma_start3A_312 = tpu.memref_slice %arg7[%mul3A_2] : memref<163840xi32, #tpu.memory_space<hbm>> -> memref<5120xi32, #tpu.memory_space<hbm>>
      %dma_start3A_313 = arith.constant 0 : i32
      %dma_start3A_314 = tpu.memref_slice %arg21[%dma_start3A_313] : memref<12544xi32, #tpu.memory_space<vmem>> -> memref<5120xi32, #tpu.memory_space<vmem>>
      %dma_start3A_315 = tpu.memref_slice %arg7[%mul3A_2] : memref<163840xi32, #tpu.memory_space<hbm>> -> memref<5120xi32, #tpu.memory_space<hbm>>
      tpu.enqueue_dma source(%dma_start3A_315 : memref<5120xi32, #tpu.memory_space<hbm>>) target(%dma_start3A_314 : memref<5120xi32, #tpu.memory_space<vmem>>) target_semaphore(%run_scoped3A : memref<!tpu.dma_semaphore, #tpu.memory_space<semaphore_mem>>)
      %dma_wait3A_316 = arith.constant 0 : i32
      %dma_wait3A_317 = tpu.memref_slice %arg21[%dma_wait3A_316] : memref<12544xi32, #tpu.memory_space<vmem>> -> memref<5120xi32, #tpu.memory_space<vmem>>
      %dma_wait3A_318 = tpu.memref_slice %arg7[%mul3A_2] : memref<163840xi32, #tpu.memory_space<hbm>> -> memref<5120xi32, #tpu.memory_space<hbm>>
      %dma_wait3A_319 = arith.constant 0 : i32
      %dma_wait3A_320 = tpu.memref_slice %arg21[%dma_wait3A_319] : memref<12544xi32, #tpu.memory_space<vmem>> -> memref<5120xi32, #tpu.memory_space<vmem>>
      %dma_wait3A_321 = tpu.memref_slice %arg7[%mul3A_2] : memref<163840xi32, #tpu.memory_space<hbm>> -> memref<5120xi32, #tpu.memory_space<hbm>>
      tpu.wait_dma2 semaphore(%run_scoped3A : memref<!tpu.dma_semaphore, #tpu.memory_space<semaphore_mem>>) src(%dma_wait3A_321 : memref<5120xi32, #tpu.memory_space<hbm>>) dst(%dma_wait3A_320 : memref<5120xi32, #tpu.memory_space<vmem>>)
      tpu.yield
    }) : () -> ()
    %dma_start3A = arith.constant 0 : i32
    %dma_start3A_3 = tpu.memref_slice %arg20[%dma_start3A] : memref<12544xi32, #tpu.memory_space<vmem>> -> memref<64xi32, #tpu.memory_space<vmem>>
    %dma_start3A_4 = arith.constant 0 : i32
    %dma_start3A_5 = arith.constant 0 : i32
    %dma_start3A_6 = tpu.memref_slice %arg2[%dma_start3A_4, %dma_start3A_5] : memref<10000x128xi32, #tpu.memory_space<hbm>> -> memref<10000x128xi32, #tpu.memory_space<hbm>>
    tpu.enqueue_indirect_dma source(%dma_start3A_6 : memref<10000x128xi32, #tpu.memory_space<hbm>>) target(%arg22 : memref<64x128xi32, #tpu.memory_space<vmem>>) offsets(%dma_start3A_3 : memref<64xi32, #tpu.memory_space<vmem>>) semaphore(%arg30 : memref<!tpu.dma_semaphore, #tpu.memory_space<semaphore_mem>>)
    %dma_start3A_7 = arith.constant 0 : i32
    %dma_start3A_8 = tpu.memref_slice %arg21[%dma_start3A_7] : memref<12544xi32, #tpu.memory_space<vmem>> -> memref<64xi32, #tpu.memory_space<vmem>>
    %dma_start3A_9 = arith.constant 0 : i32
    %dma_start3A_10 = arith.constant 0 : i32
    %dma_start3A_11 = tpu.memref_slice %arg3[%dma_start3A_9, %dma_start3A_10] : memref<10000x128xi32, #tpu.memory_space<hbm>> -> memref<10000x128xi32, #tpu.memory_space<hbm>>
    tpu.enqueue_indirect_dma source(%dma_start3A_11 : memref<10000x128xi32, #tpu.memory_space<hbm>>) target(%arg23 : memref<64x128xi32, #tpu.memory_space<vmem>>) offsets(%dma_start3A_8 : memref<64xi32, #tpu.memory_space<vmem>>) semaphore(%arg30 : memref<!tpu.dma_semaphore, #tpu.memory_space<semaphore_mem>>)
    %dma_start3A_12 = arith.constant 0 : i32
    %dma_start3A_13 = tpu.memref_slice %arg20[%dma_start3A_12] : memref<12544xi32, #tpu.memory_space<vmem>> -> memref<64xi32, #tpu.memory_space<vmem>>
    %dma_start3A_14 = arith.constant 0 : i32
    %dma_start3A_15 = arith.constant 0 : i32
    %dma_start3A_16 = tpu.memref_slice %arg4[%dma_start3A_14, %dma_start3A_15] : memref<10000x128xf32, #tpu.memory_space<hbm>> -> memref<10000x128xf32, #tpu.memory_space<hbm>>
    tpu.enqueue_indirect_dma source(%dma_start3A_16 : memref<10000x128xf32, #tpu.memory_space<hbm>>) target(%arg24 : memref<64x128xf32, #tpu.memory_space<vmem>>) offsets(%dma_start3A_13 : memref<64xi32, #tpu.memory_space<vmem>>) semaphore(%arg30 : memref<!tpu.dma_semaphore, #tpu.memory_space<semaphore_mem>>)
    %dma_start3A_17 = arith.constant 0 : i32
    %dma_start3A_18 = tpu.memref_slice %arg21[%dma_start3A_17] : memref<12544xi32, #tpu.memory_space<vmem>> -> memref<64xi32, #tpu.memory_space<vmem>>
    %dma_start3A_19 = arith.constant 0 : i32
    %dma_start3A_20 = arith.constant 0 : i32
    %dma_start3A_21 = tpu.memref_slice %arg5[%dma_start3A_19, %dma_start3A_20] : memref<10000x128xf32, #tpu.memory_space<hbm>> -> memref<10000x128xf32, #tpu.memory_space<hbm>>
    tpu.enqueue_indirect_dma source(%dma_start3A_21 : memref<10000x128xf32, #tpu.memory_space<hbm>>) target(%arg25 : memref<64x128xf32, #tpu.memory_space<vmem>>) offsets(%dma_start3A_18 : memref<64xi32, #tpu.memory_space<vmem>>) semaphore(%arg30 : memref<!tpu.dma_semaphore, #tpu.memory_space<semaphore_mem>>)
    %dma_start3A_22 = arith.constant 64 : i32
    %dma_start3A_23 = tpu.memref_slice %arg20[%dma_start3A_22] : memref<12544xi32, #tpu.memory_space<vmem>> -> memref<64xi32, #tpu.memory_space<vmem>>
    %dma_start3A_24 = arith.constant 0 : i32
    %dma_start3A_25 = arith.constant 0 : i32
    %dma_start3A_26 = tpu.memref_slice %arg2[%dma_start3A_24, %dma_start3A_25] : memref<10000x128xi32, #tpu.memory_space<hbm>> -> memref<10000x128xi32, #tpu.memory_space<hbm>>
    tpu.enqueue_indirect_dma source(%dma_start3A_26 : memref<10000x128xi32, #tpu.memory_space<hbm>>) target(%arg26 : memref<64x128xi32, #tpu.memory_space<vmem>>) offsets(%dma_start3A_23 : memref<64xi32, #tpu.memory_space<vmem>>) semaphore(%arg31 : memref<!tpu.dma_semaphore, #tpu.memory_space<semaphore_mem>>)
    %dma_start3A_27 = arith.constant 64 : i32
    %dma_start3A_28 = tpu.memref_slice %arg21[%dma_start3A_27] : memref<12544xi32, #tpu.memory_space<vmem>> -> memref<64xi32, #tpu.memory_space<vmem>>
    %dma_start3A_29 = arith.constant 0 : i32
    %dma_start3A_30 = arith.constant 0 : i32
    %dma_start3A_31 = tpu.memref_slice %arg3[%dma_start3A_29, %dma_start3A_30] : memref<10000x128xi32, #tpu.memory_space<hbm>> -> memref<10000x128xi32, #tpu.memory_space<hbm>>
    tpu.enqueue_indirect_dma source(%dma_start3A_31 : memref<10000x128xi32, #tpu.memory_space<hbm>>) target(%arg27 : memref<64x128xi32, #tpu.memory_space<vmem>>) offsets(%dma_start3A_28 : memref<64xi32, #tpu.memory_space<vmem>>) semaphore(%arg31 : memref<!tpu.dma_semaphore, #tpu.memory_space<semaphore_mem>>)
    %dma_start3A_32 = arith.constant 64 : i32
    %dma_start3A_33 = tpu.memref_slice %arg20[%dma_start3A_32] : memref<12544xi32, #tpu.memory_space<vmem>> -> memref<64xi32, #tpu.memory_space<vmem>>
    %dma_start3A_34 = arith.constant 0 : i32
    %dma_start3A_35 = arith.constant 0 : i32
    %dma_start3A_36 = tpu.memref_slice %arg4[%dma_start3A_34, %dma_start3A_35] : memref<10000x128xf32, #tpu.memory_space<hbm>> -> memref<10000x128xf32, #tpu.memory_space<hbm>>
    tpu.enqueue_indirect_dma source(%dma_start3A_36 : memref<10000x128xf32, #tpu.memory_space<hbm>>) target(%arg28 : memref<64x128xf32, #tpu.memory_space<vmem>>) offsets(%dma_start3A_33 : memref<64xi32, #tpu.memory_space<vmem>>) semaphore(%arg31 : memref<!tpu.dma_semaphore, #tpu.memory_space<semaphore_mem>>)
    %dma_start3A_37 = arith.constant 64 : i32
    %dma_start3A_38 = tpu.memref_slice %arg21[%dma_start3A_37] : memref<12544xi32, #tpu.memory_space<vmem>> -> memref<64xi32, #tpu.memory_space<vmem>>
    %dma_start3A_39 = arith.constant 0 : i32
    %dma_start3A_40 = arith.constant 0 : i32
    %dma_start3A_41 = tpu.memref_slice %arg5[%dma_start3A_39, %dma_start3A_40] : memref<10000x128xf32, #tpu.memory_space<hbm>> -> memref<10000x128xf32, #tpu.memory_space<hbm>>
    tpu.enqueue_indirect_dma source(%dma_start3A_41 : memref<10000x128xf32, #tpu.memory_space<hbm>>) target(%arg29 : memref<64x128xf32, #tpu.memory_space<vmem>>) offsets(%dma_start3A_38 : memref<64xi32, #tpu.memory_space<vmem>>) semaphore(%arg31 : memref<!tpu.dma_semaphore, #tpu.memory_space<semaphore_mem>>)
    %scan3A = arith.constant 0 : i32
    %scan3A_42 = arith.constant 0 : i32
    %scan3A_43 = arith.constant 39 : i32
    %scan3A_44 = arith.addi %scan3A_42, %scan3A_43 : i32
    %scan3A_45 = arith.constant 1 : i32
    scf.for %scan3A_310 = %scan3A_42 to %scan3A_44 step %scan3A_45  : i32 {
      %mul3A_311 = arith.constant 2 : i32
      %mul3A_312 = arith.muli %mul3A_311, %scan3A_310 : i32
      %mul3A_313 = arith.constant 64 : i32
      %mul3A_314 = arith.muli %mul3A_312, %mul3A_313 : i32
      %mul3A_315 = arith.constant 64 : i32
      %mul3A_316 = arith.muli %mul3A_312, %mul3A_315 : i32
      %dma_wait3A_317 = tpu.memref_slice %arg20[%mul3A_314] : memref<12544xi32, #tpu.memory_space<vmem>> -> memref<64xi32, #tpu.memory_space<vmem>>
      %dma_wait3A_318 = arith.constant 0 : i32
      %dma_wait3A_319 = arith.constant 0 : i32
      %dma_wait3A_320 = tpu.memref_slice %arg2[%dma_wait3A_318, %dma_wait3A_319] : memref<10000x128xi32, #tpu.memory_space<hbm>> -> memref<10000x128xi32, #tpu.memory_space<hbm>>
      tpu.wait_indirect_dma semaphore(%arg30 : memref<!tpu.dma_semaphore, #tpu.memory_space<semaphore_mem>>) src(%dma_wait3A_320 : memref<10000x128xi32, #tpu.memory_space<hbm>>) dst(%arg22 : memref<64x128xi32, #tpu.memory_space<vmem>>)
      %dma_wait3A_321 = tpu.memref_slice %arg21[%mul3A_316] : memref<12544xi32, #tpu.memory_space<vmem>> -> memref<64xi32, #tpu.memory_space<vmem>>
      %dma_wait3A_322 = arith.constant 0 : i32
      %dma_wait3A_323 = arith.constant 0 : i32
      %dma_wait3A_324 = tpu.memref_slice %arg3[%dma_wait3A_322, %dma_wait3A_323] : memref<10000x128xi32, #tpu.memory_space<hbm>> -> memref<10000x128xi32, #tpu.memory_space<hbm>>
      tpu.wait_indirect_dma semaphore(%arg30 : memref<!tpu.dma_semaphore, #tpu.memory_space<semaphore_mem>>) src(%dma_wait3A_324 : memref<10000x128xi32, #tpu.memory_space<hbm>>) dst(%arg23 : memref<64x128xi32, #tpu.memory_space<vmem>>)
      %dma_wait3A_325 = tpu.memref_slice %arg20[%mul3A_314] : memref<12544xi32, #tpu.memory_space<vmem>> -> memref<64xi32, #tpu.memory_space<vmem>>
      %dma_wait3A_326 = arith.constant 0 : i32
      %dma_wait3A_327 = arith.constant 0 : i32
      %dma_wait3A_328 = tpu.memref_slice %arg4[%dma_wait3A_326, %dma_wait3A_327] : memref<10000x128xf32, #tpu.memory_space<hbm>> -> memref<10000x128xf32, #tpu.memory_space<hbm>>
      tpu.wait_indirect_dma semaphore(%arg30 : memref<!tpu.dma_semaphore, #tpu.memory_space<semaphore_mem>>) src(%dma_wait3A_328 : memref<10000x128xf32, #tpu.memory_space<hbm>>) dst(%arg24 : memref<64x128xf32, #tpu.memory_space<vmem>>)
      %dma_wait3A_329 = tpu.memref_slice %arg21[%mul3A_316] : memref<12544xi32, #tpu.memory_space<vmem>> -> memref<64xi32, #tpu.memory_space<vmem>>
      %dma_wait3A_330 = arith.constant 0 : i32
      %dma_wait3A_331 = arith.constant 0 : i32
      %dma_wait3A_332 = tpu.memref_slice %arg5[%dma_wait3A_330, %dma_wait3A_331] : memref<10000x128xf32, #tpu.memory_space<hbm>> -> memref<10000x128xf32, #tpu.memory_space<hbm>>
      tpu.wait_indirect_dma semaphore(%arg30 : memref<!tpu.dma_semaphore, #tpu.memory_space<semaphore_mem>>) src(%dma_wait3A_332 : memref<10000x128xf32, #tpu.memory_space<hbm>>) dst(%arg25 : memref<64x128xf32, #tpu.memory_space<vmem>>)
      %scan3A_333 = arith.constant 0 : i32
      %scan3A_334 = arith.constant 0 : i32
      %scan3A_335 = arith.constant 64 : i32
      %scan3A_336 = arith.addi %scan3A_334, %scan3A_335 : i32
      %scan3A_337 = arith.constant 1 : i32
      scf.for %scan3A_477 = %scan3A_334 to %scan3A_336 step %scan3A_337  : i32 {
        %get3A = arith.index_cast %scan3A_477 : i32 to index
        %get3A_478 = arith.constant 0 : index
        %get3A_479 = tpu.vector_load %arg24[%get3A, %get3A_478] {strides = array<i32>} : memref<64x128xf32, #tpu.memory_space<vmem>>, vector<1x16xf32>,
        %get3A_480 = vector.shape_cast %get3A_479 : vector<1x16xf32> to vector<16xf32>
        %get3A_481 = arith.index_cast %scan3A_477 : i32 to index
        %get3A_482 = arith.constant 0 : index
        %get3A_483 = tpu.vector_load %arg25[%get3A_481, %get3A_482] {strides = array<i32>} : memref<64x128xf32, #tpu.memory_space<vmem>>, vector<1x16xf32>,
        %get3A_484 = vector.shape_cast %get3A_483 : vector<1x16xf32> to vector<16xf32>
        %sub3A = arith.subf %get3A_480, %get3A_484 : vector<16xf32>
        %swap3A = arith.index_cast %scan3A_477 : i32 to index
        %swap3A_485 = arith.constant 0 : index
        %swap3A_486 = tpu.vector_load %arg24[%swap3A, %swap3A_485] {strides = array<i32>} : memref<64x128xf32, #tpu.memory_space<vmem>>, vector<1x16xf32>,
        %swap3A_487 = vector.shape_cast %swap3A_486 : vector<1x16xf32> to vector<16xf32>
        %swap3A_488 = vector.shape_cast %sub3A : vector<16xf32> to vector<1x16xf32>
        tpu.vector_store %arg24[%swap3A, %swap3A_485], %swap3A_488 {strides = array<i32>} : memref<64x128xf32, #tpu.memory_space<vmem>>, vector<1x16xf32>,
        %get3A_489 = arith.index_cast %scan3A_477 : i32 to index
        %get3A_490 = arith.constant 16 : index
        %get3A_491 = tpu.vector_load %arg24[%get3A_489, %get3A_490] {strides = array<i32>} : memref<64x128xf32, #tpu.memory_space<vmem>>, vector<1x16xf32>,
        %get3A_492 = vector.shape_cast %get3A_491 : vector<1x16xf32> to vector<16xf32>
        %get3A_493 = arith.index_cast %scan3A_477 : i32 to index
        %get3A_494 = arith.constant 16 : index
        %get3A_495 = tpu.vector_load %arg25[%get3A_493, %get3A_494] {strides = array<i32>} : memref<64x128xf32, #tpu.memory_space<vmem>>, vector<1x16xf32>,
        %get3A_496 = vector.shape_cast %get3A_495 : vector<1x16xf32> to vector<16xf32>
        %sub3A_497 = arith.subf %get3A_492, %get3A_496 : vector<16xf32>
        %swap3A_498 = arith.index_cast %scan3A_477 : i32 to index
        %swap3A_499 = arith.constant 16 : index
        %swap3A_500 = tpu.vector_load %arg24[%swap3A_498, %swap3A_499] {strides = array<i32>} : memref<64x128xf32, #tpu.memory_space<vmem>>, vector<1x16xf32>,
        %swap3A_501 = vector.shape_cast %swap3A_500 : vector<1x16xf32> to vector<16xf32>
        %swap3A_502 = vector.shape_cast %sub3A_497 : vector<16xf32> to vector<1x16xf32>
        tpu.vector_store %arg24[%swap3A_498, %swap3A_499], %swap3A_502 {strides = array<i32>} : memref<64x128xf32, #tpu.memory_space<vmem>>, vector<1x16xf32>,
        %get3A_503 = arith.index_cast %scan3A_477 : i32 to index
        %get3A_504 = arith.constant 32 : index
        %get3A_505 = tpu.vector_load %arg24[%get3A_503, %get3A_504] {strides = array<i32>} : memref<64x128xf32, #tpu.memory_space<vmem>>, vector<1x16xf32>,
        %get3A_506 = vector.shape_cast %get3A_505 : vector<1x16xf32> to vector<16xf32>
        %get3A_507 = arith.index_cast %scan3A_477 : i32 to index
        %get3A_508 = arith.constant 32 : index
        %get3A_509 = tpu.vector_load %arg25[%get3A_507, %get3A_508] {strides = array<i32>} : memref<64x128xf32, #tpu.memory_space<vmem>>, vector<1x16xf32>,
        %get3A_510 = vector.shape_cast %get3A_509 : vector<1x16xf32> to vector<16xf32>
        %sub3A_511 = arith.subf %get3A_506, %get3A_510 : vector<16xf32>
        %swap3A_512 = arith.index_cast %scan3A_477 : i32 to index
        %swap3A_513 = arith.constant 32 : index
        %swap3A_514 = tpu.vector_load %arg24[%swap3A_512, %swap3A_513] {strides = array<i32>} : memref<64x128xf32, #tpu.memory_space<vmem>>, vector<1x16xf32>,
        %swap3A_515 = vector.shape_cast %swap3A_514 : vector<1x16xf32> to vector<16xf32>
        %swap3A_516 = vector.shape_cast %sub3A_511 : vector<16xf32> to vector<1x16xf32>
        tpu.vector_store %arg24[%swap3A_512, %swap3A_513], %swap3A_516 {strides = array<i32>} : memref<64x128xf32, #tpu.memory_space<vmem>>, vector<1x16xf32>,
        %get3A_517 = arith.index_cast %scan3A_477 : i32 to index
        %get3A_518 = arith.constant 48 : index
        %get3A_519 = tpu.vector_load %arg24[%get3A_517, %get3A_518] {strides = array<i32>} : memref<64x128xf32, #tpu.memory_space<vmem>>, vector<1x16xf32>,
        %get3A_520 = vector.shape_cast %get3A_519 : vector<1x16xf32> to vector<16xf32>
        %get3A_521 = arith.index_cast %scan3A_477 : i32 to index
        %get3A_522 = arith.constant 48 : index
        %get3A_523 = tpu.vector_load %arg25[%get3A_521, %get3A_522] {strides = array<i32>} : memref<64x128xf32, #tpu.memory_space<vmem>>, vector<1x16xf32>,
        %get3A_524 = vector.shape_cast %get3A_523 : vector<1x16xf32> to vector<16xf32>
        %sub3A_525 = arith.subf %get3A_520, %get3A_524 : vector<16xf32>
        %swap3A_526 = arith.index_cast %scan3A_477 : i32 to index
        %swap3A_527 = arith.constant 48 : index
        %swap3A_528 = tpu.vector_load %arg24[%swap3A_526, %swap3A_527] {strides = array<i32>} : memref<64x128xf32, #tpu.memory_space<vmem>>, vector<1x16xf32>,
        %swap3A_529 = vector.shape_cast %swap3A_528 : vector<1x16xf32> to vector<16xf32>
        %swap3A_530 = vector.shape_cast %sub3A_525 : vector<16xf32> to vector<1x16xf32>
        tpu.vector_store %arg24[%swap3A_526, %swap3A_527], %swap3A_530 {strides = array<i32>} : memref<64x128xf32, #tpu.memory_space<vmem>>, vector<1x16xf32>,
        %get3A_531 = arith.index_cast %scan3A_477 : i32 to index
        %get3A_532 = arith.constant 64 : index
        %get3A_533 = tpu.vector_load %arg24[%get3A_531, %get3A_532] {strides = array<i32>} : memref<64x128xf32, #tpu.memory_space<vmem>>, vector<1x16xf32>,
        %get3A_534 = vector.shape_cast %get3A_533 : vector<1x16xf32> to vector<16xf32>
        %get3A_535 = arith.index_cast %scan3A_477 : i32 to index
        %get3A_536 = arith.constant 64 : index
        %get3A_537 = tpu.vector_load %arg25[%get3A_535, %get3A_536] {strides = array<i32>} : memref<64x128xf32, #tpu.memory_space<vmem>>, vector<1x16xf32>,
        %get3A_538 = vector.shape_cast %get3A_537 : vector<1x16xf32> to vector<16xf32>
        %sub3A_539 = arith.subf %get3A_534, %get3A_538 : vector<16xf32>
        %swap3A_540 = arith.index_cast %scan3A_477 : i32 to index
        %swap3A_541 = arith.constant 64 : index
        %swap3A_542 = tpu.vector_load %arg24[%swap3A_540, %swap3A_541] {strides = array<i32>} : memref<64x128xf32, #tpu.memory_space<vmem>>, vector<1x16xf32>,
        %swap3A_543 = vector.shape_cast %swap3A_542 : vector<1x16xf32> to vector<16xf32>
        %swap3A_544 = vector.shape_cast %sub3A_539 : vector<16xf32> to vector<1x16xf32>
        tpu.vector_store %arg24[%swap3A_540, %swap3A_541], %swap3A_544 {strides = array<i32>} : memref<64x128xf32, #tpu.memory_space<vmem>>, vector<1x16xf32>,
        %get3A_545 = arith.index_cast %scan3A_477 : i32 to index
        %get3A_546 = arith.constant 80 : index
        %get3A_547 = tpu.vector_load %arg24[%get3A_545, %get3A_546] {strides = array<i32>} : memref<64x128xf32, #tpu.memory_space<vmem>>, vector<1x16xf32>,
        %get3A_548 = vector.shape_cast %get3A_547 : vector<1x16xf32> to vector<16xf32>
        %get3A_549 = arith.index_cast %scan3A_477 : i32 to index
        %get3A_550 = arith.constant 80 : index
        %get3A_551 = tpu.vector_load %arg25[%get3A_549, %get3A_550] {strides = array<i32>} : memref<64x128xf32, #tpu.memory_space<vmem>>, vector<1x16xf32>,
        %get3A_552 = vector.shape_cast %get3A_551 : vector<1x16xf32> to vector<16xf32>
        %sub3A_553 = arith.subf %get3A_548, %get3A_552 : vector<16xf32>
        %swap3A_554 = arith.index_cast %scan3A_477 : i32 to index
        %swap3A_555 = arith.constant 80 : index
        %swap3A_556 = tpu.vector_load %arg24[%swap3A_554, %swap3A_555] {strides = array<i32>} : memref<64x128xf32, #tpu.memory_space<vmem>>, vector<1x16xf32>,
        %swap3A_557 = vector.shape_cast %swap3A_556 : vector<1x16xf32> to vector<16xf32>
        %swap3A_558 = vector.shape_cast %sub3A_553 : vector<16xf32> to vector<1x16xf32>
        tpu.vector_store %arg24[%swap3A_554, %swap3A_555], %swap3A_558 {strides = array<i32>} : memref<64x128xf32, #tpu.memory_space<vmem>>, vector<1x16xf32>,
        %get3A_559 = arith.index_cast %scan3A_477 : i32 to index
        %get3A_560 = arith.constant 96 : index
        %get3A_561 = tpu.vector_load %arg24[%get3A_559, %get3A_560] {strides = array<i32>} : memref<64x128xf32, #tpu.memory_space<vmem>>, vector<1x16xf32>,
        %get3A_562 = vector.shape_cast %get3A_561 : vector<1x16xf32> to vector<16xf32>
        %get3A_563 = arith.index_cast %scan3A_477 : i32 to index
        %get3A_564 = arith.constant 96 : index
        %get3A_565 = tpu.vector_load %arg25[%get3A_563, %get3A_564] {strides = array<i32>} : memref<64x128xf32, #tpu.memory_space<vmem>>, vector<1x16xf32>,
        %get3A_566 = vector.shape_cast %get3A_565 : vector<1x16xf32> to vector<16xf32>
        %sub3A_567 = arith.subf %get3A_562, %get3A_566 : vector<16xf32>
        %swap3A_568 = arith.index_cast %scan3A_477 : i32 to index
        %swap3A_569 = arith.constant 96 : index
        %swap3A_570 = tpu.vector_load %arg24[%swap3A_568, %swap3A_569] {strides = array<i32>} : memref<64x128xf32, #tpu.memory_space<vmem>>, vector<1x16xf32>,
        %swap3A_571 = vector.shape_cast %swap3A_570 : vector<1x16xf32> to vector<16xf32>
        %swap3A_572 = vector.shape_cast %sub3A_567 : vector<16xf32> to vector<1x16xf32>
        tpu.vector_store %arg24[%swap3A_568, %swap3A_569], %swap3A_572 {strides = array<i32>} : memref<64x128xf32, #tpu.memory_space<vmem>>, vector<1x16xf32>,
        %get3A_573 = arith.index_cast %scan3A_477 : i32 to index
        %get3A_574 = arith.constant 112 : index
        %get3A_575 = tpu.vector_load %arg24[%get3A_573, %get3A_574] {strides = array<i32>} : memref<64x128xf32, #tpu.memory_space<vmem>>, vector<1x16xf32>,
        %get3A_576 = vector.shape_cast %get3A_575 : vector<1x16xf32> to vector<16xf32>
        %get3A_577 = arith.index_cast %scan3A_477 : i32 to index
        %get3A_578 = arith.constant 112 : index
        %get3A_579 = tpu.vector_load %arg25[%get3A_577, %get3A_578] {strides = array<i32>} : memref<64x128xf32, #tpu.memory_space<vmem>>, vector<1x16xf32>,
        %get3A_580 = vector.shape_cast %get3A_579 : vector<1x16xf32> to vector<16xf32>
        %sub3A_581 = arith.subf %get3A_576, %get3A_580 : vector<16xf32>
        %swap3A_582 = arith.index_cast %scan3A_477 : i32 to index
        %swap3A_583 = arith.constant 112 : index
        %swap3A_584 = tpu.vector_load %arg24[%swap3A_582, %swap3A_583] {strides = array<i32>} : memref<64x128xf32, #tpu.memory_space<vmem>>, vector<1x16xf32>,
        %swap3A_585 = vector.shape_cast %swap3A_584 : vector<1x16xf32> to vector<16xf32>
        %swap3A_586 = vector.shape_cast %sub3A_581 : vector<16xf32> to vector<1x16xf32>
        tpu.vector_store %arg24[%swap3A_582, %swap3A_583], %swap3A_586 {strides = array<i32>} : memref<64x128xf32, #tpu.memory_space<vmem>>, vector<1x16xf32>,
      }
      %scan3A_338 = arith.constant 64 : i32
      %mul3A_339 = arith.constant 64 : i32
      %mul3A_340 = arith.muli %mul3A_312, %mul3A_339 : i32
      %add3A_341 = arith.addi %mul3A_2, %mul3A_340 : i32
      %dma_start3A_342 = arith.constant 0 : i32
      %dma_start3A_343 = tpu.memref_slice %arg14[%add3A_341, %dma_start3A_342] : memref<163840x128xi32, #tpu.memory_space<hbm>> -> memref<64x128xi32, #tpu.memory_space<hbm>>
      %dma_start3A_344 = arith.constant 0 : i32
      %dma_start3A_345 = tpu.memref_slice %arg14[%add3A_341, %dma_start3A_344] : memref<163840x128xi32, #tpu.memory_space<hbm>> -> memref<64x128xi32, #tpu.memory_space<hbm>>
      tpu.enqueue_dma source(%arg22 : memref<64x128xi32, #tpu.memory_space<vmem>>) target(%dma_start3A_345 : memref<64x128xi32, #tpu.memory_space<hbm>>) target_semaphore(%arg32 : memref<!tpu.dma_semaphore, #tpu.memory_space<semaphore_mem>>)
      %dma_start3A_346 = arith.constant 0 : i32
      %dma_start3A_347 = tpu.memref_slice %arg15[%add3A_341, %dma_start3A_346] : memref<163840x128xi32, #tpu.memory_space<hbm>> -> memref<64x128xi32, #tpu.memory_space<hbm>>
      %dma_start3A_348 = arith.constant 0 : i32
      %dma_start3A_349 = tpu.memref_slice %arg15[%add3A_341, %dma_start3A_348] : memref<163840x128xi32, #tpu.memory_space<hbm>> -> memref<64x128xi32, #tpu.memory_space<hbm>>
      tpu.enqueue_dma source(%arg23 : memref<64x128xi32, #tpu.memory_space<vmem>>) target(%dma_start3A_349 : memref<64x128xi32, #tpu.memory_space<hbm>>) target_semaphore(%arg32 : memref<!tpu.dma_semaphore, #tpu.memory_space<semaphore_mem>>)
      %dma_start3A_350 = arith.constant 0 : i32
      %dma_start3A_351 = tpu.memref_slice %arg16[%add3A_341, %dma_start3A_350] : memref<163840x128xf32, #tpu.memory_space<hbm>> -> memref<64x128xf32, #tpu.memory_space<hbm>>
      %dma_start3A_352 = arith.constant 0 : i32
      %dma_start3A_353 = tpu.memref_slice %arg16[%add3A_341, %dma_start3A_352] : memref<163840x128xf32, #tpu.memory_space<hbm>> -> memref<64x128xf32, #tpu.memory_space<hbm>>
      tpu.enqueue_dma source(%arg24 : memref<64x128xf32, #tpu.memory_space<vmem>>) target(%dma_start3A_353 : memref<64x128xf32, #tpu.memory_space<hbm>>) target_semaphore(%arg32 : memref<!tpu.dma_semaphore, #tpu.memory_space<semaphore_mem>>)
      %mul3A_354 = arith.constant 2 : i32
      %mul3A_355 = arith.muli %mul3A_354, %scan3A_310 : i32
      %add3A_356 = arith.constant 2 : i32
      %add3A_357 = arith.addi %mul3A_355, %add3A_356 : i32
      %mul3A_358 = arith.constant 64 : i32
      %mul3A_359 = arith.muli %add3A_357, %mul3A_358 : i32
      %add3A_360 = arith.addi %mul3A_2, %mul3A_359 : i32
      %dma_wait3A_361 = arith.constant 0 : i32
      %dma_wait3A_362 = tpu.memref_slice %arg14[%add3A_360, %dma_wait3A_361] : memref<163840x128xi32, #tpu.memory_space<hbm>> -> memref<64x128xi32, #tpu.memory_space<hbm>>
      %dma_wait3A_363 = arith.constant 0 : i32
      %dma_wait3A_364 = tpu.memref_slice %arg14[%add3A_360, %dma_wait3A_363] : memref<163840x128xi32, #tpu.memory_space<hbm>> -> memref<64x128xi32, #tpu.memory_space<hbm>>
      tpu.wait_dma2 semaphore(%arg32 : memref<!tpu.dma_semaphore, #tpu.memory_space<semaphore_mem>>) src(%arg22 : memref<64x128xi32, #tpu.memory_space<vmem>>) dst(%dma_wait3A_364 : memref<64x128xi32, #tpu.memory_space<hbm>>)
      %dma_wait3A_365 = arith.constant 0 : i32
      %dma_wait3A_366 = tpu.memref_slice %arg15[%add3A_360, %dma_wait3A_365] : memref<163840x128xi32, #tpu.memory_space<hbm>> -> memref<64x128xi32, #tpu.memory_space<hbm>>
      %dma_wait3A_367 = arith.constant 0 : i32
      %dma_wait3A_368 = tpu.memref_slice %arg15[%add3A_360, %dma_wait3A_367] : memref<163840x128xi32, #tpu.memory_space<hbm>> -> memref<64x128xi32, #tpu.memory_space<hbm>>
      tpu.wait_dma2 semaphore(%arg32 : memref<!tpu.dma_semaphore, #tpu.memory_space<semaphore_mem>>) src(%arg23 : memref<64x128xi32, #tpu.memory_space<vmem>>) dst(%dma_wait3A_368 : memref<64x128xi32, #tpu.memory_space<hbm>>)
      %dma_wait3A_369 = arith.constant 0 : i32
      %dma_wait3A_370 = tpu.memref_slice %arg16[%add3A_360, %dma_wait3A_369] : memref<163840x128xf32, #tpu.memory_space<hbm>> -> memref<64x128xf32, #tpu.memory_space<hbm>>
      %dma_wait3A_371 = arith.constant 0 : i32
      %dma_wait3A_372 = tpu.memref_slice %arg16[%add3A_360, %dma_wait3A_371] : memref<163840x128xf32, #tpu.memory_space<hbm>> -> memref<64x128xf32, #tpu.memory_space<hbm>>
      tpu.wait_dma2 semaphore(%arg32 : memref<!tpu.dma_semaphore, #tpu.memory_space<semaphore_mem>>) src(%arg24 : memref<64x128xf32, #tpu.memory_space<vmem>>) dst(%dma_wait3A_372 : memref<64x128xf32, #tpu.memory_space<hbm>>)
      %mul3A_373 = arith.constant 64 : i32
      %mul3A_374 = arith.muli %add3A_357, %mul3A_373 : i32
      %mul3A_375 = arith.constant 64 : i32
      %mul3A_376 = arith.muli %add3A_357, %mul3A_375 : i32
      %dma_start3A_377 = tpu.memref_slice %arg20[%mul3A_374] : memref<12544xi32, #tpu.memory_space<vmem>> -> memref<64xi32, #tpu.memory_space<vmem>>
      %dma_start3A_378 = arith.constant 0 : i32
      %dma_start3A_379 = arith.constant 0 : i32
      %dma_start3A_380 = tpu.memref_slice %arg2[%dma_start3A_378, %dma_start3A_379] : memref<10000x128xi32, #tpu.memory_space<hbm>> -> memref<10000x128xi32, #tpu.memory_space<hbm>>
      tpu.enqueue_indirect_dma source(%dma_start3A_380 : memref<10000x128xi32, #tpu.memory_space<hbm>>) target(%arg22 : memref<64x128xi32, #tpu.memory_space<vmem>>) offsets(%dma_start3A_377 : memref<64xi32, #tpu.memory_space<vmem>>) semaphore(%arg30 : memref<!tpu.dma_semaphore, #tpu.memory_space<semaphore_mem>>)
      %dma_start3A_381 = tpu.memref_slice %arg21[%mul3A_376] : memref<12544xi32, #tpu.memory_space<vmem>> -> memref<64xi32, #tpu.memory_space<vmem>>
      %dma_start3A_382 = arith.constant 0 : i32
      %dma_start3A_383 = arith.constant 0 : i32
      %dma_start3A_384 = tpu.memref_slice %arg3[%dma_start3A_382, %dma_start3A_383] : memref<10000x128xi32, #tpu.memory_space<hbm>> -> memref<10000x128xi32, #tpu.memory_space<hbm>>
      tpu.enqueue_indirect_dma source(%dma_start3A_384 : memref<10000x128xi32, #tpu.memory_space<hbm>>) target(%arg23 : memref<64x128xi32, #tpu.memory_space<vmem>>) offsets(%dma_start3A_381 : memref<64xi32, #tpu.memory_space<vmem>>) semaphore(%arg30 : memref<!tpu.dma_semaphore, #tpu.memory_space<semaphore_mem>>)
      %dma_start3A_385 = tpu.memref_slice %arg20[%mul3A_374] : memref<12544xi32, #tpu.memory_space<vmem>> -> memref<64xi32, #tpu.memory_space<vmem>>
      %dma_start3A_386 = arith.constant 0 : i32
      %dma_start3A_387 = arith.constant 0 : i32
      %dma_start3A_388 = tpu.memref_slice %arg4[%dma_start3A_386, %dma_start3A_387] : memref<10000x128xf32, #tpu.memory_space<hbm>> -> memref<10000x128xf32, #tpu.memory_space<hbm>>
      tpu.enqueue_indirect_dma source(%dma_start3A_388 : memref<10000x128xf32, #tpu.memory_space<hbm>>) target(%arg24 : memref<64x128xf32, #tpu.memory_space<vmem>>) offsets(%dma_start3A_385 : memref<64xi32, #tpu.memory_space<vmem>>) semaphore(%arg30 : memref<!tpu.dma_semaphore, #tpu.memory_space<semaphore_mem>>)
      %dma_start3A_389 = tpu.memref_slice %arg21[%mul3A_376] : memref<12544xi32, #tpu.memory_space<vmem>> -> memref<64xi32, #tpu.memory_space<vmem>>
      %dma_start3A_390 = arith.constant 0 : i32
      %dma_start3A_391 = arith.constant 0 : i32
      %dma_start3A_392 = tpu.memref_slice %arg5[%dma_start3A_390, %dma_start3A_391] : memref<10000x128xf32, #tpu.memory_space<hbm>> -> memref<10000x128xf32, #tpu.memory_space<hbm>>
      tpu.enqueue_indirect_dma source(%dma_start3A_392 : memref<10000x128xf32, #tpu.memory_space<hbm>>) target(%arg25 : memref<64x128xf32, #tpu.memory_space<vmem>>) offsets(%dma_start3A_389 : memref<64xi32, #tpu.memory_space<vmem>>) semaphore(%arg30 : memref<!tpu.dma_semaphore, #tpu.memory_space<semaphore_mem>>)
      %mul3A_393 = arith.constant 2 : i32
      %mul3A_394 = arith.muli %mul3A_393, %scan3A_310 : i32
      %add3A_395 = arith.constant 1 : i32
      %add3A_396 = arith.addi %mul3A_394, %add3A_395 : i32
      %mul3A_397 = arith.constant 64 : i32
      %mul3A_398 = arith.muli %add3A_396, %mul3A_397 : i32
      %mul3A_399 = arith.constant 64 : i32
      %mul3A_400 = arith.muli %add3A_396, %mul3A_399 : i32
      %dma_wait3A_401 = tpu.memref_slice %arg20[%mul3A_398] : memref<12544xi32, #tpu.memory_space<vmem>> -> memref<64xi32, #tpu.memory_space<vmem>>
      %dma_wait3A_402 = arith.constant 0 : i32
      %dma_wait3A_403 = arith.constant 0 : i32
      %dma_wait3A_404 = tpu.memref_slice %arg2[%dma_wait3A_402, %dma_wait3A_403] : memref<10000x128xi32, #tpu.memory_space<hbm>> -> memref<10000x128xi32, #tpu.memory_space<hbm>>
      tpu.wait_indirect_dma semaphore(%arg31 : memref<!tpu.dma_semaphore, #tpu.memory_space<semaphore_mem>>) src(%dma_wait3A_404 : memref<10000x128xi32, #tpu.memory_space<hbm>>) dst(%arg26 : memref<64x128xi32, #tpu.memory_space<vmem>>)
      %dma_wait3A_405 = tpu.memref_slice %arg21[%mul3A_400] : memref<12544xi32, #tpu.memory_space<vmem>> -> memref<64xi32, #tpu.memory_space<vmem>>
      %dma_wait3A_406 = arith.constant 0 : i32
      %dma_wait3A_407 = arith.constant 0 : i32
      %dma_wait3A_408 = tpu.memref_slice %arg3[%dma_wait3A_406, %dma_wait3A_407] : memref<10000x128xi32, #tpu.memory_space<hbm>> -> memref<10000x128xi32, #tpu.memory_space<hbm>>
      tpu.wait_indirect_dma semaphore(%arg31 : memref<!tpu.dma_semaphore, #tpu.memory_space<semaphore_mem>>) src(%dma_wait3A_408 : memref<10000x128xi32, #tpu.memory_space<hbm>>) dst(%arg27 : memref<64x128xi32, #tpu.memory_space<vmem>>)
      %dma_wait3A_409 = tpu.memref_slice %arg20[%mul3A_398] : memref<12544xi32, #tpu.memory_space<vmem>> -> memref<64xi32, #tpu.memory_space<vmem>>
      %dma_wait3A_410 = arith.constant 0 : i32
      %dma_wait3A_411 = arith.constant 0 : i32
      %dma_wait3A_412 = tpu.memref_slice %arg4[%dma_wait3A_410, %dma_wait3A_411] : memref<10000x128xf32, #tpu.memory_space<hbm>> -> memref<10000x128xf32, #tpu.memory_space<hbm>>
      tpu.wait_indirect_dma semaphore(%arg31 : memref<!tpu.dma_semaphore, #tpu.memory_space<semaphore_mem>>) src(%dma_wait3A_412 : memref<10000x128xf32, #tpu.memory_space<hbm>>) dst(%arg28 : memref<64x128xf32, #tpu.memory_space<vmem>>)
      %dma_wait3A_413 = tpu.memref_slice %arg21[%mul3A_400] : memref<12544xi32, #tpu.memory_space<vmem>> -> memref<64xi32, #tpu.memory_space<vmem>>
      %dma_wait3A_414 = arith.constant 0 : i32
      %dma_wait3A_415 = arith.constant 0 : i32
      %dma_wait3A_416 = tpu.memref_slice %arg5[%dma_wait3A_414, %dma_wait3A_415] : memref<10000x128xf32, #tpu.memory_space<hbm>> -> memref<10000x128xf32, #tpu.memory_space<hbm>>
      tpu.wait_indirect_dma semaphore(%arg31 : memref<!tpu.dma_semaphore, #tpu.memory_space<semaphore_mem>>) src(%dma_wait3A_416 : memref<10000x128xf32, #tpu.memory_space<hbm>>) dst(%arg29 : memref<64x128xf32, #tpu.memory_space<vmem>>)
      %scan3A_417 = arith.constant 0 : i32
      %scan3A_418 = arith.constant 0 : i32
      %scan3A_419 = arith.constant 64 : i32
      %scan3A_420 = arith.addi %scan3A_418, %scan3A_419 : i32
      %scan3A_421 = arith.constant 1 : i32
      scf.for %scan3A_477 = %scan3A_418 to %scan3A_420 step %scan3A_421  : i32 {
        %get3A = arith.index_cast %scan3A_477 : i32 to index
        %get3A_478 = arith.constant 0 : index
        %get3A_479 = tpu.vector_load %arg28[%get3A, %get3A_478] {strides = array<i32>} : memref<64x128xf32, #tpu.memory_space<vmem>>, vector<1x16xf32>,
        %get3A_480 = vector.shape_cast %get3A_479 : vector<1x16xf32> to vector<16xf32>
        %get3A_481 = arith.index_cast %scan3A_477 : i32 to index
        %get3A_482 = arith.constant 0 : index
        %get3A_483 = tpu.vector_load %arg29[%get3A_481, %get3A_482] {strides = array<i32>} : memref<64x128xf32, #tpu.memory_space<vmem>>, vector<1x16xf32>,
        %get3A_484 = vector.shape_cast %get3A_483 : vector<1x16xf32> to vector<16xf32>
        %sub3A = arith.subf %get3A_480, %get3A_484 : vector<16xf32>
        %swap3A = arith.index_cast %scan3A_477 : i32 to index
        %swap3A_485 = arith.constant 0 : index
        %swap3A_486 = tpu.vector_load %arg28[%swap3A, %swap3A_485] {strides = array<i32>} : memref<64x128xf32, #tpu.memory_space<vmem>>, vector<1x16xf32>,
        %swap3A_487 = vector.shape_cast %swap3A_486 : vector<1x16xf32> to vector<16xf32>
        %swap3A_488 = vector.shape_cast %sub3A : vector<16xf32> to vector<1x16xf32>
        tpu.vector_store %arg28[%swap3A, %swap3A_485], %swap3A_488 {strides = array<i32>} : memref<64x128xf32, #tpu.memory_space<vmem>>, vector<1x16xf32>,
        %get3A_489 = arith.index_cast %scan3A_477 : i32 to index
        %get3A_490 = arith.constant 16 : index
        %get3A_491 = tpu.vector_load %arg28[%get3A_489, %get3A_490] {strides = array<i32>} : memref<64x128xf32, #tpu.memory_space<vmem>>, vector<1x16xf32>,
        %get3A_492 = vector.shape_cast %get3A_491 : vector<1x16xf32> to vector<16xf32>
        %get3A_493 = arith.index_cast %scan3A_477 : i32 to index
        %get3A_494 = arith.constant 16 : index
        %get3A_495 = tpu.vector_load %arg29[%get3A_493, %get3A_494] {strides = array<i32>} : memref<64x128xf32, #tpu.memory_space<vmem>>, vector<1x16xf32>,
        %get3A_496 = vector.shape_cast %get3A_495 : vector<1x16xf32> to vector<16xf32>
        %sub3A_497 = arith.subf %get3A_492, %get3A_496 : vector<16xf32>
        %swap3A_498 = arith.index_cast %scan3A_477 : i32 to index
        %swap3A_499 = arith.constant 16 : index
        %swap3A_500 = tpu.vector_load %arg28[%swap3A_498, %swap3A_499] {strides = array<i32>} : memref<64x128xf32, #tpu.memory_space<vmem>>, vector<1x16xf32>,
        %swap3A_501 = vector.shape_cast %swap3A_500 : vector<1x16xf32> to vector<16xf32>
        %swap3A_502 = vector.shape_cast %sub3A_497 : vector<16xf32> to vector<1x16xf32>
        tpu.vector_store %arg28[%swap3A_498, %swap3A_499], %swap3A_502 {strides = array<i32>} : memref<64x128xf32, #tpu.memory_space<vmem>>, vector<1x16xf32>,
        %get3A_503 = arith.index_cast %scan3A_477 : i32 to index
        %get3A_504 = arith.constant 32 : index
        %get3A_505 = tpu.vector_load %arg28[%get3A_503, %get3A_504] {strides = array<i32>} : memref<64x128xf32, #tpu.memory_space<vmem>>, vector<1x16xf32>,
        %get3A_506 = vector.shape_cast %get3A_505 : vector<1x16xf32> to vector<16xf32>
        %get3A_507 = arith.index_cast %scan3A_477 : i32 to index
        %get3A_508 = arith.constant 32 : index
        %get3A_509 = tpu.vector_load %arg29[%get3A_507, %get3A_508] {strides = array<i32>} : memref<64x128xf32, #tpu.memory_space<vmem>>, vector<1x16xf32>,
        %get3A_510 = vector.shape_cast %get3A_509 : vector<1x16xf32> to vector<16xf32>
        %sub3A_511 = arith.subf %get3A_506, %get3A_510 : vector<16xf32>
        %swap3A_512 = arith.index_cast %scan3A_477 : i32 to index
        %swap3A_513 = arith.constant 32 : index
        %swap3A_514 = tpu.vector_load %arg28[%swap3A_512, %swap3A_513] {strides = array<i32>} : memref<64x128xf32, #tpu.memory_space<vmem>>, vector<1x16xf32>,
        %swap3A_515 = vector.shape_cast %swap3A_514 : vector<1x16xf32> to vector<16xf32>
        %swap3A_516 = vector.shape_cast %sub3A_511 : vector<16xf32> to vector<1x16xf32>
        tpu.vector_store %arg28[%swap3A_512, %swap3A_513], %swap3A_516 {strides = array<i32>} : memref<64x128xf32, #tpu.memory_space<vmem>>, vector<1x16xf32>,
        %get3A_517 = arith.index_cast %scan3A_477 : i32 to index
        %get3A_518 = arith.constant 48 : index
        %get3A_519 = tpu.vector_load %arg28[%get3A_517, %get3A_518] {strides = array<i32>} : memref<64x128xf32, #tpu.memory_space<vmem>>, vector<1x16xf32>,
        %get3A_520 = vector.shape_cast %get3A_519 : vector<1x16xf32> to vector<16xf32>
        %get3A_521 = arith.index_cast %scan3A_477 : i32 to index
        %get3A_522 = arith.constant 48 : index
        %get3A_523 = tpu.vector_load %arg29[%get3A_521, %get3A_522] {strides = array<i32>} : memref<64x128xf32, #tpu.memory_space<vmem>>, vector<1x16xf32>,
        %get3A_524 = vector.shape_cast %get3A_523 : vector<1x16xf32> to vector<16xf32>
        %sub3A_525 = arith.subf %get3A_520, %get3A_524 : vector<16xf32>
        %swap3A_526 = arith.index_cast %scan3A_477 : i32 to index
        %swap3A_527 = arith.constant 48 : index
        %swap3A_528 = tpu.vector_load %arg28[%swap3A_526, %swap3A_527] {strides = array<i32>} : memref<64x128xf32, #tpu.memory_space<vmem>>, vector<1x16xf32>,
        %swap3A_529 = vector.shape_cast %swap3A_528 : vector<1x16xf32> to vector<16xf32>
        %swap3A_530 = vector.shape_cast %sub3A_525 : vector<16xf32> to vector<1x16xf32>
        tpu.vector_store %arg28[%swap3A_526, %swap3A_527], %swap3A_530 {strides = array<i32>} : memref<64x128xf32, #tpu.memory_space<vmem>>, vector<1x16xf32>,
        %get3A_531 = arith.index_cast %scan3A_477 : i32 to index
        %get3A_532 = arith.constant 64 : index
        %get3A_533 = tpu.vector_load %arg28[%get3A_531, %get3A_532] {strides = array<i32>} : memref<64x128xf32, #tpu.memory_space<vmem>>, vector<1x16xf32>,
        %get3A_534 = vector.shape_cast %get3A_533 : vector<1x16xf32> to vector<16xf32>
        %get3A_535 = arith.index_cast %scan3A_477 : i32 to index
        %get3A_536 = arith.constant 64 : index
        %get3A_537 = tpu.vector_load %arg29[%get3A_535, %get3A_536] {strides = array<i32>} : memref<64x128xf32, #tpu.memory_space<vmem>>, vector<1x16xf32>,
        %get3A_538 = vector.shape_cast %get3A_537 : vector<1x16xf32> to vector<16xf32>
        %sub3A_539 = arith.subf %get3A_534, %get3A_538 : vector<16xf32>
        %swap3A_540 = arith.index_cast %scan3A_477 : i32 to index
        %swap3A_541 = arith.constant 64 : index
        %swap3A_542 = tpu.vector_load %arg28[%swap3A_540, %swap3A_541] {strides = array<i32>} : memref<64x128xf32, #tpu.memory_space<vmem>>, vector<1x16xf32>,
        %swap3A_543 = vector.shape_cast %swap3A_542 : vector<1x16xf32> to vector<16xf32>
        %swap3A_544 = vector.shape_cast %sub3A_539 : vector<16xf32> to vector<1x16xf32>
        tpu.vector_store %arg28[%swap3A_540, %swap3A_541], %swap3A_544 {strides = array<i32>} : memref<64x128xf32, #tpu.memory_space<vmem>>, vector<1x16xf32>,
        %get3A_545 = arith.index_cast %scan3A_477 : i32 to index
        %get3A_546 = arith.constant 80 : index
        %get3A_547 = tpu.vector_load %arg28[%get3A_545, %get3A_546] {strides = array<i32>} : memref<64x128xf32, #tpu.memory_space<vmem>>, vector<1x16xf32>,
        %get3A_548 = vector.shape_cast %get3A_547 : vector<1x16xf32> to vector<16xf32>
        %get3A_549 = arith.index_cast %scan3A_477 : i32 to index
        %get3A_550 = arith.constant 80 : index
        %get3A_551 = tpu.vector_load %arg29[%get3A_549, %get3A_550] {strides = array<i32>} : memref<64x128xf32, #tpu.memory_space<vmem>>, vector<1x16xf32>,
        %get3A_552 = vector.shape_cast %get3A_551 : vector<1x16xf32> to vector<16xf32>
        %sub3A_553 = arith.subf %get3A_548, %get3A_552 : vector<16xf32>
        %swap3A_554 = arith.index_cast %scan3A_477 : i32 to index
        %swap3A_555 = arith.constant 80 : index
        %swap3A_556 = tpu.vector_load %arg28[%swap3A_554, %swap3A_555] {strides = array<i32>} : memref<64x128xf32, #tpu.memory_space<vmem>>, vector<1x16xf32>,
        %swap3A_557 = vector.shape_cast %swap3A_556 : vector<1x16xf32> to vector<16xf32>
        %swap3A_558 = vector.shape_cast %sub3A_553 : vector<16xf32> to vector<1x16xf32>
        tpu.vector_store %arg28[%swap3A_554, %swap3A_555], %swap3A_558 {strides = array<i32>} : memref<64x128xf32, #tpu.memory_space<vmem>>, vector<1x16xf32>,
        %get3A_559 = arith.index_cast %scan3A_477 : i32 to index
        %get3A_560 = arith.constant 96 : index
        %get3A_561 = tpu.vector_load %arg28[%get3A_559, %get3A_560] {strides = array<i32>} : memref<64x128xf32, #tpu.memory_space<vmem>>, vector<1x16xf32>,
        %get3A_562 = vector.shape_cast %get3A_561 : vector<1x16xf32> to vector<16xf32>
        %get3A_563 = arith.index_cast %scan3A_477 : i32 to index
        %get3A_564 = arith.constant 96 : index
        %get3A_565 = tpu.vector_load %arg29[%get3A_563, %get3A_564] {strides = array<i32>} : memref<64x128xf32, #tpu.memory_space<vmem>>, vector<1x16xf32>,
        %get3A_566 = vector.shape_cast %get3A_565 : vector<1x16xf32> to vector<16xf32>
        %sub3A_567 = arith.subf %get3A_562, %get3A_566 : vector<16xf32>
        %swap3A_568 = arith.index_cast %scan3A_477 : i32 to index
        %swap3A_569 = arith.constant 96 : index
        %swap3A_570 = tpu.vector_load %arg28[%swap3A_568, %swap3A_569] {strides = array<i32>} : memref<64x128xf32, #tpu.memory_space<vmem>>, vector<1x16xf32>,
        %swap3A_571 = vector.shape_cast %swap3A_570 : vector<1x16xf32> to vector<16xf32>
        %swap3A_572 = vector.shape_cast %sub3A_567 : vector<16xf32> to vector<1x16xf32>
        tpu.vector_store %arg28[%swap3A_568, %swap3A_569], %swap3A_572 {strides = array<i32>} : memref<64x128xf32, #tpu.memory_space<vmem>>, vector<1x16xf32>,
        %get3A_573 = arith.index_cast %scan3A_477 : i32 to index
        %get3A_574 = arith.constant 112 : index
        %get3A_575 = tpu.vector_load %arg28[%get3A_573, %get3A_574] {strides = array<i32>} : memref<64x128xf32, #tpu.memory_space<vmem>>, vector<1x16xf32>,
        %get3A_576 = vector.shape_cast %get3A_575 : vector<1x16xf32> to vector<16xf32>
        %get3A_577 = arith.index_cast %scan3A_477 : i32 to index
        %get3A_578 = arith.constant 112 : index
        %get3A_579 = tpu.vector_load %arg29[%get3A_577, %get3A_578] {strides = array<i32>} : memref<64x128xf32, #tpu.memory_space<vmem>>, vector<1x16xf32>,
        %get3A_580 = vector.shape_cast %get3A_579 : vector<1x16xf32> to vector<16xf32>
        %sub3A_581 = arith.subf %get3A_576, %get3A_580 : vector<16xf32>
        %swap3A_582 = arith.index_cast %scan3A_477 : i32 to index
        %swap3A_583 = arith.constant 112 : index
        %swap3A_584 = tpu.vector_load %arg28[%swap3A_582, %swap3A_583] {strides = array<i32>} : memref<64x128xf32, #tpu.memory_space<vmem>>, vector<1x16xf32>,
        %swap3A_585 = vector.shape_cast %swap3A_584 : vector<1x16xf32> to vector<16xf32>
        %swap3A_586 = vector.shape_cast %sub3A_581 : vector<16xf32> to vector<1x16xf32>
        tpu.vector_store %arg28[%swap3A_582, %swap3A_583], %swap3A_586 {strides = array<i32>} : memref<64x128xf32, #tpu.memory_space<vmem>>, vector<1x16xf32>,
      }
      %scan3A_422 = arith.constant 64 : i32
      %mul3A_423 = arith.constant 64 : i32
      %mul3A_424 = arith.muli %add3A_396, %mul3A_423 : i32
      %add3A_425 = arith.addi %mul3A_2, %mul3A_424 : i32
      %dma_start3A_426 = arith.constant 0 : i32
      %dma_start3A_427 = tpu.memref_slice %arg14[%add3A_425, %dma_start3A_426] : memref<163840x128xi32, #tpu.memory_space<hbm>> -> memref<64x128xi32, #tpu.memory_space<hbm>>
      %dma_start3A_428 = arith.constant 0 : i32
      %dma_start3A_429 = tpu.memref_slice %arg14[%add3A_425, %dma_start3A_428] : memref<163840x128xi32, #tpu.memory_space<hbm>> -> memref<64x128xi32, #tpu.memory_space<hbm>>
      tpu.enqueue_dma source(%arg26 : memref<64x128xi32, #tpu.memory_space<vmem>>) target(%dma_start3A_429 : memref<64x128xi32, #tpu.memory_space<hbm>>) target_semaphore(%arg33 : memref<!tpu.dma_semaphore, #tpu.memory_space<semaphore_mem>>)
      %dma_start3A_430 = arith.constant 0 : i32
      %dma_start3A_431 = tpu.memref_slice %arg15[%add3A_425, %dma_start3A_430] : memref<163840x128xi32, #tpu.memory_space<hbm>> -> memref<64x128xi32, #tpu.memory_space<hbm>>
      %dma_start3A_432 = arith.constant 0 : i32
      %dma_start3A_433 = tpu.memref_slice %arg15[%add3A_425, %dma_start3A_432] : memref<163840x128xi32, #tpu.memory_space<hbm>> -> memref<64x128xi32, #tpu.memory_space<hbm>>
      tpu.enqueue_dma source(%arg27 : memref<64x128xi32, #tpu.memory_space<vmem>>) target(%dma_start3A_433 : memref<64x128xi32, #tpu.memory_space<hbm>>) target_semaphore(%arg33 : memref<!tpu.dma_semaphore, #tpu.memory_space<semaphore_mem>>)
      %dma_start3A_434 = arith.constant 0 : i32
      %dma_start3A_435 = tpu.memref_slice %arg16[%add3A_425, %dma_start3A_434] : memref<163840x128xf32, #tpu.memory_space<hbm>> -> memref<64x128xf32, #tpu.memory_space<hbm>>
      %dma_start3A_436 = arith.constant 0 : i32
      %dma_start3A_437 = tpu.memref_slice %arg16[%add3A_425, %dma_start3A_436] : memref<163840x128xf32, #tpu.memory_space<hbm>> -> memref<64x128xf32, #tpu.memory_space<hbm>>
      tpu.enqueue_dma source(%arg28 : memref<64x128xf32, #tpu.memory_space<vmem>>) target(%dma_start3A_437 : memref<64x128xf32, #tpu.memory_space<hbm>>) target_semaphore(%arg33 : memref<!tpu.dma_semaphore, #tpu.memory_space<semaphore_mem>>)
      %mul3A_438 = arith.constant 2 : i32
      %mul3A_439 = arith.muli %mul3A_438, %scan3A_310 : i32
      %add3A_440 = arith.constant 3 : i32
      %add3A_441 = arith.addi %mul3A_439, %add3A_440 : i32
      %mul3A_442 = arith.constant 64 : i32
      %mul3A_443 = arith.muli %add3A_441, %mul3A_442 : i32
      %add3A_444 = arith.addi %mul3A_2, %mul3A_443 : i32
      %dma_wait3A_445 = arith.constant 0 : i32
      %dma_wait3A_446 = tpu.memref_slice %arg14[%add3A_444, %dma_wait3A_445] : memref<163840x128xi32, #tpu.memory_space<hbm>> -> memref<64x128xi32, #tpu.memory_space<hbm>>
      %dma_wait3A_447 = arith.constant 0 : i32
      %dma_wait3A_448 = tpu.memref_slice %arg14[%add3A_444, %dma_wait3A_447] : memref<163840x128xi32, #tpu.memory_space<hbm>> -> memref<64x128xi32, #tpu.memory_space<hbm>>
      tpu.wait_dma2 semaphore(%arg33 : memref<!tpu.dma_semaphore, #tpu.memory_space<semaphore_mem>>) src(%arg26 : memref<64x128xi32, #tpu.memory_space<vmem>>) dst(%dma_wait3A_448 : memref<64x128xi32, #tpu.memory_space<hbm>>)
      %dma_wait3A_449 = arith.constant 0 : i32
      %dma_wait3A_450 = tpu.memref_slice %arg15[%add3A_444, %dma_wait3A_449] : memref<163840x128xi32, #tpu.memory_space<hbm>> -> memref<64x128xi32, #tpu.memory_space<hbm>>
      %dma_wait3A_451 = arith.constant 0 : i32
      %dma_wait3A_452 = tpu.memref_slice %arg15[%add3A_444, %dma_wait3A_451] : memref<163840x128xi32, #tpu.memory_space<hbm>> -> memref<64x128xi32, #tpu.memory_space<hbm>>
      tpu.wait_dma2 semaphore(%arg33 : memref<!tpu.dma_semaphore, #tpu.memory_space<semaphore_mem>>) src(%arg27 : memref<64x128xi32, #tpu.memory_space<vmem>>) dst(%dma_wait3A_452 : memref<64x128xi32, #tpu.memory_space<hbm>>)
      %dma_wait3A_453 = arith.constant 0 : i32
      %dma_wait3A_454 = tpu.memref_slice %arg16[%add3A_444, %dma_wait3A_453] : memref<163840x128xf32, #tpu.memory_space<hbm>> -> memref<64x128xf32, #tpu.memory_space<hbm>>
      %dma_wait3A_455 = arith.constant 0 : i32
      %dma_wait3A_456 = tpu.memref_slice %arg16[%add3A_444, %dma_wait3A_455] : memref<163840x128xf32, #tpu.memory_space<hbm>> -> memref<64x128xf32, #tpu.memory_space<hbm>>
      tpu.wait_dma2 semaphore(%arg33 : memref<!tpu.dma_semaphore, #tpu.memory_space<semaphore_mem>>) src(%arg28 : memref<64x128xf32, #tpu.memory_space<vmem>>) dst(%dma_wait3A_456 : memref<64x128xf32, #tpu.memory_space<hbm>>)
      %mul3A_457 = arith.constant 64 : i32
      %mul3A_458 = arith.muli %add3A_441, %mul3A_457 : i32
      %mul3A_459 = arith.constant 64 : i32
      %mul3A_460 = arith.muli %add3A_441, %mul3A_459 : i32
      %dma_start3A_461 = tpu.memref_slice %arg20[%mul3A_458] : memref<12544xi32, #tpu.memory_space<vmem>> -> memref<64xi32, #tpu.memory_space<vmem>>
      %dma_start3A_462 = arith.constant 0 : i32
      %dma_start3A_463 = arith.constant 0 : i32
      %dma_start3A_464 = tpu.memref_slice %arg2[%dma_start3A_462, %dma_start3A_463] : memref<10000x128xi32, #tpu.memory_space<hbm>> -> memref<10000x128xi32, #tpu.memory_space<hbm>>
      tpu.enqueue_indirect_dma source(%dma_start3A_464 : memref<10000x128xi32, #tpu.memory_space<hbm>>) target(%arg26 : memref<64x128xi32, #tpu.memory_space<vmem>>) offsets(%dma_start3A_461 : memref<64xi32, #tpu.memory_space<vmem>>) semaphore(%arg31 : memref<!tpu.dma_semaphore, #tpu.memory_space<semaphore_mem>>)
      %dma_start3A_465 = tpu.memref_slice %arg21[%mul3A_460] : memref<12544xi32, #tpu.memory_space<vmem>> -> memref<64xi32, #tpu.memory_space<vmem>>
      %dma_start3A_466 = arith.constant 0 : i32
      %dma_start3A_467 = arith.constant 0 : i32
      %dma_start3A_468 = tpu.memref_slice %arg3[%dma_start3A_466, %dma_start3A_467] : memref<10000x128xi32, #tpu.memory_space<hbm>> -> memref<10000x128xi32, #tpu.memory_space<hbm>>
      tpu.enqueue_indirect_dma source(%dma_start3A_468 : memref<10000x128xi32, #tpu.memory_space<hbm>>) target(%arg27 : memref<64x128xi32, #tpu.memory_space<vmem>>) offsets(%dma_start3A_465 : memref<64xi32, #tpu.memory_space<vmem>>) semaphore(%arg31 : memref<!tpu.dma_semaphore, #tpu.memory_space<semaphore_mem>>)
      %dma_start3A_469 = tpu.memref_slice %arg20[%mul3A_458] : memref<12544xi32, #tpu.memory_space<vmem>> -> memref<64xi32, #tpu.memory_space<vmem>>
      %dma_start3A_470 = arith.constant 0 : i32
      %dma_start3A_471 = arith.constant 0 : i32
      %dma_start3A_472 = tpu.memref_slice %arg4[%dma_start3A_470, %dma_start3A_471] : memref<10000x128xf32, #tpu.memory_space<hbm>> -> memref<10000x128xf32, #tpu.memory_space<hbm>>
      tpu.enqueue_indirect_dma source(%dma_start3A_472 : memref<10000x128xf32, #tpu.memory_space<hbm>>) target(%arg28 : memref<64x128xf32, #tpu.memory_space<vmem>>) offsets(%dma_start3A_469 : memref<64xi32, #tpu.memory_space<vmem>>) semaphore(%arg31 : memref<!tpu.dma_semaphore, #tpu.memory_space<semaphore_mem>>)
      %dma_start3A_473 = tpu.memref_slice %arg21[%mul3A_460] : memref<12544xi32, #tpu.memory_space<vmem>> -> memref<64xi32, #tpu.memory_space<vmem>>
      %dma_start3A_474 = arith.constant 0 : i32
      %dma_start3A_475 = arith.constant 0 : i32
      %dma_start3A_476 = tpu.memref_slice %arg5[%dma_start3A_474, %dma_start3A_475] : memref<10000x128xf32, #tpu.memory_space<hbm>> -> memref<10000x128xf32, #tpu.memory_space<hbm>>
      tpu.enqueue_indirect_dma source(%dma_start3A_476 : memref<10000x128xf32, #tpu.memory_space<hbm>>) target(%arg29 : memref<64x128xf32, #tpu.memory_space<vmem>>) offsets(%dma_start3A_473 : memref<64xi32, #tpu.memory_space<vmem>>) semaphore(%arg31 : memref<!tpu.dma_semaphore, #tpu.memory_space<semaphore_mem>>)
    }
    %scan3A_46 = arith.constant 39 : i32
    %dma_wait3A = arith.constant 4992 : i32
    %dma_wait3A_47 = tpu.memref_slice %arg20[%dma_wait3A] : memref<12544xi32, #tpu.memory_space<vmem>> -> memref<64xi32, #tpu.memory_space<vmem>>
    %dma_wait3A_48 = arith.constant 0 : i32
    %dma_wait3A_49 = arith.constant 0 : i32
    %dma_wait3A_50 = tpu.memref_slice %arg2[%dma_wait3A_48, %dma_wait3A_49] : memref<10000x128xi32, #tpu.memory_space<hbm>> -> memref<10000x128xi32, #tpu.memory_space<hbm>>
    tpu.wait_indirect_dma semaphore(%arg30 : memref<!tpu.dma_semaphore, #tpu.memory_space<semaphore_mem>>) src(%dma_wait3A_50 : memref<10000x128xi32, #tpu.memory_space<hbm>>) dst(%arg22 : memref<64x128xi32, #tpu.memory_space<vmem>>)
    %dma_wait3A_51 = arith.constant 4992 : i32
    %dma_wait3A_52 = tpu.memref_slice %arg21[%dma_wait3A_51] : memref<12544xi32, #tpu.memory_space<vmem>> -> memref<64xi32, #tpu.memory_space<vmem>>
    %dma_wait3A_53 = arith.constant 0 : i32
    %dma_wait3A_54 = arith.constant 0 : i32
    %dma_wait3A_55 = tpu.memref_slice %arg3[%dma_wait3A_53, %dma_wait3A_54] : memref<10000x128xi32, #tpu.memory_space<hbm>> -> memref<10000x128xi32, #tpu.memory_space<hbm>>
    tpu.wait_indirect_dma semaphore(%arg30 : memref<!tpu.dma_semaphore, #tpu.memory_space<semaphore_mem>>) src(%dma_wait3A_55 : memref<10000x128xi32, #tpu.memory_space<hbm>>) dst(%arg23 : memref<64x128xi32, #tpu.memory_space<vmem>>)
    %dma_wait3A_56 = arith.constant 4992 : i32
    %dma_wait3A_57 = tpu.memref_slice %arg20[%dma_wait3A_56] : memref<12544xi32, #tpu.memory_space<vmem>> -> memref<64xi32, #tpu.memory_space<vmem>>
    %dma_wait3A_58 = arith.constant 0 : i32
    %dma_wait3A_59 = arith.constant 0 : i32
    %dma_wait3A_60 = tpu.memref_slice %arg4[%dma_wait3A_58, %dma_wait3A_59] : memref<10000x128xf32, #tpu.memory_space<hbm>> -> memref<10000x128xf32, #tpu.memory_space<hbm>>
    tpu.wait_indirect_dma semaphore(%arg30 : memref<!tpu.dma_semaphore, #tpu.memory_space<semaphore_mem>>) src(%dma_wait3A_60 : memref<10000x128xf32, #tpu.memory_space<hbm>>) dst(%arg24 : memref<64x128xf32, #tpu.memory_space<vmem>>)
    %dma_wait3A_61 = arith.constant 4992 : i32
    %dma_wait3A_62 = tpu.memref_slice %arg21[%dma_wait3A_61] : memref<12544xi32, #tpu.memory_space<vmem>> -> memref<64xi32, #tpu.memory_space<vmem>>
    %dma_wait3A_63 = arith.constant 0 : i32
    %dma_wait3A_64 = arith.constant 0 : i32
    %dma_wait3A_65 = tpu.memref_slice %arg5[%dma_wait3A_63, %dma_wait3A_64] : memref<10000x128xf32, #tpu.memory_space<hbm>> -> memref<10000x128xf32, #tpu.memory_space<hbm>>
    tpu.wait_indirect_dma semaphore(%arg30 : memref<!tpu.dma_semaphore, #tpu.memory_space<semaphore_mem>>) src(%dma_wait3A_65 : memref<10000x128xf32, #tpu.memory_space<hbm>>) dst(%arg25 : memref<64x128xf32, #tpu.memory_space<vmem>>)
    %scan3A_66 = arith.constant 0 : i32
    %scan3A_67 = arith.constant 0 : i32
    %scan3A_68 = arith.constant 64 : i32
    %scan3A_69 = arith.addi %scan3A_67, %scan3A_68 : i32
    %scan3A_70 = arith.constant 1 : i32
    scf.for %scan3A_310 = %scan3A_67 to %scan3A_69 step %scan3A_70  : i32 {
      %get3A = arith.index_cast %scan3A_310 : i32 to index
      %get3A_311 = arith.constant 0 : index
      %get3A_312 = tpu.vector_load %arg24[%get3A, %get3A_311] {strides = array<i32>} : memref<64x128xf32, #tpu.memory_space<vmem>>, vector<1x16xf32>,
      %get3A_313 = vector.shape_cast %get3A_312 : vector<1x16xf32> to vector<16xf32>
      %get3A_314 = arith.index_cast %scan3A_310 : i32 to index
      %get3A_315 = arith.constant 0 : index
      %get3A_316 = tpu.vector_load %arg25[%get3A_314, %get3A_315] {strides = array<i32>} : memref<64x128xf32, #tpu.memory_space<vmem>>, vector<1x16xf32>,
      %get3A_317 = vector.shape_cast %get3A_316 : vector<1x16xf32> to vector<16xf32>
      %sub3A = arith.subf %get3A_313, %get3A_317 : vector<16xf32>
      %swap3A = arith.index_cast %scan3A_310 : i32 to index
      %swap3A_318 = arith.constant 0 : index
      %swap3A_319 = tpu.vector_load %arg24[%swap3A, %swap3A_318] {strides = array<i32>} : memref<64x128xf32, #tpu.memory_space<vmem>>, vector<1x16xf32>,
      %swap3A_320 = vector.shape_cast %swap3A_319 : vector<1x16xf32> to vector<16xf32>
      %swap3A_321 = vector.shape_cast %sub3A : vector<16xf32> to vector<1x16xf32>
      tpu.vector_store %arg24[%swap3A, %swap3A_318], %swap3A_321 {strides = array<i32>} : memref<64x128xf32, #tpu.memory_space<vmem>>, vector<1x16xf32>,
      %get3A_322 = arith.index_cast %scan3A_310 : i32 to index
      %get3A_323 = arith.constant 16 : index
      %get3A_324 = tpu.vector_load %arg24[%get3A_322, %get3A_323] {strides = array<i32>} : memref<64x128xf32, #tpu.memory_space<vmem>>, vector<1x16xf32>,
      %get3A_325 = vector.shape_cast %get3A_324 : vector<1x16xf32> to vector<16xf32>
      %get3A_326 = arith.index_cast %scan3A_310 : i32 to index
      %get3A_327 = arith.constant 16 : index
      %get3A_328 = tpu.vector_load %arg25[%get3A_326, %get3A_327] {strides = array<i32>} : memref<64x128xf32, #tpu.memory_space<vmem>>, vector<1x16xf32>,
      %get3A_329 = vector.shape_cast %get3A_328 : vector<1x16xf32> to vector<16xf32>
      %sub3A_330 = arith.subf %get3A_325, %get3A_329 : vector<16xf32>
      %swap3A_331 = arith.index_cast %scan3A_310 : i32 to index
      %swap3A_332 = arith.constant 16 : index
      %swap3A_333 = tpu.vector_load %arg24[%swap3A_331, %swap3A_332] {strides = array<i32>} : memref<64x128xf32, #tpu.memory_space<vmem>>, vector<1x16xf32>,
      %swap3A_334 = vector.shape_cast %swap3A_333 : vector<1x16xf32> to vector<16xf32>
      %swap3A_335 = vector.shape_cast %sub3A_330 : vector<16xf32> to vector<1x16xf32>
      tpu.vector_store %arg24[%swap3A_331, %swap3A_332], %swap3A_335 {strides = array<i32>} : memref<64x128xf32, #tpu.memory_space<vmem>>, vector<1x16xf32>,
      %get3A_336 = arith.index_cast %scan3A_310 : i32 to index
      %get3A_337 = arith.constant 32 : index
      %get3A_338 = tpu.vector_load %arg24[%get3A_336, %get3A_337] {strides = array<i32>} : memref<64x128xf32, #tpu.memory_space<vmem>>, vector<1x16xf32>,
      %get3A_339 = vector.shape_cast %get3A_338 : vector<1x16xf32> to vector<16xf32>
      %get3A_340 = arith.index_cast %scan3A_310 : i32 to index
      %get3A_341 = arith.constant 32 : index
      %get3A_342 = tpu.vector_load %arg25[%get3A_340, %get3A_341] {strides = array<i32>} : memref<64x128xf32, #tpu.memory_space<vmem>>, vector<1x16xf32>,
      %get3A_343 = vector.shape_cast %get3A_342 : vector<1x16xf32> to vector<16xf32>
      %sub3A_344 = arith.subf %get3A_339, %get3A_343 : vector<16xf32>
      %swap3A_345 = arith.index_cast %scan3A_310 : i32 to index
      %swap3A_346 = arith.constant 32 : index
      %swap3A_347 = tpu.vector_load %arg24[%swap3A_345, %swap3A_346] {strides = array<i32>} : memref<64x128xf32, #tpu.memory_space<vmem>>, vector<1x16xf32>,
      %swap3A_348 = vector.shape_cast %swap3A_347 : vector<1x16xf32> to vector<16xf32>
      %swap3A_349 = vector.shape_cast %sub3A_344 : vector<16xf32> to vector<1x16xf32>
      tpu.vector_store %arg24[%swap3A_345, %swap3A_346], %swap3A_349 {strides = array<i32>} : memref<64x128xf32, #tpu.memory_space<vmem>>, vector<1x16xf32>,
      %get3A_350 = arith.index_cast %scan3A_310 : i32 to index
      %get3A_351 = arith.constant 48 : index
      %get3A_352 = tpu.vector_load %arg24[%get3A_350, %get3A_351] {strides = array<i32>} : memref<64x128xf32, #tpu.memory_space<vmem>>, vector<1x16xf32>,
      %get3A_353 = vector.shape_cast %get3A_352 : vector<1x16xf32> to vector<16xf32>
      %get3A_354 = arith.index_cast %scan3A_310 : i32 to index
      %get3A_355 = arith.constant 48 : index
      %get3A_356 = tpu.vector_load %arg25[%get3A_354, %get3A_355] {strides = array<i32>} : memref<64x128xf32, #tpu.memory_space<vmem>>, vector<1x16xf32>,
      %get3A_357 = vector.shape_cast %get3A_356 : vector<1x16xf32> to vector<16xf32>
      %sub3A_358 = arith.subf %get3A_353, %get3A_357 : vector<16xf32>
      %swap3A_359 = arith.index_cast %scan3A_310 : i32 to index
      %swap3A_360 = arith.constant 48 : index
      %swap3A_361 = tpu.vector_load %arg24[%swap3A_359, %swap3A_360] {strides = array<i32>} : memref<64x128xf32, #tpu.memory_space<vmem>>, vector<1x16xf32>,
      %swap3A_362 = vector.shape_cast %swap3A_361 : vector<1x16xf32> to vector<16xf32>
      %swap3A_363 = vector.shape_cast %sub3A_358 : vector<16xf32> to vector<1x16xf32>
      tpu.vector_store %arg24[%swap3A_359, %swap3A_360], %swap3A_363 {strides = array<i32>} : memref<64x128xf32, #tpu.memory_space<vmem>>, vector<1x16xf32>,
      %get3A_364 = arith.index_cast %scan3A_310 : i32 to index
      %get3A_365 = arith.constant 64 : index
      %get3A_366 = tpu.vector_load %arg24[%get3A_364, %get3A_365] {strides = array<i32>} : memref<64x128xf32, #tpu.memory_space<vmem>>, vector<1x16xf32>,
      %get3A_367 = vector.shape_cast %get3A_366 : vector<1x16xf32> to vector<16xf32>
      %get3A_368 = arith.index_cast %scan3A_310 : i32 to index
      %get3A_369 = arith.constant 64 : index
      %get3A_370 = tpu.vector_load %arg25[%get3A_368, %get3A_369] {strides = array<i32>} : memref<64x128xf32, #tpu.memory_space<vmem>>, vector<1x16xf32>,
      %get3A_371 = vector.shape_cast %get3A_370 : vector<1x16xf32> to vector<16xf32>
      %sub3A_372 = arith.subf %get3A_367, %get3A_371 : vector<16xf32>
      %swap3A_373 = arith.index_cast %scan3A_310 : i32 to index
      %swap3A_374 = arith.constant 64 : index
      %swap3A_375 = tpu.vector_load %arg24[%swap3A_373, %swap3A_374] {strides = array<i32>} : memref<64x128xf32, #tpu.memory_space<vmem>>, vector<1x16xf32>,
      %swap3A_376 = vector.shape_cast %swap3A_375 : vector<1x16xf32> to vector<16xf32>
      %swap3A_377 = vector.shape_cast %sub3A_372 : vector<16xf32> to vector<1x16xf32>
      tpu.vector_store %arg24[%swap3A_373, %swap3A_374], %swap3A_377 {strides = array<i32>} : memref<64x128xf32, #tpu.memory_space<vmem>>, vector<1x16xf32>,
      %get3A_378 = arith.index_cast %scan3A_310 : i32 to index
      %get3A_379 = arith.constant 80 : index
      %get3A_380 = tpu.vector_load %arg24[%get3A_378, %get3A_379] {strides = array<i32>} : memref<64x128xf32, #tpu.memory_space<vmem>>, vector<1x16xf32>,
      %get3A_381 = vector.shape_cast %get3A_380 : vector<1x16xf32> to vector<16xf32>
      %get3A_382 = arith.index_cast %scan3A_310 : i32 to index
      %get3A_383 = arith.constant 80 : index
      %get3A_384 = tpu.vector_load %arg25[%get3A_382, %get3A_383] {strides = array<i32>} : memref<64x128xf32, #tpu.memory_space<vmem>>, vector<1x16xf32>,
      %get3A_385 = vector.shape_cast %get3A_384 : vector<1x16xf32> to vector<16xf32>
      %sub3A_386 = arith.subf %get3A_381, %get3A_385 : vector<16xf32>
      %swap3A_387 = arith.index_cast %scan3A_310 : i32 to index
      %swap3A_388 = arith.constant 80 : index
      %swap3A_389 = tpu.vector_load %arg24[%swap3A_387, %swap3A_388] {strides = array<i32>} : memref<64x128xf32, #tpu.memory_space<vmem>>, vector<1x16xf32>,
      %swap3A_390 = vector.shape_cast %swap3A_389 : vector<1x16xf32> to vector<16xf32>
      %swap3A_391 = vector.shape_cast %sub3A_386 : vector<16xf32> to vector<1x16xf32>
      tpu.vector_store %arg24[%swap3A_387, %swap3A_388], %swap3A_391 {strides = array<i32>} : memref<64x128xf32, #tpu.memory_space<vmem>>, vector<1x16xf32>,
      %get3A_392 = arith.index_cast %scan3A_310 : i32 to index
      %get3A_393 = arith.constant 96 : index
      %get3A_394 = tpu.vector_load %arg24[%get3A_392, %get3A_393] {strides = array<i32>} : memref<64x128xf32, #tpu.memory_space<vmem>>, vector<1x16xf32>,
      %get3A_395 = vector.shape_cast %get3A_394 : vector<1x16xf32> to vector<16xf32>
      %get3A_396 = arith.index_cast %scan3A_310 : i32 to index
      %get3A_397 = arith.constant 96 : index
      %get3A_398 = tpu.vector_load %arg25[%get3A_396, %get3A_397] {strides = array<i32>} : memref<64x128xf32, #tpu.memory_space<vmem>>, vector<1x16xf32>,
      %get3A_399 = vector.shape_cast %get3A_398 : vector<1x16xf32> to vector<16xf32>
      %sub3A_400 = arith.subf %get3A_395, %get3A_399 : vector<16xf32>
      %swap3A_401 = arith.index_cast %scan3A_310 : i32 to index
      %swap3A_402 = arith.constant 96 : index
      %swap3A_403 = tpu.vector_load %arg24[%swap3A_401, %swap3A_402] {strides = array<i32>} : memref<64x128xf32, #tpu.memory_space<vmem>>, vector<1x16xf32>,
      %swap3A_404 = vector.shape_cast %swap3A_403 : vector<1x16xf32> to vector<16xf32>
      %swap3A_405 = vector.shape_cast %sub3A_400 : vector<16xf32> to vector<1x16xf32>
      tpu.vector_store %arg24[%swap3A_401, %swap3A_402], %swap3A_405 {strides = array<i32>} : memref<64x128xf32, #tpu.memory_space<vmem>>, vector<1x16xf32>,
      %get3A_406 = arith.index_cast %scan3A_310 : i32 to index
      %get3A_407 = arith.constant 112 : index
      %get3A_408 = tpu.vector_load %arg24[%get3A_406, %get3A_407] {strides = array<i32>} : memref<64x128xf32, #tpu.memory_space<vmem>>, vector<1x16xf32>,
      %get3A_409 = vector.shape_cast %get3A_408 : vector<1x16xf32> to vector<16xf32>
      %get3A_410 = arith.index_cast %scan3A_310 : i32 to index
      %get3A_411 = arith.constant 112 : index
      %get3A_412 = tpu.vector_load %arg25[%get3A_410, %get3A_411] {strides = array<i32>} : memref<64x128xf32, #tpu.memory_space<vmem>>, vector<1x16xf32>,
      %get3A_413 = vector.shape_cast %get3A_412 : vector<1x16xf32> to vector<16xf32>
      %sub3A_414 = arith.subf %get3A_409, %get3A_413 : vector<16xf32>
      %swap3A_415 = arith.index_cast %scan3A_310 : i32 to index
      %swap3A_416 = arith.constant 112 : index
      %swap3A_417 = tpu.vector_load %arg24[%swap3A_415, %swap3A_416] {strides = array<i32>} : memref<64x128xf32, #tpu.memory_space<vmem>>, vector<1x16xf32>,
      %swap3A_418 = vector.shape_cast %swap3A_417 : vector<1x16xf32> to vector<16xf32>
      %swap3A_419 = vector.shape_cast %sub3A_414 : vector<16xf32> to vector<1x16xf32>
      tpu.vector_store %arg24[%swap3A_415, %swap3A_416], %swap3A_419 {strides = array<i32>} : memref<64x128xf32, #tpu.memory_space<vmem>>, vector<1x16xf32>,
    }
    %scan3A_71 = arith.constant 64 : i32
    %add3A_72 = arith.constant 4992 : i32
    %add3A_73 = arith.addi %mul3A_2, %add3A_72 : i32
    %dma_start3A_74 = arith.constant 0 : i32
    %dma_start3A_75 = tpu.memref_slice %arg14[%add3A_73, %dma_start3A_74] : memref<163840x128xi32, #tpu.memory_space<hbm>> -> memref<64x128xi32, #tpu.memory_space<hbm>>
    %dma_start3A_76 = arith.constant 0 : i32
    %dma_start3A_77 = tpu.memref_slice %arg14[%add3A_73, %dma_start3A_76] : memref<163840x128xi32, #tpu.memory_space<hbm>> -> memref<64x128xi32, #tpu.memory_space<hbm>>
    tpu.enqueue_dma source(%arg22 : memref<64x128xi32, #tpu.memory_space<vmem>>) target(%dma_start3A_77 : memref<64x128xi32, #tpu.memory_space<hbm>>) target_semaphore(%arg32 : memref<!tpu.dma_semaphore, #tpu.memory_space<semaphore_mem>>)
    %dma_start3A_78 = arith.constant 0 : i32
    %dma_start3A_79 = tpu.memref_slice %arg15[%add3A_73, %dma_start3A_78] : memref<163840x128xi32, #tpu.memory_space<hbm>> -> memref<64x128xi32, #tpu.memory_space<hbm>>
    %dma_start3A_80 = arith.constant 0 : i32
    %dma_start3A_81 = tpu.memref_slice %arg15[%add3A_73, %dma_start3A_80] : memref<163840x128xi32, #tpu.memory_space<hbm>> -> memref<64x128xi32, #tpu.memory_space<hbm>>
    tpu.enqueue_dma source(%arg23 : memref<64x128xi32, #tpu.memory_space<vmem>>) target(%dma_start3A_81 : memref<64x128xi32, #tpu.memory_space<hbm>>) target_semaphore(%arg32 : memref<!tpu.dma_semaphore, #tpu.memory_space<semaphore_mem>>)
    %dma_start3A_82 = arith.constant 0 : i32
    %dma_start3A_83 = tpu.memref_slice %arg16[%add3A_73, %dma_start3A_82] : memref<163840x128xf32, #tpu.memory_space<hbm>> -> memref<64x128xf32, #tpu.memory_space<hbm>>
    %dma_start3A_84 = arith.constant 0 : i32
    %dma_start3A_85 = tpu.memref_slice %arg16[%add3A_73, %dma_start3A_84] : memref<163840x128xf32, #tpu.memory_space<hbm>> -> memref<64x128xf32, #tpu.memory_space<hbm>>
    tpu.enqueue_dma source(%arg24 : memref<64x128xf32, #tpu.memory_space<vmem>>) target(%dma_start3A_85 : memref<64x128xf32, #tpu.memory_space<hbm>>) target_semaphore(%arg32 : memref<!tpu.dma_semaphore, #tpu.memory_space<semaphore_mem>>)
    %dma_wait3A_86 = arith.constant 5056 : i32
    %dma_wait3A_87 = tpu.memref_slice %arg20[%dma_wait3A_86] : memref<12544xi32, #tpu.memory_space<vmem>> -> memref<64xi32, #tpu.memory_space<vmem>>
    %dma_wait3A_88 = arith.constant 0 : i32
    %dma_wait3A_89 = arith.constant 0 : i32
    %dma_wait3A_90 = tpu.memref_slice %arg2[%dma_wait3A_88, %dma_wait3A_89] : memref<10000x128xi32, #tpu.memory_space<hbm>> -> memref<10000x128xi32, #tpu.memory_space<hbm>>
    tpu.wait_indirect_dma semaphore(%arg31 : memref<!tpu.dma_semaphore, #tpu.memory_space<semaphore_mem>>) src(%dma_wait3A_90 : memref<10000x128xi32, #tpu.memory_space<hbm>>) dst(%arg26 : memref<64x128xi32, #tpu.memory_space<vmem>>)
    %dma_wait3A_91 = arith.constant 5056 : i32
    %dma_wait3A_92 = tpu.memref_slice %arg21[%dma_wait3A_91] : memref<12544xi32, #tpu.memory_space<vmem>> -> memref<64xi32, #tpu.memory_space<vmem>>
    %dma_wait3A_93 = arith.constant 0 : i32
    %dma_wait3A_94 = arith.constant 0 : i32
    %dma_wait3A_95 = tpu.memref_slice %arg3[%dma_wait3A_93, %dma_wait3A_94] : memref<10000x128xi32, #tpu.memory_space<hbm>> -> memref<10000x128xi32, #tpu.memory_space<hbm>>
    tpu.wait_indirect_dma semaphore(%arg31 : memref<!tpu.dma_semaphore, #tpu.memory_space<semaphore_mem>>) src(%dma_wait3A_95 : memref<10000x128xi32, #tpu.memory_space<hbm>>) dst(%arg27 : memref<64x128xi32, #tpu.memory_space<vmem>>)
    %dma_wait3A_96 = arith.constant 5056 : i32
    %dma_wait3A_97 = tpu.memref_slice %arg20[%dma_wait3A_96] : memref<12544xi32, #tpu.memory_space<vmem>> -> memref<64xi32, #tpu.memory_space<vmem>>
    %dma_wait3A_98 = arith.constant 0 : i32
    %dma_wait3A_99 = arith.constant 0 : i32
    %dma_wait3A_100 = tpu.memref_slice %arg4[%dma_wait3A_98, %dma_wait3A_99] : memref<10000x128xf32, #tpu.memory_space<hbm>> -> memref<10000x128xf32, #tpu.memory_space<hbm>>
    tpu.wait_indirect_dma semaphore(%arg31 : memref<!tpu.dma_semaphore, #tpu.memory_space<semaphore_mem>>) src(%dma_wait3A_100 : memref<10000x128xf32, #tpu.memory_space<hbm>>) dst(%arg28 : memref<64x128xf32, #tpu.memory_space<vmem>>)
    %dma_wait3A_101 = arith.constant 5056 : i32
    %dma_wait3A_102 = tpu.memref_slice %arg21[%dma_wait3A_101] : memref<12544xi32, #tpu.memory_space<vmem>> -> memref<64xi32, #tpu.memory_space<vmem>>
    %dma_wait3A_103 = arith.constant 0 : i32
    %dma_wait3A_104 = arith.constant 0 : i32
    %dma_wait3A_105 = tpu.memref_slice %arg5[%dma_wait3A_103, %dma_wait3A_104] : memref<10000x128xf32, #tpu.memory_space<hbm>> -> memref<10000x128xf32, #tpu.memory_space<hbm>>
    tpu.wait_indirect_dma semaphore(%arg31 : memref<!tpu.dma_semaphore, #tpu.memory_space<semaphore_mem>>) src(%dma_wait3A_105 : memref<10000x128xf32, #tpu.memory_space<hbm>>) dst(%arg29 : memref<64x128xf32, #tpu.memory_space<vmem>>)
    %scan3A_106 = arith.constant 0 : i32
    %scan3A_107 = arith.constant 0 : i32
    %scan3A_108 = arith.constant 64 : i32
    %scan3A_109 = arith.addi %scan3A_107, %scan3A_108 : i32
    %scan3A_110 = arith.constant 1 : i32
    scf.for %scan3A_310 = %scan3A_107 to %scan3A_109 step %scan3A_110  : i32 {
      %get3A = arith.index_cast %scan3A_310 : i32 to index
      %get3A_311 = arith.constant 0 : index
      %get3A_312 = tpu.vector_load %arg28[%get3A, %get3A_311] {strides = array<i32>} : memref<64x128xf32, #tpu.memory_space<vmem>>, vector<1x16xf32>,
      %get3A_313 = vector.shape_cast %get3A_312 : vector<1x16xf32> to vector<16xf32>
      %get3A_314 = arith.index_cast %scan3A_310 : i32 to index
      %get3A_315 = arith.constant 0 : index
      %get3A_316 = tpu.vector_load %arg29[%get3A_314, %get3A_315] {strides = array<i32>} : memref<64x128xf32, #tpu.memory_space<vmem>>, vector<1x16xf32>,
      %get3A_317 = vector.shape_cast %get3A_316 : vector<1x16xf32> to vector<16xf32>
      %sub3A = arith.subf %get3A_313, %get3A_317 : vector<16xf32>
      %swap3A = arith.index_cast %scan3A_310 : i32 to index
      %swap3A_318 = arith.constant 0 : index
      %swap3A_319 = tpu.vector_load %arg28[%swap3A, %swap3A_318] {strides = array<i32>} : memref<64x128xf32, #tpu.memory_space<vmem>>, vector<1x16xf32>,
      %swap3A_320 = vector.shape_cast %swap3A_319 : vector<1x16xf32> to vector<16xf32>
      %swap3A_321 = vector.shape_cast %sub3A : vector<16xf32> to vector<1x16xf32>
      tpu.vector_store %arg28[%swap3A, %swap3A_318], %swap3A_321 {strides = array<i32>} : memref<64x128xf32, #tpu.memory_space<vmem>>, vector<1x16xf32>,
      %get3A_322 = arith.index_cast %scan3A_310 : i32 to index
      %get3A_323 = arith.constant 16 : index
      %get3A_324 = tpu.vector_load %arg28[%get3A_322, %get3A_323] {strides = array<i32>} : memref<64x128xf32, #tpu.memory_space<vmem>>, vector<1x16xf32>,
      %get3A_325 = vector.shape_cast %get3A_324 : vector<1x16xf32> to vector<16xf32>
      %get3A_326 = arith.index_cast %scan3A_310 : i32 to index
      %get3A_327 = arith.constant 16 : index
      %get3A_328 = tpu.vector_load %arg29[%get3A_326, %get3A_327] {strides = array<i32>} : memref<64x128xf32, #tpu.memory_space<vmem>>, vector<1x16xf32>,
      %get3A_329 = vector.shape_cast %get3A_328 : vector<1x16xf32> to vector<16xf32>
      %sub3A_330 = arith.subf %get3A_325, %get3A_329 : vector<16xf32>
      %swap3A_331 = arith.index_cast %scan3A_310 : i32 to index
      %swap3A_332 = arith.constant 16 : index
      %swap3A_333 = tpu.vector_load %arg28[%swap3A_331, %swap3A_332] {strides = array<i32>} : memref<64x128xf32, #tpu.memory_space<vmem>>, vector<1x16xf32>,
      %swap3A_334 = vector.shape_cast %swap3A_333 : vector<1x16xf32> to vector<16xf32>
      %swap3A_335 = vector.shape_cast %sub3A_330 : vector<16xf32> to vector<1x16xf32>
      tpu.vector_store %arg28[%swap3A_331, %swap3A_332], %swap3A_335 {strides = array<i32>} : memref<64x128xf32, #tpu.memory_space<vmem>>, vector<1x16xf32>,
      %get3A_336 = arith.index_cast %scan3A_310 : i32 to index
      %get3A_337 = arith.constant 32 : index
      %get3A_338 = tpu.vector_load %arg28[%get3A_336, %get3A_337] {strides = array<i32>} : memref<64x128xf32, #tpu.memory_space<vmem>>, vector<1x16xf32>,
      %get3A_339 = vector.shape_cast %get3A_338 : vector<1x16xf32> to vector<16xf32>
      %get3A_340 = arith.index_cast %scan3A_310 : i32 to index
      %get3A_341 = arith.constant 32 : index
      %get3A_342 = tpu.vector_load %arg29[%get3A_340, %get3A_341] {strides = array<i32>} : memref<64x128xf32, #tpu.memory_space<vmem>>, vector<1x16xf32>,
      %get3A_343 = vector.shape_cast %get3A_342 : vector<1x16xf32> to vector<16xf32>
      %sub3A_344 = arith.subf %get3A_339, %get3A_343 : vector<16xf32>
      %swap3A_345 = arith.index_cast %scan3A_310 : i32 to index
      %swap3A_346 = arith.constant 32 : index
      %swap3A_347 = tpu.vector_load %arg28[%swap3A_345, %swap3A_346] {strides = array<i32>} : memref<64x128xf32, #tpu.memory_space<vmem>>, vector<1x16xf32>,
      %swap3A_348 = vector.shape_cast %swap3A_347 : vector<1x16xf32> to vector<16xf32>
      %swap3A_349 = vector.shape_cast %sub3A_344 : vector<16xf32> to vector<1x16xf32>
      tpu.vector_store %arg28[%swap3A_345, %swap3A_346], %swap3A_349 {strides = array<i32>} : memref<64x128xf32, #tpu.memory_space<vmem>>, vector<1x16xf32>,
      %get3A_350 = arith.index_cast %scan3A_310 : i32 to index
      %get3A_351 = arith.constant 48 : index
      %get3A_352 = tpu.vector_load %arg28[%get3A_350, %get3A_351] {strides = array<i32>} : memref<64x128xf32, #tpu.memory_space<vmem>>, vector<1x16xf32>,
      %get3A_353 = vector.shape_cast %get3A_352 : vector<1x16xf32> to vector<16xf32>
      %get3A_354 = arith.index_cast %scan3A_310 : i32 to index
      %get3A_355 = arith.constant 48 : index
      %get3A_356 = tpu.vector_load %arg29[%get3A_354, %get3A_355] {strides = array<i32>} : memref<64x128xf32, #tpu.memory_space<vmem>>, vector<1x16xf32>,
      %get3A_357 = vector.shape_cast %get3A_356 : vector<1x16xf32> to vector<16xf32>
      %sub3A_358 = arith.subf %get3A_353, %get3A_357 : vector<16xf32>
      %swap3A_359 = arith.index_cast %scan3A_310 : i32 to index
      %swap3A_360 = arith.constant 48 : index
      %swap3A_361 = tpu.vector_load %arg28[%swap3A_359, %swap3A_360] {strides = array<i32>} : memref<64x128xf32, #tpu.memory_space<vmem>>, vector<1x16xf32>,
      %swap3A_362 = vector.shape_cast %swap3A_361 : vector<1x16xf32> to vector<16xf32>
      %swap3A_363 = vector.shape_cast %sub3A_358 : vector<16xf32> to vector<1x16xf32>
      tpu.vector_store %arg28[%swap3A_359, %swap3A_360], %swap3A_363 {strides = array<i32>} : memref<64x128xf32, #tpu.memory_space<vmem>>, vector<1x16xf32>,
      %get3A_364 = arith.index_cast %scan3A_310 : i32 to index
      %get3A_365 = arith.constant 64 : index
      %get3A_366 = tpu.vector_load %arg28[%get3A_364, %get3A_365] {strides = array<i32>} : memref<64x128xf32, #tpu.memory_space<vmem>>, vector<1x16xf32>,
      %get3A_367 = vector.shape_cast %get3A_366 : vector<1x16xf32> to vector<16xf32>
      %get3A_368 = arith.index_cast %scan3A_310 : i32 to index
      %get3A_369 = arith.constant 64 : index
      %get3A_370 = tpu.vector_load %arg29[%get3A_368, %get3A_369] {strides = array<i32>} : memref<64x128xf32, #tpu.memory_space<vmem>>, vector<1x16xf32>,
      %get3A_371 = vector.shape_cast %get3A_370 : vector<1x16xf32> to vector<16xf32>
      %sub3A_372 = arith.subf %get3A_367, %get3A_371 : vector<16xf32>
      %swap3A_373 = arith.index_cast %scan3A_310 : i32 to index
      %swap3A_374 = arith.constant 64 : index
      %swap3A_375 = tpu.vector_load %arg28[%swap3A_373, %swap3A_374] {strides = array<i32>} : memref<64x128xf32, #tpu.memory_space<vmem>>, vector<1x16xf32>,
      %swap3A_376 = vector.shape_cast %swap3A_375 : vector<1x16xf32> to vector<16xf32>
      %swap3A_377 = vector.shape_cast %sub3A_372 : vector<16xf32> to vector<1x16xf32>
      tpu.vector_store %arg28[%swap3A_373, %swap3A_374], %swap3A_377 {strides = array<i32>} : memref<64x128xf32, #tpu.memory_space<vmem>>, vector<1x16xf32>,
      %get3A_378 = arith.index_cast %scan3A_310 : i32 to index
      %get3A_379 = arith.constant 80 : index
      %get3A_380 = tpu.vector_load %arg28[%get3A_378, %get3A_379] {strides = array<i32>} : memref<64x128xf32, #tpu.memory_space<vmem>>, vector<1x16xf32>,
      %get3A_381 = vector.shape_cast %get3A_380 : vector<1x16xf32> to vector<16xf32>
      %get3A_382 = arith.index_cast %scan3A_310 : i32 to index
      %get3A_383 = arith.constant 80 : index
      %get3A_384 = tpu.vector_load %arg29[%get3A_382, %get3A_383] {strides = array<i32>} : memref<64x128xf32, #tpu.memory_space<vmem>>, vector<1x16xf32>,
      %get3A_385 = vector.shape_cast %get3A_384 : vector<1x16xf32> to vector<16xf32>
      %sub3A_386 = arith.subf %get3A_381, %get3A_385 : vector<16xf32>
      %swap3A_387 = arith.index_cast %scan3A_310 : i32 to index
      %swap3A_388 = arith.constant 80 : index
      %swap3A_389 = tpu.vector_load %arg28[%swap3A_387, %swap3A_388] {strides = array<i32>} : memref<64x128xf32, #tpu.memory_space<vmem>>, vector<1x16xf32>,
      %swap3A_390 = vector.shape_cast %swap3A_389 : vector<1x16xf32> to vector<16xf32>
      %swap3A_391 = vector.shape_cast %sub3A_386 : vector<16xf32> to vector<1x16xf32>
      tpu.vector_store %arg28[%swap3A_387, %swap3A_388], %swap3A_391 {strides = array<i32>} : memref<64x128xf32, #tpu.memory_space<vmem>>, vector<1x16xf32>,
      %get3A_392 = arith.index_cast %scan3A_310 : i32 to index
      %get3A_393 = arith.constant 96 : index
      %get3A_394 = tpu.vector_load %arg28[%get3A_392, %get3A_393] {strides = array<i32>} : memref<64x128xf32, #tpu.memory_space<vmem>>, vector<1x16xf32>,
      %get3A_395 = vector.shape_cast %get3A_394 : vector<1x16xf32> to vector<16xf32>
      %get3A_396 = arith.index_cast %scan3A_310 : i32 to index
      %get3A_397 = arith.constant 96 : index
      %get3A_398 = tpu.vector_load %arg29[%get3A_396, %get3A_397] {strides = array<i32>} : memref<64x128xf32, #tpu.memory_space<vmem>>, vector<1x16xf32>,
      %get3A_399 = vector.shape_cast %get3A_398 : vector<1x16xf32> to vector<16xf32>
      %sub3A_400 = arith.subf %get3A_395, %get3A_399 : vector<16xf32>
      %swap3A_401 = arith.index_cast %scan3A_310 : i32 to index
      %swap3A_402 = arith.constant 96 : index
      %swap3A_403 = tpu.vector_load %arg28[%swap3A_401, %swap3A_402] {strides = array<i32>} : memref<64x128xf32, #tpu.memory_space<vmem>>, vector<1x16xf32>,
      %swap3A_404 = vector.shape_cast %swap3A_403 : vector<1x16xf32> to vector<16xf32>
      %swap3A_405 = vector.shape_cast %sub3A_400 : vector<16xf32> to vector<1x16xf32>
      tpu.vector_store %arg28[%swap3A_401, %swap3A_402], %swap3A_405 {strides = array<i32>} : memref<64x128xf32, #tpu.memory_space<vmem>>, vector<1x16xf32>,
      %get3A_406 = arith.index_cast %scan3A_310 : i32 to index
      %get3A_407 = arith.constant 112 : index
      %get3A_408 = tpu.vector_load %arg28[%get3A_406, %get3A_407] {strides = array<i32>} : memref<64x128xf32, #tpu.memory_space<vmem>>, vector<1x16xf32>,
      %get3A_409 = vector.shape_cast %get3A_408 : vector<1x16xf32> to vector<16xf32>
      %get3A_410 = arith.index_cast %scan3A_310 : i32 to index
      %get3A_411 = arith.constant 112 : index
      %get3A_412 = tpu.vector_load %arg29[%get3A_410, %get3A_411] {strides = array<i32>} : memref<64x128xf32, #tpu.memory_space<vmem>>, vector<1x16xf32>,
      %get3A_413 = vector.shape_cast %get3A_412 : vector<1x16xf32> to vector<16xf32>
      %sub3A_414 = arith.subf %get3A_409, %get3A_413 : vector<16xf32>
      %swap3A_415 = arith.index_cast %scan3A_310 : i32 to index
      %swap3A_416 = arith.constant 112 : index
      %swap3A_417 = tpu.vector_load %arg28[%swap3A_415, %swap3A_416] {strides = array<i32>} : memref<64x128xf32, #tpu.memory_space<vmem>>, vector<1x16xf32>,
      %swap3A_418 = vector.shape_cast %swap3A_417 : vector<1x16xf32> to vector<16xf32>
      %swap3A_419 = vector.shape_cast %sub3A_414 : vector<16xf32> to vector<1x16xf32>
      tpu.vector_store %arg28[%swap3A_415, %swap3A_416], %swap3A_419 {strides = array<i32>} : memref<64x128xf32, #tpu.memory_space<vmem>>, vector<1x16xf32>,
    }
    %scan3A_111 = arith.constant 64 : i32
    %add3A_112 = arith.constant 5056 : i32
    %add3A_113 = arith.addi %mul3A_2, %add3A_112 : i32
    %dma_start3A_114 = arith.constant 0 : i32
    %dma_start3A_115 = tpu.memref_slice %arg14[%add3A_113, %dma_start3A_114] : memref<163840x128xi32, #tpu.memory_space<hbm>> -> memref<64x128xi32, #tpu.memory_space<hbm>>
    %dma_start3A_116 = arith.constant 0 : i32
    %dma_start3A_117 = tpu.memref_slice %arg14[%add3A_113, %dma_start3A_116] : memref<163840x128xi32, #tpu.memory_space<hbm>> -> memref<64x128xi32, #tpu.memory_space<hbm>>
    tpu.enqueue_dma source(%arg26 : memref<64x128xi32, #tpu.memory_space<vmem>>) target(%dma_start3A_117 : memref<64x128xi32, #tpu.memory_space<hbm>>) target_semaphore(%arg33 : memref<!tpu.dma_semaphore, #tpu.memory_space<semaphore_mem>>)
    %dma_start3A_118 = arith.constant 0 : i32
    %dma_start3A_119 = tpu.memref_slice %arg15[%add3A_113, %dma_start3A_118] : memref<163840x128xi32, #tpu.memory_space<hbm>> -> memref<64x128xi32, #tpu.memory_space<hbm>>
    %dma_start3A_120 = arith.constant 0 : i32
    %dma_start3A_121 = tpu.memref_slice %arg15[%add3A_113, %dma_start3A_120] : memref<163840x128xi32, #tpu.memory_space<hbm>> -> memref<64x128xi32, #tpu.memory_space<hbm>>
    tpu.enqueue_dma source(%arg27 : memref<64x128xi32, #tpu.memory_space<vmem>>) target(%dma_start3A_121 : memref<64x128xi32, #tpu.memory_space<hbm>>) target_semaphore(%arg33 : memref<!tpu.dma_semaphore, #tpu.memory_space<semaphore_mem>>)
    %dma_start3A_122 = arith.constant 0 : i32
    %dma_start3A_123 = tpu.memref_slice %arg16[%add3A_113, %dma_start3A_122] : memref<163840x128xf32, #tpu.memory_space<hbm>> -> memref<64x128xf32, #tpu.memory_space<hbm>>
    %dma_start3A_124 = arith.constant 0 : i32
    %dma_start3A_125 = tpu.memref_slice %arg16[%add3A_113, %dma_start3A_124] : memref<163840x128xf32, #tpu.memory_space<hbm>> -> memref<64x128xf32, #tpu.memory_space<hbm>>
    tpu.enqueue_dma source(%arg28 : memref<64x128xf32, #tpu.memory_space<vmem>>) target(%dma_start3A_125 : memref<64x128xf32, #tpu.memory_space<hbm>>) target_semaphore(%arg33 : memref<!tpu.dma_semaphore, #tpu.memory_space<semaphore_mem>>)
    %add3A_126 = arith.constant 0 : i32
    %add3A_127 = arith.addi %mul3A_2, %add3A_126 : i32
    %dma_wait3A_128 = arith.constant 0 : i32
    %dma_wait3A_129 = tpu.memref_slice %arg14[%add3A_127, %dma_wait3A_128] : memref<163840x128xi32, #tpu.memory_space<hbm>> -> memref<64x128xi32, #tpu.memory_space<hbm>>
    %dma_wait3A_130 = arith.constant 0 : i32
    %dma_wait3A_131 = tpu.memref_slice %arg14[%add3A_127, %dma_wait3A_130] : memref<163840x128xi32, #tpu.memory_space<hbm>> -> memref<64x128xi32, #tpu.memory_space<hbm>>
    tpu.wait_dma2 semaphore(%arg32 : memref<!tpu.dma_semaphore, #tpu.memory_space<semaphore_mem>>) src(%arg22 : memref<64x128xi32, #tpu.memory_space<vmem>>) dst(%dma_wait3A_131 : memref<64x128xi32, #tpu.memory_space<hbm>>)
    %dma_wait3A_132 = arith.constant 0 : i32
    %dma_wait3A_133 = tpu.memref_slice %arg15[%add3A_127, %dma_wait3A_132] : memref<163840x128xi32, #tpu.memory_space<hbm>> -> memref<64x128xi32, #tpu.memory_space<hbm>>
    %dma_wait3A_134 = arith.constant 0 : i32
    %dma_wait3A_135 = tpu.memref_slice %arg15[%add3A_127, %dma_wait3A_134] : memref<163840x128xi32, #tpu.memory_space<hbm>> -> memref<64x128xi32, #tpu.memory_space<hbm>>
    tpu.wait_dma2 semaphore(%arg32 : memref<!tpu.dma_semaphore, #tpu.memory_space<semaphore_mem>>) src(%arg23 : memref<64x128xi32, #tpu.memory_space<vmem>>) dst(%dma_wait3A_135 : memref<64x128xi32, #tpu.memory_space<hbm>>)
    %dma_wait3A_136 = arith.constant 0 : i32
    %dma_wait3A_137 = tpu.memref_slice %arg16[%add3A_127, %dma_wait3A_136] : memref<163840x128xf32, #tpu.memory_space<hbm>> -> memref<64x128xf32, #tpu.memory_space<hbm>>
    %dma_wait3A_138 = arith.constant 0 : i32
    %dma_wait3A_139 = tpu.memref_slice %arg16[%add3A_127, %dma_wait3A_138] : memref<163840x128xf32, #tpu.memory_space<hbm>> -> memref<64x128xf32, #tpu.memory_space<hbm>>
    tpu.wait_dma2 semaphore(%arg32 : memref<!tpu.dma_semaphore, #tpu.memory_space<semaphore_mem>>) src(%arg24 : memref<64x128xf32, #tpu.memory_space<vmem>>) dst(%dma_wait3A_139 : memref<64x128xf32, #tpu.memory_space<hbm>>)
    %add3A_140 = arith.constant 0 : i32
    %add3A_141 = arith.addi %mul3A_2, %add3A_140 : i32
    %dma_wait3A_142 = arith.constant 0 : i32
    %dma_wait3A_143 = tpu.memref_slice %arg14[%add3A_141, %dma_wait3A_142] : memref<163840x128xi32, #tpu.memory_space<hbm>> -> memref<64x128xi32, #tpu.memory_space<hbm>>
    %dma_wait3A_144 = arith.constant 0 : i32
    %dma_wait3A_145 = tpu.memref_slice %arg14[%add3A_141, %dma_wait3A_144] : memref<163840x128xi32, #tpu.memory_space<hbm>> -> memref<64x128xi32, #tpu.memory_space<hbm>>
    tpu.wait_dma2 semaphore(%arg33 : memref<!tpu.dma_semaphore, #tpu.memory_space<semaphore_mem>>) src(%arg26 : memref<64x128xi32, #tpu.memory_space<vmem>>) dst(%dma_wait3A_145 : memref<64x128xi32, #tpu.memory_space<hbm>>)
    %dma_wait3A_146 = arith.constant 0 : i32
    %dma_wait3A_147 = tpu.memref_slice %arg15[%add3A_141, %dma_wait3A_146] : memref<163840x128xi32, #tpu.memory_space<hbm>> -> memref<64x128xi32, #tpu.memory_space<hbm>>
    %dma_wait3A_148 = arith.constant 0 : i32
    %dma_wait3A_149 = tpu.memref_slice %arg15[%add3A_141, %dma_wait3A_148] : memref<163840x128xi32, #tpu.memory_space<hbm>> -> memref<64x128xi32, #tpu.memory_space<hbm>>
    tpu.wait_dma2 semaphore(%arg33 : memref<!tpu.dma_semaphore, #tpu.memory_space<semaphore_mem>>) src(%arg27 : memref<64x128xi32, #tpu.memory_space<vmem>>) dst(%dma_wait3A_149 : memref<64x128xi32, #tpu.memory_space<hbm>>)
    %dma_wait3A_150 = arith.constant 0 : i32
    %dma_wait3A_151 = tpu.memref_slice %arg16[%add3A_141, %dma_wait3A_150] : memref<163840x128xf32, #tpu.memory_space<hbm>> -> memref<64x128xf32, #tpu.memory_space<hbm>>
    %dma_wait3A_152 = arith.constant 0 : i32
    %dma_wait3A_153 = tpu.memref_slice %arg16[%add3A_141, %dma_wait3A_152] : memref<163840x128xf32, #tpu.memory_space<hbm>> -> memref<64x128xf32, #tpu.memory_space<hbm>>
    tpu.wait_dma2 semaphore(%arg33 : memref<!tpu.dma_semaphore, #tpu.memory_space<semaphore_mem>>) src(%arg28 : memref<64x128xf32, #tpu.memory_space<vmem>>) dst(%dma_wait3A_153 : memref<64x128xf32, #tpu.memory_space<hbm>>)
    %mul3A_154 = arith.constant 12544 : i32
    %mul3A_155 = arith.muli %add3A, %mul3A_154 : i32
    "tpu.region"() ({
      %run_scoped3A = tpu.sem_alloc : memref<!tpu.dma_semaphore, #tpu.memory_space<semaphore_mem>>
      %dma_start3A_310 = arith.constant 0 : i32
      %dma_start3A_311 = tpu.memref_slice %arg20[%dma_start3A_310] : memref<12544xi32, #tpu.memory_space<vmem>> -> memref<12544xi32, #tpu.memory_space<vmem>>
      %dma_start3A_312 = tpu.memref_slice %arg12[%mul3A_155] : memref<401408xi32, #tpu.memory_space<hbm>> -> memref<12544xi32, #tpu.memory_space<hbm>>
      %dma_start3A_313 = arith.constant 0 : i32
      %dma_start3A_314 = tpu.memref_slice %arg20[%dma_start3A_313] : memref<12544xi32, #tpu.memory_space<vmem>> -> memref<12544xi32, #tpu.memory_space<vmem>>
      %dma_start3A_315 = tpu.memref_slice %arg12[%mul3A_155] : memref<401408xi32, #tpu.memory_space<hbm>> -> memref<12544xi32, #tpu.memory_space<hbm>>
      tpu.enqueue_dma source(%dma_start3A_315 : memref<12544xi32, #tpu.memory_space<hbm>>) target(%dma_start3A_314 : memref<12544xi32, #tpu.memory_space<vmem>>) target_semaphore(%run_scoped3A : memref<!tpu.dma_semaphore, #tpu.memory_space<semaphore_mem>>)
      %dma_wait3A_316 = arith.constant 0 : i32
      %dma_wait3A_317 = tpu.memref_slice %arg20[%dma_wait3A_316] : memref<12544xi32, #tpu.memory_space<vmem>> -> memref<12544xi32, #tpu.memory_space<vmem>>
      %dma_wait3A_318 = tpu.memref_slice %arg12[%mul3A_155] : memref<401408xi32, #tpu.memory_space<hbm>> -> memref<12544xi32, #tpu.memory_space<hbm>>
      %dma_wait3A_319 = arith.constant 0 : i32
      %dma_wait3A_320 = tpu.memref_slice %arg20[%dma_wait3A_319] : memref<12544xi32, #tpu.memory_space<vmem>> -> memref<12544xi32, #tpu.memory_space<vmem>>
      %dma_wait3A_321 = tpu.memref_slice %arg12[%mul3A_155] : memref<401408xi32, #tpu.memory_space<hbm>> -> memref<12544xi32, #tpu.memory_space<hbm>>
      tpu.wait_dma2 semaphore(%run_scoped3A : memref<!tpu.dma_semaphore, #tpu.memory_space<semaphore_mem>>) src(%dma_wait3A_321 : memref<12544xi32, #tpu.memory_space<hbm>>) dst(%dma_wait3A_320 : memref<12544xi32, #tpu.memory_space<vmem>>)
      tpu.yield
    }) : () -> ()
    "tpu.region"() ({
      %run_scoped3A = tpu.sem_alloc : memref<!tpu.dma_semaphore, #tpu.memory_space<semaphore_mem>>
      %dma_start3A_310 = arith.constant 0 : i32
      %dma_start3A_311 = tpu.memref_slice %arg21[%dma_start3A_310] : memref<12544xi32, #tpu.memory_space<vmem>> -> memref<12544xi32, #tpu.memory_space<vmem>>
      %dma_start3A_312 = tpu.memref_slice %arg13[%mul3A_155] : memref<401408xi32, #tpu.memory_space<hbm>> -> memref<12544xi32, #tpu.memory_space<hbm>>
      %dma_start3A_313 = arith.constant 0 : i32
      %dma_start3A_314 = tpu.memref_slice %arg21[%dma_start3A_313] : memref<12544xi32, #tpu.memory_space<vmem>> -> memref<12544xi32, #tpu.memory_space<vmem>>
      %dma_start3A_315 = tpu.memref_slice %arg13[%mul3A_155] : memref<401408xi32, #tpu.memory_space<hbm>> -> memref<12544xi32, #tpu.memory_space<hbm>>
      tpu.enqueue_dma source(%dma_start3A_315 : memref<12544xi32, #tpu.memory_space<hbm>>) target(%dma_start3A_314 : memref<12544xi32, #tpu.memory_space<vmem>>) target_semaphore(%run_scoped3A : memref<!tpu.dma_semaphore, #tpu.memory_space<semaphore_mem>>)
      %dma_wait3A_316 = arith.constant 0 : i32
      %dma_wait3A_317 = tpu.memref_slice %arg21[%dma_wait3A_316] : memref<12544xi32, #tpu.memory_space<vmem>> -> memref<12544xi32, #tpu.memory_space<vmem>>
      %dma_wait3A_318 = tpu.memref_slice %arg13[%mul3A_155] : memref<401408xi32, #tpu.memory_space<hbm>> -> memref<12544xi32, #tpu.memory_space<hbm>>
      %dma_wait3A_319 = arith.constant 0 : i32
      %dma_wait3A_320 = tpu.memref_slice %arg21[%dma_wait3A_319] : memref<12544xi32, #tpu.memory_space<vmem>> -> memref<12544xi32, #tpu.memory_space<vmem>>
      %dma_wait3A_321 = tpu.memref_slice %arg13[%mul3A_155] : memref<401408xi32, #tpu.memory_space<hbm>> -> memref<12544xi32, #tpu.memory_space<hbm>>
      tpu.wait_dma2 semaphore(%run_scoped3A : memref<!tpu.dma_semaphore, #tpu.memory_space<semaphore_mem>>) src(%dma_wait3A_321 : memref<12544xi32, #tpu.memory_space<hbm>>) dst(%dma_wait3A_320 : memref<12544xi32, #tpu.memory_space<vmem>>)
      tpu.yield
    }) : () -> ()
    %dma_start3A_156 = arith.constant 0 : i32
    %dma_start3A_157 = tpu.memref_slice %arg20[%dma_start3A_156] : memref<12544xi32, #tpu.memory_space<vmem>> -> memref<64xi32, #tpu.memory_space<vmem>>
    %dma_start3A_158 = arith.constant 0 : i32
    %dma_start3A_159 = arith.constant 0 : i32
    %dma_start3A_160 = tpu.memref_slice %arg8[%dma_start3A_158, %dma_start3A_159] : memref<40000x128xi32, #tpu.memory_space<hbm>> -> memref<40000x128xi32, #tpu.memory_space<hbm>>
    tpu.enqueue_indirect_dma source(%dma_start3A_160 : memref<40000x128xi32, #tpu.memory_space<hbm>>) target(%arg22 : memref<64x128xi32, #tpu.memory_space<vmem>>) offsets(%dma_start3A_157 : memref<64xi32, #tpu.memory_space<vmem>>) semaphore(%arg30 : memref<!tpu.dma_semaphore, #tpu.memory_space<semaphore_mem>>)
    %dma_start3A_161 = arith.constant 0 : i32
    %dma_start3A_162 = tpu.memref_slice %arg21[%dma_start3A_161] : memref<12544xi32, #tpu.memory_space<vmem>> -> memref<64xi32, #tpu.memory_space<vmem>>
    %dma_start3A_163 = arith.constant 0 : i32
    %dma_start3A_164 = arith.constant 0 : i32
    %dma_start3A_165 = tpu.memref_slice %arg9[%dma_start3A_163, %dma_start3A_164] : memref<10000x128xi32, #tpu.memory_space<hbm>> -> memref<10000x128xi32, #tpu.memory_space<hbm>>
    tpu.enqueue_indirect_dma source(%dma_start3A_165 : memref<10000x128xi32, #tpu.memory_space<hbm>>) target(%arg23 : memref<64x128xi32, #tpu.memory_space<vmem>>) offsets(%dma_start3A_162 : memref<64xi32, #tpu.memory_space<vmem>>) semaphore(%arg30 : memref<!tpu.dma_semaphore, #tpu.memory_space<semaphore_mem>>)
    %dma_start3A_166 = arith.constant 0 : i32
    %dma_start3A_167 = tpu.memref_slice %arg20[%dma_start3A_166] : memref<12544xi32, #tpu.memory_space<vmem>> -> memref<64xi32, #tpu.memory_space<vmem>>
    %dma_start3A_168 = arith.constant 0 : i32
    %dma_start3A_169 = arith.constant 0 : i32
    %dma_start3A_170 = tpu.memref_slice %arg10[%dma_start3A_168, %dma_start3A_169] : memref<40000x128xf32, #tpu.memory_space<hbm>> -> memref<40000x128xf32, #tpu.memory_space<hbm>>
    tpu.enqueue_indirect_dma source(%dma_start3A_170 : memref<40000x128xf32, #tpu.memory_space<hbm>>) target(%arg24 : memref<64x128xf32, #tpu.memory_space<vmem>>) offsets(%dma_start3A_167 : memref<64xi32, #tpu.memory_space<vmem>>) semaphore(%arg30 : memref<!tpu.dma_semaphore, #tpu.memory_space<semaphore_mem>>)
    %dma_start3A_171 = arith.constant 0 : i32
    %dma_start3A_172 = tpu.memref_slice %arg21[%dma_start3A_171] : memref<12544xi32, #tpu.memory_space<vmem>> -> memref<64xi32, #tpu.memory_space<vmem>>
    %dma_start3A_173 = arith.constant 0 : i32
    %dma_start3A_174 = arith.constant 0 : i32
    %dma_start3A_175 = tpu.memref_slice %arg11[%dma_start3A_173, %dma_start3A_174] : memref<10000x128xf32, #tpu.memory_space<hbm>> -> memref<10000x128xf32, #tpu.memory_space<hbm>>
    tpu.enqueue_indirect_dma source(%dma_start3A_175 : memref<10000x128xf32, #tpu.memory_space<hbm>>) target(%arg25 : memref<64x128xf32, #tpu.memory_space<vmem>>) offsets(%dma_start3A_172 : memref<64xi32, #tpu.memory_space<vmem>>) semaphore(%arg30 : memref<!tpu.dma_semaphore, #tpu.memory_space<semaphore_mem>>)
    %dma_start3A_176 = arith.constant 64 : i32
    %dma_start3A_177 = tpu.memref_slice %arg20[%dma_start3A_176] : memref<12544xi32, #tpu.memory_space<vmem>> -> memref<64xi32, #tpu.memory_space<vmem>>
    %dma_start3A_178 = arith.constant 0 : i32
    %dma_start3A_179 = arith.constant 0 : i32
    %dma_start3A_180 = tpu.memref_slice %arg8[%dma_start3A_178, %dma_start3A_179] : memref<40000x128xi32, #tpu.memory_space<hbm>> -> memref<40000x128xi32, #tpu.memory_space<hbm>>
    tpu.enqueue_indirect_dma source(%dma_start3A_180 : memref<40000x128xi32, #tpu.memory_space<hbm>>) target(%arg26 : memref<64x128xi32, #tpu.memory_space<vmem>>) offsets(%dma_start3A_177 : memref<64xi32, #tpu.memory_space<vmem>>) semaphore(%arg31 : memref<!tpu.dma_semaphore, #tpu.memory_space<semaphore_mem>>)
    %dma_start3A_181 = arith.constant 64 : i32
    %dma_start3A_182 = tpu.memref_slice %arg21[%dma_start3A_181] : memref<12544xi32, #tpu.memory_space<vmem>> -> memref<64xi32, #tpu.memory_space<vmem>>
    %dma_start3A_183 = arith.constant 0 : i32
    %dma_start3A_184 = arith.constant 0 : i32
    %dma_start3A_185 = tpu.memref_slice %arg9[%dma_start3A_183, %dma_start3A_184] : memref<10000x128xi32, #tpu.memory_space<hbm>> -> memref<10000x128xi32, #tpu.memory_space<hbm>>
    tpu.enqueue_indirect_dma source(%dma_start3A_185 : memref<10000x128xi32, #tpu.memory_space<hbm>>) target(%arg27 : memref<64x128xi32, #tpu.memory_space<vmem>>) offsets(%dma_start3A_182 : memref<64xi32, #tpu.memory_space<vmem>>) semaphore(%arg31 : memref<!tpu.dma_semaphore, #tpu.memory_space<semaphore_mem>>)
    %dma_start3A_186 = arith.constant 64 : i32
    %dma_start3A_187 = tpu.memref_slice %arg20[%dma_start3A_186] : memref<12544xi32, #tpu.memory_space<vmem>> -> memref<64xi32, #tpu.memory_space<vmem>>
    %dma_start3A_188 = arith.constant 0 : i32
    %dma_start3A_189 = arith.constant 0 : i32
    %dma_start3A_190 = tpu.memref_slice %arg10[%dma_start3A_188, %dma_start3A_189] : memref<40000x128xf32, #tpu.memory_space<hbm>> -> memref<40000x128xf32, #tpu.memory_space<hbm>>
    tpu.enqueue_indirect_dma source(%dma_start3A_190 : memref<40000x128xf32, #tpu.memory_space<hbm>>) target(%arg28 : memref<64x128xf32, #tpu.memory_space<vmem>>) offsets(%dma_start3A_187 : memref<64xi32, #tpu.memory_space<vmem>>) semaphore(%arg31 : memref<!tpu.dma_semaphore, #tpu.memory_space<semaphore_mem>>)
    %dma_start3A_191 = arith.constant 64 : i32
    %dma_start3A_192 = tpu.memref_slice %arg21[%dma_start3A_191] : memref<12544xi32, #tpu.memory_space<vmem>> -> memref<64xi32, #tpu.memory_space<vmem>>
    %dma_start3A_193 = arith.constant 0 : i32
    %dma_start3A_194 = arith.constant 0 : i32
    %dma_start3A_195 = tpu.memref_slice %arg11[%dma_start3A_193, %dma_start3A_194] : memref<10000x128xf32, #tpu.memory_space<hbm>> -> memref<10000x128xf32, #tpu.memory_space<hbm>>
    tpu.enqueue_indirect_dma source(%dma_start3A_195 : memref<10000x128xf32, #tpu.memory_space<hbm>>) target(%arg29 : memref<64x128xf32, #tpu.memory_space<vmem>>) offsets(%dma_start3A_192 : memref<64xi32, #tpu.memory_space<vmem>>) semaphore(%arg31 : memref<!tpu.dma_semaphore, #tpu.memory_space<semaphore_mem>>)
    %scan3A_196 = arith.constant 0 : i32
    %scan3A_197 = arith.constant 0 : i32
    %scan3A_198 = arith.constant 97 : i32
    %scan3A_199 = arith.addi %scan3A_197, %scan3A_198 : i32
    %scan3A_200 = arith.constant 1 : i32
    scf.for %scan3A_310 = %scan3A_197 to %scan3A_199 step %scan3A_200  : i32 {
      %mul3A_311 = arith.constant 2 : i32
      %mul3A_312 = arith.muli %mul3A_311, %scan3A_310 : i32
      %mul3A_313 = arith.constant 64 : i32
      %mul3A_314 = arith.muli %mul3A_312, %mul3A_313 : i32
      %mul3A_315 = arith.constant 64 : i32
      %mul3A_316 = arith.muli %mul3A_312, %mul3A_315 : i32
      %dma_wait3A_317 = tpu.memref_slice %arg20[%mul3A_314] : memref<12544xi32, #tpu.memory_space<vmem>> -> memref<64xi32, #tpu.memory_space<vmem>>
      %dma_wait3A_318 = arith.constant 0 : i32
      %dma_wait3A_319 = arith.constant 0 : i32
      %dma_wait3A_320 = tpu.memref_slice %arg8[%dma_wait3A_318, %dma_wait3A_319] : memref<40000x128xi32, #tpu.memory_space<hbm>> -> memref<40000x128xi32, #tpu.memory_space<hbm>>
      tpu.wait_indirect_dma semaphore(%arg30 : memref<!tpu.dma_semaphore, #tpu.memory_space<semaphore_mem>>) src(%dma_wait3A_320 : memref<40000x128xi32, #tpu.memory_space<hbm>>) dst(%arg22 : memref<64x128xi32, #tpu.memory_space<vmem>>)
      %dma_wait3A_321 = tpu.memref_slice %arg21[%mul3A_316] : memref<12544xi32, #tpu.memory_space<vmem>> -> memref<64xi32, #tpu.memory_space<vmem>>
      %dma_wait3A_322 = arith.constant 0 : i32
      %dma_wait3A_323 = arith.constant 0 : i32
      %dma_wait3A_324 = tpu.memref_slice %arg9[%dma_wait3A_322, %dma_wait3A_323] : memref<10000x128xi32, #tpu.memory_space<hbm>> -> memref<10000x128xi32, #tpu.memory_space<hbm>>
      tpu.wait_indirect_dma semaphore(%arg30 : memref<!tpu.dma_semaphore, #tpu.memory_space<semaphore_mem>>) src(%dma_wait3A_324 : memref<10000x128xi32, #tpu.memory_space<hbm>>) dst(%arg23 : memref<64x128xi32, #tpu.memory_space<vmem>>)
      %dma_wait3A_325 = tpu.memref_slice %arg20[%mul3A_314] : memref<12544xi32, #tpu.memory_space<vmem>> -> memref<64xi32, #tpu.memory_space<vmem>>
      %dma_wait3A_326 = arith.constant 0 : i32
      %dma_wait3A_327 = arith.constant 0 : i32
      %dma_wait3A_328 = tpu.memref_slice %arg10[%dma_wait3A_326, %dma_wait3A_327] : memref<40000x128xf32, #tpu.memory_space<hbm>> -> memref<40000x128xf32, #tpu.memory_space<hbm>>
      tpu.wait_indirect_dma semaphore(%arg30 : memref<!tpu.dma_semaphore, #tpu.memory_space<semaphore_mem>>) src(%dma_wait3A_328 : memref<40000x128xf32, #tpu.memory_space<hbm>>) dst(%arg24 : memref<64x128xf32, #tpu.memory_space<vmem>>)
      %dma_wait3A_329 = tpu.memref_slice %arg21[%mul3A_316] : memref<12544xi32, #tpu.memory_space<vmem>> -> memref<64xi32, #tpu.memory_space<vmem>>
      %dma_wait3A_330 = arith.constant 0 : i32
      %dma_wait3A_331 = arith.constant 0 : i32
      %dma_wait3A_332 = tpu.memref_slice %arg11[%dma_wait3A_330, %dma_wait3A_331] : memref<10000x128xf32, #tpu.memory_space<hbm>> -> memref<10000x128xf32, #tpu.memory_space<hbm>>
      tpu.wait_indirect_dma semaphore(%arg30 : memref<!tpu.dma_semaphore, #tpu.memory_space<semaphore_mem>>) src(%dma_wait3A_332 : memref<10000x128xf32, #tpu.memory_space<hbm>>) dst(%arg25 : memref<64x128xf32, #tpu.memory_space<vmem>>)
      %scan3A_333 = arith.constant 0 : i32
      %scan3A_334 = arith.constant 0 : i32
      %scan3A_335 = arith.constant 64 : i32
      %scan3A_336 = arith.addi %scan3A_334, %scan3A_335 : i32
      %scan3A_337 = arith.constant 1 : i32
      scf.for %scan3A_477 = %scan3A_334 to %scan3A_336 step %scan3A_337  : i32 {
        %get3A = arith.index_cast %scan3A_477 : i32 to index
        %get3A_478 = arith.constant 0 : index
        %get3A_479 = tpu.vector_load %arg24[%get3A, %get3A_478] {strides = array<i32>} : memref<64x128xf32, #tpu.memory_space<vmem>>, vector<1x16xf32>,
        %get3A_480 = vector.shape_cast %get3A_479 : vector<1x16xf32> to vector<16xf32>
        %get3A_481 = arith.index_cast %scan3A_477 : i32 to index
        %get3A_482 = arith.constant 0 : index
        %get3A_483 = tpu.vector_load %arg25[%get3A_481, %get3A_482] {strides = array<i32>} : memref<64x128xf32, #tpu.memory_space<vmem>>, vector<1x16xf32>,
        %get3A_484 = vector.shape_cast %get3A_483 : vector<1x16xf32> to vector<16xf32>
        %sub3A = arith.subf %get3A_480, %get3A_484 : vector<16xf32>
        %swap3A = arith.index_cast %scan3A_477 : i32 to index
        %swap3A_485 = arith.constant 0 : index
        %swap3A_486 = tpu.vector_load %arg24[%swap3A, %swap3A_485] {strides = array<i32>} : memref<64x128xf32, #tpu.memory_space<vmem>>, vector<1x16xf32>,
        %swap3A_487 = vector.shape_cast %swap3A_486 : vector<1x16xf32> to vector<16xf32>
        %swap3A_488 = vector.shape_cast %sub3A : vector<16xf32> to vector<1x16xf32>
        tpu.vector_store %arg24[%swap3A, %swap3A_485], %swap3A_488 {strides = array<i32>} : memref<64x128xf32, #tpu.memory_space<vmem>>, vector<1x16xf32>,
        %get3A_489 = arith.index_cast %scan3A_477 : i32 to index
        %get3A_490 = arith.constant 16 : index
        %get3A_491 = tpu.vector_load %arg24[%get3A_489, %get3A_490] {strides = array<i32>} : memref<64x128xf32, #tpu.memory_space<vmem>>, vector<1x16xf32>,
        %get3A_492 = vector.shape_cast %get3A_491 : vector<1x16xf32> to vector<16xf32>
        %get3A_493 = arith.index_cast %scan3A_477 : i32 to index
        %get3A_494 = arith.constant 16 : index
        %get3A_495 = tpu.vector_load %arg25[%get3A_493, %get3A_494] {strides = array<i32>} : memref<64x128xf32, #tpu.memory_space<vmem>>, vector<1x16xf32>,
        %get3A_496 = vector.shape_cast %get3A_495 : vector<1x16xf32> to vector<16xf32>
        %sub3A_497 = arith.subf %get3A_492, %get3A_496 : vector<16xf32>
        %swap3A_498 = arith.index_cast %scan3A_477 : i32 to index
        %swap3A_499 = arith.constant 16 : index
        %swap3A_500 = tpu.vector_load %arg24[%swap3A_498, %swap3A_499] {strides = array<i32>} : memref<64x128xf32, #tpu.memory_space<vmem>>, vector<1x16xf32>,
        %swap3A_501 = vector.shape_cast %swap3A_500 : vector<1x16xf32> to vector<16xf32>
        %swap3A_502 = vector.shape_cast %sub3A_497 : vector<16xf32> to vector<1x16xf32>
        tpu.vector_store %arg24[%swap3A_498, %swap3A_499], %swap3A_502 {strides = array<i32>} : memref<64x128xf32, #tpu.memory_space<vmem>>, vector<1x16xf32>,
        %get3A_503 = arith.index_cast %scan3A_477 : i32 to index
        %get3A_504 = arith.constant 32 : index
        %get3A_505 = tpu.vector_load %arg24[%get3A_503, %get3A_504] {strides = array<i32>} : memref<64x128xf32, #tpu.memory_space<vmem>>, vector<1x16xf32>,
        %get3A_506 = vector.shape_cast %get3A_505 : vector<1x16xf32> to vector<16xf32>
        %get3A_507 = arith.index_cast %scan3A_477 : i32 to index
        %get3A_508 = arith.constant 32 : index
        %get3A_509 = tpu.vector_load %arg25[%get3A_507, %get3A_508] {strides = array<i32>} : memref<64x128xf32, #tpu.memory_space<vmem>>, vector<1x16xf32>,
        %get3A_510 = vector.shape_cast %get3A_509 : vector<1x16xf32> to vector<16xf32>
        %sub3A_511 = arith.subf %get3A_506, %get3A_510 : vector<16xf32>
        %swap3A_512 = arith.index_cast %scan3A_477 : i32 to index
        %swap3A_513 = arith.constant 32 : index
        %swap3A_514 = tpu.vector_load %arg24[%swap3A_512, %swap3A_513] {strides = array<i32>} : memref<64x128xf32, #tpu.memory_space<vmem>>, vector<1x16xf32>,
        %swap3A_515 = vector.shape_cast %swap3A_514 : vector<1x16xf32> to vector<16xf32>
        %swap3A_516 = vector.shape_cast %sub3A_511 : vector<16xf32> to vector<1x16xf32>
        tpu.vector_store %arg24[%swap3A_512, %swap3A_513], %swap3A_516 {strides = array<i32>} : memref<64x128xf32, #tpu.memory_space<vmem>>, vector<1x16xf32>,
        %get3A_517 = arith.index_cast %scan3A_477 : i32 to index
        %get3A_518 = arith.constant 48 : index
        %get3A_519 = tpu.vector_load %arg24[%get3A_517, %get3A_518] {strides = array<i32>} : memref<64x128xf32, #tpu.memory_space<vmem>>, vector<1x16xf32>,
        %get3A_520 = vector.shape_cast %get3A_519 : vector<1x16xf32> to vector<16xf32>
        %get3A_521 = arith.index_cast %scan3A_477 : i32 to index
        %get3A_522 = arith.constant 48 : index
        %get3A_523 = tpu.vector_load %arg25[%get3A_521, %get3A_522] {strides = array<i32>} : memref<64x128xf32, #tpu.memory_space<vmem>>, vector<1x16xf32>,
        %get3A_524 = vector.shape_cast %get3A_523 : vector<1x16xf32> to vector<16xf32>
        %sub3A_525 = arith.subf %get3A_520, %get3A_524 : vector<16xf32>
        %swap3A_526 = arith.index_cast %scan3A_477 : i32 to index
        %swap3A_527 = arith.constant 48 : index
        %swap3A_528 = tpu.vector_load %arg24[%swap3A_526, %swap3A_527] {strides = array<i32>} : memref<64x128xf32, #tpu.memory_space<vmem>>, vector<1x16xf32>,
        %swap3A_529 = vector.shape_cast %swap3A_528 : vector<1x16xf32> to vector<16xf32>
        %swap3A_530 = vector.shape_cast %sub3A_525 : vector<16xf32> to vector<1x16xf32>
        tpu.vector_store %arg24[%swap3A_526, %swap3A_527], %swap3A_530 {strides = array<i32>} : memref<64x128xf32, #tpu.memory_space<vmem>>, vector<1x16xf32>,
        %get3A_531 = arith.index_cast %scan3A_477 : i32 to index
        %get3A_532 = arith.constant 64 : index
        %get3A_533 = tpu.vector_load %arg24[%get3A_531, %get3A_532] {strides = array<i32>} : memref<64x128xf32, #tpu.memory_space<vmem>>, vector<1x16xf32>,
        %get3A_534 = vector.shape_cast %get3A_533 : vector<1x16xf32> to vector<16xf32>
        %get3A_535 = arith.index_cast %scan3A_477 : i32 to index
        %get3A_536 = arith.constant 64 : index
        %get3A_537 = tpu.vector_load %arg25[%get3A_535, %get3A_536] {strides = array<i32>} : memref<64x128xf32, #tpu.memory_space<vmem>>, vector<1x16xf32>,
        %get3A_538 = vector.shape_cast %get3A_537 : vector<1x16xf32> to vector<16xf32>
        %sub3A_539 = arith.subf %get3A_534, %get3A_538 : vector<16xf32>
        %swap3A_540 = arith.index_cast %scan3A_477 : i32 to index
        %swap3A_541 = arith.constant 64 : index
        %swap3A_542 = tpu.vector_load %arg24[%swap3A_540, %swap3A_541] {strides = array<i32>} : memref<64x128xf32, #tpu.memory_space<vmem>>, vector<1x16xf32>,
        %swap3A_543 = vector.shape_cast %swap3A_542 : vector<1x16xf32> to vector<16xf32>
        %swap3A_544 = vector.shape_cast %sub3A_539 : vector<16xf32> to vector<1x16xf32>
        tpu.vector_store %arg24[%swap3A_540, %swap3A_541], %swap3A_544 {strides = array<i32>} : memref<64x128xf32, #tpu.memory_space<vmem>>, vector<1x16xf32>,
        %get3A_545 = arith.index_cast %scan3A_477 : i32 to index
        %get3A_546 = arith.constant 80 : index
        %get3A_547 = tpu.vector_load %arg24[%get3A_545, %get3A_546] {strides = array<i32>} : memref<64x128xf32, #tpu.memory_space<vmem>>, vector<1x16xf32>,
        %get3A_548 = vector.shape_cast %get3A_547 : vector<1x16xf32> to vector<16xf32>
        %get3A_549 = arith.index_cast %scan3A_477 : i32 to index
        %get3A_550 = arith.constant 80 : index
        %get3A_551 = tpu.vector_load %arg25[%get3A_549, %get3A_550] {strides = array<i32>} : memref<64x128xf32, #tpu.memory_space<vmem>>, vector<1x16xf32>,
        %get3A_552 = vector.shape_cast %get3A_551 : vector<1x16xf32> to vector<16xf32>
        %sub3A_553 = arith.subf %get3A_548, %get3A_552 : vector<16xf32>
        %swap3A_554 = arith.index_cast %scan3A_477 : i32 to index
        %swap3A_555 = arith.constant 80 : index
        %swap3A_556 = tpu.vector_load %arg24[%swap3A_554, %swap3A_555] {strides = array<i32>} : memref<64x128xf32, #tpu.memory_space<vmem>>, vector<1x16xf32>,
        %swap3A_557 = vector.shape_cast %swap3A_556 : vector<1x16xf32> to vector<16xf32>
        %swap3A_558 = vector.shape_cast %sub3A_553 : vector<16xf32> to vector<1x16xf32>
        tpu.vector_store %arg24[%swap3A_554, %swap3A_555], %swap3A_558 {strides = array<i32>} : memref<64x128xf32, #tpu.memory_space<vmem>>, vector<1x16xf32>,
        %get3A_559 = arith.index_cast %scan3A_477 : i32 to index
        %get3A_560 = arith.constant 96 : index
        %get3A_561 = tpu.vector_load %arg24[%get3A_559, %get3A_560] {strides = array<i32>} : memref<64x128xf32, #tpu.memory_space<vmem>>, vector<1x16xf32>,
        %get3A_562 = vector.shape_cast %get3A_561 : vector<1x16xf32> to vector<16xf32>
        %get3A_563 = arith.index_cast %scan3A_477 : i32 to index
        %get3A_564 = arith.constant 96 : index
        %get3A_565 = tpu.vector_load %arg25[%get3A_563, %get3A_564] {strides = array<i32>} : memref<64x128xf32, #tpu.memory_space<vmem>>, vector<1x16xf32>,
        %get3A_566 = vector.shape_cast %get3A_565 : vector<1x16xf32> to vector<16xf32>
        %sub3A_567 = arith.subf %get3A_562, %get3A_566 : vector<16xf32>
        %swap3A_568 = arith.index_cast %scan3A_477 : i32 to index
        %swap3A_569 = arith.constant 96 : index
        %swap3A_570 = tpu.vector_load %arg24[%swap3A_568, %swap3A_569] {strides = array<i32>} : memref<64x128xf32, #tpu.memory_space<vmem>>, vector<1x16xf32>,
        %swap3A_571 = vector.shape_cast %swap3A_570 : vector<1x16xf32> to vector<16xf32>
        %swap3A_572 = vector.shape_cast %sub3A_567 : vector<16xf32> to vector<1x16xf32>
        tpu.vector_store %arg24[%swap3A_568, %swap3A_569], %swap3A_572 {strides = array<i32>} : memref<64x128xf32, #tpu.memory_space<vmem>>, vector<1x16xf32>,
        %get3A_573 = arith.index_cast %scan3A_477 : i32 to index
        %get3A_574 = arith.constant 112 : index
        %get3A_575 = tpu.vector_load %arg24[%get3A_573, %get3A_574] {strides = array<i32>} : memref<64x128xf32, #tpu.memory_space<vmem>>, vector<1x16xf32>,
        %get3A_576 = vector.shape_cast %get3A_575 : vector<1x16xf32> to vector<16xf32>
        %get3A_577 = arith.index_cast %scan3A_477 : i32 to index
        %get3A_578 = arith.constant 112 : index
        %get3A_579 = tpu.vector_load %arg25[%get3A_577, %get3A_578] {strides = array<i32>} : memref<64x128xf32, #tpu.memory_space<vmem>>, vector<1x16xf32>,
        %get3A_580 = vector.shape_cast %get3A_579 : vector<1x16xf32> to vector<16xf32>
        %sub3A_581 = arith.subf %get3A_576, %get3A_580 : vector<16xf32>
        %swap3A_582 = arith.index_cast %scan3A_477 : i32 to index
        %swap3A_583 = arith.constant 112 : index
        %swap3A_584 = tpu.vector_load %arg24[%swap3A_582, %swap3A_583] {strides = array<i32>} : memref<64x128xf32, #tpu.memory_space<vmem>>, vector<1x16xf32>,
        %swap3A_585 = vector.shape_cast %swap3A_584 : vector<1x16xf32> to vector<16xf32>
        %swap3A_586 = vector.shape_cast %sub3A_581 : vector<16xf32> to vector<1x16xf32>
        tpu.vector_store %arg24[%swap3A_582, %swap3A_583], %swap3A_586 {strides = array<i32>} : memref<64x128xf32, #tpu.memory_space<vmem>>, vector<1x16xf32>,
      }
      %scan3A_338 = arith.constant 64 : i32
      %mul3A_339 = arith.constant 64 : i32
      %mul3A_340 = arith.muli %mul3A_312, %mul3A_339 : i32
      %add3A_341 = arith.addi %mul3A_155, %mul3A_340 : i32
      %dma_start3A_342 = arith.constant 0 : i32
      %dma_start3A_343 = tpu.memref_slice %arg17[%add3A_341, %dma_start3A_342] : memref<401408x128xi32, #tpu.memory_space<hbm>> -> memref<64x128xi32, #tpu.memory_space<hbm>>
      %dma_start3A_344 = arith.constant 0 : i32
      %dma_start3A_345 = tpu.memref_slice %arg17[%add3A_341, %dma_start3A_344] : memref<401408x128xi32, #tpu.memory_space<hbm>> -> memref<64x128xi32, #tpu.memory_space<hbm>>
      tpu.enqueue_dma source(%arg22 : memref<64x128xi32, #tpu.memory_space<vmem>>) target(%dma_start3A_345 : memref<64x128xi32, #tpu.memory_space<hbm>>) target_semaphore(%arg32 : memref<!tpu.dma_semaphore, #tpu.memory_space<semaphore_mem>>)
      %dma_start3A_346 = arith.constant 0 : i32
      %dma_start3A_347 = tpu.memref_slice %arg18[%add3A_341, %dma_start3A_346] : memref<401408x128xi32, #tpu.memory_space<hbm>> -> memref<64x128xi32, #tpu.memory_space<hbm>>
      %dma_start3A_348 = arith.constant 0 : i32
      %dma_start3A_349 = tpu.memref_slice %arg18[%add3A_341, %dma_start3A_348] : memref<401408x128xi32, #tpu.memory_space<hbm>> -> memref<64x128xi32, #tpu.memory_space<hbm>>
      tpu.enqueue_dma source(%arg23 : memref<64x128xi32, #tpu.memory_space<vmem>>) target(%dma_start3A_349 : memref<64x128xi32, #tpu.memory_space<hbm>>) target_semaphore(%arg32 : memref<!tpu.dma_semaphore, #tpu.memory_space<semaphore_mem>>)
      %dma_start3A_350 = arith.constant 0 : i32
      %dma_start3A_351 = tpu.memref_slice %arg19[%add3A_341, %dma_start3A_350] : memref<401408x128xf32, #tpu.memory_space<hbm>> -> memref<64x128xf32, #tpu.memory_space<hbm>>
      %dma_start3A_352 = arith.constant 0 : i32
      %dma_start3A_353 = tpu.memref_slice %arg19[%add3A_341, %dma_start3A_352] : memref<401408x128xf32, #tpu.memory_space<hbm>> -> memref<64x128xf32, #tpu.memory_space<hbm>>
      tpu.enqueue_dma source(%arg24 : memref<64x128xf32, #tpu.memory_space<vmem>>) target(%dma_start3A_353 : memref<64x128xf32, #tpu.memory_space<hbm>>) target_semaphore(%arg32 : memref<!tpu.dma_semaphore, #tpu.memory_space<semaphore_mem>>)
      %mul3A_354 = arith.constant 2 : i32
      %mul3A_355 = arith.muli %mul3A_354, %scan3A_310 : i32
      %add3A_356 = arith.constant 2 : i32
      %add3A_357 = arith.addi %mul3A_355, %add3A_356 : i32
      %mul3A_358 = arith.constant 64 : i32
      %mul3A_359 = arith.muli %add3A_357, %mul3A_358 : i32
      %add3A_360 = arith.addi %mul3A_155, %mul3A_359 : i32
      %dma_wait3A_361 = arith.constant 0 : i32
      %dma_wait3A_362 = tpu.memref_slice %arg17[%add3A_360, %dma_wait3A_361] : memref<401408x128xi32, #tpu.memory_space<hbm>> -> memref<64x128xi32, #tpu.memory_space<hbm>>
      %dma_wait3A_363 = arith.constant 0 : i32
      %dma_wait3A_364 = tpu.memref_slice %arg17[%add3A_360, %dma_wait3A_363] : memref<401408x128xi32, #tpu.memory_space<hbm>> -> memref<64x128xi32, #tpu.memory_space<hbm>>
      tpu.wait_dma2 semaphore(%arg32 : memref<!tpu.dma_semaphore, #tpu.memory_space<semaphore_mem>>) src(%arg22 : memref<64x128xi32, #tpu.memory_space<vmem>>) dst(%dma_wait3A_364 : memref<64x128xi32, #tpu.memory_space<hbm>>)
      %dma_wait3A_365 = arith.constant 0 : i32
      %dma_wait3A_366 = tpu.memref_slice %arg18[%add3A_360, %dma_wait3A_365] : memref<401408x128xi32, #tpu.memory_space<hbm>> -> memref<64x128xi32, #tpu.memory_space<hbm>>
      %dma_wait3A_367 = arith.constant 0 : i32
      %dma_wait3A_368 = tpu.memref_slice %arg18[%add3A_360, %dma_wait3A_367] : memref<401408x128xi32, #tpu.memory_space<hbm>> -> memref<64x128xi32, #tpu.memory_space<hbm>>
      tpu.wait_dma2 semaphore(%arg32 : memref<!tpu.dma_semaphore, #tpu.memory_space<semaphore_mem>>) src(%arg23 : memref<64x128xi32, #tpu.memory_space<vmem>>) dst(%dma_wait3A_368 : memref<64x128xi32, #tpu.memory_space<hbm>>)
      %dma_wait3A_369 = arith.constant 0 : i32
      %dma_wait3A_370 = tpu.memref_slice %arg19[%add3A_360, %dma_wait3A_369] : memref<401408x128xf32, #tpu.memory_space<hbm>> -> memref<64x128xf32, #tpu.memory_space<hbm>>
      %dma_wait3A_371 = arith.constant 0 : i32
      %dma_wait3A_372 = tpu.memref_slice %arg19[%add3A_360, %dma_wait3A_371] : memref<401408x128xf32, #tpu.memory_space<hbm>> -> memref<64x128xf32, #tpu.memory_space<hbm>>
      tpu.wait_dma2 semaphore(%arg32 : memref<!tpu.dma_semaphore, #tpu.memory_space<semaphore_mem>>) src(%arg24 : memref<64x128xf32, #tpu.memory_space<vmem>>) dst(%dma_wait3A_372 : memref<64x128xf32, #tpu.memory_space<hbm>>)
      %mul3A_373 = arith.constant 64 : i32
      %mul3A_374 = arith.muli %add3A_357, %mul3A_373 : i32
      %mul3A_375 = arith.constant 64 : i32
      %mul3A_376 = arith.muli %add3A_357, %mul3A_375 : i32
      %dma_start3A_377 = tpu.memref_slice %arg20[%mul3A_374] : memref<12544xi32, #tpu.memory_space<vmem>> -> memref<64xi32, #tpu.memory_space<vmem>>
      %dma_start3A_378 = arith.constant 0 : i32
      %dma_start3A_379 = arith.constant 0 : i32
      %dma_start3A_380 = tpu.memref_slice %arg8[%dma_start3A_378, %dma_start3A_379] : memref<40000x128xi32, #tpu.memory_space<hbm>> -> memref<40000x128xi32, #tpu.memory_space<hbm>>
      tpu.enqueue_indirect_dma source(%dma_start3A_380 : memref<40000x128xi32, #tpu.memory_space<hbm>>) target(%arg22 : memref<64x128xi32, #tpu.memory_space<vmem>>) offsets(%dma_start3A_377 : memref<64xi32, #tpu.memory_space<vmem>>) semaphore(%arg30 : memref<!tpu.dma_semaphore, #tpu.memory_space<semaphore_mem>>)
      %dma_start3A_381 = tpu.memref_slice %arg21[%mul3A_376] : memref<12544xi32, #tpu.memory_space<vmem>> -> memref<64xi32, #tpu.memory_space<vmem>>
      %dma_start3A_382 = arith.constant 0 : i32
      %dma_start3A_383 = arith.constant 0 : i32
      %dma_start3A_384 = tpu.memref_slice %arg9[%dma_start3A_382, %dma_start3A_383] : memref<10000x128xi32, #tpu.memory_space<hbm>> -> memref<10000x128xi32, #tpu.memory_space<hbm>>
      tpu.enqueue_indirect_dma source(%dma_start3A_384 : memref<10000x128xi32, #tpu.memory_space<hbm>>) target(%arg23 : memref<64x128xi32, #tpu.memory_space<vmem>>) offsets(%dma_start3A_381 : memref<64xi32, #tpu.memory_space<vmem>>) semaphore(%arg30 : memref<!tpu.dma_semaphore, #tpu.memory_space<semaphore_mem>>)
      %dma_start3A_385 = tpu.memref_slice %arg20[%mul3A_374] : memref<12544xi32, #tpu.memory_space<vmem>> -> memref<64xi32, #tpu.memory_space<vmem>>
      %dma_start3A_386 = arith.constant 0 : i32
      %dma_start3A_387 = arith.constant 0 : i32
      %dma_start3A_388 = tpu.memref_slice %arg10[%dma_start3A_386, %dma_start3A_387] : memref<40000x128xf32, #tpu.memory_space<hbm>> -> memref<40000x128xf32, #tpu.memory_space<hbm>>
      tpu.enqueue_indirect_dma source(%dma_start3A_388 : memref<40000x128xf32, #tpu.memory_space<hbm>>) target(%arg24 : memref<64x128xf32, #tpu.memory_space<vmem>>) offsets(%dma_start3A_385 : memref<64xi32, #tpu.memory_space<vmem>>) semaphore(%arg30 : memref<!tpu.dma_semaphore, #tpu.memory_space<semaphore_mem>>)
      %dma_start3A_389 = tpu.memref_slice %arg21[%mul3A_376] : memref<12544xi32, #tpu.memory_space<vmem>> -> memref<64xi32, #tpu.memory_space<vmem>>
      %dma_start3A_390 = arith.constant 0 : i32
      %dma_start3A_391 = arith.constant 0 : i32
      %dma_start3A_392 = tpu.memref_slice %arg11[%dma_start3A_390, %dma_start3A_391] : memref<10000x128xf32, #tpu.memory_space<hbm>> -> memref<10000x128xf32, #tpu.memory_space<hbm>>
      tpu.enqueue_indirect_dma source(%dma_start3A_392 : memref<10000x128xf32, #tpu.memory_space<hbm>>) target(%arg25 : memref<64x128xf32, #tpu.memory_space<vmem>>) offsets(%dma_start3A_389 : memref<64xi32, #tpu.memory_space<vmem>>) semaphore(%arg30 : memref<!tpu.dma_semaphore, #tpu.memory_space<semaphore_mem>>)
      %mul3A_393 = arith.constant 2 : i32
      %mul3A_394 = arith.muli %mul3A_393, %scan3A_310 : i32
      %add3A_395 = arith.constant 1 : i32
      %add3A_396 = arith.addi %mul3A_394, %add3A_395 : i32
      %mul3A_397 = arith.constant 64 : i32
      %mul3A_398 = arith.muli %add3A_396, %mul3A_397 : i32
      %mul3A_399 = arith.constant 64 : i32
      %mul3A_400 = arith.muli %add3A_396, %mul3A_399 : i32
      %dma_wait3A_401 = tpu.memref_slice %arg20[%mul3A_398] : memref<12544xi32, #tpu.memory_space<vmem>> -> memref<64xi32, #tpu.memory_space<vmem>>
      %dma_wait3A_402 = arith.constant 0 : i32
      %dma_wait3A_403 = arith.constant 0 : i32
      %dma_wait3A_404 = tpu.memref_slice %arg8[%dma_wait3A_402, %dma_wait3A_403] : memref<40000x128xi32, #tpu.memory_space<hbm>> -> memref<40000x128xi32, #tpu.memory_space<hbm>>
      tpu.wait_indirect_dma semaphore(%arg31 : memref<!tpu.dma_semaphore, #tpu.memory_space<semaphore_mem>>) src(%dma_wait3A_404 : memref<40000x128xi32, #tpu.memory_space<hbm>>) dst(%arg26 : memref<64x128xi32, #tpu.memory_space<vmem>>)
      %dma_wait3A_405 = tpu.memref_slice %arg21[%mul3A_400] : memref<12544xi32, #tpu.memory_space<vmem>> -> memref<64xi32, #tpu.memory_space<vmem>>
      %dma_wait3A_406 = arith.constant 0 : i32
      %dma_wait3A_407 = arith.constant 0 : i32
      %dma_wait3A_408 = tpu.memref_slice %arg9[%dma_wait3A_406, %dma_wait3A_407] : memref<10000x128xi32, #tpu.memory_space<hbm>> -> memref<10000x128xi32, #tpu.memory_space<hbm>>
      tpu.wait_indirect_dma semaphore(%arg31 : memref<!tpu.dma_semaphore, #tpu.memory_space<semaphore_mem>>) src(%dma_wait3A_408 : memref<10000x128xi32, #tpu.memory_space<hbm>>) dst(%arg27 : memref<64x128xi32, #tpu.memory_space<vmem>>)
      %dma_wait3A_409 = tpu.memref_slice %arg20[%mul3A_398] : memref<12544xi32, #tpu.memory_space<vmem>> -> memref<64xi32, #tpu.memory_space<vmem>>
      %dma_wait3A_410 = arith.constant 0 : i32
      %dma_wait3A_411 = arith.constant 0 : i32
      %dma_wait3A_412 = tpu.memref_slice %arg10[%dma_wait3A_410, %dma_wait3A_411] : memref<40000x128xf32, #tpu.memory_space<hbm>> -> memref<40000x128xf32, #tpu.memory_space<hbm>>
      tpu.wait_indirect_dma semaphore(%arg31 : memref<!tpu.dma_semaphore, #tpu.memory_space<semaphore_mem>>) src(%dma_wait3A_412 : memref<40000x128xf32, #tpu.memory_space<hbm>>) dst(%arg28 : memref<64x128xf32, #tpu.memory_space<vmem>>)
      %dma_wait3A_413 = tpu.memref_slice %arg21[%mul3A_400] : memref<12544xi32, #tpu.memory_space<vmem>> -> memref<64xi32, #tpu.memory_space<vmem>>
      %dma_wait3A_414 = arith.constant 0 : i32
      %dma_wait3A_415 = arith.constant 0 : i32
      %dma_wait3A_416 = tpu.memref_slice %arg11[%dma_wait3A_414, %dma_wait3A_415] : memref<10000x128xf32, #tpu.memory_space<hbm>> -> memref<10000x128xf32, #tpu.memory_space<hbm>>
      tpu.wait_indirect_dma semaphore(%arg31 : memref<!tpu.dma_semaphore, #tpu.memory_space<semaphore_mem>>) src(%dma_wait3A_416 : memref<10000x128xf32, #tpu.memory_space<hbm>>) dst(%arg29 : memref<64x128xf32, #tpu.memory_space<vmem>>)
      %scan3A_417 = arith.constant 0 : i32
      %scan3A_418 = arith.constant 0 : i32
      %scan3A_419 = arith.constant 64 : i32
      %scan3A_420 = arith.addi %scan3A_418, %scan3A_419 : i32
      %scan3A_421 = arith.constant 1 : i32
      scf.for %scan3A_477 = %scan3A_418 to %scan3A_420 step %scan3A_421  : i32 {
        %get3A = arith.index_cast %scan3A_477 : i32 to index
        %get3A_478 = arith.constant 0 : index
        %get3A_479 = tpu.vector_load %arg28[%get3A, %get3A_478] {strides = array<i32>} : memref<64x128xf32, #tpu.memory_space<vmem>>, vector<1x16xf32>,
        %get3A_480 = vector.shape_cast %get3A_479 : vector<1x16xf32> to vector<16xf32>
        %get3A_481 = arith.index_cast %scan3A_477 : i32 to index
        %get3A_482 = arith.constant 0 : index
        %get3A_483 = tpu.vector_load %arg29[%get3A_481, %get3A_482] {strides = array<i32>} : memref<64x128xf32, #tpu.memory_space<vmem>>, vector<1x16xf32>,
        %get3A_484 = vector.shape_cast %get3A_483 : vector<1x16xf32> to vector<16xf32>
        %sub3A = arith.subf %get3A_480, %get3A_484 : vector<16xf32>
        %swap3A = arith.index_cast %scan3A_477 : i32 to index
        %swap3A_485 = arith.constant 0 : index
        %swap3A_486 = tpu.vector_load %arg28[%swap3A, %swap3A_485] {strides = array<i32>} : memref<64x128xf32, #tpu.memory_space<vmem>>, vector<1x16xf32>,
        %swap3A_487 = vector.shape_cast %swap3A_486 : vector<1x16xf32> to vector<16xf32>
        %swap3A_488 = vector.shape_cast %sub3A : vector<16xf32> to vector<1x16xf32>
        tpu.vector_store %arg28[%swap3A, %swap3A_485], %swap3A_488 {strides = array<i32>} : memref<64x128xf32, #tpu.memory_space<vmem>>, vector<1x16xf32>,
        %get3A_489 = arith.index_cast %scan3A_477 : i32 to index
        %get3A_490 = arith.constant 16 : index
        %get3A_491 = tpu.vector_load %arg28[%get3A_489, %get3A_490] {strides = array<i32>} : memref<64x128xf32, #tpu.memory_space<vmem>>, vector<1x16xf32>,
        %get3A_492 = vector.shape_cast %get3A_491 : vector<1x16xf32> to vector<16xf32>
        %get3A_493 = arith.index_cast %scan3A_477 : i32 to index
        %get3A_494 = arith.constant 16 : index
        %get3A_495 = tpu.vector_load %arg29[%get3A_493, %get3A_494] {strides = array<i32>} : memref<64x128xf32, #tpu.memory_space<vmem>>, vector<1x16xf32>,
        %get3A_496 = vector.shape_cast %get3A_495 : vector<1x16xf32> to vector<16xf32>
        %sub3A_497 = arith.subf %get3A_492, %get3A_496 : vector<16xf32>
        %swap3A_498 = arith.index_cast %scan3A_477 : i32 to index
        %swap3A_499 = arith.constant 16 : index
        %swap3A_500 = tpu.vector_load %arg28[%swap3A_498, %swap3A_499] {strides = array<i32>} : memref<64x128xf32, #tpu.memory_space<vmem>>, vector<1x16xf32>,
        %swap3A_501 = vector.shape_cast %swap3A_500 : vector<1x16xf32> to vector<16xf32>
        %swap3A_502 = vector.shape_cast %sub3A_497 : vector<16xf32> to vector<1x16xf32>
        tpu.vector_store %arg28[%swap3A_498, %swap3A_499], %swap3A_502 {strides = array<i32>} : memref<64x128xf32, #tpu.memory_space<vmem>>, vector<1x16xf32>,
        %get3A_503 = arith.index_cast %scan3A_477 : i32 to index
        %get3A_504 = arith.constant 32 : index
        %get3A_505 = tpu.vector_load %arg28[%get3A_503, %get3A_504] {strides = array<i32>} : memref<64x128xf32, #tpu.memory_space<vmem>>, vector<1x16xf32>,
        %get3A_506 = vector.shape_cast %get3A_505 : vector<1x16xf32> to vector<16xf32>
        %get3A_507 = arith.index_cast %scan3A_477 : i32 to index
        %get3A_508 = arith.constant 32 : index
        %get3A_509 = tpu.vector_load %arg29[%get3A_507, %get3A_508] {strides = array<i32>} : memref<64x128xf32, #tpu.memory_space<vmem>>, vector<1x16xf32>,
        %get3A_510 = vector.shape_cast %get3A_509 : vector<1x16xf32> to vector<16xf32>
        %sub3A_511 = arith.subf %get3A_506, %get3A_510 : vector<16xf32>
        %swap3A_512 = arith.index_cast %scan3A_477 : i32 to index
        %swap3A_513 = arith.constant 32 : index
        %swap3A_514 = tpu.vector_load %arg28[%swap3A_512, %swap3A_513] {strides = array<i32>} : memref<64x128xf32, #tpu.memory_space<vmem>>, vector<1x16xf32>,
        %swap3A_515 = vector.shape_cast %swap3A_514 : vector<1x16xf32> to vector<16xf32>
        %swap3A_516 = vector.shape_cast %sub3A_511 : vector<16xf32> to vector<1x16xf32>
        tpu.vector_store %arg28[%swap3A_512, %swap3A_513], %swap3A_516 {strides = array<i32>} : memref<64x128xf32, #tpu.memory_space<vmem>>, vector<1x16xf32>,
        %get3A_517 = arith.index_cast %scan3A_477 : i32 to index
        %get3A_518 = arith.constant 48 : index
        %get3A_519 = tpu.vector_load %arg28[%get3A_517, %get3A_518] {strides = array<i32>} : memref<64x128xf32, #tpu.memory_space<vmem>>, vector<1x16xf32>,
        %get3A_520 = vector.shape_cast %get3A_519 : vector<1x16xf32> to vector<16xf32>
        %get3A_521 = arith.index_cast %scan3A_477 : i32 to index
        %get3A_522 = arith.constant 48 : index
        %get3A_523 = tpu.vector_load %arg29[%get3A_521, %get3A_522] {strides = array<i32>} : memref<64x128xf32, #tpu.memory_space<vmem>>, vector<1x16xf32>,
        %get3A_524 = vector.shape_cast %get3A_523 : vector<1x16xf32> to vector<16xf32>
        %sub3A_525 = arith.subf %get3A_520, %get3A_524 : vector<16xf32>
        %swap3A_526 = arith.index_cast %scan3A_477 : i32 to index
        %swap3A_527 = arith.constant 48 : index
        %swap3A_528 = tpu.vector_load %arg28[%swap3A_526, %swap3A_527] {strides = array<i32>} : memref<64x128xf32, #tpu.memory_space<vmem>>, vector<1x16xf32>,
        %swap3A_529 = vector.shape_cast %swap3A_528 : vector<1x16xf32> to vector<16xf32>
        %swap3A_530 = vector.shape_cast %sub3A_525 : vector<16xf32> to vector<1x16xf32>
        tpu.vector_store %arg28[%swap3A_526, %swap3A_527], %swap3A_530 {strides = array<i32>} : memref<64x128xf32, #tpu.memory_space<vmem>>, vector<1x16xf32>,
        %get3A_531 = arith.index_cast %scan3A_477 : i32 to index
        %get3A_532 = arith.constant 64 : index
        %get3A_533 = tpu.vector_load %arg28[%get3A_531, %get3A_532] {strides = array<i32>} : memref<64x128xf32, #tpu.memory_space<vmem>>, vector<1x16xf32>,
        %get3A_534 = vector.shape_cast %get3A_533 : vector<1x16xf32> to vector<16xf32>
        %get3A_535 = arith.index_cast %scan3A_477 : i32 to index
        %get3A_536 = arith.constant 64 : index
        %get3A_537 = tpu.vector_load %arg29[%get3A_535, %get3A_536] {strides = array<i32>} : memref<64x128xf32, #tpu.memory_space<vmem>>, vector<1x16xf32>,
        %get3A_538 = vector.shape_cast %get3A_537 : vector<1x16xf32> to vector<16xf32>
        %sub3A_539 = arith.subf %get3A_534, %get3A_538 : vector<16xf32>
        %swap3A_540 = arith.index_cast %scan3A_477 : i32 to index
        %swap3A_541 = arith.constant 64 : index
        %swap3A_542 = tpu.vector_load %arg28[%swap3A_540, %swap3A_541] {strides = array<i32>} : memref<64x128xf32, #tpu.memory_space<vmem>>, vector<1x16xf32>,
        %swap3A_543 = vector.shape_cast %swap3A_542 : vector<1x16xf32> to vector<16xf32>
        %swap3A_544 = vector.shape_cast %sub3A_539 : vector<16xf32> to vector<1x16xf32>
        tpu.vector_store %arg28[%swap3A_540, %swap3A_541], %swap3A_544 {strides = array<i32>} : memref<64x128xf32, #tpu.memory_space<vmem>>, vector<1x16xf32>,
        %get3A_545 = arith.index_cast %scan3A_477 : i32 to index
        %get3A_546 = arith.constant 80 : index
        %get3A_547 = tpu.vector_load %arg28[%get3A_545, %get3A_546] {strides = array<i32>} : memref<64x128xf32, #tpu.memory_space<vmem>>, vector<1x16xf32>,
        %get3A_548 = vector.shape_cast %get3A_547 : vector<1x16xf32> to vector<16xf32>
        %get3A_549 = arith.index_cast %scan3A_477 : i32 to index
        %get3A_550 = arith.constant 80 : index
        %get3A_551 = tpu.vector_load %arg29[%get3A_549, %get3A_550] {strides = array<i32>} : memref<64x128xf32, #tpu.memory_space<vmem>>, vector<1x16xf32>,
        %get3A_552 = vector.shape_cast %get3A_551 : vector<1x16xf32> to vector<16xf32>
        %sub3A_553 = arith.subf %get3A_548, %get3A_552 : vector<16xf32>
        %swap3A_554 = arith.index_cast %scan3A_477 : i32 to index
        %swap3A_555 = arith.constant 80 : index
        %swap3A_556 = tpu.vector_load %arg28[%swap3A_554, %swap3A_555] {strides = array<i32>} : memref<64x128xf32, #tpu.memory_space<vmem>>, vector<1x16xf32>,
        %swap3A_557 = vector.shape_cast %swap3A_556 : vector<1x16xf32> to vector<16xf32>
        %swap3A_558 = vector.shape_cast %sub3A_553 : vector<16xf32> to vector<1x16xf32>
        tpu.vector_store %arg28[%swap3A_554, %swap3A_555], %swap3A_558 {strides = array<i32>} : memref<64x128xf32, #tpu.memory_space<vmem>>, vector<1x16xf32>,
        %get3A_559 = arith.index_cast %scan3A_477 : i32 to index
        %get3A_560 = arith.constant 96 : index
        %get3A_561 = tpu.vector_load %arg28[%get3A_559, %get3A_560] {strides = array<i32>} : memref<64x128xf32, #tpu.memory_space<vmem>>, vector<1x16xf32>,
        %get3A_562 = vector.shape_cast %get3A_561 : vector<1x16xf32> to vector<16xf32>
        %get3A_563 = arith.index_cast %scan3A_477 : i32 to index
        %get3A_564 = arith.constant 96 : index
        %get3A_565 = tpu.vector_load %arg29[%get3A_563, %get3A_564] {strides = array<i32>} : memref<64x128xf32, #tpu.memory_space<vmem>>, vector<1x16xf32>,
        %get3A_566 = vector.shape_cast %get3A_565 : vector<1x16xf32> to vector<16xf32>
        %sub3A_567 = arith.subf %get3A_562, %get3A_566 : vector<16xf32>
        %swap3A_568 = arith.index_cast %scan3A_477 : i32 to index
        %swap3A_569 = arith.constant 96 : index
        %swap3A_570 = tpu.vector_load %arg28[%swap3A_568, %swap3A_569] {strides = array<i32>} : memref<64x128xf32, #tpu.memory_space<vmem>>, vector<1x16xf32>,
        %swap3A_571 = vector.shape_cast %swap3A_570 : vector<1x16xf32> to vector<16xf32>
        %swap3A_572 = vector.shape_cast %sub3A_567 : vector<16xf32> to vector<1x16xf32>
        tpu.vector_store %arg28[%swap3A_568, %swap3A_569], %swap3A_572 {strides = array<i32>} : memref<64x128xf32, #tpu.memory_space<vmem>>, vector<1x16xf32>,
        %get3A_573 = arith.index_cast %scan3A_477 : i32 to index
        %get3A_574 = arith.constant 112 : index
        %get3A_575 = tpu.vector_load %arg28[%get3A_573, %get3A_574] {strides = array<i32>} : memref<64x128xf32, #tpu.memory_space<vmem>>, vector<1x16xf32>,
        %get3A_576 = vector.shape_cast %get3A_575 : vector<1x16xf32> to vector<16xf32>
        %get3A_577 = arith.index_cast %scan3A_477 : i32 to index
        %get3A_578 = arith.constant 112 : index
        %get3A_579 = tpu.vector_load %arg29[%get3A_577, %get3A_578] {strides = array<i32>} : memref<64x128xf32, #tpu.memory_space<vmem>>, vector<1x16xf32>,
        %get3A_580 = vector.shape_cast %get3A_579 : vector<1x16xf32> to vector<16xf32>
        %sub3A_581 = arith.subf %get3A_576, %get3A_580 : vector<16xf32>
        %swap3A_582 = arith.index_cast %scan3A_477 : i32 to index
        %swap3A_583 = arith.constant 112 : index
        %swap3A_584 = tpu.vector_load %arg28[%swap3A_582, %swap3A_583] {strides = array<i32>} : memref<64x128xf32, #tpu.memory_space<vmem>>, vector<1x16xf32>,
        %swap3A_585 = vector.shape_cast %swap3A_584 : vector<1x16xf32> to vector<16xf32>
        %swap3A_586 = vector.shape_cast %sub3A_581 : vector<16xf32> to vector<1x16xf32>
        tpu.vector_store %arg28[%swap3A_582, %swap3A_583], %swap3A_586 {strides = array<i32>} : memref<64x128xf32, #tpu.memory_space<vmem>>, vector<1x16xf32>,
      }
      %scan3A_422 = arith.constant 64 : i32
      %mul3A_423 = arith.constant 64 : i32
      %mul3A_424 = arith.muli %add3A_396, %mul3A_423 : i32
      %add3A_425 = arith.addi %mul3A_155, %mul3A_424 : i32
      %dma_start3A_426 = arith.constant 0 : i32
      %dma_start3A_427 = tpu.memref_slice %arg17[%add3A_425, %dma_start3A_426] : memref<401408x128xi32, #tpu.memory_space<hbm>> -> memref<64x128xi32, #tpu.memory_space<hbm>>
      %dma_start3A_428 = arith.constant 0 : i32
      %dma_start3A_429 = tpu.memref_slice %arg17[%add3A_425, %dma_start3A_428] : memref<401408x128xi32, #tpu.memory_space<hbm>> -> memref<64x128xi32, #tpu.memory_space<hbm>>
      tpu.enqueue_dma source(%arg26 : memref<64x128xi32, #tpu.memory_space<vmem>>) target(%dma_start3A_429 : memref<64x128xi32, #tpu.memory_space<hbm>>) target_semaphore(%arg33 : memref<!tpu.dma_semaphore, #tpu.memory_space<semaphore_mem>>)
      %dma_start3A_430 = arith.constant 0 : i32
      %dma_start3A_431 = tpu.memref_slice %arg18[%add3A_425, %dma_start3A_430] : memref<401408x128xi32, #tpu.memory_space<hbm>> -> memref<64x128xi32, #tpu.memory_space<hbm>>
      %dma_start3A_432 = arith.constant 0 : i32
      %dma_start3A_433 = tpu.memref_slice %arg18[%add3A_425, %dma_start3A_432] : memref<401408x128xi32, #tpu.memory_space<hbm>> -> memref<64x128xi32, #tpu.memory_space<hbm>>
      tpu.enqueue_dma source(%arg27 : memref<64x128xi32, #tpu.memory_space<vmem>>) target(%dma_start3A_433 : memref<64x128xi32, #tpu.memory_space<hbm>>) target_semaphore(%arg33 : memref<!tpu.dma_semaphore, #tpu.memory_space<semaphore_mem>>)
      %dma_start3A_434 = arith.constant 0 : i32
      %dma_start3A_435 = tpu.memref_slice %arg19[%add3A_425, %dma_start3A_434] : memref<401408x128xf32, #tpu.memory_space<hbm>> -> memref<64x128xf32, #tpu.memory_space<hbm>>
      %dma_start3A_436 = arith.constant 0 : i32
      %dma_start3A_437 = tpu.memref_slice %arg19[%add3A_425, %dma_start3A_436] : memref<401408x128xf32, #tpu.memory_space<hbm>> -> memref<64x128xf32, #tpu.memory_space<hbm>>
      tpu.enqueue_dma source(%arg28 : memref<64x128xf32, #tpu.memory_space<vmem>>) target(%dma_start3A_437 : memref<64x128xf32, #tpu.memory_space<hbm>>) target_semaphore(%arg33 : memref<!tpu.dma_semaphore, #tpu.memory_space<semaphore_mem>>)
      %mul3A_438 = arith.constant 2 : i32
      %mul3A_439 = arith.muli %mul3A_438, %scan3A_310 : i32
      %add3A_440 = arith.constant 3 : i32
      %add3A_441 = arith.addi %mul3A_439, %add3A_440 : i32
      %mul3A_442 = arith.constant 64 : i32
      %mul3A_443 = arith.muli %add3A_441, %mul3A_442 : i32
      %add3A_444 = arith.addi %mul3A_155, %mul3A_443 : i32
      %dma_wait3A_445 = arith.constant 0 : i32
      %dma_wait3A_446 = tpu.memref_slice %arg17[%add3A_444, %dma_wait3A_445] : memref<401408x128xi32, #tpu.memory_space<hbm>> -> memref<64x128xi32, #tpu.memory_space<hbm>>
      %dma_wait3A_447 = arith.constant 0 : i32
      %dma_wait3A_448 = tpu.memref_slice %arg17[%add3A_444, %dma_wait3A_447] : memref<401408x128xi32, #tpu.memory_space<hbm>> -> memref<64x128xi32, #tpu.memory_space<hbm>>
      tpu.wait_dma2 semaphore(%arg33 : memref<!tpu.dma_semaphore, #tpu.memory_space<semaphore_mem>>) src(%arg26 : memref<64x128xi32, #tpu.memory_space<vmem>>) dst(%dma_wait3A_448 : memref<64x128xi32, #tpu.memory_space<hbm>>)
      %dma_wait3A_449 = arith.constant 0 : i32
      %dma_wait3A_450 = tpu.memref_slice %arg18[%add3A_444, %dma_wait3A_449] : memref<401408x128xi32, #tpu.memory_space<hbm>> -> memref<64x128xi32, #tpu.memory_space<hbm>>
      %dma_wait3A_451 = arith.constant 0 : i32
      %dma_wait3A_452 = tpu.memref_slice %arg18[%add3A_444, %dma_wait3A_451] : memref<401408x128xi32, #tpu.memory_space<hbm>> -> memref<64x128xi32, #tpu.memory_space<hbm>>
      tpu.wait_dma2 semaphore(%arg33 : memref<!tpu.dma_semaphore, #tpu.memory_space<semaphore_mem>>) src(%arg27 : memref<64x128xi32, #tpu.memory_space<vmem>>) dst(%dma_wait3A_452 : memref<64x128xi32, #tpu.memory_space<hbm>>)
      %dma_wait3A_453 = arith.constant 0 : i32
      %dma_wait3A_454 = tpu.memref_slice %arg19[%add3A_444, %dma_wait3A_453] : memref<401408x128xf32, #tpu.memory_space<hbm>> -> memref<64x128xf32, #tpu.memory_space<hbm>>
      %dma_wait3A_455 = arith.constant 0 : i32
      %dma_wait3A_456 = tpu.memref_slice %arg19[%add3A_444, %dma_wait3A_455] : memref<401408x128xf32, #tpu.memory_space<hbm>> -> memref<64x128xf32, #tpu.memory_space<hbm>>
      tpu.wait_dma2 semaphore(%arg33 : memref<!tpu.dma_semaphore, #tpu.memory_space<semaphore_mem>>) src(%arg28 : memref<64x128xf32, #tpu.memory_space<vmem>>) dst(%dma_wait3A_456 : memref<64x128xf32, #tpu.memory_space<hbm>>)
      %mul3A_457 = arith.constant 64 : i32
      %mul3A_458 = arith.muli %add3A_441, %mul3A_457 : i32
      %mul3A_459 = arith.constant 64 : i32
      %mul3A_460 = arith.muli %add3A_441, %mul3A_459 : i32
      %dma_start3A_461 = tpu.memref_slice %arg20[%mul3A_458] : memref<12544xi32, #tpu.memory_space<vmem>> -> memref<64xi32, #tpu.memory_space<vmem>>
      %dma_start3A_462 = arith.constant 0 : i32
      %dma_start3A_463 = arith.constant 0 : i32
      %dma_start3A_464 = tpu.memref_slice %arg8[%dma_start3A_462, %dma_start3A_463] : memref<40000x128xi32, #tpu.memory_space<hbm>> -> memref<40000x128xi32, #tpu.memory_space<hbm>>
      tpu.enqueue_indirect_dma source(%dma_start3A_464 : memref<40000x128xi32, #tpu.memory_space<hbm>>) target(%arg26 : memref<64x128xi32, #tpu.memory_space<vmem>>) offsets(%dma_start3A_461 : memref<64xi32, #tpu.memory_space<vmem>>) semaphore(%arg31 : memref<!tpu.dma_semaphore, #tpu.memory_space<semaphore_mem>>)
      %dma_start3A_465 = tpu.memref_slice %arg21[%mul3A_460] : memref<12544xi32, #tpu.memory_space<vmem>> -> memref<64xi32, #tpu.memory_space<vmem>>
      %dma_start3A_466 = arith.constant 0 : i32
      %dma_start3A_467 = arith.constant 0 : i32
      %dma_start3A_468 = tpu.memref_slice %arg9[%dma_start3A_466, %dma_start3A_467] : memref<10000x128xi32, #tpu.memory_space<hbm>> -> memref<10000x128xi32, #tpu.memory_space<hbm>>
      tpu.enqueue_indirect_dma source(%dma_start3A_468 : memref<10000x128xi32, #tpu.memory_space<hbm>>) target(%arg27 : memref<64x128xi32, #tpu.memory_space<vmem>>) offsets(%dma_start3A_465 : memref<64xi32, #tpu.memory_space<vmem>>) semaphore(%arg31 : memref<!tpu.dma_semaphore, #tpu.memory_space<semaphore_mem>>)
      %dma_start3A_469 = tpu.memref_slice %arg20[%mul3A_458] : memref<12544xi32, #tpu.memory_space<vmem>> -> memref<64xi32, #tpu.memory_space<vmem>>
      %dma_start3A_470 = arith.constant 0 : i32
      %dma_start3A_471 = arith.constant 0 : i32
      %dma_start3A_472 = tpu.memref_slice %arg10[%dma_start3A_470, %dma_start3A_471] : memref<40000x128xf32, #tpu.memory_space<hbm>> -> memref<40000x128xf32, #tpu.memory_space<hbm>>
      tpu.enqueue_indirect_dma source(%dma_start3A_472 : memref<40000x128xf32, #tpu.memory_space<hbm>>) target(%arg28 : memref<64x128xf32, #tpu.memory_space<vmem>>) offsets(%dma_start3A_469 : memref<64xi32, #tpu.memory_space<vmem>>) semaphore(%arg31 : memref<!tpu.dma_semaphore, #tpu.memory_space<semaphore_mem>>)
      %dma_start3A_473 = tpu.memref_slice %arg21[%mul3A_460] : memref<12544xi32, #tpu.memory_space<vmem>> -> memref<64xi32, #tpu.memory_space<vmem>>
      %dma_start3A_474 = arith.constant 0 : i32
      %dma_start3A_475 = arith.constant 0 : i32
      %dma_start3A_476 = tpu.memref_slice %arg11[%dma_start3A_474, %dma_start3A_475] : memref<10000x128xf32, #tpu.memory_space<hbm>> -> memref<10000x128xf32, #tpu.memory_space<hbm>>
      tpu.enqueue_indirect_dma source(%dma_start3A_476 : memref<10000x128xf32, #tpu.memory_space<hbm>>) target(%arg29 : memref<64x128xf32, #tpu.memory_space<vmem>>) offsets(%dma_start3A_473 : memref<64xi32, #tpu.memory_space<vmem>>) semaphore(%arg31 : memref<!tpu.dma_semaphore, #tpu.memory_space<semaphore_mem>>)
    }
    %scan3A_201 = arith.constant 97 : i32
    %dma_wait3A_202 = arith.constant 12416 : i32
    %dma_wait3A_203 = tpu.memref_slice %arg20[%dma_wait3A_202] : memref<12544xi32, #tpu.memory_space<vmem>> -> memref<64xi32, #tpu.memory_space<vmem>>
    %dma_wait3A_204 = arith.constant 0 : i32
    %dma_wait3A_205 = arith.constant 0 : i32
    %dma_wait3A_206 = tpu.memref_slice %arg8[%dma_wait3A_204, %dma_wait3A_205] : memref<40000x128xi32, #tpu.memory_space<hbm>> -> memref<40000x128xi32, #tpu.memory_space<hbm>>
    tpu.wait_indirect_dma semaphore(%arg30 : memref<!tpu.dma_semaphore, #tpu.memory_space<semaphore_mem>>) src(%dma_wait3A_206 : memref<40000x128xi32, #tpu.memory_space<hbm>>) dst(%arg22 : memref<64x128xi32, #tpu.memory_space<vmem>>)
    %dma_wait3A_207 = arith.constant 12416 : i32
    %dma_wait3A_208 = tpu.memref_slice %arg21[%dma_wait3A_207] : memref<12544xi32, #tpu.memory_space<vmem>> -> memref<64xi32, #tpu.memory_space<vmem>>
    %dma_wait3A_209 = arith.constant 0 : i32
    %dma_wait3A_210 = arith.constant 0 : i32
    %dma_wait3A_211 = tpu.memref_slice %arg9[%dma_wait3A_209, %dma_wait3A_210] : memref<10000x128xi32, #tpu.memory_space<hbm>> -> memref<10000x128xi32, #tpu.memory_space<hbm>>
    tpu.wait_indirect_dma semaphore(%arg30 : memref<!tpu.dma_semaphore, #tpu.memory_space<semaphore_mem>>) src(%dma_wait3A_211 : memref<10000x128xi32, #tpu.memory_space<hbm>>) dst(%arg23 : memref<64x128xi32, #tpu.memory_space<vmem>>)
    %dma_wait3A_212 = arith.constant 12416 : i32
    %dma_wait3A_213 = tpu.memref_slice %arg20[%dma_wait3A_212] : memref<12544xi32, #tpu.memory_space<vmem>> -> memref<64xi32, #tpu.memory_space<vmem>>
    %dma_wait3A_214 = arith.constant 0 : i32
    %dma_wait3A_215 = arith.constant 0 : i32
    %dma_wait3A_216 = tpu.memref_slice %arg10[%dma_wait3A_214, %dma_wait3A_215] : memref<40000x128xf32, #tpu.memory_space<hbm>> -> memref<40000x128xf32, #tpu.memory_space<hbm>>
    tpu.wait_indirect_dma semaphore(%arg30 : memref<!tpu.dma_semaphore, #tpu.memory_space<semaphore_mem>>) src(%dma_wait3A_216 : memref<40000x128xf32, #tpu.memory_space<hbm>>) dst(%arg24 : memref<64x128xf32, #tpu.memory_space<vmem>>)
    %dma_wait3A_217 = arith.constant 12416 : i32
    %dma_wait3A_218 = tpu.memref_slice %arg21[%dma_wait3A_217] : memref<12544xi32, #tpu.memory_space<vmem>> -> memref<64xi32, #tpu.memory_space<vmem>>
    %dma_wait3A_219 = arith.constant 0 : i32
    %dma_wait3A_220 = arith.constant 0 : i32
    %dma_wait3A_221 = tpu.memref_slice %arg11[%dma_wait3A_219, %dma_wait3A_220] : memref<10000x128xf32, #tpu.memory_space<hbm>> -> memref<10000x128xf32, #tpu.memory_space<hbm>>
    tpu.wait_indirect_dma semaphore(%arg30 : memref<!tpu.dma_semaphore, #tpu.memory_space<semaphore_mem>>) src(%dma_wait3A_221 : memref<10000x128xf32, #tpu.memory_space<hbm>>) dst(%arg25 : memref<64x128xf32, #tpu.memory_space<vmem>>)
    %scan3A_222 = arith.constant 0 : i32
    %scan3A_223 = arith.constant 0 : i32
    %scan3A_224 = arith.constant 64 : i32
    %scan3A_225 = arith.addi %scan3A_223, %scan3A_224 : i32
    %scan3A_226 = arith.constant 1 : i32
    scf.for %scan3A_310 = %scan3A_223 to %scan3A_225 step %scan3A_226  : i32 {
      %get3A = arith.index_cast %scan3A_310 : i32 to index
      %get3A_311 = arith.constant 0 : index
      %get3A_312 = tpu.vector_load %arg24[%get3A, %get3A_311] {strides = array<i32>} : memref<64x128xf32, #tpu.memory_space<vmem>>, vector<1x16xf32>,
      %get3A_313 = vector.shape_cast %get3A_312 : vector<1x16xf32> to vector<16xf32>
      %get3A_314 = arith.index_cast %scan3A_310 : i32 to index
      %get3A_315 = arith.constant 0 : index
      %get3A_316 = tpu.vector_load %arg25[%get3A_314, %get3A_315] {strides = array<i32>} : memref<64x128xf32, #tpu.memory_space<vmem>>, vector<1x16xf32>,
      %get3A_317 = vector.shape_cast %get3A_316 : vector<1x16xf32> to vector<16xf32>
      %sub3A = arith.subf %get3A_313, %get3A_317 : vector<16xf32>
      %swap3A = arith.index_cast %scan3A_310 : i32 to index
      %swap3A_318 = arith.constant 0 : index
      %swap3A_319 = tpu.vector_load %arg24[%swap3A, %swap3A_318] {strides = array<i32>} : memref<64x128xf32, #tpu.memory_space<vmem>>, vector<1x16xf32>,
      %swap3A_320 = vector.shape_cast %swap3A_319 : vector<1x16xf32> to vector<16xf32>
      %swap3A_321 = vector.shape_cast %sub3A : vector<16xf32> to vector<1x16xf32>
      tpu.vector_store %arg24[%swap3A, %swap3A_318], %swap3A_321 {strides = array<i32>} : memref<64x128xf32, #tpu.memory_space<vmem>>, vector<1x16xf32>,
      %get3A_322 = arith.index_cast %scan3A_310 : i32 to index
      %get3A_323 = arith.constant 16 : index
      %get3A_324 = tpu.vector_load %arg24[%get3A_322, %get3A_323] {strides = array<i32>} : memref<64x128xf32, #tpu.memory_space<vmem>>, vector<1x16xf32>,
      %get3A_325 = vector.shape_cast %get3A_324 : vector<1x16xf32> to vector<16xf32>
      %get3A_326 = arith.index_cast %scan3A_310 : i32 to index
      %get3A_327 = arith.constant 16 : index
      %get3A_328 = tpu.vector_load %arg25[%get3A_326, %get3A_327] {strides = array<i32>} : memref<64x128xf32, #tpu.memory_space<vmem>>, vector<1x16xf32>,
      %get3A_329 = vector.shape_cast %get3A_328 : vector<1x16xf32> to vector<16xf32>
      %sub3A_330 = arith.subf %get3A_325, %get3A_329 : vector<16xf32>
      %swap3A_331 = arith.index_cast %scan3A_310 : i32 to index
      %swap3A_332 = arith.constant 16 : index
      %swap3A_333 = tpu.vector_load %arg24[%swap3A_331, %swap3A_332] {strides = array<i32>} : memref<64x128xf32, #tpu.memory_space<vmem>>, vector<1x16xf32>,
      %swap3A_334 = vector.shape_cast %swap3A_333 : vector<1x16xf32> to vector<16xf32>
      %swap3A_335 = vector.shape_cast %sub3A_330 : vector<16xf32> to vector<1x16xf32>
      tpu.vector_store %arg24[%swap3A_331, %swap3A_332], %swap3A_335 {strides = array<i32>} : memref<64x128xf32, #tpu.memory_space<vmem>>, vector<1x16xf32>,
      %get3A_336 = arith.index_cast %scan3A_310 : i32 to index
      %get3A_337 = arith.constant 32 : index
      %get3A_338 = tpu.vector_load %arg24[%get3A_336, %get3A_337] {strides = array<i32>} : memref<64x128xf32, #tpu.memory_space<vmem>>, vector<1x16xf32>,
      %get3A_339 = vector.shape_cast %get3A_338 : vector<1x16xf32> to vector<16xf32>
      %get3A_340 = arith.index_cast %scan3A_310 : i32 to index
      %get3A_341 = arith.constant 32 : index
      %get3A_342 = tpu.vector_load %arg25[%get3A_340, %get3A_341] {strides = array<i32>} : memref<64x128xf32, #tpu.memory_space<vmem>>, vector<1x16xf32>,
      %get3A_343 = vector.shape_cast %get3A_342 : vector<1x16xf32> to vector<16xf32>
      %sub3A_344 = arith.subf %get3A_339, %get3A_343 : vector<16xf32>
      %swap3A_345 = arith.index_cast %scan3A_310 : i32 to index
      %swap3A_346 = arith.constant 32 : index
      %swap3A_347 = tpu.vector_load %arg24[%swap3A_345, %swap3A_346] {strides = array<i32>} : memref<64x128xf32, #tpu.memory_space<vmem>>, vector<1x16xf32>,
      %swap3A_348 = vector.shape_cast %swap3A_347 : vector<1x16xf32> to vector<16xf32>
      %swap3A_349 = vector.shape_cast %sub3A_344 : vector<16xf32> to vector<1x16xf32>
      tpu.vector_store %arg24[%swap3A_345, %swap3A_346], %swap3A_349 {strides = array<i32>} : memref<64x128xf32, #tpu.memory_space<vmem>>, vector<1x16xf32>,
      %get3A_350 = arith.index_cast %scan3A_310 : i32 to index
      %get3A_351 = arith.constant 48 : index
      %get3A_352 = tpu.vector_load %arg24[%get3A_350, %get3A_351] {strides = array<i32>} : memref<64x128xf32, #tpu.memory_space<vmem>>, vector<1x16xf32>,
      %get3A_353 = vector.shape_cast %get3A_352 : vector<1x16xf32> to vector<16xf32>
      %get3A_354 = arith.index_cast %scan3A_310 : i32 to index
      %get3A_355 = arith.constant 48 : index
      %get3A_356 = tpu.vector_load %arg25[%get3A_354, %get3A_355] {strides = array<i32>} : memref<64x128xf32, #tpu.memory_space<vmem>>, vector<1x16xf32>,
      %get3A_357 = vector.shape_cast %get3A_356 : vector<1x16xf32> to vector<16xf32>
      %sub3A_358 = arith.subf %get3A_353, %get3A_357 : vector<16xf32>
      %swap3A_359 = arith.index_cast %scan3A_310 : i32 to index
      %swap3A_360 = arith.constant 48 : index
      %swap3A_361 = tpu.vector_load %arg24[%swap3A_359, %swap3A_360] {strides = array<i32>} : memref<64x128xf32, #tpu.memory_space<vmem>>, vector<1x16xf32>,
      %swap3A_362 = vector.shape_cast %swap3A_361 : vector<1x16xf32> to vector<16xf32>
      %swap3A_363 = vector.shape_cast %sub3A_358 : vector<16xf32> to vector<1x16xf32>
      tpu.vector_store %arg24[%swap3A_359, %swap3A_360], %swap3A_363 {strides = array<i32>} : memref<64x128xf32, #tpu.memory_space<vmem>>, vector<1x16xf32>,
      %get3A_364 = arith.index_cast %scan3A_310 : i32 to index
      %get3A_365 = arith.constant 64 : index
      %get3A_366 = tpu.vector_load %arg24[%get3A_364, %get3A_365] {strides = array<i32>} : memref<64x128xf32, #tpu.memory_space<vmem>>, vector<1x16xf32>,
      %get3A_367 = vector.shape_cast %get3A_366 : vector<1x16xf32> to vector<16xf32>
      %get3A_368 = arith.index_cast %scan3A_310 : i32 to index
      %get3A_369 = arith.constant 64 : index
      %get3A_370 = tpu.vector_load %arg25[%get3A_368, %get3A_369] {strides = array<i32>} : memref<64x128xf32, #tpu.memory_space<vmem>>, vector<1x16xf32>,
      %get3A_371 = vector.shape_cast %get3A_370 : vector<1x16xf32> to vector<16xf32>
      %sub3A_372 = arith.subf %get3A_367, %get3A_371 : vector<16xf32>
      %swap3A_373 = arith.index_cast %scan3A_310 : i32 to index
      %swap3A_374 = arith.constant 64 : index
      %swap3A_375 = tpu.vector_load %arg24[%swap3A_373, %swap3A_374] {strides = array<i32>} : memref<64x128xf32, #tpu.memory_space<vmem>>, vector<1x16xf32>,
      %swap3A_376 = vector.shape_cast %swap3A_375 : vector<1x16xf32> to vector<16xf32>
      %swap3A_377 = vector.shape_cast %sub3A_372 : vector<16xf32> to vector<1x16xf32>
      tpu.vector_store %arg24[%swap3A_373, %swap3A_374], %swap3A_377 {strides = array<i32>} : memref<64x128xf32, #tpu.memory_space<vmem>>, vector<1x16xf32>,
      %get3A_378 = arith.index_cast %scan3A_310 : i32 to index
      %get3A_379 = arith.constant 80 : index
      %get3A_380 = tpu.vector_load %arg24[%get3A_378, %get3A_379] {strides = array<i32>} : memref<64x128xf32, #tpu.memory_space<vmem>>, vector<1x16xf32>,
      %get3A_381 = vector.shape_cast %get3A_380 : vector<1x16xf32> to vector<16xf32>
      %get3A_382 = arith.index_cast %scan3A_310 : i32 to index
      %get3A_383 = arith.constant 80 : index
      %get3A_384 = tpu.vector_load %arg25[%get3A_382, %get3A_383] {strides = array<i32>} : memref<64x128xf32, #tpu.memory_space<vmem>>, vector<1x16xf32>,
      %get3A_385 = vector.shape_cast %get3A_384 : vector<1x16xf32> to vector<16xf32>
      %sub3A_386 = arith.subf %get3A_381, %get3A_385 : vector<16xf32>
      %swap3A_387 = arith.index_cast %scan3A_310 : i32 to index
      %swap3A_388 = arith.constant 80 : index
      %swap3A_389 = tpu.vector_load %arg24[%swap3A_387, %swap3A_388] {strides = array<i32>} : memref<64x128xf32, #tpu.memory_space<vmem>>, vector<1x16xf32>,
      %swap3A_390 = vector.shape_cast %swap3A_389 : vector<1x16xf32> to vector<16xf32>
      %swap3A_391 = vector.shape_cast %sub3A_386 : vector<16xf32> to vector<1x16xf32>
      tpu.vector_store %arg24[%swap3A_387, %swap3A_388], %swap3A_391 {strides = array<i32>} : memref<64x128xf32, #tpu.memory_space<vmem>>, vector<1x16xf32>,
      %get3A_392 = arith.index_cast %scan3A_310 : i32 to index
      %get3A_393 = arith.constant 96 : index
      %get3A_394 = tpu.vector_load %arg24[%get3A_392, %get3A_393] {strides = array<i32>} : memref<64x128xf32, #tpu.memory_space<vmem>>, vector<1x16xf32>,
      %get3A_395 = vector.shape_cast %get3A_394 : vector<1x16xf32> to vector<16xf32>
      %get3A_396 = arith.index_cast %scan3A_310 : i32 to index
      %get3A_397 = arith.constant 96 : index
      %get3A_398 = tpu.vector_load %arg25[%get3A_396, %get3A_397] {strides = array<i32>} : memref<64x128xf32, #tpu.memory_space<vmem>>, vector<1x16xf32>,
      %get3A_399 = vector.shape_cast %get3A_398 : vector<1x16xf32> to vector<16xf32>
      %sub3A_400 = arith.subf %get3A_395, %get3A_399 : vector<16xf32>
      %swap3A_401 = arith.index_cast %scan3A_310 : i32 to index
      %swap3A_402 = arith.constant 96 : index
      %swap3A_403 = tpu.vector_load %arg24[%swap3A_401, %swap3A_402] {strides = array<i32>} : memref<64x128xf32, #tpu.memory_space<vmem>>, vector<1x16xf32>,
      %swap3A_404 = vector.shape_cast %swap3A_403 : vector<1x16xf32> to vector<16xf32>
      %swap3A_405 = vector.shape_cast %sub3A_400 : vector<16xf32> to vector<1x16xf32>
      tpu.vector_store %arg24[%swap3A_401, %swap3A_402], %swap3A_405 {strides = array<i32>} : memref<64x128xf32, #tpu.memory_space<vmem>>, vector<1x16xf32>,
      %get3A_406 = arith.index_cast %scan3A_310 : i32 to index
      %get3A_407 = arith.constant 112 : index
      %get3A_408 = tpu.vector_load %arg24[%get3A_406, %get3A_407] {strides = array<i32>} : memref<64x128xf32, #tpu.memory_space<vmem>>, vector<1x16xf32>,
      %get3A_409 = vector.shape_cast %get3A_408 : vector<1x16xf32> to vector<16xf32>
      %get3A_410 = arith.index_cast %scan3A_310 : i32 to index
      %get3A_411 = arith.constant 112 : index
      %get3A_412 = tpu.vector_load %arg25[%get3A_410, %get3A_411] {strides = array<i32>} : memref<64x128xf32, #tpu.memory_space<vmem>>, vector<1x16xf32>,
      %get3A_413 = vector.shape_cast %get3A_412 : vector<1x16xf32> to vector<16xf32>
      %sub3A_414 = arith.subf %get3A_409, %get3A_413 : vector<16xf32>
      %swap3A_415 = arith.index_cast %scan3A_310 : i32 to index
      %swap3A_416 = arith.constant 112 : index
      %swap3A_417 = tpu.vector_load %arg24[%swap3A_415, %swap3A_416] {strides = array<i32>} : memref<64x128xf32, #tpu.memory_space<vmem>>, vector<1x16xf32>,
      %swap3A_418 = vector.shape_cast %swap3A_417 : vector<1x16xf32> to vector<16xf32>
      %swap3A_419 = vector.shape_cast %sub3A_414 : vector<16xf32> to vector<1x16xf32>
      tpu.vector_store %arg24[%swap3A_415, %swap3A_416], %swap3A_419 {strides = array<i32>} : memref<64x128xf32, #tpu.memory_space<vmem>>, vector<1x16xf32>,
    }
    %scan3A_227 = arith.constant 64 : i32
    %add3A_228 = arith.constant 12416 : i32
    %add3A_229 = arith.addi %mul3A_155, %add3A_228 : i32
    %dma_start3A_230 = arith.constant 0 : i32
    %dma_start3A_231 = tpu.memref_slice %arg17[%add3A_229, %dma_start3A_230] : memref<401408x128xi32, #tpu.memory_space<hbm>> -> memref<64x128xi32, #tpu.memory_space<hbm>>
    %dma_start3A_232 = arith.constant 0 : i32
    %dma_start3A_233 = tpu.memref_slice %arg17[%add3A_229, %dma_start3A_232] : memref<401408x128xi32, #tpu.memory_space<hbm>> -> memref<64x128xi32, #tpu.memory_space<hbm>>
    tpu.enqueue_dma source(%arg22 : memref<64x128xi32, #tpu.memory_space<vmem>>) target(%dma_start3A_233 : memref<64x128xi32, #tpu.memory_space<hbm>>) target_semaphore(%arg32 : memref<!tpu.dma_semaphore, #tpu.memory_space<semaphore_mem>>)
    %dma_start3A_234 = arith.constant 0 : i32
    %dma_start3A_235 = tpu.memref_slice %arg18[%add3A_229, %dma_start3A_234] : memref<401408x128xi32, #tpu.memory_space<hbm>> -> memref<64x128xi32, #tpu.memory_space<hbm>>
    %dma_start3A_236 = arith.constant 0 : i32
    %dma_start3A_237 = tpu.memref_slice %arg18[%add3A_229, %dma_start3A_236] : memref<401408x128xi32, #tpu.memory_space<hbm>> -> memref<64x128xi32, #tpu.memory_space<hbm>>
    tpu.enqueue_dma source(%arg23 : memref<64x128xi32, #tpu.memory_space<vmem>>) target(%dma_start3A_237 : memref<64x128xi32, #tpu.memory_space<hbm>>) target_semaphore(%arg32 : memref<!tpu.dma_semaphore, #tpu.memory_space<semaphore_mem>>)
    %dma_start3A_238 = arith.constant 0 : i32
    %dma_start3A_239 = tpu.memref_slice %arg19[%add3A_229, %dma_start3A_238] : memref<401408x128xf32, #tpu.memory_space<hbm>> -> memref<64x128xf32, #tpu.memory_space<hbm>>
    %dma_start3A_240 = arith.constant 0 : i32
    %dma_start3A_241 = tpu.memref_slice %arg19[%add3A_229, %dma_start3A_240] : memref<401408x128xf32, #tpu.memory_space<hbm>> -> memref<64x128xf32, #tpu.memory_space<hbm>>
    tpu.enqueue_dma source(%arg24 : memref<64x128xf32, #tpu.memory_space<vmem>>) target(%dma_start3A_241 : memref<64x128xf32, #tpu.memory_space<hbm>>) target_semaphore(%arg32 : memref<!tpu.dma_semaphore, #tpu.memory_space<semaphore_mem>>)
    %dma_wait3A_242 = arith.constant 12480 : i32
    %dma_wait3A_243 = tpu.memref_slice %arg20[%dma_wait3A_242] : memref<12544xi32, #tpu.memory_space<vmem>> -> memref<64xi32, #tpu.memory_space<vmem>>
    %dma_wait3A_244 = arith.constant 0 : i32
    %dma_wait3A_245 = arith.constant 0 : i32
    %dma_wait3A_246 = tpu.memref_slice %arg8[%dma_wait3A_244, %dma_wait3A_245] : memref<40000x128xi32, #tpu.memory_space<hbm>> -> memref<40000x128xi32, #tpu.memory_space<hbm>>
    tpu.wait_indirect_dma semaphore(%arg31 : memref<!tpu.dma_semaphore, #tpu.memory_space<semaphore_mem>>) src(%dma_wait3A_246 : memref<40000x128xi32, #tpu.memory_space<hbm>>) dst(%arg26 : memref<64x128xi32, #tpu.memory_space<vmem>>)
    %dma_wait3A_247 = arith.constant 12480 : i32
    %dma_wait3A_248 = tpu.memref_slice %arg21[%dma_wait3A_247] : memref<12544xi32, #tpu.memory_space<vmem>> -> memref<64xi32, #tpu.memory_space<vmem>>
    %dma_wait3A_249 = arith.constant 0 : i32
    %dma_wait3A_250 = arith.constant 0 : i32
    %dma_wait3A_251 = tpu.memref_slice %arg9[%dma_wait3A_249, %dma_wait3A_250] : memref<10000x128xi32, #tpu.memory_space<hbm>> -> memref<10000x128xi32, #tpu.memory_space<hbm>>
    tpu.wait_indirect_dma semaphore(%arg31 : memref<!tpu.dma_semaphore, #tpu.memory_space<semaphore_mem>>) src(%dma_wait3A_251 : memref<10000x128xi32, #tpu.memory_space<hbm>>) dst(%arg27 : memref<64x128xi32, #tpu.memory_space<vmem>>)
    %dma_wait3A_252 = arith.constant 12480 : i32
    %dma_wait3A_253 = tpu.memref_slice %arg20[%dma_wait3A_252] : memref<12544xi32, #tpu.memory_space<vmem>> -> memref<64xi32, #tpu.memory_space<vmem>>
    %dma_wait3A_254 = arith.constant 0 : i32
    %dma_wait3A_255 = arith.constant 0 : i32
    %dma_wait3A_256 = tpu.memref_slice %arg10[%dma_wait3A_254, %dma_wait3A_255] : memref<40000x128xf32, #tpu.memory_space<hbm>> -> memref<40000x128xf32, #tpu.memory_space<hbm>>
    tpu.wait_indirect_dma semaphore(%arg31 : memref<!tpu.dma_semaphore, #tpu.memory_space<semaphore_mem>>) src(%dma_wait3A_256 : memref<40000x128xf32, #tpu.memory_space<hbm>>) dst(%arg28 : memref<64x128xf32, #tpu.memory_space<vmem>>)
    %dma_wait3A_257 = arith.constant 12480 : i32
    %dma_wait3A_258 = tpu.memref_slice %arg21[%dma_wait3A_257] : memref<12544xi32, #tpu.memory_space<vmem>> -> memref<64xi32, #tpu.memory_space<vmem>>
    %dma_wait3A_259 = arith.constant 0 : i32
    %dma_wait3A_260 = arith.constant 0 : i32
    %dma_wait3A_261 = tpu.memref_slice %arg11[%dma_wait3A_259, %dma_wait3A_260] : memref<10000x128xf32, #tpu.memory_space<hbm>> -> memref<10000x128xf32, #tpu.memory_space<hbm>>
    tpu.wait_indirect_dma semaphore(%arg31 : memref<!tpu.dma_semaphore, #tpu.memory_space<semaphore_mem>>) src(%dma_wait3A_261 : memref<10000x128xf32, #tpu.memory_space<hbm>>) dst(%arg29 : memref<64x128xf32, #tpu.memory_space<vmem>>)
    %scan3A_262 = arith.constant 0 : i32
    %scan3A_263 = arith.constant 0 : i32
    %scan3A_264 = arith.constant 64 : i32
    %scan3A_265 = arith.addi %scan3A_263, %scan3A_264 : i32
    %scan3A_266 = arith.constant 1 : i32
    scf.for %scan3A_310 = %scan3A_263 to %scan3A_265 step %scan3A_266  : i32 {
      %get3A = arith.index_cast %scan3A_310 : i32 to index
      %get3A_311 = arith.constant 0 : index
      %get3A_312 = tpu.vector_load %arg28[%get3A, %get3A_311] {strides = array<i32>} : memref<64x128xf32, #tpu.memory_space<vmem>>, vector<1x16xf32>,
      %get3A_313 = vector.shape_cast %get3A_312 : vector<1x16xf32> to vector<16xf32>
      %get3A_314 = arith.index_cast %scan3A_310 : i32 to index
      %get3A_315 = arith.constant 0 : index
      %get3A_316 = tpu.vector_load %arg29[%get3A_314, %get3A_315] {strides = array<i32>} : memref<64x128xf32, #tpu.memory_space<vmem>>, vector<1x16xf32>,
      %get3A_317 = vector.shape_cast %get3A_316 : vector<1x16xf32> to vector<16xf32>
      %sub3A = arith.subf %get3A_313, %get3A_317 : vector<16xf32>
      %swap3A = arith.index_cast %scan3A_310 : i32 to index
      %swap3A_318 = arith.constant 0 : index
      %swap3A_319 = tpu.vector_load %arg28[%swap3A, %swap3A_318] {strides = array<i32>} : memref<64x128xf32, #tpu.memory_space<vmem>>, vector<1x16xf32>,
      %swap3A_320 = vector.shape_cast %swap3A_319 : vector<1x16xf32> to vector<16xf32>
      %swap3A_321 = vector.shape_cast %sub3A : vector<16xf32> to vector<1x16xf32>
      tpu.vector_store %arg28[%swap3A, %swap3A_318], %swap3A_321 {strides = array<i32>} : memref<64x128xf32, #tpu.memory_space<vmem>>, vector<1x16xf32>,
      %get3A_322 = arith.index_cast %scan3A_310 : i32 to index
      %get3A_323 = arith.constant 16 : index
      %get3A_324 = tpu.vector_load %arg28[%get3A_322, %get3A_323] {strides = array<i32>} : memref<64x128xf32, #tpu.memory_space<vmem>>, vector<1x16xf32>,
      %get3A_325 = vector.shape_cast %get3A_324 : vector<1x16xf32> to vector<16xf32>
      %get3A_326 = arith.index_cast %scan3A_310 : i32 to index
      %get3A_327 = arith.constant 16 : index
      %get3A_328 = tpu.vector_load %arg29[%get3A_326, %get3A_327] {strides = array<i32>} : memref<64x128xf32, #tpu.memory_space<vmem>>, vector<1x16xf32>,
      %get3A_329 = vector.shape_cast %get3A_328 : vector<1x16xf32> to vector<16xf32>
      %sub3A_330 = arith.subf %get3A_325, %get3A_329 : vector<16xf32>
      %swap3A_331 = arith.index_cast %scan3A_310 : i32 to index
      %swap3A_332 = arith.constant 16 : index
      %swap3A_333 = tpu.vector_load %arg28[%swap3A_331, %swap3A_332] {strides = array<i32>} : memref<64x128xf32, #tpu.memory_space<vmem>>, vector<1x16xf32>,
      %swap3A_334 = vector.shape_cast %swap3A_333 : vector<1x16xf32> to vector<16xf32>
      %swap3A_335 = vector.shape_cast %sub3A_330 : vector<16xf32> to vector<1x16xf32>
      tpu.vector_store %arg28[%swap3A_331, %swap3A_332], %swap3A_335 {strides = array<i32>} : memref<64x128xf32, #tpu.memory_space<vmem>>, vector<1x16xf32>,
      %get3A_336 = arith.index_cast %scan3A_310 : i32 to index
      %get3A_337 = arith.constant 32 : index
      %get3A_338 = tpu.vector_load %arg28[%get3A_336, %get3A_337] {strides = array<i32>} : memref<64x128xf32, #tpu.memory_space<vmem>>, vector<1x16xf32>,
      %get3A_339 = vector.shape_cast %get3A_338 : vector<1x16xf32> to vector<16xf32>
      %get3A_340 = arith.index_cast %scan3A_310 : i32 to index
      %get3A_341 = arith.constant 32 : index
      %get3A_342 = tpu.vector_load %arg29[%get3A_340, %get3A_341] {strides = array<i32>} : memref<64x128xf32, #tpu.memory_space<vmem>>, vector<1x16xf32>,
      %get3A_343 = vector.shape_cast %get3A_342 : vector<1x16xf32> to vector<16xf32>
      %sub3A_344 = arith.subf %get3A_339, %get3A_343 : vector<16xf32>
      %swap3A_345 = arith.index_cast %scan3A_310 : i32 to index
      %swap3A_346 = arith.constant 32 : index
      %swap3A_347 = tpu.vector_load %arg28[%swap3A_345, %swap3A_346] {strides = array<i32>} : memref<64x128xf32, #tpu.memory_space<vmem>>, vector<1x16xf32>,
      %swap3A_348 = vector.shape_cast %swap3A_347 : vector<1x16xf32> to vector<16xf32>
      %swap3A_349 = vector.shape_cast %sub3A_344 : vector<16xf32> to vector<1x16xf32>
      tpu.vector_store %arg28[%swap3A_345, %swap3A_346], %swap3A_349 {strides = array<i32>} : memref<64x128xf32, #tpu.memory_space<vmem>>, vector<1x16xf32>,
      %get3A_350 = arith.index_cast %scan3A_310 : i32 to index
      %get3A_351 = arith.constant 48 : index
      %get3A_352 = tpu.vector_load %arg28[%get3A_350, %get3A_351] {strides = array<i32>} : memref<64x128xf32, #tpu.memory_space<vmem>>, vector<1x16xf32>,
      %get3A_353 = vector.shape_cast %get3A_352 : vector<1x16xf32> to vector<16xf32>
      %get3A_354 = arith.index_cast %scan3A_310 : i32 to index
      %get3A_355 = arith.constant 48 : index
      %get3A_356 = tpu.vector_load %arg29[%get3A_354, %get3A_355] {strides = array<i32>} : memref<64x128xf32, #tpu.memory_space<vmem>>, vector<1x16xf32>,
      %get3A_357 = vector.shape_cast %get3A_356 : vector<1x16xf32> to vector<16xf32>
      %sub3A_358 = arith.subf %get3A_353, %get3A_357 : vector<16xf32>
      %swap3A_359 = arith.index_cast %scan3A_310 : i32 to index
      %swap3A_360 = arith.constant 48 : index
      %swap3A_361 = tpu.vector_load %arg28[%swap3A_359, %swap3A_360] {strides = array<i32>} : memref<64x128xf32, #tpu.memory_space<vmem>>, vector<1x16xf32>,
      %swap3A_362 = vector.shape_cast %swap3A_361 : vector<1x16xf32> to vector<16xf32>
      %swap3A_363 = vector.shape_cast %sub3A_358 : vector<16xf32> to vector<1x16xf32>
      tpu.vector_store %arg28[%swap3A_359, %swap3A_360], %swap3A_363 {strides = array<i32>} : memref<64x128xf32, #tpu.memory_space<vmem>>, vector<1x16xf32>,
      %get3A_364 = arith.index_cast %scan3A_310 : i32 to index
      %get3A_365 = arith.constant 64 : index
      %get3A_366 = tpu.vector_load %arg28[%get3A_364, %get3A_365] {strides = array<i32>} : memref<64x128xf32, #tpu.memory_space<vmem>>, vector<1x16xf32>,
      %get3A_367 = vector.shape_cast %get3A_366 : vector<1x16xf32> to vector<16xf32>
      %get3A_368 = arith.index_cast %scan3A_310 : i32 to index
      %get3A_369 = arith.constant 64 : index
      %get3A_370 = tpu.vector_load %arg29[%get3A_368, %get3A_369] {strides = array<i32>} : memref<64x128xf32, #tpu.memory_space<vmem>>, vector<1x16xf32>,
      %get3A_371 = vector.shape_cast %get3A_370 : vector<1x16xf32> to vector<16xf32>
      %sub3A_372 = arith.subf %get3A_367, %get3A_371 : vector<16xf32>
      %swap3A_373 = arith.index_cast %scan3A_310 : i32 to index
      %swap3A_374 = arith.constant 64 : index
      %swap3A_375 = tpu.vector_load %arg28[%swap3A_373, %swap3A_374] {strides = array<i32>} : memref<64x128xf32, #tpu.memory_space<vmem>>, vector<1x16xf32>,
      %swap3A_376 = vector.shape_cast %swap3A_375 : vector<1x16xf32> to vector<16xf32>
      %swap3A_377 = vector.shape_cast %sub3A_372 : vector<16xf32> to vector<1x16xf32>
      tpu.vector_store %arg28[%swap3A_373, %swap3A_374], %swap3A_377 {strides = array<i32>} : memref<64x128xf32, #tpu.memory_space<vmem>>, vector<1x16xf32>,
      %get3A_378 = arith.index_cast %scan3A_310 : i32 to index
      %get3A_379 = arith.constant 80 : index
      %get3A_380 = tpu.vector_load %arg28[%get3A_378, %get3A_379] {strides = array<i32>} : memref<64x128xf32, #tpu.memory_space<vmem>>, vector<1x16xf32>,
      %get3A_381 = vector.shape_cast %get3A_380 : vector<1x16xf32> to vector<16xf32>
      %get3A_382 = arith.index_cast %scan3A_310 : i32 to index
      %get3A_383 = arith.constant 80 : index
      %get3A_384 = tpu.vector_load %arg29[%get3A_382, %get3A_383] {strides = array<i32>} : memref<64x128xf32, #tpu.memory_space<vmem>>, vector<1x16xf32>,
      %get3A_385 = vector.shape_cast %get3A_384 : vector<1x16xf32> to vector<16xf32>
      %sub3A_386 = arith.subf %get3A_381, %get3A_385 : vector<16xf32>
      %swap3A_387 = arith.index_cast %scan3A_310 : i32 to index
      %swap3A_388 = arith.constant 80 : index
      %swap3A_389 = tpu.vector_load %arg28[%swap3A_387, %swap3A_388] {strides = array<i32>} : memref<64x128xf32, #tpu.memory_space<vmem>>, vector<1x16xf32>,
      %swap3A_390 = vector.shape_cast %swap3A_389 : vector<1x16xf32> to vector<16xf32>
      %swap3A_391 = vector.shape_cast %sub3A_386 : vector<16xf32> to vector<1x16xf32>
      tpu.vector_store %arg28[%swap3A_387, %swap3A_388], %swap3A_391 {strides = array<i32>} : memref<64x128xf32, #tpu.memory_space<vmem>>, vector<1x16xf32>,
      %get3A_392 = arith.index_cast %scan3A_310 : i32 to index
      %get3A_393 = arith.constant 96 : index
      %get3A_394 = tpu.vector_load %arg28[%get3A_392, %get3A_393] {strides = array<i32>} : memref<64x128xf32, #tpu.memory_space<vmem>>, vector<1x16xf32>,
      %get3A_395 = vector.shape_cast %get3A_394 : vector<1x16xf32> to vector<16xf32>
      %get3A_396 = arith.index_cast %scan3A_310 : i32 to index
      %get3A_397 = arith.constant 96 : index
      %get3A_398 = tpu.vector_load %arg29[%get3A_396, %get3A_397] {strides = array<i32>} : memref<64x128xf32, #tpu.memory_space<vmem>>, vector<1x16xf32>,
      %get3A_399 = vector.shape_cast %get3A_398 : vector<1x16xf32> to vector<16xf32>
      %sub3A_400 = arith.subf %get3A_395, %get3A_399 : vector<16xf32>
      %swap3A_401 = arith.index_cast %scan3A_310 : i32 to index
      %swap3A_402 = arith.constant 96 : index
      %swap3A_403 = tpu.vector_load %arg28[%swap3A_401, %swap3A_402] {strides = array<i32>} : memref<64x128xf32, #tpu.memory_space<vmem>>, vector<1x16xf32>,
      %swap3A_404 = vector.shape_cast %swap3A_403 : vector<1x16xf32> to vector<16xf32>
      %swap3A_405 = vector.shape_cast %sub3A_400 : vector<16xf32> to vector<1x16xf32>
      tpu.vector_store %arg28[%swap3A_401, %swap3A_402], %swap3A_405 {strides = array<i32>} : memref<64x128xf32, #tpu.memory_space<vmem>>, vector<1x16xf32>,
      %get3A_406 = arith.index_cast %scan3A_310 : i32 to index
      %get3A_407 = arith.constant 112 : index
      %get3A_408 = tpu.vector_load %arg28[%get3A_406, %get3A_407] {strides = array<i32>} : memref<64x128xf32, #tpu.memory_space<vmem>>, vector<1x16xf32>,
      %get3A_409 = vector.shape_cast %get3A_408 : vector<1x16xf32> to vector<16xf32>
      %get3A_410 = arith.index_cast %scan3A_310 : i32 to index
      %get3A_411 = arith.constant 112 : index
      %get3A_412 = tpu.vector_load %arg29[%get3A_410, %get3A_411] {strides = array<i32>} : memref<64x128xf32, #tpu.memory_space<vmem>>, vector<1x16xf32>,
      %get3A_413 = vector.shape_cast %get3A_412 : vector<1x16xf32> to vector<16xf32>
      %sub3A_414 = arith.subf %get3A_409, %get3A_413 : vector<16xf32>
      %swap3A_415 = arith.index_cast %scan3A_310 : i32 to index
      %swap3A_416 = arith.constant 112 : index
      %swap3A_417 = tpu.vector_load %arg28[%swap3A_415, %swap3A_416] {strides = array<i32>} : memref<64x128xf32, #tpu.memory_space<vmem>>, vector<1x16xf32>,
      %swap3A_418 = vector.shape_cast %swap3A_417 : vector<1x16xf32> to vector<16xf32>
      %swap3A_419 = vector.shape_cast %sub3A_414 : vector<16xf32> to vector<1x16xf32>
      tpu.vector_store %arg28[%swap3A_415, %swap3A_416], %swap3A_419 {strides = array<i32>} : memref<64x128xf32, #tpu.memory_space<vmem>>, vector<1x16xf32>,
    }
    %scan3A_267 = arith.constant 64 : i32
    %add3A_268 = arith.constant 12480 : i32
    %add3A_269 = arith.addi %mul3A_155, %add3A_268 : i32
    %dma_start3A_270 = arith.constant 0 : i32
    %dma_start3A_271 = tpu.memref_slice %arg17[%add3A_269, %dma_start3A_270] : memref<401408x128xi32, #tpu.memory_space<hbm>> -> memref<64x128xi32, #tpu.memory_space<hbm>>
    %dma_start3A_272 = arith.constant 0 : i32
    %dma_start3A_273 = tpu.memref_slice %arg17[%add3A_269, %dma_start3A_272] : memref<401408x128xi32, #tpu.memory_space<hbm>> -> memref<64x128xi32, #tpu.memory_space<hbm>>
    tpu.enqueue_dma source(%arg26 : memref<64x128xi32, #tpu.memory_space<vmem>>) target(%dma_start3A_273 : memref<64x128xi32, #tpu.memory_space<hbm>>) target_semaphore(%arg33 : memref<!tpu.dma_semaphore, #tpu.memory_space<semaphore_mem>>)
    %dma_start3A_274 = arith.constant 0 : i32
    %dma_start3A_275 = tpu.memref_slice %arg18[%add3A_269, %dma_start3A_274] : memref<401408x128xi32, #tpu.memory_space<hbm>> -> memref<64x128xi32, #tpu.memory_space<hbm>>
    %dma_start3A_276 = arith.constant 0 : i32
    %dma_start3A_277 = tpu.memref_slice %arg18[%add3A_269, %dma_start3A_276] : memref<401408x128xi32, #tpu.memory_space<hbm>> -> memref<64x128xi32, #tpu.memory_space<hbm>>
    tpu.enqueue_dma source(%arg27 : memref<64x128xi32, #tpu.memory_space<vmem>>) target(%dma_start3A_277 : memref<64x128xi32, #tpu.memory_space<hbm>>) target_semaphore(%arg33 : memref<!tpu.dma_semaphore, #tpu.memory_space<semaphore_mem>>)
    %dma_start3A_278 = arith.constant 0 : i32
    %dma_start3A_279 = tpu.memref_slice %arg19[%add3A_269, %dma_start3A_278] : memref<401408x128xf32, #tpu.memory_space<hbm>> -> memref<64x128xf32, #tpu.memory_space<hbm>>
    %dma_start3A_280 = arith.constant 0 : i32
    %dma_start3A_281 = tpu.memref_slice %arg19[%add3A_269, %dma_start3A_280] : memref<401408x128xf32, #tpu.memory_space<hbm>> -> memref<64x128xf32, #tpu.memory_space<hbm>>
    tpu.enqueue_dma source(%arg28 : memref<64x128xf32, #tpu.memory_space<vmem>>) target(%dma_start3A_281 : memref<64x128xf32, #tpu.memory_space<hbm>>) target_semaphore(%arg33 : memref<!tpu.dma_semaphore, #tpu.memory_space<semaphore_mem>>)
    %add3A_282 = arith.constant 0 : i32
    %add3A_283 = arith.addi %mul3A_155, %add3A_282 : i32
    %dma_wait3A_284 = arith.constant 0 : i32
    %dma_wait3A_285 = tpu.memref_slice %arg17[%add3A_283, %dma_wait3A_284] : memref<401408x128xi32, #tpu.memory_space<hbm>> -> memref<64x128xi32, #tpu.memory_space<hbm>>
    %dma_wait3A_286 = arith.constant 0 : i32
    %dma_wait3A_287 = tpu.memref_slice %arg17[%add3A_283, %dma_wait3A_286] : memref<401408x128xi32, #tpu.memory_space<hbm>> -> memref<64x128xi32, #tpu.memory_space<hbm>>
    tpu.wait_dma2 semaphore(%arg32 : memref<!tpu.dma_semaphore, #tpu.memory_space<semaphore_mem>>) src(%arg22 : memref<64x128xi32, #tpu.memory_space<vmem>>) dst(%dma_wait3A_287 : memref<64x128xi32, #tpu.memory_space<hbm>>)
    %dma_wait3A_288 = arith.constant 0 : i32
    %dma_wait3A_289 = tpu.memref_slice %arg18[%add3A_283, %dma_wait3A_288] : memref<401408x128xi32, #tpu.memory_space<hbm>> -> memref<64x128xi32, #tpu.memory_space<hbm>>
    %dma_wait3A_290 = arith.constant 0 : i32
    %dma_wait3A_291 = tpu.memref_slice %arg18[%add3A_283, %dma_wait3A_290] : memref<401408x128xi32, #tpu.memory_space<hbm>> -> memref<64x128xi32, #tpu.memory_space<hbm>>
    tpu.wait_dma2 semaphore(%arg32 : memref<!tpu.dma_semaphore, #tpu.memory_space<semaphore_mem>>) src(%arg23 : memref<64x128xi32, #tpu.memory_space<vmem>>) dst(%dma_wait3A_291 : memref<64x128xi32, #tpu.memory_space<hbm>>)
    %dma_wait3A_292 = arith.constant 0 : i32
    %dma_wait3A_293 = tpu.memref_slice %arg19[%add3A_283, %dma_wait3A_292] : memref<401408x128xf32, #tpu.memory_space<hbm>> -> memref<64x128xf32, #tpu.memory_space<hbm>>
    %dma_wait3A_294 = arith.constant 0 : i32
    %dma_wait3A_295 = tpu.memref_slice %arg19[%add3A_283, %dma_wait3A_294] : memref<401408x128xf32, #tpu.memory_space<hbm>> -> memref<64x128xf32, #tpu.memory_space<hbm>>
    tpu.wait_dma2 semaphore(%arg32 : memref<!tpu.dma_semaphore, #tpu.memory_space<semaphore_mem>>) src(%arg24 : memref<64x128xf32, #tpu.memory_space<vmem>>) dst(%dma_wait3A_295 : memref<64x128xf32, #tpu.memory_space<hbm>>)
    %add3A_296 = arith.constant 0 : i32
    %add3A_297 = arith.addi %mul3A_155, %add3A_296 : i32
    %dma_wait3A_298 = arith.constant 0 : i32
    %dma_wait3A_299 = tpu.memref_slice %arg17[%add3A_297, %dma_wait3A_298] : memref<401408x128xi32, #tpu.memory_space<hbm>> -> memref<64x128xi32, #tpu.memory_space<hbm>>
    %dma_wait3A_300 = arith.constant 0 : i32
    %dma_wait3A_301 = tpu.memref_slice %arg17[%add3A_297, %dma_wait3A_300] : memref<401408x128xi32, #tpu.memory_space<hbm>> -> memref<64x128xi32, #tpu.memory_space<hbm>>
    tpu.wait_dma2 semaphore(%arg33 : memref<!tpu.dma_semaphore, #tpu.memory_space<semaphore_mem>>) src(%arg26 : memref<64x128xi32, #tpu.memory_space<vmem>>) dst(%dma_wait3A_301 : memref<64x128xi32, #tpu.memory_space<hbm>>)
    %dma_wait3A_302 = arith.constant 0 : i32
    %dma_wait3A_303 = tpu.memref_slice %arg18[%add3A_297, %dma_wait3A_302] : memref<401408x128xi32, #tpu.memory_space<hbm>> -> memref<64x128xi32, #tpu.memory_space<hbm>>
    %dma_wait3A_304 = arith.constant 0 : i32
    %dma_wait3A_305 = tpu.memref_slice %arg18[%add3A_297, %dma_wait3A_304] : memref<401408x128xi32, #tpu.memory_space<hbm>> -> memref<64x128xi32, #tpu.memory_space<hbm>>
    tpu.wait_dma2 semaphore(%arg33 : memref<!tpu.dma_semaphore, #tpu.memory_space<semaphore_mem>>) src(%arg27 : memref<64x128xi32, #tpu.memory_space<vmem>>) dst(%dma_wait3A_305 : memref<64x128xi32, #tpu.memory_space<hbm>>)
    %dma_wait3A_306 = arith.constant 0 : i32
    %dma_wait3A_307 = tpu.memref_slice %arg19[%add3A_297, %dma_wait3A_306] : memref<401408x128xf32, #tpu.memory_space<hbm>> -> memref<64x128xf32, #tpu.memory_space<hbm>>
    %dma_wait3A_308 = arith.constant 0 : i32
    %dma_wait3A_309 = tpu.memref_slice %arg19[%add3A_297, %dma_wait3A_308] : memref<401408x128xf32, #tpu.memory_space<hbm>> -> memref<64x128xf32, #tpu.memory_space<hbm>>
    tpu.wait_dma2 semaphore(%arg33 : memref<!tpu.dma_semaphore, #tpu.memory_space<semaphore_mem>>) src(%arg28 : memref<64x128xf32, #tpu.memory_space<vmem>>) dst(%dma_wait3A_309 : memref<64x128xf32, #tpu.memory_space<hbm>>)
    return
  }
}

module attributes {stable_mosaic.version = 14 : i64} {
  func.func @body(%arg0: i32, %arg1: memref<2000x128xf32, #tpu.memory_space<vmem>>, %arg2: memref<128x768xf32, #tpu.memory_space<vmem>>, %arg3: memref<1x768xf32, #tpu.memory_space<vmem>>, %arg4: memref<2000x128xi32, #tpu.memory_space<vmem>>, %arg5: memref<2000x128xi32, #tpu.memory_space<vmem>>, %arg6: memref<2000x128xi32, #tpu.memory_space<vmem>>) attributes {dimension_semantics = [#tpu.dimension_semantics<arbitrary>], iteration_bounds = array<i64: 5>, scalar_prefetch = 0 : i64, scratch_operands = 0 : i64, tpu.core_type = #tpu.core_type<tc>, window_params = [{transform_indices = @transform_0, window_bounds = array<i64: 2000, 128>}, {pipeline_mode = #tpu.pipeline_mode<synchronous>, transform_indices = @transform_1, window_bounds = array<i64: 128, 768>}, {pipeline_mode = #tpu.pipeline_mode<synchronous>, transform_indices = @transform_2, window_bounds = array<i64: 1, 768>}, {transform_indices = @transform_3, window_bounds = array<i64: 2000, 128>}, {transform_indices = @transform_4, window_bounds = array<i64: 2000, 128>}, {transform_indices = @transform_5, window_bounds = array<i64: 2000, 128>}]} {
    %get3A = arith.constant 0 : index
    %get3A_0 = arith.constant 0 : index
    %get3A_1 = vector.load %arg1[%get3A, %get3A_0] : memref<2000x128xf32, #tpu.memory_space<vmem>>, vector<2000x128xf32>
    %get3A_2 = arith.constant 0 : index
    %get3A_3 = arith.constant 0 : index
    %get3A_4 = vector.load %arg2[%get3A_2, %get3A_3] : memref<128x768xf32, #tpu.memory_space<vmem>>, vector<128x768xf32>
    %dot_general3A = arith.constant dense<0.000000e+00> : vector<2000x768xf32>
    %dot_general3A_5 = tpu.matmul %get3A_1, %get3A_4, %dot_general3A {dimension_numbers = #tpu.dot_dimension_numbers<[1], [0], [0], [1], [0, 0, 1, 1], [], []>, precision = #tpu.contract_precision<fp32>, transpose_lhs_hint = false} : vector<2000x128xf32>, vector<128x768xf32>, vector<2000x768xf32> -> vector<2000x768xf32>
    %get3A_6 = arith.constant 0 : index
    %get3A_7 = arith.constant 0 : index
    %get3A_8 = vector.load %arg3[%get3A_6, %get3A_7] : memref<1x768xf32, #tpu.memory_space<vmem>>, vector<1x768xf32>
    %add3A = vector.broadcast %get3A_8 : vector<1x768xf32> to vector<2000x768xf32>
    %add3A_9 = arith.addf %dot_general3A_5, %add3A : vector<2000x768xf32>
    %slice3A = vector.extract_strided_slice %add3A_9 {offsets = [0, 0], sizes = [2000, 128], strides = [1, 1]} : vector<2000x768xf32> to vector<2000x128xf32>
    %bitcast_convert_type3A = tpu.bitcast %slice3A : vector<2000x128xf32> -> vector<2000x128xi32>
    %add3A_10 = arith.constant 32767 : i32
    %add3A_11 = vector.broadcast %add3A_10 : i32 to vector<2000x128xi32>
    %add3A_12 = arith.addi %bitcast_convert_type3A, %add3A_11 : vector<2000x128xi32>
    %shift_right_logical3A = arith.constant 16 : i32
    %shift_right_logical3A_13 = vector.broadcast %shift_right_logical3A : i32 to vector<2000x128xi32>
    %shift_right_logical3A_14 = arith.shrui %bitcast_convert_type3A, %shift_right_logical3A_13 : vector<2000x128xi32>
    %and3A = arith.constant 1 : i32
    %and3A_15 = vector.broadcast %and3A : i32 to vector<2000x128xi32>
    %and3A_16 = arith.andi %shift_right_logical3A_14, %and3A_15 : vector<2000x128xi32>
    %add3A_17 = arith.addi %add3A_12, %and3A_16 : vector<2000x128xi32>
    %and3A_18 = arith.constant -65536 : i32
    %and3A_19 = vector.broadcast %and3A_18 : i32 to vector<2000x128xi32>
    %and3A_20 = arith.andi %add3A_17, %and3A_19 : vector<2000x128xi32>
    %slice3A_21 = vector.extract_strided_slice %add3A_9 {offsets = [0, 128], sizes = [2000, 128], strides = [1, 1]} : vector<2000x768xf32> to vector<2000x128xf32>
    %bitcast_convert_type3A_22 = tpu.bitcast %slice3A_21 : vector<2000x128xf32> -> vector<2000x128xi32>
    %add3A_23 = arith.constant 32767 : i32
    %add3A_24 = vector.broadcast %add3A_23 : i32 to vector<2000x128xi32>
    %add3A_25 = arith.addi %bitcast_convert_type3A_22, %add3A_24 : vector<2000x128xi32>
    %shift_right_logical3A_26 = arith.constant 16 : i32
    %shift_right_logical3A_27 = vector.broadcast %shift_right_logical3A_26 : i32 to vector<2000x128xi32>
    %shift_right_logical3A_28 = arith.shrui %bitcast_convert_type3A_22, %shift_right_logical3A_27 : vector<2000x128xi32>
    %and3A_29 = arith.constant 1 : i32
    %and3A_30 = vector.broadcast %and3A_29 : i32 to vector<2000x128xi32>
    %and3A_31 = arith.andi %shift_right_logical3A_28, %and3A_30 : vector<2000x128xi32>
    %add3A_32 = arith.addi %add3A_25, %and3A_31 : vector<2000x128xi32>
    %and3A_33 = arith.constant -65536 : i32
    %and3A_34 = vector.broadcast %and3A_33 : i32 to vector<2000x128xi32>
    %and3A_35 = arith.andi %add3A_32, %and3A_34 : vector<2000x128xi32>
    %shift_right_logical3A_36 = arith.constant 16 : i32
    %shift_right_logical3A_37 = vector.broadcast %shift_right_logical3A_36 : i32 to vector<2000x128xi32>
    %shift_right_logical3A_38 = arith.shrui %and3A_35, %shift_right_logical3A_37 : vector<2000x128xi32>
    %or3A = arith.ori %and3A_20, %shift_right_logical3A_38 : vector<2000x128xi32>
    %bitcast_convert_type3A_39 = tpu.bitcast %or3A : vector<2000x128xi32> -> vector<2000x128xi32>
    %swap3A = arith.constant 0 : index
    %swap3A_40 = arith.constant 0 : index
    %swap3A_41 = vector.load %arg4[%swap3A, %swap3A_40] : memref<2000x128xi32, #tpu.memory_space<vmem>>, vector<2000x128xi32>
    tpu.vector_store %arg4[%swap3A, %swap3A_40], %bitcast_convert_type3A_39 {strides = array<i32>} : memref<2000x128xi32, #tpu.memory_space<vmem>>, vector<2000x128xi32>,
    %slice3A_42 = vector.extract_strided_slice %add3A_9 {offsets = [0, 256], sizes = [2000, 128], strides = [1, 1]} : vector<2000x768xf32> to vector<2000x128xf32>
    %bitcast_convert_type3A_43 = tpu.bitcast %slice3A_42 : vector<2000x128xf32> -> vector<2000x128xi32>
    %add3A_44 = arith.constant 32767 : i32
    %add3A_45 = vector.broadcast %add3A_44 : i32 to vector<2000x128xi32>
    %add3A_46 = arith.addi %bitcast_convert_type3A_43, %add3A_45 : vector<2000x128xi32>
    %shift_right_logical3A_47 = arith.constant 16 : i32
    %shift_right_logical3A_48 = vector.broadcast %shift_right_logical3A_47 : i32 to vector<2000x128xi32>
    %shift_right_logical3A_49 = arith.shrui %bitcast_convert_type3A_43, %shift_right_logical3A_48 : vector<2000x128xi32>
    %and3A_50 = arith.constant 1 : i32
    %and3A_51 = vector.broadcast %and3A_50 : i32 to vector<2000x128xi32>
    %and3A_52 = arith.andi %shift_right_logical3A_49, %and3A_51 : vector<2000x128xi32>
    %add3A_53 = arith.addi %add3A_46, %and3A_52 : vector<2000x128xi32>
    %and3A_54 = arith.constant -65536 : i32
    %and3A_55 = vector.broadcast %and3A_54 : i32 to vector<2000x128xi32>
    %and3A_56 = arith.andi %add3A_53, %and3A_55 : vector<2000x128xi32>
    %slice3A_57 = vector.extract_strided_slice %add3A_9 {offsets = [0, 384], sizes = [2000, 128], strides = [1, 1]} : vector<2000x768xf32> to vector<2000x128xf32>
    %bitcast_convert_type3A_58 = tpu.bitcast %slice3A_57 : vector<2000x128xf32> -> vector<2000x128xi32>
    %add3A_59 = arith.constant 32767 : i32
    %add3A_60 = vector.broadcast %add3A_59 : i32 to vector<2000x128xi32>
    %add3A_61 = arith.addi %bitcast_convert_type3A_58, %add3A_60 : vector<2000x128xi32>
    %shift_right_logical3A_62 = arith.constant 16 : i32
    %shift_right_logical3A_63 = vector.broadcast %shift_right_logical3A_62 : i32 to vector<2000x128xi32>
    %shift_right_logical3A_64 = arith.shrui %bitcast_convert_type3A_58, %shift_right_logical3A_63 : vector<2000x128xi32>
    %and3A_65 = arith.constant 1 : i32
    %and3A_66 = vector.broadcast %and3A_65 : i32 to vector<2000x128xi32>
    %and3A_67 = arith.andi %shift_right_logical3A_64, %and3A_66 : vector<2000x128xi32>
    %add3A_68 = arith.addi %add3A_61, %and3A_67 : vector<2000x128xi32>
    %and3A_69 = arith.constant -65536 : i32
    %and3A_70 = vector.broadcast %and3A_69 : i32 to vector<2000x128xi32>
    %and3A_71 = arith.andi %add3A_68, %and3A_70 : vector<2000x128xi32>
    %shift_right_logical3A_72 = arith.constant 16 : i32
    %shift_right_logical3A_73 = vector.broadcast %shift_right_logical3A_72 : i32 to vector<2000x128xi32>
    %shift_right_logical3A_74 = arith.shrui %and3A_71, %shift_right_logical3A_73 : vector<2000x128xi32>
    %or3A_75 = arith.ori %and3A_56, %shift_right_logical3A_74 : vector<2000x128xi32>
    %bitcast_convert_type3A_76 = tpu.bitcast %or3A_75 : vector<2000x128xi32> -> vector<2000x128xi32>
    %swap3A_77 = arith.constant 0 : index
    %swap3A_78 = arith.constant 0 : index
    %swap3A_79 = vector.load %arg5[%swap3A_77, %swap3A_78] : memref<2000x128xi32, #tpu.memory_space<vmem>>, vector<2000x128xi32>
    tpu.vector_store %arg5[%swap3A_77, %swap3A_78], %bitcast_convert_type3A_76 {strides = array<i32>} : memref<2000x128xi32, #tpu.memory_space<vmem>>, vector<2000x128xi32>,
    %slice3A_80 = vector.extract_strided_slice %add3A_9 {offsets = [0, 512], sizes = [2000, 128], strides = [1, 1]} : vector<2000x768xf32> to vector<2000x128xf32>
    %bitcast_convert_type3A_81 = tpu.bitcast %slice3A_80 : vector<2000x128xf32> -> vector<2000x128xi32>
    %add3A_82 = arith.constant 32767 : i32
    %add3A_83 = vector.broadcast %add3A_82 : i32 to vector<2000x128xi32>
    %add3A_84 = arith.addi %bitcast_convert_type3A_81, %add3A_83 : vector<2000x128xi32>
    %shift_right_logical3A_85 = arith.constant 16 : i32
    %shift_right_logical3A_86 = vector.broadcast %shift_right_logical3A_85 : i32 to vector<2000x128xi32>
    %shift_right_logical3A_87 = arith.shrui %bitcast_convert_type3A_81, %shift_right_logical3A_86 : vector<2000x128xi32>
    %and3A_88 = arith.constant 1 : i32
    %and3A_89 = vector.broadcast %and3A_88 : i32 to vector<2000x128xi32>
    %and3A_90 = arith.andi %shift_right_logical3A_87, %and3A_89 : vector<2000x128xi32>
    %add3A_91 = arith.addi %add3A_84, %and3A_90 : vector<2000x128xi32>
    %and3A_92 = arith.constant -65536 : i32
    %and3A_93 = vector.broadcast %and3A_92 : i32 to vector<2000x128xi32>
    %and3A_94 = arith.andi %add3A_91, %and3A_93 : vector<2000x128xi32>
    %slice3A_95 = vector.extract_strided_slice %add3A_9 {offsets = [0, 640], sizes = [2000, 128], strides = [1, 1]} : vector<2000x768xf32> to vector<2000x128xf32>
    %bitcast_convert_type3A_96 = tpu.bitcast %slice3A_95 : vector<2000x128xf32> -> vector<2000x128xi32>
    %add3A_97 = arith.constant 32767 : i32
    %add3A_98 = vector.broadcast %add3A_97 : i32 to vector<2000x128xi32>
    %add3A_99 = arith.addi %bitcast_convert_type3A_96, %add3A_98 : vector<2000x128xi32>
    %shift_right_logical3A_100 = arith.constant 16 : i32
    %shift_right_logical3A_101 = vector.broadcast %shift_right_logical3A_100 : i32 to vector<2000x128xi32>
    %shift_right_logical3A_102 = arith.shrui %bitcast_convert_type3A_96, %shift_right_logical3A_101 : vector<2000x128xi32>
    %and3A_103 = arith.constant 1 : i32
    %and3A_104 = vector.broadcast %and3A_103 : i32 to vector<2000x128xi32>
    %and3A_105 = arith.andi %shift_right_logical3A_102, %and3A_104 : vector<2000x128xi32>
    %add3A_106 = arith.addi %add3A_99, %and3A_105 : vector<2000x128xi32>
    %and3A_107 = arith.constant -65536 : i32
    %and3A_108 = vector.broadcast %and3A_107 : i32 to vector<2000x128xi32>
    %and3A_109 = arith.andi %add3A_106, %and3A_108 : vector<2000x128xi32>
    %shift_right_logical3A_110 = arith.constant 16 : i32
    %shift_right_logical3A_111 = vector.broadcast %shift_right_logical3A_110 : i32 to vector<2000x128xi32>
    %shift_right_logical3A_112 = arith.shrui %and3A_109, %shift_right_logical3A_111 : vector<2000x128xi32>
    %or3A_113 = arith.ori %and3A_94, %shift_right_logical3A_112 : vector<2000x128xi32>
    %bitcast_convert_type3A_114 = tpu.bitcast %or3A_113 : vector<2000x128xi32> -> vector<2000x128xi32>
    %swap3A_115 = arith.constant 0 : index
    %swap3A_116 = arith.constant 0 : index
    %swap3A_117 = vector.load %arg6[%swap3A_115, %swap3A_116] : memref<2000x128xi32, #tpu.memory_space<vmem>>, vector<2000x128xi32>
    tpu.vector_store %arg6[%swap3A_115, %swap3A_116], %bitcast_convert_type3A_114 {strides = array<i32>} : memref<2000x128xi32, #tpu.memory_space<vmem>>, vector<2000x128xi32>,
    return
  }
  func.func @transform_0(%arg0: i32) -> (i32, i32) {
    %c0_i32 = arith.constant 0 : i32
    %c0_i32_0 = arith.constant 0 : i32
    return %arg0, %c0_i32 : i32, i32
  }
  func.func @transform_1(%arg0: i32) -> (i32, i32) {
    %c0_i32 = arith.constant 0 : i32
    %c0_i32_0 = arith.constant 0 : i32
    %c0_i32_1 = arith.constant 0 : i32
    return %c0_i32, %c0_i32_0 : i32, i32
  }
  func.func @transform_2(%arg0: i32) -> (i32, i32) {
    %c0_i32 = arith.constant 0 : i32
    %c0_i32_0 = arith.constant 0 : i32
    %c0_i32_1 = arith.constant 0 : i32
    return %c0_i32, %c0_i32_0 : i32, i32
  }
  func.func @transform_3(%arg0: i32) -> (i32, i32) {
    %c0_i32 = arith.constant 0 : i32
    %c0_i32_0 = arith.constant 0 : i32
    return %arg0, %c0_i32 : i32, i32
  }
  func.func @transform_4(%arg0: i32) -> (i32, i32) {
    %c0_i32 = arith.constant 0 : i32
    %c0_i32_0 = arith.constant 0 : i32
    return %arg0, %c0_i32 : i32, i32
  }
  func.func @transform_5(%arg0: i32) -> (i32, i32) {
    %c0_i32 = arith.constant 0 : i32
    %c0_i32_0 = arith.constant 0 : i32
    return %arg0, %c0_i32 : i32, i32
  }
}

module attributes {stable_mosaic.version = 14 : i64} {
  func.func @body(%arg0: i32, %arg1: memref<2000x128xf32, #tpu.memory_space<vmem>>, %arg2: memref<128x256xf32, #tpu.memory_space<vmem>>, %arg3: memref<1x256xf32, #tpu.memory_space<vmem>>, %arg4: memref<2000x128xi32, #tpu.memory_space<vmem>>) attributes {dimension_semantics = [#tpu.dimension_semantics<arbitrary>], iteration_bounds = array<i64: 20>, scalar_prefetch = 0 : i64, scratch_operands = 0 : i64, tpu.core_type = #tpu.core_type<tc>, window_params = [{transform_indices = @transform_0, window_bounds = array<i64: 2000, 128>}, {pipeline_mode = #tpu.pipeline_mode<synchronous>, transform_indices = @transform_1, window_bounds = array<i64: 128, 256>}, {pipeline_mode = #tpu.pipeline_mode<synchronous>, transform_indices = @transform_2, window_bounds = array<i64: 1, 256>}, {transform_indices = @transform_3, window_bounds = array<i64: 2000, 128>}]} {
    %get3A = arith.constant 0 : index
    %get3A_0 = arith.constant 0 : index
    %get3A_1 = vector.load %arg1[%get3A, %get3A_0] : memref<2000x128xf32, #tpu.memory_space<vmem>>, vector<2000x128xf32>
    %get3A_2 = arith.constant 0 : index
    %get3A_3 = arith.constant 0 : index
    %get3A_4 = vector.load %arg2[%get3A_2, %get3A_3] : memref<128x256xf32, #tpu.memory_space<vmem>>, vector<128x256xf32>
    %dot_general3A = arith.constant dense<0.000000e+00> : vector<2000x256xf32>
    %dot_general3A_5 = tpu.matmul %get3A_1, %get3A_4, %dot_general3A {dimension_numbers = #tpu.dot_dimension_numbers<[1], [0], [0], [1], [0, 0, 1, 1], [], []>, precision = #tpu.contract_precision<fp32>, transpose_lhs_hint = false} : vector<2000x128xf32>, vector<128x256xf32>, vector<2000x256xf32> -> vector<2000x256xf32>
    %get3A_6 = arith.constant 0 : index
    %get3A_7 = arith.constant 0 : index
    %get3A_8 = vector.load %arg3[%get3A_6, %get3A_7] : memref<1x256xf32, #tpu.memory_space<vmem>>, vector<1x256xf32>
    %add3A = vector.broadcast %get3A_8 : vector<1x256xf32> to vector<2000x256xf32>
    %add3A_9 = arith.addf %dot_general3A_5, %add3A : vector<2000x256xf32>
    %slice3A = vector.extract_strided_slice %add3A_9 {offsets = [0, 0], sizes = [2000, 128], strides = [1, 1]} : vector<2000x256xf32> to vector<2000x128xf32>
    %bitcast_convert_type3A = tpu.bitcast %slice3A : vector<2000x128xf32> -> vector<2000x128xi32>
    %add3A_10 = arith.constant 32767 : i32
    %add3A_11 = vector.broadcast %add3A_10 : i32 to vector<2000x128xi32>
    %add3A_12 = arith.addi %bitcast_convert_type3A, %add3A_11 : vector<2000x128xi32>
    %shift_right_logical3A = arith.constant 16 : i32
    %shift_right_logical3A_13 = vector.broadcast %shift_right_logical3A : i32 to vector<2000x128xi32>
    %shift_right_logical3A_14 = arith.shrui %bitcast_convert_type3A, %shift_right_logical3A_13 : vector<2000x128xi32>
    %and3A = arith.constant 1 : i32
    %and3A_15 = vector.broadcast %and3A : i32 to vector<2000x128xi32>
    %and3A_16 = arith.andi %shift_right_logical3A_14, %and3A_15 : vector<2000x128xi32>
    %add3A_17 = arith.addi %add3A_12, %and3A_16 : vector<2000x128xi32>
    %and3A_18 = arith.constant -65536 : i32
    %and3A_19 = vector.broadcast %and3A_18 : i32 to vector<2000x128xi32>
    %and3A_20 = arith.andi %add3A_17, %and3A_19 : vector<2000x128xi32>
    %slice3A_21 = vector.extract_strided_slice %add3A_9 {offsets = [0, 128], sizes = [2000, 128], strides = [1, 1]} : vector<2000x256xf32> to vector<2000x128xf32>
    %bitcast_convert_type3A_22 = tpu.bitcast %slice3A_21 : vector<2000x128xf32> -> vector<2000x128xi32>
    %add3A_23 = arith.constant 32767 : i32
    %add3A_24 = vector.broadcast %add3A_23 : i32 to vector<2000x128xi32>
    %add3A_25 = arith.addi %bitcast_convert_type3A_22, %add3A_24 : vector<2000x128xi32>
    %shift_right_logical3A_26 = arith.constant 16 : i32
    %shift_right_logical3A_27 = vector.broadcast %shift_right_logical3A_26 : i32 to vector<2000x128xi32>
    %shift_right_logical3A_28 = arith.shrui %bitcast_convert_type3A_22, %shift_right_logical3A_27 : vector<2000x128xi32>
    %and3A_29 = arith.constant 1 : i32
    %and3A_30 = vector.broadcast %and3A_29 : i32 to vector<2000x128xi32>
    %and3A_31 = arith.andi %shift_right_logical3A_28, %and3A_30 : vector<2000x128xi32>
    %add3A_32 = arith.addi %add3A_25, %and3A_31 : vector<2000x128xi32>
    %and3A_33 = arith.constant -65536 : i32
    %and3A_34 = vector.broadcast %and3A_33 : i32 to vector<2000x128xi32>
    %and3A_35 = arith.andi %add3A_32, %and3A_34 : vector<2000x128xi32>
    %shift_right_logical3A_36 = arith.constant 16 : i32
    %shift_right_logical3A_37 = vector.broadcast %shift_right_logical3A_36 : i32 to vector<2000x128xi32>
    %shift_right_logical3A_38 = arith.shrui %and3A_35, %shift_right_logical3A_37 : vector<2000x128xi32>
    %or3A = arith.ori %and3A_20, %shift_right_logical3A_38 : vector<2000x128xi32>
    %bitcast_convert_type3A_39 = tpu.bitcast %or3A : vector<2000x128xi32> -> vector<2000x128xi32>
    %swap3A = arith.constant 0 : index
    %swap3A_40 = arith.constant 0 : index
    %swap3A_41 = vector.load %arg4[%swap3A, %swap3A_40] : memref<2000x128xi32, #tpu.memory_space<vmem>>, vector<2000x128xi32>
    tpu.vector_store %arg4[%swap3A, %swap3A_40], %bitcast_convert_type3A_39 {strides = array<i32>} : memref<2000x128xi32, #tpu.memory_space<vmem>>, vector<2000x128xi32>,
    return
  }
  func.func @transform_0(%arg0: i32) -> (i32, i32) {
    %c0_i32 = arith.constant 0 : i32
    %c0_i32_0 = arith.constant 0 : i32
    return %arg0, %c0_i32 : i32, i32
  }
  func.func @transform_1(%arg0: i32) -> (i32, i32) {
    %c0_i32 = arith.constant 0 : i32
    %c0_i32_0 = arith.constant 0 : i32
    %c0_i32_1 = arith.constant 0 : i32
    return %c0_i32, %c0_i32_0 : i32, i32
  }
  func.func @transform_2(%arg0: i32) -> (i32, i32) {
    %c0_i32 = arith.constant 0 : i32
    %c0_i32_0 = arith.constant 0 : i32
    %c0_i32_1 = arith.constant 0 : i32
    return %c0_i32, %c0_i32_0 : i32, i32
  }
  func.func @transform_3(%arg0: i32) -> (i32, i32) {
    %c0_i32 = arith.constant 0 : i32
    %c0_i32_0 = arith.constant 0 : i32
    return %arg0, %c0_i32 : i32, i32
  }
}

module attributes {stable_mosaic.version = 14 : i64} {
  func.func @body(%arg0: i32, %arg1: memref<1024x128xi32, #tpu.memory_space<vmem>>, %arg2: memref<1024x128xi32, #tpu.memory_space<vmem>>, %arg3: memref<1024x128xf32, #tpu.memory_space<vmem>>, %arg4: memref<128x128xf32, #tpu.memory_space<vmem>>, %arg5: memref<1x128xf32, #tpu.memory_space<vmem>>, %arg6: memref<1x128xf32, #tpu.memory_space<vmem>>, %arg7: memref<1x1xf32, #tpu.memory_space<vmem>>, %arg8: memref<1x128xf32, #tpu.memory_space<vmem>>, %arg9: memref<1x128xf32, #tpu.memory_space<vmem>>, %arg10: memref<1024x128xf32, #tpu.memory_space<vmem>>, %arg11: memref<1024x128xf32, #tpu.memory_space<vmem>>) attributes {dimension_semantics = [#tpu.dimension_semantics<arbitrary>], iteration_bounds = array<i64: 160>, scalar_prefetch = 0 : i64, scratch_operands = 0 : i64, tpu.core_type = #tpu.core_type<tc>, window_params = [{transform_indices = @transform_0, window_bounds = array<i64: 1024, 128>}, {transform_indices = @transform_1, window_bounds = array<i64: 1024, 128>}, {transform_indices = @transform_2, window_bounds = array<i64: 1024, 128>}, {pipeline_mode = #tpu.pipeline_mode<synchronous>, transform_indices = @transform_3, window_bounds = array<i64: 128, 128>}, {pipeline_mode = #tpu.pipeline_mode<synchronous>, transform_indices = @transform_4, window_bounds = array<i64: 1, 128>}, {pipeline_mode = #tpu.pipeline_mode<synchronous>, transform_indices = @transform_5, window_bounds = array<i64: 1, 128>}, {pipeline_mode = #tpu.pipeline_mode<synchronous>, transform_indices = @transform_6, window_bounds = array<i64: 1, 1>}, {pipeline_mode = #tpu.pipeline_mode<synchronous>, transform_indices = @transform_7, window_bounds = array<i64: 1, 128>}, {pipeline_mode = #tpu.pipeline_mode<synchronous>, transform_indices = @transform_8, window_bounds = array<i64: 1, 128>}, {transform_indices = @transform_9, window_bounds = array<i64: 1024, 128>}, {transform_indices = @transform_10, window_bounds = array<i64: 1024, 128>}]} {
    %get3A = arith.constant 0 : index
    %get3A_0 = arith.constant 0 : index
    %get3A_1 = vector.load %arg3[%get3A, %get3A_0] : memref<1024x128xf32, #tpu.memory_space<vmem>>, vector<1024x128xf32>
    %mul3A = arith.mulf %get3A_1, %get3A_1 : vector<1024x128xf32>
    %reduce_sum3A = arith.constant dense<0.000000e+00> : vector<1024xf32>
    %reduce_sum3A_2 = vector.multi_reduction <add>, %mul3A, %reduce_sum3A [1] : vector<1024x128xf32> to vector<1024xf32>
    %broadcast_in_dim3A = vector.shape_cast %reduce_sum3A_2 : vector<1024xf32> to vector<1024x1xf32>
    %sqrt3A = math.sqrt %broadcast_in_dim3A : vector<1024x1xf32>
    %add3A = arith.constant 9.99999971E-10 : f32
    %add3A_3 = vector.broadcast %add3A : f32 to vector<1024x1xf32>
    %add3A_4 = arith.addf %sqrt3A, %add3A_3 : vector<1024x1xf32>
    %div3A = vector.broadcast %add3A_4 : vector<1024x1xf32> to vector<1024x128xf32>
    %div3A_5 = arith.divf %get3A_1, %div3A : vector<1024x128xf32>
    %get3A_6 = arith.constant 0 : index
    %get3A_7 = arith.constant 0 : index
    %get3A_8 = vector.load %arg1[%get3A_6, %get3A_7] : memref<1024x128xi32, #tpu.memory_space<vmem>>, vector<1024x128xi32>
    %bitcast_convert_type3A = tpu.bitcast %get3A_8 : vector<1024x128xi32> -> vector<1024x128xi32>
    %and3A = arith.constant -65536 : i32
    %and3A_9 = vector.broadcast %and3A : i32 to vector<1024x128xi32>
    %and3A_10 = arith.andi %bitcast_convert_type3A, %and3A_9 : vector<1024x128xi32>
    %bitcast_convert_type3A_11 = tpu.bitcast %and3A_10 : vector<1024x128xi32> -> vector<1024x128xf32>
    %shift_left3A = arith.constant 16 : i32
    %shift_left3A_12 = vector.broadcast %shift_left3A : i32 to vector<1024x128xi32>
    %shift_left3A_13 = arith.shli %bitcast_convert_type3A, %shift_left3A_12 : vector<1024x128xi32>
    %bitcast_convert_type3A_14 = tpu.bitcast %shift_left3A_13 : vector<1024x128xi32> -> vector<1024x128xf32>
    %get3A_15 = arith.constant 0 : index
    %get3A_16 = arith.constant 0 : index
    %get3A_17 = vector.load %arg2[%get3A_15, %get3A_16] : memref<1024x128xi32, #tpu.memory_space<vmem>>, vector<1024x128xi32>
    %bitcast_convert_type3A_18 = tpu.bitcast %get3A_17 : vector<1024x128xi32> -> vector<1024x128xi32>
    %and3A_19 = arith.constant -65536 : i32
    %and3A_20 = vector.broadcast %and3A_19 : i32 to vector<1024x128xi32>
    %and3A_21 = arith.andi %bitcast_convert_type3A_18, %and3A_20 : vector<1024x128xi32>
    %bitcast_convert_type3A_22 = tpu.bitcast %and3A_21 : vector<1024x128xi32> -> vector<1024x128xf32>
    %shift_left3A_23 = arith.constant 16 : i32
    %shift_left3A_24 = vector.broadcast %shift_left3A_23 : i32 to vector<1024x128xi32>
    %shift_left3A_25 = arith.shli %bitcast_convert_type3A_18, %shift_left3A_24 : vector<1024x128xi32>
    %bitcast_convert_type3A_26 = tpu.bitcast %shift_left3A_25 : vector<1024x128xi32> -> vector<1024x128xf32>
    %add3A_27 = arith.addf %bitcast_convert_type3A_11, %bitcast_convert_type3A_22 : vector<1024x128xf32>
    %get3A_28 = arith.constant 0 : index
    %get3A_29 = arith.constant 0 : index
    %get3A_30 = vector.load %arg8[%get3A_28, %get3A_29] : memref<1x128xf32, #tpu.memory_space<vmem>>, vector<1x128xf32>
    %mul3A_31 = vector.broadcast %sqrt3A : vector<1024x1xf32> to vector<1024x128xf32>
    %mul3A_32 = vector.broadcast %get3A_30 : vector<1x128xf32> to vector<1024x128xf32>
    %mul3A_33 = arith.mulf %mul3A_31, %mul3A_32 : vector<1024x128xf32>
    %add3A_34 = arith.addf %add3A_27, %mul3A_33 : vector<1024x128xf32>
    %add3A_35 = arith.addf %bitcast_convert_type3A_14, %bitcast_convert_type3A_26 : vector<1024x128xf32>
    %get3A_36 = arith.constant 0 : index
    %get3A_37 = arith.constant 0 : index
    %get3A_38 = vector.load %arg9[%get3A_36, %get3A_37] : memref<1x128xf32, #tpu.memory_space<vmem>>, vector<1x128xf32>
    %mul3A_39 = vector.broadcast %sqrt3A : vector<1024x1xf32> to vector<1024x128xf32>
    %mul3A_40 = vector.broadcast %get3A_38 : vector<1x128xf32> to vector<1024x128xf32>
    %mul3A_41 = arith.mulf %mul3A_39, %mul3A_40 : vector<1024x128xf32>
    %add3A_42 = arith.addf %add3A_35, %mul3A_41 : vector<1024x128xf32>
    %neg3A = arith.constant 0.000000e+00 : f32
    %neg3A_43 = vector.broadcast %neg3A : f32 to vector<1024x128xf32>
    %neg3A_44 = arith.subf %neg3A_43, %add3A_34 : vector<1024x128xf32>
    %exp3A = math.exp %neg3A_44 : vector<1024x128xf32>
    %add3A_45 = arith.constant 1.000000e+00 : f32
    %add3A_46 = vector.broadcast %add3A_45 : f32 to vector<1024x128xf32>
    %add3A_47 = arith.addf %add3A_46, %exp3A : vector<1024x128xf32>
    %div3A_48 = arith.divf %add3A_34, %add3A_47 : vector<1024x128xf32>
    %convert_element_type3A = arith.truncf %div3A_48 : vector<1024x128xf32> to vector<1024x128xbf16>
    %get3A_49 = arith.constant 0 : index
    %get3A_50 = arith.constant 0 : index
    %get3A_51 = vector.load %arg4[%get3A_49, %get3A_50] : memref<128x128xf32, #tpu.memory_space<vmem>>, vector<128x128xf32>
    %convert_element_type3A_52 = arith.truncf %get3A_51 : vector<128x128xf32> to vector<128x128xbf16>
    %dot_general3A = arith.constant dense<0.000000e+00> : vector<1024x128xf32>
    %dot_general3A_53 = tpu.matmul %convert_element_type3A, %convert_element_type3A_52, %dot_general3A {dimension_numbers = #tpu.dot_dimension_numbers<[1], [0], [0], [1], [0, 0, 1, 1], [], []>, transpose_lhs_hint = false} : vector<1024x128xbf16>, vector<128x128xbf16>, vector<1024x128xf32> -> vector<1024x128xf32>
    %get3A_54 = arith.constant 0 : index
    %get3A_55 = arith.constant 0 : index
    %get3A_56 = vector.load %arg5[%get3A_54, %get3A_55] : memref<1x128xf32, #tpu.memory_space<vmem>>, vector<1x128xf32>
    %add3A_57 = vector.broadcast %get3A_56 : vector<1x128xf32> to vector<1024x128xf32>
    %add3A_58 = arith.addf %dot_general3A_53, %add3A_57 : vector<1024x128xf32>
    %neg3A_59 = arith.constant 0.000000e+00 : f32
    %neg3A_60 = vector.broadcast %neg3A_59 : f32 to vector<1024x128xf32>
    %neg3A_61 = arith.subf %neg3A_60, %add3A_58 : vector<1024x128xf32>
    %exp3A_62 = math.exp %neg3A_61 : vector<1024x128xf32>
    %add3A_63 = arith.constant 1.000000e+00 : f32
    %add3A_64 = vector.broadcast %add3A_63 : f32 to vector<1024x128xf32>
    %add3A_65 = arith.addf %add3A_64, %exp3A_62 : vector<1024x128xf32>
    %div3A_66 = arith.divf %add3A_58, %add3A_65 : vector<1024x128xf32>
    %neg3A_67 = arith.constant 0.000000e+00 : f32
    %neg3A_68 = vector.broadcast %neg3A_67 : f32 to vector<1024x128xf32>
    %neg3A_69 = arith.subf %neg3A_68, %add3A_42 : vector<1024x128xf32>
    %exp3A_70 = math.exp %neg3A_69 : vector<1024x128xf32>
    %add3A_71 = arith.constant 1.000000e+00 : f32
    %add3A_72 = vector.broadcast %add3A_71 : f32 to vector<1024x128xf32>
    %add3A_73 = arith.addf %add3A_72, %exp3A_70 : vector<1024x128xf32>
    %div3A_74 = arith.divf %add3A_42, %add3A_73 : vector<1024x128xf32>
    %get3A_75 = arith.constant 0 : index
    %get3A_76 = arith.constant 0 : index
    %get3A_77 = vector.load %arg6[%get3A_75, %get3A_76] : memref<1x128xf32, #tpu.memory_space<vmem>>, vector<1x128xf32>
    %mul3A_78 = vector.broadcast %get3A_77 : vector<1x128xf32> to vector<1024x128xf32>
    %mul3A_79 = arith.mulf %div3A_74, %mul3A_78 : vector<1024x128xf32>
    %reduce_sum3A_80 = arith.constant dense<0.000000e+00> : vector<1024xf32>
    %reduce_sum3A_81 = vector.multi_reduction <add>, %mul3A_79, %reduce_sum3A_80 [1] : vector<1024x128xf32> to vector<1024xf32>
    %broadcast_in_dim3A_82 = vector.shape_cast %reduce_sum3A_81 : vector<1024xf32> to vector<1024x1xf32>
    %get3A_83 = arith.constant 0 : index
    %get3A_84 = arith.constant 0 : index
    %get3A_85 = vector.load %arg7[%get3A_83, %get3A_84] : memref<1x1xf32, #tpu.memory_space<vmem>>, vector<1x1xf32>
    %add3A_86 = vector.broadcast %get3A_85 : vector<1x1xf32> to vector<1024x1xf32>
    %add3A_87 = arith.addf %broadcast_in_dim3A_82, %add3A_86 : vector<1024x1xf32>
    %neg3A_88 = arith.constant 0.000000e+00 : f32
    %neg3A_89 = vector.broadcast %neg3A_88 : f32 to vector<1024x1xf32>
    %neg3A_90 = arith.subf %neg3A_89, %add3A_87 : vector<1024x1xf32>
    %exp3A_91 = math.exp %neg3A_90 : vector<1024x1xf32>
    %add3A_92 = arith.constant 1.000000e+00 : f32
    %add3A_93 = vector.broadcast %add3A_92 : f32 to vector<1024x1xf32>
    %add3A_94 = arith.addf %add3A_93, %exp3A_91 : vector<1024x1xf32>
    %div3A_95 = arith.divf %add3A_87, %add3A_94 : vector<1024x1xf32>
    %swap3A = arith.constant 0 : index
    %swap3A_96 = arith.constant 0 : index
    %swap3A_97 = vector.load %arg10[%swap3A, %swap3A_96] : memref<1024x128xf32, #tpu.memory_space<vmem>>, vector<1024x128xf32>
    tpu.vector_store %arg10[%swap3A, %swap3A_96], %div3A_66 {strides = array<i32>} : memref<1024x128xf32, #tpu.memory_space<vmem>>, vector<1024x128xf32>,
    %mul3A_98 = vector.broadcast %div3A_95 : vector<1024x1xf32> to vector<1024x128xf32>
    %mul3A_99 = arith.mulf %mul3A_98, %div3A_5 : vector<1024x128xf32>
    %swap3A_100 = arith.constant 0 : index
    %swap3A_101 = arith.constant 0 : index
    %swap3A_102 = vector.load %arg11[%swap3A_100, %swap3A_101] : memref<1024x128xf32, #tpu.memory_space<vmem>>, vector<1024x128xf32>
    tpu.vector_store %arg11[%swap3A_100, %swap3A_101], %mul3A_99 {strides = array<i32>} : memref<1024x128xf32, #tpu.memory_space<vmem>>, vector<1024x128xf32>,
    return
  }
  func.func @transform_0(%arg0: i32) -> (i32, i32) {
    %c0_i32 = arith.constant 0 : i32
    %c0_i32_0 = arith.constant 0 : i32
    return %arg0, %c0_i32 : i32, i32
  }
  func.func @transform_1(%arg0: i32) -> (i32, i32) {
    %c0_i32 = arith.constant 0 : i32
    %c0_i32_0 = arith.constant 0 : i32
    return %arg0, %c0_i32 : i32, i32
  }
  func.func @transform_2(%arg0: i32) -> (i32, i32) {
    %c0_i32 = arith.constant 0 : i32
    %c0_i32_0 = arith.constant 0 : i32
    return %arg0, %c0_i32 : i32, i32
  }
  func.func @transform_3(%arg0: i32) -> (i32, i32) {
    %c0_i32 = arith.constant 0 : i32
    %c0_i32_0 = arith.constant 0 : i32
    %c0_i32_1 = arith.constant 0 : i32
    return %c0_i32, %c0_i32_0 : i32, i32
  }
  func.func @transform_4(%arg0: i32) -> (i32, i32) {
    %c0_i32 = arith.constant 0 : i32
    %c0_i32_0 = arith.constant 0 : i32
    %c0_i32_1 = arith.constant 0 : i32
    return %c0_i32, %c0_i32_0 : i32, i32
  }
  func.func @transform_5(%arg0: i32) -> (i32, i32) {
    %c0_i32 = arith.constant 0 : i32
    %c0_i32_0 = arith.constant 0 : i32
    %c0_i32_1 = arith.constant 0 : i32
    return %c0_i32, %c0_i32_0 : i32, i32
  }
  func.func @transform_6(%arg0: i32) -> (i32, i32) {
    %c0_i32 = arith.constant 0 : i32
    %c0_i32_0 = arith.constant 0 : i32
    %c0_i32_1 = arith.constant 0 : i32
    return %c0_i32, %c0_i32_0 : i32, i32
  }
  func.func @transform_7(%arg0: i32) -> (i32, i32) {
    %c0_i32 = arith.constant 0 : i32
    %c0_i32_0 = arith.constant 0 : i32
    %c0_i32_1 = arith.constant 0 : i32
    return %c0_i32, %c0_i32_0 : i32, i32
  }
  func.func @transform_8(%arg0: i32) -> (i32, i32) {
    %c0_i32 = arith.constant 0 : i32
    %c0_i32_0 = arith.constant 0 : i32
    %c0_i32_1 = arith.constant 0 : i32
    return %c0_i32, %c0_i32_0 : i32, i32
  }
  func.func @transform_9(%arg0: i32) -> (i32, i32) {
    %c0_i32 = arith.constant 0 : i32
    %c0_i32_0 = arith.constant 0 : i32
    return %arg0, %c0_i32 : i32, i32
  }
  func.func @transform_10(%arg0: i32) -> (i32, i32) {
    %c0_i32 = arith.constant 0 : i32
    %c0_i32_0 = arith.constant 0 : i32
    return %arg0, %c0_i32 : i32, i32
  }
}

module attributes {stable_mosaic.version = 14 : i64} {
  func.func @body(%arg0: i32, %arg1: memref<1024x128xi32, #tpu.memory_space<vmem>>, %arg2: memref<1024x128xi32, #tpu.memory_space<vmem>>, %arg3: memref<1024x128xf32, #tpu.memory_space<vmem>>, %arg4: memref<128x128xf32, #tpu.memory_space<vmem>>, %arg5: memref<1x128xf32, #tpu.memory_space<vmem>>, %arg6: memref<1x128xf32, #tpu.memory_space<vmem>>, %arg7: memref<1x1xf32, #tpu.memory_space<vmem>>, %arg8: memref<1x128xf32, #tpu.memory_space<vmem>>, %arg9: memref<1x128xf32, #tpu.memory_space<vmem>>, %arg10: memref<1024x128xf32, #tpu.memory_space<vmem>>, %arg11: memref<1024x128xf32, #tpu.memory_space<vmem>>) attributes {dimension_semantics = [#tpu.dimension_semantics<arbitrary>], iteration_bounds = array<i64: 392>, scalar_prefetch = 0 : i64, scratch_operands = 0 : i64, tpu.core_type = #tpu.core_type<tc>, window_params = [{transform_indices = @transform_0, window_bounds = array<i64: 1024, 128>}, {transform_indices = @transform_1, window_bounds = array<i64: 1024, 128>}, {transform_indices = @transform_2, window_bounds = array<i64: 1024, 128>}, {pipeline_mode = #tpu.pipeline_mode<synchronous>, transform_indices = @transform_3, window_bounds = array<i64: 128, 128>}, {pipeline_mode = #tpu.pipeline_mode<synchronous>, transform_indices = @transform_4, window_bounds = array<i64: 1, 128>}, {pipeline_mode = #tpu.pipeline_mode<synchronous>, transform_indices = @transform_5, window_bounds = array<i64: 1, 128>}, {pipeline_mode = #tpu.pipeline_mode<synchronous>, transform_indices = @transform_6, window_bounds = array<i64: 1, 1>}, {pipeline_mode = #tpu.pipeline_mode<synchronous>, transform_indices = @transform_7, window_bounds = array<i64: 1, 128>}, {pipeline_mode = #tpu.pipeline_mode<synchronous>, transform_indices = @transform_8, window_bounds = array<i64: 1, 128>}, {transform_indices = @transform_9, window_bounds = array<i64: 1024, 128>}, {transform_indices = @transform_10, window_bounds = array<i64: 1024, 128>}]} {
    %get3A = arith.constant 0 : index
    %get3A_0 = arith.constant 0 : index
    %get3A_1 = vector.load %arg3[%get3A, %get3A_0] : memref<1024x128xf32, #tpu.memory_space<vmem>>, vector<1024x128xf32>
    %mul3A = arith.mulf %get3A_1, %get3A_1 : vector<1024x128xf32>
    %reduce_sum3A = arith.constant dense<0.000000e+00> : vector<1024xf32>
    %reduce_sum3A_2 = vector.multi_reduction <add>, %mul3A, %reduce_sum3A [1] : vector<1024x128xf32> to vector<1024xf32>
    %broadcast_in_dim3A = vector.shape_cast %reduce_sum3A_2 : vector<1024xf32> to vector<1024x1xf32>
    %sqrt3A = math.sqrt %broadcast_in_dim3A : vector<1024x1xf32>
    %add3A = arith.constant 9.99999971E-10 : f32
    %add3A_3 = vector.broadcast %add3A : f32 to vector<1024x1xf32>
    %add3A_4 = arith.addf %sqrt3A, %add3A_3 : vector<1024x1xf32>
    %div3A = vector.broadcast %add3A_4 : vector<1024x1xf32> to vector<1024x128xf32>
    %div3A_5 = arith.divf %get3A_1, %div3A : vector<1024x128xf32>
    %get3A_6 = arith.constant 0 : index
    %get3A_7 = arith.constant 0 : index
    %get3A_8 = vector.load %arg1[%get3A_6, %get3A_7] : memref<1024x128xi32, #tpu.memory_space<vmem>>, vector<1024x128xi32>
    %bitcast_convert_type3A = tpu.bitcast %get3A_8 : vector<1024x128xi32> -> vector<1024x128xi32>
    %and3A = arith.constant -65536 : i32
    %and3A_9 = vector.broadcast %and3A : i32 to vector<1024x128xi32>
    %and3A_10 = arith.andi %bitcast_convert_type3A, %and3A_9 : vector<1024x128xi32>
    %bitcast_convert_type3A_11 = tpu.bitcast %and3A_10 : vector<1024x128xi32> -> vector<1024x128xf32>
    %shift_left3A = arith.constant 16 : i32
    %shift_left3A_12 = vector.broadcast %shift_left3A : i32 to vector<1024x128xi32>
    %shift_left3A_13 = arith.shli %bitcast_convert_type3A, %shift_left3A_12 : vector<1024x128xi32>
    %bitcast_convert_type3A_14 = tpu.bitcast %shift_left3A_13 : vector<1024x128xi32> -> vector<1024x128xf32>
    %get3A_15 = arith.constant 0 : index
    %get3A_16 = arith.constant 0 : index
    %get3A_17 = vector.load %arg2[%get3A_15, %get3A_16] : memref<1024x128xi32, #tpu.memory_space<vmem>>, vector<1024x128xi32>
    %bitcast_convert_type3A_18 = tpu.bitcast %get3A_17 : vector<1024x128xi32> -> vector<1024x128xi32>
    %and3A_19 = arith.constant -65536 : i32
    %and3A_20 = vector.broadcast %and3A_19 : i32 to vector<1024x128xi32>
    %and3A_21 = arith.andi %bitcast_convert_type3A_18, %and3A_20 : vector<1024x128xi32>
    %bitcast_convert_type3A_22 = tpu.bitcast %and3A_21 : vector<1024x128xi32> -> vector<1024x128xf32>
    %shift_left3A_23 = arith.constant 16 : i32
    %shift_left3A_24 = vector.broadcast %shift_left3A_23 : i32 to vector<1024x128xi32>
    %shift_left3A_25 = arith.shli %bitcast_convert_type3A_18, %shift_left3A_24 : vector<1024x128xi32>
    %bitcast_convert_type3A_26 = tpu.bitcast %shift_left3A_25 : vector<1024x128xi32> -> vector<1024x128xf32>
    %add3A_27 = arith.addf %bitcast_convert_type3A_11, %bitcast_convert_type3A_22 : vector<1024x128xf32>
    %get3A_28 = arith.constant 0 : index
    %get3A_29 = arith.constant 0 : index
    %get3A_30 = vector.load %arg8[%get3A_28, %get3A_29] : memref<1x128xf32, #tpu.memory_space<vmem>>, vector<1x128xf32>
    %mul3A_31 = vector.broadcast %sqrt3A : vector<1024x1xf32> to vector<1024x128xf32>
    %mul3A_32 = vector.broadcast %get3A_30 : vector<1x128xf32> to vector<1024x128xf32>
    %mul3A_33 = arith.mulf %mul3A_31, %mul3A_32 : vector<1024x128xf32>
    %add3A_34 = arith.addf %add3A_27, %mul3A_33 : vector<1024x128xf32>
    %add3A_35 = arith.addf %bitcast_convert_type3A_14, %bitcast_convert_type3A_26 : vector<1024x128xf32>
    %get3A_36 = arith.constant 0 : index
    %get3A_37 = arith.constant 0 : index
    %get3A_38 = vector.load %arg9[%get3A_36, %get3A_37] : memref<1x128xf32, #tpu.memory_space<vmem>>, vector<1x128xf32>
    %mul3A_39 = vector.broadcast %sqrt3A : vector<1024x1xf32> to vector<1024x128xf32>
    %mul3A_40 = vector.broadcast %get3A_38 : vector<1x128xf32> to vector<1024x128xf32>
    %mul3A_41 = arith.mulf %mul3A_39, %mul3A_40 : vector<1024x128xf32>
    %add3A_42 = arith.addf %add3A_35, %mul3A_41 : vector<1024x128xf32>
    %neg3A = arith.constant 0.000000e+00 : f32
    %neg3A_43 = vector.broadcast %neg3A : f32 to vector<1024x128xf32>
    %neg3A_44 = arith.subf %neg3A_43, %add3A_34 : vector<1024x128xf32>
    %exp3A = math.exp %neg3A_44 : vector<1024x128xf32>
    %add3A_45 = arith.constant 1.000000e+00 : f32
    %add3A_46 = vector.broadcast %add3A_45 : f32 to vector<1024x128xf32>
    %add3A_47 = arith.addf %add3A_46, %exp3A : vector<1024x128xf32>
    %div3A_48 = arith.divf %add3A_34, %add3A_47 : vector<1024x128xf32>
    %convert_element_type3A = arith.truncf %div3A_48 : vector<1024x128xf32> to vector<1024x128xbf16>
    %get3A_49 = arith.constant 0 : index
    %get3A_50 = arith.constant 0 : index
    %get3A_51 = vector.load %arg4[%get3A_49, %get3A_50] : memref<128x128xf32, #tpu.memory_space<vmem>>, vector<128x128xf32>
    %convert_element_type3A_52 = arith.truncf %get3A_51 : vector<128x128xf32> to vector<128x128xbf16>
    %dot_general3A = arith.constant dense<0.000000e+00> : vector<1024x128xf32>
    %dot_general3A_53 = tpu.matmul %convert_element_type3A, %convert_element_type3A_52, %dot_general3A {dimension_numbers = #tpu.dot_dimension_numbers<[1], [0], [0], [1], [0, 0, 1, 1], [], []>, transpose_lhs_hint = false} : vector<1024x128xbf16>, vector<128x128xbf16>, vector<1024x128xf32> -> vector<1024x128xf32>
    %get3A_54 = arith.constant 0 : index
    %get3A_55 = arith.constant 0 : index
    %get3A_56 = vector.load %arg5[%get3A_54, %get3A_55] : memref<1x128xf32, #tpu.memory_space<vmem>>, vector<1x128xf32>
    %add3A_57 = vector.broadcast %get3A_56 : vector<1x128xf32> to vector<1024x128xf32>
    %add3A_58 = arith.addf %dot_general3A_53, %add3A_57 : vector<1024x128xf32>
    %neg3A_59 = arith.constant 0.000000e+00 : f32
    %neg3A_60 = vector.broadcast %neg3A_59 : f32 to vector<1024x128xf32>
    %neg3A_61 = arith.subf %neg3A_60, %add3A_58 : vector<1024x128xf32>
    %exp3A_62 = math.exp %neg3A_61 : vector<1024x128xf32>
    %add3A_63 = arith.constant 1.000000e+00 : f32
    %add3A_64 = vector.broadcast %add3A_63 : f32 to vector<1024x128xf32>
    %add3A_65 = arith.addf %add3A_64, %exp3A_62 : vector<1024x128xf32>
    %div3A_66 = arith.divf %add3A_58, %add3A_65 : vector<1024x128xf32>
    %neg3A_67 = arith.constant 0.000000e+00 : f32
    %neg3A_68 = vector.broadcast %neg3A_67 : f32 to vector<1024x128xf32>
    %neg3A_69 = arith.subf %neg3A_68, %add3A_42 : vector<1024x128xf32>
    %exp3A_70 = math.exp %neg3A_69 : vector<1024x128xf32>
    %add3A_71 = arith.constant 1.000000e+00 : f32
    %add3A_72 = vector.broadcast %add3A_71 : f32 to vector<1024x128xf32>
    %add3A_73 = arith.addf %add3A_72, %exp3A_70 : vector<1024x128xf32>
    %div3A_74 = arith.divf %add3A_42, %add3A_73 : vector<1024x128xf32>
    %get3A_75 = arith.constant 0 : index
    %get3A_76 = arith.constant 0 : index
    %get3A_77 = vector.load %arg6[%get3A_75, %get3A_76] : memref<1x128xf32, #tpu.memory_space<vmem>>, vector<1x128xf32>
    %mul3A_78 = vector.broadcast %get3A_77 : vector<1x128xf32> to vector<1024x128xf32>
    %mul3A_79 = arith.mulf %div3A_74, %mul3A_78 : vector<1024x128xf32>
    %reduce_sum3A_80 = arith.constant dense<0.000000e+00> : vector<1024xf32>
    %reduce_sum3A_81 = vector.multi_reduction <add>, %mul3A_79, %reduce_sum3A_80 [1] : vector<1024x128xf32> to vector<1024xf32>
    %broadcast_in_dim3A_82 = vector.shape_cast %reduce_sum3A_81 : vector<1024xf32> to vector<1024x1xf32>
    %get3A_83 = arith.constant 0 : index
    %get3A_84 = arith.constant 0 : index
    %get3A_85 = vector.load %arg7[%get3A_83, %get3A_84] : memref<1x1xf32, #tpu.memory_space<vmem>>, vector<1x1xf32>
    %add3A_86 = vector.broadcast %get3A_85 : vector<1x1xf32> to vector<1024x1xf32>
    %add3A_87 = arith.addf %broadcast_in_dim3A_82, %add3A_86 : vector<1024x1xf32>
    %neg3A_88 = arith.constant 0.000000e+00 : f32
    %neg3A_89 = vector.broadcast %neg3A_88 : f32 to vector<1024x1xf32>
    %neg3A_90 = arith.subf %neg3A_89, %add3A_87 : vector<1024x1xf32>
    %exp3A_91 = math.exp %neg3A_90 : vector<1024x1xf32>
    %add3A_92 = arith.constant 1.000000e+00 : f32
    %add3A_93 = vector.broadcast %add3A_92 : f32 to vector<1024x1xf32>
    %add3A_94 = arith.addf %add3A_93, %exp3A_91 : vector<1024x1xf32>
    %div3A_95 = arith.divf %add3A_87, %add3A_94 : vector<1024x1xf32>
    %swap3A = arith.constant 0 : index
    %swap3A_96 = arith.constant 0 : index
    %swap3A_97 = vector.load %arg10[%swap3A, %swap3A_96] : memref<1024x128xf32, #tpu.memory_space<vmem>>, vector<1024x128xf32>
    tpu.vector_store %arg10[%swap3A, %swap3A_96], %div3A_66 {strides = array<i32>} : memref<1024x128xf32, #tpu.memory_space<vmem>>, vector<1024x128xf32>,
    %mul3A_98 = vector.broadcast %div3A_95 : vector<1024x1xf32> to vector<1024x128xf32>
    %mul3A_99 = arith.mulf %mul3A_98, %div3A_5 : vector<1024x128xf32>
    %swap3A_100 = arith.constant 0 : index
    %swap3A_101 = arith.constant 0 : index
    %swap3A_102 = vector.load %arg11[%swap3A_100, %swap3A_101] : memref<1024x128xf32, #tpu.memory_space<vmem>>, vector<1024x128xf32>
    tpu.vector_store %arg11[%swap3A_100, %swap3A_101], %mul3A_99 {strides = array<i32>} : memref<1024x128xf32, #tpu.memory_space<vmem>>, vector<1024x128xf32>,
    return
  }
  func.func @transform_0(%arg0: i32) -> (i32, i32) {
    %c0_i32 = arith.constant 0 : i32
    %c0_i32_0 = arith.constant 0 : i32
    return %arg0, %c0_i32 : i32, i32
  }
  func.func @transform_1(%arg0: i32) -> (i32, i32) {
    %c0_i32 = arith.constant 0 : i32
    %c0_i32_0 = arith.constant 0 : i32
    return %arg0, %c0_i32 : i32, i32
  }
  func.func @transform_2(%arg0: i32) -> (i32, i32) {
    %c0_i32 = arith.constant 0 : i32
    %c0_i32_0 = arith.constant 0 : i32
    return %arg0, %c0_i32 : i32, i32
  }
  func.func @transform_3(%arg0: i32) -> (i32, i32) {
    %c0_i32 = arith.constant 0 : i32
    %c0_i32_0 = arith.constant 0 : i32
    %c0_i32_1 = arith.constant 0 : i32
    return %c0_i32, %c0_i32_0 : i32, i32
  }
  func.func @transform_4(%arg0: i32) -> (i32, i32) {
    %c0_i32 = arith.constant 0 : i32
    %c0_i32_0 = arith.constant 0 : i32
    %c0_i32_1 = arith.constant 0 : i32
    return %c0_i32, %c0_i32_0 : i32, i32
  }
  func.func @transform_5(%arg0: i32) -> (i32, i32) {
    %c0_i32 = arith.constant 0 : i32
    %c0_i32_0 = arith.constant 0 : i32
    %c0_i32_1 = arith.constant 0 : i32
    return %c0_i32, %c0_i32_0 : i32, i32
  }
  func.func @transform_6(%arg0: i32) -> (i32, i32) {
    %c0_i32 = arith.constant 0 : i32
    %c0_i32_0 = arith.constant 0 : i32
    %c0_i32_1 = arith.constant 0 : i32
    return %c0_i32, %c0_i32_0 : i32, i32
  }
  func.func @transform_7(%arg0: i32) -> (i32, i32) {
    %c0_i32 = arith.constant 0 : i32
    %c0_i32_0 = arith.constant 0 : i32
    %c0_i32_1 = arith.constant 0 : i32
    return %c0_i32, %c0_i32_0 : i32, i32
  }
  func.func @transform_8(%arg0: i32) -> (i32, i32) {
    %c0_i32 = arith.constant 0 : i32
    %c0_i32_0 = arith.constant 0 : i32
    %c0_i32_1 = arith.constant 0 : i32
    return %c0_i32, %c0_i32_0 : i32, i32
  }
  func.func @transform_9(%arg0: i32) -> (i32, i32) {
    %c0_i32 = arith.constant 0 : i32
    %c0_i32_0 = arith.constant 0 : i32
    return %arg0, %c0_i32 : i32, i32
  }
  func.func @transform_10(%arg0: i32) -> (i32, i32) {
    %c0_i32 = arith.constant 0 : i32
    %c0_i32_0 = arith.constant 0 : i32
    return %arg0, %c0_i32 : i32, i32
  }
}

module attributes {stable_mosaic.version = 14 : i64} {
  func.func @body(%arg0: i32, %arg1: memref<2000x128xf32, #tpu.memory_space<vmem>>, %arg2: memref<2000x128xf32, #tpu.memory_space<vmem>>, %arg3: memref<2000x128xf32, #tpu.memory_space<vmem>>, %arg4: memref<2000x128xf32, #tpu.memory_space<vmem>>, %arg5: memref<2000x128xf32, #tpu.memory_space<vmem>>, %arg6: memref<2000x128xf32, #tpu.memory_space<vmem>>, %arg7: memref<128x128xf32, #tpu.memory_space<vmem>>, %arg8: memref<128x128xf32, #tpu.memory_space<vmem>>, %arg9: memref<1x128xf32, #tpu.memory_space<vmem>>, %arg10: memref<128x128xf32, #tpu.memory_space<vmem>>, %arg11: memref<1x128xf32, #tpu.memory_space<vmem>>, %arg12: memref<2000x128xf32, #tpu.memory_space<vmem>>, %arg13: memref<2000x128xf32, #tpu.memory_space<vmem>>) attributes {dimension_semantics = [#tpu.dimension_semantics<arbitrary>], iteration_bounds = array<i64: 5>, scalar_prefetch = 0 : i64, scratch_operands = 0 : i64, tpu.core_type = #tpu.core_type<tc>, window_params = [{transform_indices = @transform_0, window_bounds = array<i64: 2000, 128>}, {transform_indices = @transform_1, window_bounds = array<i64: 2000, 128>}, {transform_indices = @transform_2, window_bounds = array<i64: 2000, 128>}, {transform_indices = @transform_3, window_bounds = array<i64: 2000, 128>}, {transform_indices = @transform_4, window_bounds = array<i64: 2000, 128>}, {transform_indices = @transform_5, window_bounds = array<i64: 2000, 128>}, {pipeline_mode = #tpu.pipeline_mode<synchronous>, transform_indices = @transform_6, window_bounds = array<i64: 128, 128>}, {pipeline_mode = #tpu.pipeline_mode<synchronous>, transform_indices = @transform_7, window_bounds = array<i64: 128, 128>}, {pipeline_mode = #tpu.pipeline_mode<synchronous>, transform_indices = @transform_8, window_bounds = array<i64: 1, 128>}, {pipeline_mode = #tpu.pipeline_mode<synchronous>, transform_indices = @transform_9, window_bounds = array<i64: 128, 128>}, {pipeline_mode = #tpu.pipeline_mode<synchronous>, transform_indices = @transform_10, window_bounds = array<i64: 1, 128>}, {transform_indices = @transform_11, window_bounds = array<i64: 2000, 128>}, {transform_indices = @transform_12, window_bounds = array<i64: 2000, 128>}]} {
    %get3A = arith.constant 0 : index
    %get3A_0 = arith.constant 0 : index
    %get3A_1 = vector.load %arg1[%get3A, %get3A_0] : memref<2000x128xf32, #tpu.memory_space<vmem>>, vector<2000x128xf32>
    %get3A_2 = arith.constant 0 : index
    %get3A_3 = arith.constant 0 : index
    %get3A_4 = vector.load %arg3[%get3A_2, %get3A_3] : memref<2000x128xf32, #tpu.memory_space<vmem>>, vector<2000x128xf32>
    %get3A_5 = arith.constant 0 : index
    %get3A_6 = arith.constant 0 : index
    %get3A_7 = vector.load %arg4[%get3A_5, %get3A_6] : memref<2000x128xf32, #tpu.memory_space<vmem>>, vector<2000x128xf32>
    %add3A = arith.addf %get3A_4, %get3A_7 : vector<2000x128xf32>
    %get3A_8 = arith.constant 0 : index
    %get3A_9 = arith.constant 0 : index
    %get3A_10 = vector.load %arg7[%get3A_8, %get3A_9] : memref<128x128xf32, #tpu.memory_space<vmem>>, vector<128x128xf32>
    %dot_general3A = arith.constant dense<0.000000e+00> : vector<2000x128xf32>
    %dot_general3A_11 = tpu.matmul %get3A_1, %get3A_10, %dot_general3A {dimension_numbers = #tpu.dot_dimension_numbers<[1], [0], [0], [1], [0, 0, 1, 1], [], []>, precision = #tpu.contract_precision<fp32>, transpose_lhs_hint = false} : vector<2000x128xf32>, vector<128x128xf32>, vector<2000x128xf32> -> vector<2000x128xf32>
    %get3A_12 = arith.constant 0 : index
    %get3A_13 = arith.constant 0 : index
    %get3A_14 = vector.load %arg8[%get3A_12, %get3A_13] : memref<128x128xf32, #tpu.memory_space<vmem>>, vector<128x128xf32>
    %dot_general3A_15 = arith.constant dense<0.000000e+00> : vector<2000x128xf32>
    %dot_general3A_16 = tpu.matmul %add3A, %get3A_14, %dot_general3A_15 {dimension_numbers = #tpu.dot_dimension_numbers<[1], [0], [0], [1], [0, 0, 1, 1], [], []>, precision = #tpu.contract_precision<fp32>, transpose_lhs_hint = false} : vector<2000x128xf32>, vector<128x128xf32>, vector<2000x128xf32> -> vector<2000x128xf32>
    %add3A_17 = arith.addf %dot_general3A_11, %dot_general3A_16 : vector<2000x128xf32>
    %get3A_18 = arith.constant 0 : index
    %get3A_19 = arith.constant 0 : index
    %get3A_20 = vector.load %arg9[%get3A_18, %get3A_19] : memref<1x128xf32, #tpu.memory_space<vmem>>, vector<1x128xf32>
    %add3A_21 = vector.broadcast %get3A_20 : vector<1x128xf32> to vector<2000x128xf32>
    %add3A_22 = arith.addf %add3A_17, %add3A_21 : vector<2000x128xf32>
    %neg3A = arith.constant 0.000000e+00 : f32
    %neg3A_23 = vector.broadcast %neg3A : f32 to vector<2000x128xf32>
    %neg3A_24 = arith.subf %neg3A_23, %add3A_22 : vector<2000x128xf32>
    %exp3A = math.exp %neg3A_24 : vector<2000x128xf32>
    %add3A_25 = arith.constant 1.000000e+00 : f32
    %add3A_26 = vector.broadcast %add3A_25 : f32 to vector<2000x128xf32>
    %add3A_27 = arith.addf %add3A_26, %exp3A : vector<2000x128xf32>
    %div3A = arith.divf %add3A_22, %add3A_27 : vector<2000x128xf32>
    %get3A_28 = arith.constant 0 : index
    %get3A_29 = arith.constant 0 : index
    %get3A_30 = vector.load %arg10[%get3A_28, %get3A_29] : memref<128x128xf32, #tpu.memory_space<vmem>>, vector<128x128xf32>
    %dot_general3A_31 = arith.constant dense<0.000000e+00> : vector<2000x128xf32>
    %dot_general3A_32 = tpu.matmul %div3A, %get3A_30, %dot_general3A_31 {dimension_numbers = #tpu.dot_dimension_numbers<[1], [0], [0], [1], [0, 0, 1, 1], [], []>, precision = #tpu.contract_precision<fp32>, transpose_lhs_hint = false} : vector<2000x128xf32>, vector<128x128xf32>, vector<2000x128xf32> -> vector<2000x128xf32>
    %add3A_33 = arith.addf %get3A_1, %dot_general3A_32 : vector<2000x128xf32>
    %get3A_34 = arith.constant 0 : index
    %get3A_35 = arith.constant 0 : index
    %get3A_36 = vector.load %arg11[%get3A_34, %get3A_35] : memref<1x128xf32, #tpu.memory_space<vmem>>, vector<1x128xf32>
    %add3A_37 = vector.broadcast %get3A_36 : vector<1x128xf32> to vector<2000x128xf32>
    %add3A_38 = arith.addf %add3A_33, %add3A_37 : vector<2000x128xf32>
    %swap3A = arith.constant 0 : index
    %swap3A_39 = arith.constant 0 : index
    %swap3A_40 = vector.load %arg12[%swap3A, %swap3A_39] : memref<2000x128xf32, #tpu.memory_space<vmem>>, vector<2000x128xf32>
    tpu.vector_store %arg12[%swap3A, %swap3A_39], %add3A_38 {strides = array<i32>} : memref<2000x128xf32, #tpu.memory_space<vmem>>, vector<2000x128xf32>,
    %get3A_41 = arith.constant 0 : index
    %get3A_42 = arith.constant 0 : index
    %get3A_43 = vector.load %arg2[%get3A_41, %get3A_42] : memref<2000x128xf32, #tpu.memory_space<vmem>>, vector<2000x128xf32>
    %get3A_44 = arith.constant 0 : index
    %get3A_45 = arith.constant 0 : index
    %get3A_46 = vector.load %arg5[%get3A_44, %get3A_45] : memref<2000x128xf32, #tpu.memory_space<vmem>>, vector<2000x128xf32>
    %add3A_47 = arith.addf %get3A_43, %get3A_46 : vector<2000x128xf32>
    %get3A_48 = arith.constant 0 : index
    %get3A_49 = arith.constant 0 : index
    %get3A_50 = vector.load %arg6[%get3A_48, %get3A_49] : memref<2000x128xf32, #tpu.memory_space<vmem>>, vector<2000x128xf32>
    %add3A_51 = arith.addf %add3A_47, %get3A_50 : vector<2000x128xf32>
    %swap3A_52 = arith.constant 0 : index
    %swap3A_53 = arith.constant 0 : index
    %swap3A_54 = vector.load %arg13[%swap3A_52, %swap3A_53] : memref<2000x128xf32, #tpu.memory_space<vmem>>, vector<2000x128xf32>
    tpu.vector_store %arg13[%swap3A_52, %swap3A_53], %add3A_51 {strides = array<i32>} : memref<2000x128xf32, #tpu.memory_space<vmem>>, vector<2000x128xf32>,
    return
  }
  func.func @transform_0(%arg0: i32) -> (i32, i32) {
    %c0_i32 = arith.constant 0 : i32
    %c0_i32_0 = arith.constant 0 : i32
    return %arg0, %c0_i32 : i32, i32
  }
  func.func @transform_1(%arg0: i32) -> (i32, i32) {
    %c0_i32 = arith.constant 0 : i32
    %c0_i32_0 = arith.constant 0 : i32
    return %arg0, %c0_i32 : i32, i32
  }
  func.func @transform_2(%arg0: i32) -> (i32, i32) {
    %c0_i32 = arith.constant 0 : i32
    %c0_i32_0 = arith.constant 0 : i32
    return %arg0, %c0_i32 : i32, i32
  }
  func.func @transform_3(%arg0: i32) -> (i32, i32) {
    %c0_i32 = arith.constant 0 : i32
    %c0_i32_0 = arith.constant 0 : i32
    return %arg0, %c0_i32 : i32, i32
  }
  func.func @transform_4(%arg0: i32) -> (i32, i32) {
    %c0_i32 = arith.constant 0 : i32
    %c0_i32_0 = arith.constant 0 : i32
    return %arg0, %c0_i32 : i32, i32
  }
  func.func @transform_5(%arg0: i32) -> (i32, i32) {
    %c0_i32 = arith.constant 0 : i32
    %c0_i32_0 = arith.constant 0 : i32
    return %arg0, %c0_i32 : i32, i32
  }
  func.func @transform_6(%arg0: i32) -> (i32, i32) {
    %c0_i32 = arith.constant 0 : i32
    %c0_i32_0 = arith.constant 0 : i32
    %c0_i32_1 = arith.constant 0 : i32
    return %c0_i32, %c0_i32_0 : i32, i32
  }
  func.func @transform_7(%arg0: i32) -> (i32, i32) {
    %c0_i32 = arith.constant 0 : i32
    %c0_i32_0 = arith.constant 0 : i32
    %c0_i32_1 = arith.constant 0 : i32
    return %c0_i32, %c0_i32_0 : i32, i32
  }
  func.func @transform_8(%arg0: i32) -> (i32, i32) {
    %c0_i32 = arith.constant 0 : i32
    %c0_i32_0 = arith.constant 0 : i32
    %c0_i32_1 = arith.constant 0 : i32
    return %c0_i32, %c0_i32_0 : i32, i32
  }
  func.func @transform_9(%arg0: i32) -> (i32, i32) {
    %c0_i32 = arith.constant 0 : i32
    %c0_i32_0 = arith.constant 0 : i32
    %c0_i32_1 = arith.constant 0 : i32
    return %c0_i32, %c0_i32_0 : i32, i32
  }
  func.func @transform_10(%arg0: i32) -> (i32, i32) {
    %c0_i32 = arith.constant 0 : i32
    %c0_i32_0 = arith.constant 0 : i32
    %c0_i32_1 = arith.constant 0 : i32
    return %c0_i32, %c0_i32_0 : i32, i32
  }
  func.func @transform_11(%arg0: i32) -> (i32, i32) {
    %c0_i32 = arith.constant 0 : i32
    %c0_i32_0 = arith.constant 0 : i32
    return %arg0, %c0_i32 : i32, i32
  }
  func.func @transform_12(%arg0: i32) -> (i32, i32) {
    %c0_i32 = arith.constant 0 : i32
    %c0_i32_0 = arith.constant 0 : i32
    return %arg0, %c0_i32 : i32, i32
  }
}

</mosaic_0001>

<sc_bundles>
// kernel: kernel.10.cloned.1.call-start
scs
__scs_entry_jumppad:
0x0: {  	(pc) =	sbr.rel $0x88, $3  }
0x1: {  	(tag) =	ssettag $0x0;
	lr =	simm.s32 $0x1  }
0x2: {  	[smem:$0x3F87] =	sst lr;
	_ =	strace $0xD0000000  }
0x3: {  	_ = 	snop  }
0x4: {  	_ = 	snop  }
0x5: {  	_ = 	snop  }
0x6: {  	_ = 	snop  }
0x7: {  	_ = 	snop  }
__scs_overlays_trampoline_lowered:
0x8: {  	[smem:$0x3F96] =	sst s0  }
0x9: {  	[smem:$0x3F97] =	sst s1  }
0xa: {  	[smem:$0x3F98] =	sst s2  }
0xb: {  	[smem:$0x3F99] =	sst s3  }
0xc: {  	[smem:$0x3F9A] =	sst s4  }
0xd: {  	[smem:$0x3F9B] =	sst s5  }
0xe: {  	[smem:$0x3F9C] =	sst s6  }
0xf: {  	[smem:$0x3F9D] =	sst s7  }
0x10: {  	[smem:$0x3F9E] =	sst s8  }
0x11: {  	[smem:$0x3F9F] =	sst s9;
	s0 =	simm.s32 @!p0 $0x0  }
0x12: {  	s1 =	sld [smem:$0x3F85];
	s0 =	simm.s32 @p0 $0x1  }
0x13: {  	[smem:$0x3FA0] =	sst s0;
	s0 =	simm.s32 @!p1 $0x0  }
0x14: {  	s2 =	sld [smem:$0x3F84];
	s0 =	simm.s32 @p1 $0x1  }
0x15: {  	[smem:$0x3FA1] =	sst s0;
	s0 =	simm.s32 @!p2 $0x0  }
0x16: {  	s3 =	sld [smem:$0x3FDB];
	s0 =	simm.s32 @p2 $0x1  }
0x17: {  	s4 =	simm.s32 $0x1BF5;
	[smem:$0x3FA3] =	sst s0  }
0x18: {  	s0 =	sld [smem:$0x3F86];
	_ =	swait.ge [sflag:s4], $0x0  }
0x19: {  	s7 =	sld [smem:$0x3F87]  }
0x1a: {  	s8 =	sadd.s32 $0xFFFFE003, lr  }
0x1b: {  	s9 =	sadd.s32 $0xFFFFFEF7, lr;
	s5 =	simm.s32 $0xFFFFFFFF;
	p2 =	slt.u32 s8, $0xFFFFF086  }
0x1c: {  	p1 =	slt.u32 s9, $0xF7A;
	s5 =	simm.s32 @!p2 $0x0  }
0x1d: {  	s5 =	simm.s32 @p1 $0x1;
	p0 =	seq.s32 s7, s2  }
0x1e: {  	s7 =	smul.u32 @!p0 $0xF7A, s2;
	p2 =	seq.s32 @!p0 s5, $0x0  }
0x1f: {  	s9 =	smul.u32 $0xF7A, s1;
	s8 =	simm.s32 @!p0 $0x1BF5;
	p2 =	por !p2, p0  }
0x20: {  	[sflag:s8] =	ssyncset.s32 @!p0 $0xFFFFF086;
	s6 =	sadd.s32 @!p0 s3, s7;
	s7 =	simm.s32 @!p0 $0x108  }
0x21: {  	s3 =	sadd.s32 s3, s9;
	s6 =	sadd.s32 @!p0 $0x88, s6;
	s7 =	simm.s32 @p2 $0x1082  }
0x22: {  	[simem:s7], [sflag:s8] =	dma.local @!p0 [hbm:s6], $0xF7A  }
0x23: {  	s9 =	sor.u32 $0xD0000000, s2;
	s6 =	simm.s32 $0x108;
	_ =	swait.ge @!p0 [sflag:s8], $0x0  }
0x24: {  	s3 =	sadd.s32 $0x88, s3;
	s6 =	simm.s32 @!p1 $0x1082;
	[sflag:s4] =	ssyncset.s32 $0xFFFFF086  }
0x25: {  	[simem:s6], [sflag:s4] =	dma.local [hbm:s3], $0xF7A  }
0x26: {  	[smem:$0x3F87] =	sst s1;
	(tag) =	ssettag s2;
	_ =	strace s9  }
0x27: {  	s1 =	sld [smem:$0x3F97]  }
0x28: {  	s2 =	sld [smem:$0x3F98]  }
0x29: {  	s4 =	sld [smem:$0x3F9A]  }
0x2a: {  	p0 =	seq.s32 s5, $0x0;
	s5 =	sld [smem:$0x3F9B]  }
0x2b: {  	s6 =	sld [smem:$0x3F9C]  }
0x2c: {  	s7 =	sld [smem:$0x3F9D]  }
0x2d: {  	s3 =	simm.s32 $0x108;
	s8 =	sld [smem:$0x3F9E]  }
0x2e: {  	s3 =	simm.s32 @!p0 $0x1082;
	s9 =	sld [smem:$0x3F9F]  }
0x2f: {  	lr =	sadd.s32 s0, s3;
	s0 =	sld [smem:$0x3F96]  }
0x30: {  	s3 =	sld [smem:$0x3F99]  }
0x31: {  	[smem:$0x3FA2] =	sst s10  }
0x32: {  	s10 =	sld [smem:$0x3FA0];
	_ =	sdelay $0x3  }
0x33: {  	p0 =	seq.s32 s10, $0x1;
	s10 =	sld [smem:$0x3FA2];
	_ =	sdelay $0x3  }
0x34: {  	[smem:$0x3FA2] =	sst s10  }
0x35: {  	s10 =	sld [smem:$0x3FA1];
	_ =	sdelay $0x3  }
0x36: {  	p1 =	seq.s32 s10, $0x1;
	s10 =	sld [smem:$0x3FA2];
	_ =	sdelay $0x3  }
0x37: {  	[smem:$0x3FA2] =	sst s10  }
0x38: {  	s10 =	sld [smem:$0x3FA3]  }
0x39: {  	_ = 	snop;
	(pc) =	sbr.ind lr, $3  }
0x3a: {  	_ = 	snop  }
0x3b: {  	_ = 	snop  }
0x3c: {  	p2 =	seq.s32 s10, $0x1;
	s10 =	sld [smem:$0x3FA2]  }
0x3d: {  	_ =	shalt  }
0x3e: {  	_ =	shalt  }
0x3f: {  	_ =	shalt  }
0x40: {  	_ =	shalt  }
0x41: {  	_ =	shalt  }
0x42: {  	_ =	shalt  }
0x43: {  	_ =	shalt  }
0x44: {  	_ =	shalt  }
0x45: {  	_ =	shalt  }
0x46: {  	_ =	shalt  }
0x47: {  	_ =	shalt  }
0x48: {  	_ =	shalt  }
0x49: {  	_ =	shalt  }
0x4a: {  	_ =	shalt  }
0x4b: {  	_ =	shalt  }
0x4c: {  	_ =	shalt  }
0x4d: {  	_ =	shalt  }
0x4e: {  	_ =	shalt  }
0x4f: {  	_ =	shalt  }
0x50: {  	_ =	shalt  }
0x51: {  	_ =	shalt  }
0x52: {  	_ =	shalt  }
0x53: {  	_ =	shalt  }
0x54: {  	_ =	shalt  }
0x55: {  	_ =	shalt  }
0x56: {  	_ =	shalt  }
0x57: {  	_ =	shalt  }
0x58: {  	_ =	shalt  }
0x59: {  	_ =	shalt  }
0x5a: {  	_ =	shalt  }
0x5b: {  	_ =	shalt  }
0x5c: {  	_ =	shalt  }
0x5d: {  	_ =	shalt  }
0x5e: {  	_ =	shalt  }
0x5f: {  	_ =	shalt  }
0x60: {  	_ =	shalt  }
0x61: {  	_ =	shalt  }
0x62: {  	_ =	shalt  }
0x63: {  	_ =	shalt  }
0x64: {  	_ =	shalt  }
0x65: {  	_ =	shalt  }
0x66: {  	_ =	shalt  }
0x67: {  	_ =	shalt  }
0x68: {  	_ =	shalt  }
0x69: {  	_ =	shalt  }
0x6a: {  	_ =	shalt  }
0x6b: {  	_ =	shalt  }
0x6c: {  	_ =	shalt  }
0x6d: {  	_ =	shalt  }
0x6e: {  	_ =	shalt  }
0x6f: {  	_ =	shalt  }
0x70: {  	_ =	shalt  }
0x71: {  	_ =	shalt  }
0x72: {  	_ =	shalt  }
0x73: {  	_ =	shalt  }
0x74: {  	_ =	shalt  }
0x75: {  	_ =	shalt  }
0x76: {  	_ =	shalt  }
0x77: {  	_ =	shalt  }
0x78: {  	_ =	shalt  }
0x79: {  	_ =	shalt  }
0x7a: {  	_ =	shalt  }
0x7b: {  	_ =	shalt  }
0x7c: {  	_ =	shalt  }
0x7d: {  	_ =	shalt  }
0x7e: {  	_ =	shalt  }
0x7f: {  	_ =	shalt  }
0x80: {  	_ =	shalt  }
0x81: {  	_ =	shalt  }
0x82: {  	_ =	shalt  }
0x83: {  	_ =	shalt  }
0x84: {  	_ =	shalt  }
0x85: {  	_ =	shalt  }
0x86: {  	_ =	shalt  }
0x87: {  	_ =	shalt  }
.Lfunc_end0:
.L_simem_size_0:
called_computation_lowered:
.L_overlay_start_0:
0x88: {  	s2 =	sld [smem:$0x3FD9]  }
0x89: {  	s3 =	sld [smem:$0x3FFE];
	_ =	sdelay $0x1  }
0x8a: {  	s1 =	srdreg.scid  }
0x8b: {  	s0 =	sand.u32 $0x1, s1  }
0x8c: {  	s14 =	sshll.u32 s0, $0xA;
	s2 =	sadd.s32 s3, s2  }
0x8d: {  	s2 =	sadd.s32 s2, s14  }
0x8e: {  	[smem:$0x3FAE] =	sst s2  }
0x8f: {  	_ = 	snop  }
0x90: {  	s2 =	sld [smem:$0x3FD0];
	_ =	sdelay $0x2  }
0x91: {  	s15 =	simm.s32 $0xB;
	s4 =	simm.s32 $0x10  }
0x92: {  	[smem:s4], [sflag:s15] =	dma.local [hbm:s2], $0x1  }
0x93: {  	_ =	swait.eq [sflag:s15], $0x1  }
0x94: {  	[sflag:s15] =	ssyncset.done $0x0  }
0x95: {  	s16 =	sld [smem:$0x10];
	[sflag:s15] =	ssyncadd.s32 $0xFFFFFFFF  }
0x96: {  	s17 =	sld [smem:$0x11];
	(tm) =	ssettm $0x1  }
0x97: {  	s18 =	sld [smem:$0x3FFB];
	_ =	sdelay $0x3  }
0x98: {  	_ =	strace s18  }
0x99: {  	s4 =	sld [smem:$0x3FFC];
	_ =	sdelay $0x3  }
0x9a: {  	_ =	strace s4  }
0x9b: {  	s4 =	sld [smem:$0x3FFD];
	_ =	sdelay $0x3  }
0x9c: {  	_ =	strace s4  }
0x9d: {  	_ =	strace $0x8FFFFFFF  }
0x9e: {  	s19 =	sld [smem:$0x3FDB];
	_ =	sdelay $0x1  }
0x9f: {  	s5 =	simm.s32 $_scs_section_size  }
0xa0: {  	s6 =	simm.s32 $_size__tile_overlayer_lowered;
	s7 =	simm.s32 $_tile_overlayer_lowered  }
0xa1: {  	s22 =	simm.s32 $0x1BFF;
	s21 =	sshll.u32 s7, $0x1;
	s4 =	sadd.s32 s5, s19  }
0xa2: {  	s8 =	simm.s32 $0x0;
	s20 =	sshll.u32 s6, $0x1;
	s6 =	sadd.s32 s21, s4  }
0xa3: {  	[timem:s8], [sflag:s22] =	dma.local [hbm:s6], s20  }
0xa4: {  	_ =	swait.ge [sflag:s22], s20  }
0xa5: {  	s5 =	ssub.s32 $0x0, s20;
	[sflag:s22] =	ssyncset.done $0x0  }
0xa6: {  	[sflag:s22] =	ssyncadd.s32 s5;
	_ =	sdelay $0x1  }
0xa7: {  	s23 =	simm.s32 $0x1B8B  }
0xa8: {  	_ =	swait.ge [sflag:s23], $0x1  }
0xa9: {  	[sflag:s23] =	ssyncset.done $0x0  }
0xaa: {  	s25 =	simm.s32 $0x1B8E;
	s24 =	sld [smem:$0x3FFE];
	[sflag:s23] =	ssyncadd.s32 $0xFFFFFFFF  }
0xab: {  	s26 =	simm.s32 $execute0_lowered;
	[smem:$0x3FD2] =	sst s25  }
0xac: {  	s6 =	sshll.u32 s26, $0x1;
	_ =	strace $0x80000046;
	[dreg:$0x1] =	wrdreg $0xFFFFFFFF  }
0xad: {  	s28 =	simm.s32 $_size_execute0_lowered;
	s4 =	sadd.s32 s4, s6;
	[dreg:$0x0] =	wrdreg $0x0  }
0xae: {  	s6 =	sshll.u32 s28, $0x1;
	[dreg:$0x2] =	wrdreg s4  }
0xaf: {  	[dreg:$0x3] =	wrdreg s6  }
0xb0: {  	[dreg:$0x4] =	wrdreg $0xC0  }
0xb1: {  	_ =	task [dreg:s8], $0x5FFFF  }
0xb2: {  	[dreg:$0x1] =	wrdreg $0xFFFFFFFF  }
0xb3: {  	[dreg:$0x0] =	wrdreg $0x60  }
0xb4: {  	[dreg:$0x2] =	wrdreg s24  }
0xb5: {  	[dreg:$0x3] =	wrdreg s16  }
0xb6: {  	[dreg:$0x4] =	wrdreg s17  }
0xb7: {  	[dreg:$0x5] =	wrdreg $0x9  }
0xb8: {  	_ =	task.clear_ibuf [dreg:s8], $0x6FFFF;
	_ =	strace $0x90000046  }
0xb9: {  	s29 =	simm.s32 $0x9;
	_ =	strace $0x80000048  }
0xba: {  	_ =	swait.ge [sflag:s29], $0x1  }
0xbb: {  	[sflag:s29] =	ssyncadd.s32 $0xFFFFFFFF  }
0xbc: {  	_ =	strace $0x90000048  }
0xbd: {  	_ =	sfence  }
0xbe: {  	s30 =	sld [smem:$0x0];
	_ =	sdelay $0x2  }
0xbf: {  	s31 =	sshll.u32 s1, $0xD;
	s1 =	sshrl.u32 s1, $0x2  }
0xc0: {  	s3 =	sand.u32 $0x4000, s31;
	s1 =	sadd.s32 s1, s30  }
0xc1: {  	s0 =	sor.u32 s3, s0;
	s1 =	sshll.u32 s1, $0x11  }
0xc2: {  	s0 =	sor.u32 s1, s0  }
0xc3: {  	s0 =	sadd.s32 $0x8F2B, s0  }
0xc4: {  	[sflag:s0] =	ssyncadd.remote.s32 $0x1  }
0xc5: {  	_ =	sfence.sel $0xFFFF  }
0xc6: {  	[dreg:$0x0] =	wrdreg $0xFFFFFFFF;
	(pc) =	sbr.abs _section_cstart, $3  }
0xc7: {  	[dreg:$0x1] =	wrdreg $0xFFFFFFFF  }
0xc8: {  	_ =	task.clear_ibuf [dreg:s8], $0x2FFFF;
	_ =	strace $0x9FFFFFFF  }
0xc9: {  	(tm) =	ssettm $0x7FFFFFFF  }
tec
execute0_lowered:
.L_overlay_start_1:
0x0: {  	(tag) =	ssettag $0x1  }
0x1: {  	s0 =	srdreg.scid;
	s1 =	rddreg [dreg:$0x0]  }
0x2: {  	s2 =	rddreg [dreg:$0x1];
	s3 =	stileid.u32  }
0x3: {  	s28 =	simm.s32 $0xC200;
	s0 =	sand.u32 $0x1, s0;
	s6 =	sadd.s32 $0x112A00, s1  }
0x4: {  	s5 =	sadd.s32 $0xEB800, s1;
	s8 =	sadd.s32 $0x5A00, s1;
	s10 =	sadd.s32 $0x3B9C00, s1  }
0x5: {  	s11 =	sadd.s32 $0x639C00, s1;
	s13 =	sadd.s32 $0x8B9C00, s1;
	s4 =	sshll.u32 s0, $0x4  }
0x6: {  	s14 =	sadd.s32 $0xED9C00, s1;
	s15 =	sadd.s32 $0x14F9C00, s1;
	s12 =	sor.u32 s3, s4  }
0x7: {  	s0 =	ssub.s32 $0x2, s0;
	s4 =	simm.s32 $0x0;
	s16 =	smul.u32 $0x1400, s12  }
0x8: {  	s20 =	sshrl.u32 s0, $0x1;
	[smem:$0x7FF] =	sst s4;
	s3 =	smul.u32 $0xA0000, s12  }
0x9: {  	s17 =	smul.u32 $0x3100, s12;
	s0 =	ssub.s32 s0, s20;
	_ =	strace $0x80000047  }
0xa: {  	s0 =	smax.u32 s0, $0x1;
	s7 =	sshrl.u32 s16, $0x3;
	[dreg:$0x4] =	wrdreg s3  }
0xb: {  	s9 =	sshrl.u32 s17, $0x3;
	s16 =	sor.u32 $0x40, s16;
	[dreg:$0x17] =	wrdreg s0  }
0xc: {  	s18 =	sadd.s32 s7, s1;
	s7 =	sadd.s32 $0xC4600, s1;
	s19 =	sadd.s32 s9, s1  }
0xd: {  	s9 =	sadd.s32 $0x139C00, s1;
	[dreg:$0x7] =	wrdreg s16;
	s24 =	sadd.s32 $0xA1E00, s18  }
0xe: {  	s1 =	sshrl.u32 s3, $0x3;
	s25 =	sadd.s32 $0xB3200, s18;
	[dreg:$0x5] =	wrdreg s24  }
0xf: {  	s26 =	sadd.s32 $0x13800, s1;
	s16 =	sadd.s32 $0xA6E00, s19;
	[dreg:$0x6] =	wrdreg s25  }
0x10: {  	s30 =	simm.s32 $0xE200;
	s20 =	sadd.s32 s9, s26;
	[dreg:$0xe] =	wrdreg s16  }
0x11: {  	s31 =	simm.s32 $0x2;
	s22 =	sadd.s32 s10, s26;
	[dreg:$0x8] =	wrdreg s20  }
0x12: {  	s1 =	sadd.s32 $0x13C00, s1;
	s23 =	sadd.s32 s11, s26;
	[dreg:$0x9] =	wrdreg s22  }
0x13: {  	s21 =	smul.u32 $0x188000, s12;
	s24 =	sadd.s32 s9, s1;
	[dreg:$0xa] =	wrdreg s23  }
0x14: {  	s12 =	simm.s32 $0x0;
	s25 =	sadd.s32 s10, s1;
	[dreg:$0xb] =	wrdreg s24  }
0x15: {  	s29 =	smov.u32 s21;
	s1 =	sadd.s32 s11, s1;
	[dreg:$0xc] =	wrdreg s25  }
0x16: {  	s26 =	sshrl.u32 s21, $0x3;
	s21 =	sor.u32 $0x40, s17;
	[dreg:$0xd] =	wrdreg s1  }
0x17: {  	s18 =	sadd.s32 $0x30800, s26;
	s20 =	sadd.s32 $0xB8200, s19;
	[dreg:$0x10] =	wrdreg s21  }
0x18: {  	s0 =	simm.s32 $0x12200;
	[dreg:$0xf] =	wrdreg s20;
	s22 =	sadd.s32 s13, s18  }
0x19: {  	s16 =	simm.s32 $0x14200;
	s23 =	sadd.s32 s14, s18;
	[dreg:$0x11] =	wrdreg s22  }
0x1a: {  	s24 =	sadd.s32 $0x30C00, s26;
	s1 =	sadd.s32 s15, s18;
	[dreg:$0x12] =	wrdreg s23  }
0x1b: {  	s17 =	simm.s32 $0x1;
	s25 =	sadd.s32 s13, s24;
	[dreg:$0x13] =	wrdreg s1  }
0x1c: {  	s19 =	simm.s32 $0x3;
	s26 =	sadd.s32 s14, s24;
	[dreg:$0x14] =	wrdreg s25  }
0x1d: {  	[dreg:$0x15] =	wrdreg s26;
	s1 =	sadd.s32 s15, s24;
	s23 =	simm.s32 $0x40  }
0x1e: {  	s24 =	simm.s32 $0x6200;
	s25 =	simm.s32 $0x8200;
	s26 =	simm.s32 $0xA200  }
0x1f: {  	s22 =	simm.s32 $0x4;
	[dreg:$0x16] =	wrdreg s1;
	s1 =	simm.s32 $0x10200  }
.LBB2_1:
0x20: {  	[dreg:$0x18] =	wrdreg s12  }
0x21: {  	s3 =	rddreg [dreg:$0x5];
	s21 =	simm.s32 $0x5  }
0x22: {  	[tilespmem:s4], [sflag:$0x5] =	stream.linear.gather [hbm4b:s3+s4], $0x1400, $0x38;
	[tilespmem:$0x16200] =	vst v63  }
0x23: {  	_ =	swait.ge [sflag:s21], $0x1400  }
0x24: {  	[sflag:s21] =	ssyncset.done $0x0  }
0x25: {  	s18 =	simm.s32 $0x3100;
	s20 =	rddreg [dreg:$0x6];
	[sflag:s21] =	ssyncadd.s32 $0xFFFFEC00  }
0x26: {  	[tilespmem:s18], [sflag:$0x5] =	stream.linear.gather [hbm4b:s20+s4], $0x1400, $0x38;
	[tilespmem:$0x16200] =	vst v63  }
0x27: {  	_ =	swait.ge [sflag:s21], $0x1400  }
0x28: {  	[sflag:s21] =	ssyncset.done $0x0  }
0x29: {  	[sflag:s21] =	ssyncadd.s32 $0xFFFFEC00  }
0x2a: {  	[tilespmem:s24], [sflag:$0x1] =	stream.indirect.gather [hbm4b:s5+s23], $0x80, s4, s23, $0xb8;
	[tilespmem:$0x16200] =	vst v63  }
0x2b: {  	_ = 	snop  }
0x2c: {  	[tilespmem:s25], [sflag:$0x1] =	stream.indirect.gather [hbm4b:s6+s23], $0x80, s18, s23, $0xb8;
	[tilespmem:$0x16200] =	vst v63  }
0x2d: {  	_ = 	snop  }
0x2e: {  	[tilespmem:s26], [sflag:$0x1] =	stream.indirect.gather [hbm4b:s2+s23], $0x80, s4, s23, $0xb8;
	[tilespmem:$0x16200] =	vst v63  }
0x2f: {  	_ = 	snop  }
0x30: {  	[tilespmem:s28], [sflag:$0x1] =	stream.indirect.gather [hbm4b:s2+s23], $0x80, s18, s23, $0xb8;
	[tilespmem:$0x16200] =	vst v63  }
0x31: {  	_ = 	snop  }
0x32: {  	[tilespmem:s30], [sflag:$0x2] =	stream.indirect.gather [hbm4b:s5+s23], $0x80, s23, s23, $0xb8;
	[tilespmem:$0x16200] =	vst v63  }
0x33: {  	s21 =	simm.s32 $0x3140  }
0x34: {  	[tilespmem:s1], [sflag:$0x2] =	stream.indirect.gather [hbm4b:s6+s23], $0x80, s21, s23, $0xb8;
	[tilespmem:$0x16200] =	vst v63  }
0x35: {  	_ = 	snop  }
0x36: {  	[tilespmem:s0], [sflag:$0x2] =	stream.indirect.gather [hbm4b:s2+s23], $0x80, s23, s23, $0xb8;
	[tilespmem:$0x16200] =	vst v63  }
0x37: {  	_ = 	snop  }
0x38: {  	[tilespmem:s16], [sflag:$0x2] =	stream.indirect.gather [hbm4b:s2+s23], $0x80, s21, s23, $0xb8;
	[tilespmem:$0x16200] =	vst v63  }
0x39: {  	s21 =	simm.s32 $0x0  }
.LBB2_2:
0x3a: {  	_ =	swait.ge [sflag:s17], $0x2000  }
0x3b: {  	[sflag:s17] =	ssyncset.done $0x0  }
0x3c: {  	[sflag:s17] =	ssyncadd.s32 $0xFFFFE000  }
0x3d: {  	_ =	swait.ge [sflag:s17], $0x2000  }
0x3e: {  	[sflag:s17] =	ssyncset.done $0x0  }
0x3f: {  	[sflag:s17] =	ssyncadd.s32 $0xFFFFE000  }
0x40: {  	_ =	swait.ge [sflag:s17], $0x2000  }
0x41: {  	[sflag:s17] =	ssyncset.done $0x0  }
0x42: {  	[sflag:s17] =	ssyncadd.s32 $0xFFFFE000  }
0x43: {  	_ =	swait.ge [sflag:s17], $0x2000  }
0x44: {  	[sflag:s17] =	ssyncset.done $0x0  }
0x45: {  	s12 =	simm.s32 $0x0;
	[sflag:s17] =	ssyncadd.s32 $0xFFFFE000  }
0x46: {  	v7 =	vld [tilespmem:s12+$0xC200]  }
0x47: {  	v11 =	vld [tilespmem:s12+$0xC210]  }
0x48: {  	v5 =	vld [tilespmem:s12+$0xC220]  }
0x49: {  	v4 =	vld [tilespmem:s12+$0xC230]  }
0x4a: {  	v3 =	vld [tilespmem:s12+$0xC240]  }
0x4b: {  	v2 =	vld [tilespmem:s12+$0xC250]  }
0x4c: {  	v1 =	vld [tilespmem:s12+$0xC260]  }
0x4d: {  	v0 =	vld [tilespmem:s12+$0xC270]  }
0x4e: {  	v12 =	vld [tilespmem:s12+$0xA200]  }
0x4f: {  	v13 =	vld [tilespmem:s12+$0xA210]  }
0x50: {  	v10 =	vld [tilespmem:s12+$0xA220]  }
0x51: {  	v9 =	vld [tilespmem:s12+$0xA230]  }
0x52: {  	v8 =	vld [tilespmem:s12+$0xA240]  }
0x53: {  	v6 =	vld [tilespmem:s12+$0xA250];
	v12 =	vsub.f32 v12, v7  }
0x54: {  	s18 =	simm.s32 $0x200;
	v11 =	vsub.f32 v13, v11;
	v7 =	vld [tilespmem:s12+$0xA260]  }
.LBB2_3:
0x55: {  	s20 =	sshra.s32 s18, $0x2;
	p0 =	sne.s32 s18, $0x7E00;
	[tilespmem:s12+$0xA200] =	vst v12;
	v5 =	vsub.f32 v10, v5;
	v10 =	vld [tilespmem:s12+$0xA270]  }
0x56: {  	v12 =	vld [tilespmem:s20+$0xC200];
	[tilespmem:s12+$0xA210] =	vst v11;
	v4 =	vsub.f32 v9, v4  }
0x57: {  	v11 =	vld [tilespmem:s20+$0xC210];
	[tilespmem:s12+$0xA220] =	vst v5;
	v3 =	vsub.f32 v8, v3  }
0x58: {  	v5 =	vld [tilespmem:s20+$0xC220];
	[tilespmem:s12+$0xA230] =	vst v4;
	v2 =	vsub.f32 v6, v2  }
0x59: {  	v4 =	vld [tilespmem:s20+$0xC230];
	[tilespmem:s12+$0xA240] =	vst v3;
	v1 =	vsub.f32 v7, v1  }
0x5a: {  	v3 =	vld [tilespmem:s20+$0xC240];
	[tilespmem:s12+$0xA250] =	vst v2;
	v0 =	vsub.f32 v10, v0  }
0x5b: {  	v2 =	vld [tilespmem:s20+$0xC250];
	[tilespmem:s12+$0xA260] =	vst v1  }
0x5c: {  	v1 =	vld [tilespmem:s20+$0xC260];
	[tilespmem:s12+$0xA270] =	vst v0;
	s12 =	smov.u32 s20  }
0x5d: {  	v0 =	vld [tilespmem:s12+$0xC270]  }
0x5e: {  	v6 =	vld [tilespmem:s12+$0xA200]  }
0x5f: {  	v7 =	vld [tilespmem:s12+$0xA210]  }
.Ltmp0:
0x60: {  	v10 =	vld [tilespmem:s12+$0xA220];
	(pc) =	sbr.rel @p0 .LBB2_3-.Ltmp0, $4  }
0x61: {  	v9 =	vld [tilespmem:s12+$0xA230]  }
0x62: {  	v8 =	vld [tilespmem:s12+$0xA240]  }
0x63: {  	v12 =	vsub.f32 v6, v12;
	v6 =	vld [tilespmem:s12+$0xA250]  }
0x64: {  	s18 =	sadd.s32 $0x200, s18;
	v11 =	vsub.f32 v7, v11;
	v7 =	vld [tilespmem:s12+$0xA260]  }
0x65: {  	[tilespmem:s12+$0xA200] =	vst v12;
	v5 =	vsub.f32 v10, v5;
	v10 =	vld [tilespmem:s12+$0xA270]  }
0x66: {  	[tilespmem:s12+$0xA210] =	vst v11;
	v4 =	vsub.f32 v9, v4  }
0x67: {  	[tilespmem:s12+$0xA220] =	vst v5;
	v3 =	vsub.f32 v8, v3  }
0x68: {  	[tilespmem:s12+$0xA230] =	vst v4;
	v2 =	vsub.f32 v6, v2  }
0x69: {  	s18 =	sshll.u32 s21, $0xE;
	s3 =	rddreg [dreg:$0x4];
	[tilespmem:s12+$0xA240] =	vst v3;
	v1 =	vsub.f32 v7, v1  }
0x6a: {  	s18 =	sadd.s32 s3, s18;
	[tilespmem:s12+$0xA250] =	vst v2;
	v0 =	vsub.f32 v10, v0  }
0x6b: {  	s18 =	sshrl.u32 s18, $0x3;
	[tilespmem:s12+$0xA260] =	vst v1  }
0x6c: {  	s20 =	simm.s32 $0x0;
	s3 =	sadd.s32 s9, s18;
	[tilespmem:s12+$0xA270] =	vst v0  }
0x6d: {  	[hbm4b:s3+s20] =	stream.linear.scatter [tilespmem:s24], [sflag:$0x3], $0x2000, $0x38;
	[tilespmem:$0x16200] =	vst v63  }
0x6e: {  	s3 =	sadd.s32 s10, s18  }
0x6f: {  	[hbm4b:s3+s20] =	stream.linear.scatter [tilespmem:s25], [sflag:$0x3], $0x2000, $0x38;
	[tilespmem:$0x16200] =	vst v63  }
0x70: {  	s18 =	sadd.s32 s11, s18  }
0x71: {  	[hbm4b:s18+s20] =	stream.linear.scatter [tilespmem:s26], [sflag:$0x3], $0x2000, $0x38;
	[tilespmem:$0x16200] =	vst v63  }
0x72: {  	_ =	swait.ge [sflag:s19], $0x2000  }
0x73: {  	[sflag:s19] =	ssyncset.done $0x0  }
0x74: {  	[sflag:s19] =	ssyncadd.s32 $0xFFFFE000  }
0x75: {  	_ =	swait.ge [sflag:s19], $0x2000  }
0x76: {  	[sflag:s19] =	ssyncset.done $0x0  }
0x77: {  	[sflag:s19] =	ssyncadd.s32 $0xFFFFE000  }
0x78: {  	_ =	swait.ge [sflag:s19], $0x2000  }
0x79: {  	s12 =	sshll.u32 s21, $0x7;
	[sflag:s19] =	ssyncset.done $0x0  }
0x7a: {  	s20 =	sadd.s32 $0x80, s12;
	[sflag:s19] =	ssyncadd.s32 $0xFFFFE000  }
0x7b: {  	[tilespmem:s24], [sflag:$0x1] =	stream.indirect.gather [hbm4b:s5+s23], $0x80, s20, s23, $0xb8;
	[tilespmem:$0x16200] =	vst v63  }
0x7c: {  	s3 =	sadd.s32 $0x3180, s12  }
0x7d: {  	[tilespmem:s25], [sflag:$0x1] =	stream.indirect.gather [hbm4b:s6+s23], $0x80, s3, s23, $0xb8;
	[tilespmem:$0x16200] =	vst v63  }
0x7e: {  	_ = 	snop  }
0x7f: {  	[tilespmem:s26], [sflag:$0x1] =	stream.indirect.gather [hbm4b:s2+s23], $0x80, s20, s23, $0xb8;
	[tilespmem:$0x16200] =	vst v63  }
0x80: {  	_ = 	snop  }
0x81: {  	[tilespmem:s28], [sflag:$0x1] =	stream.indirect.gather [hbm4b:s2+s23], $0x80, s3, s23, $0xb8;
	[tilespmem:$0x16200] =	vst v63  }
0x82: {  	_ =	swait.ge [sflag:s31], $0x2000  }
0x83: {  	[sflag:s31] =	ssyncset.done $0x0  }
0x84: {  	[sflag:s31] =	ssyncadd.s32 $0xFFFFE000  }
0x85: {  	_ =	swait.ge [sflag:s31], $0x2000  }
0x86: {  	[sflag:s31] =	ssyncset.done $0x0  }
0x87: {  	[sflag:s31] =	ssyncadd.s32 $0xFFFFE000  }
0x88: {  	_ =	swait.ge [sflag:s31], $0x2000  }
0x89: {  	[sflag:s31] =	ssyncset.done $0x0  }
0x8a: {  	[sflag:s31] =	ssyncadd.s32 $0xFFFFE000  }
0x8b: {  	_ =	swait.ge [sflag:s31], $0x2000  }
0x8c: {  	[sflag:s31] =	ssyncset.done $0x0  }
0x8d: {  	s18 =	simm.s32 $0x0;
	[sflag:s31] =	ssyncadd.s32 $0xFFFFE000  }
0x8e: {  	v7 =	vld [tilespmem:s18+$0x14200]  }
0x8f: {  	v11 =	vld [tilespmem:s18+$0x14210]  }
0x90: {  	v5 =	vld [tilespmem:s18+$0x14220]  }
0x91: {  	v4 =	vld [tilespmem:s18+$0x14230]  }
0x92: {  	v3 =	vld [tilespmem:s18+$0x14240]  }
0x93: {  	v2 =	vld [tilespmem:s18+$0x14250]  }
0x94: {  	v1 =	vld [tilespmem:s18+$0x14260]  }
0x95: {  	v0 =	vld [tilespmem:s18+$0x14270]  }
0x96: {  	v12 =	vld [tilespmem:s18+$0x12200]  }
0x97: {  	v13 =	vld [tilespmem:s18+$0x12210]  }
0x98: {  	v10 =	vld [tilespmem:s18+$0x12220]  }
0x99: {  	v9 =	vld [tilespmem:s18+$0x12230]  }
0x9a: {  	v8 =	vld [tilespmem:s18+$0x12240]  }
0x9b: {  	v6 =	vld [tilespmem:s18+$0x12250];
	v12 =	vsub.f32 v12, v7  }
0x9c: {  	s20 =	simm.s32 $0x200;
	v11 =	vsub.f32 v13, v11;
	v7 =	vld [tilespmem:s18+$0x12260]  }
.LBB2_5:
0x9d: {  	s3 =	sshra.s32 s20, $0x2;
	p0 =	sne.s32 s20, $0x7E00;
	[tilespmem:s18+$0x12200] =	vst v12;
	v5 =	vsub.f32 v10, v5;
	v10 =	vld [tilespmem:s18+$0x12270]  }
0x9e: {  	v12 =	vld [tilespmem:s3+$0x14200];
	[tilespmem:s18+$0x12210] =	vst v11;
	v4 =	vsub.f32 v9, v4  }
0x9f: {  	v11 =	vld [tilespmem:s3+$0x14210];
	[tilespmem:s18+$0x12220] =	vst v5;
	v3 =	vsub.f32 v8, v3  }
0xa0: {  	v5 =	vld [tilespmem:s3+$0x14220];
	[tilespmem:s18+$0x12230] =	vst v4;
	v2 =	vsub.f32 v6, v2  }
0xa1: {  	v4 =	vld [tilespmem:s3+$0x14230];
	[tilespmem:s18+$0x12240] =	vst v3;
	v1 =	vsub.f32 v7, v1  }
0xa2: {  	v3 =	vld [tilespmem:s3+$0x14240];
	[tilespmem:s18+$0x12250] =	vst v2;
	v0 =	vsub.f32 v10, v0  }
0xa3: {  	v2 =	vld [tilespmem:s3+$0x14250];
	[tilespmem:s18+$0x12260] =	vst v1  }
0xa4: {  	v1 =	vld [tilespmem:s3+$0x14260];
	[tilespmem:s18+$0x12270] =	vst v0;
	s18 =	smov.u32 s3  }
0xa5: {  	v0 =	vld [tilespmem:s18+$0x14270]  }
0xa6: {  	v6 =	vld [tilespmem:s18+$0x12200]  }
0xa7: {  	v7 =	vld [tilespmem:s18+$0x12210]  }
.Ltmp1:
0xa8: {  	v10 =	vld [tilespmem:s18+$0x12220];
	(pc) =	sbr.rel @p0 .LBB2_5-.Ltmp1, $4  }
0xa9: {  	v9 =	vld [tilespmem:s18+$0x12230]  }
0xaa: {  	v8 =	vld [tilespmem:s18+$0x12240]  }
0xab: {  	v12 =	vsub.f32 v6, v12;
	v6 =	vld [tilespmem:s18+$0x12250]  }
0xac: {  	s20 =	sadd.s32 $0x200, s20;
	v11 =	vsub.f32 v7, v11;
	v7 =	vld [tilespmem:s18+$0x12260]  }
0xad: {  	[tilespmem:s18+$0x12200] =	vst v12;
	v5 =	vsub.f32 v10, v5;
	v63 =	vld [tilespmem:s18+$0x12270]  }
0xae: {  	[tilespmem:s18+$0x12210] =	vst v11;
	v4 =	vsub.f32 v9, v4  }
0xaf: {  	[tilespmem:s18+$0x12220] =	vst v5;
	v3 =	vsub.f32 v8, v3  }
0xb0: {  	[tilespmem:s18+$0x12230] =	vst v4;
	v2 =	vsub.f32 v6, v2  }
0xb1: {  	s3 =	rddreg [dreg:$0x7];
	[tilespmem:s18+$0x12240] =	vst v3;
	v1 =	vsub.f32 v7, v1  }
0xb2: {  	s3 =	sadd.s32 s12, s3;
	[tilespmem:s18+$0x12250] =	vst v2;
	v0 =	vsub.f32 v63, v0  }
0xb3: {  	s3 =	sshll.u32 s3, $0x4;
	[tilespmem:s18+$0x12260] =	vst v1  }
0xb4: {  	s20 =	sadd.s32 s9, s3;
	[tilespmem:s18+$0x12270] =	vst v0  }
0xb5: {  	[hbm4b:s20+s4] =	stream.linear.scatter [tilespmem:s30], [sflag:$0x4], $0x2000, $0x38;
	[tilespmem:$0x16200] =	vst v63  }
0xb6: {  	s20 =	sadd.s32 s10, s3  }
0xb7: {  	[hbm4b:s20+s4] =	stream.linear.scatter [tilespmem:s1], [sflag:$0x4], $0x2000, $0x38;
	[tilespmem:$0x16200] =	vst v63  }
0xb8: {  	s3 =	sadd.s32 s11, s3  }
0xb9: {  	[hbm4b:s3+s4] =	stream.linear.scatter [tilespmem:s0], [sflag:$0x4], $0x2000, $0x38;
	[tilespmem:$0x16200] =	vst v63  }
0xba: {  	_ =	swait.ge [sflag:s22], $0x2000  }
0xbb: {  	[sflag:s22] =	ssyncset.done $0x0  }
0xbc: {  	[sflag:s22] =	ssyncadd.s32 $0xFFFFE000  }
0xbd: {  	_ =	swait.ge [sflag:s22], $0x2000  }
0xbe: {  	[sflag:s22] =	ssyncset.done $0x0  }
0xbf: {  	[sflag:s22] =	ssyncadd.s32 $0xFFFFE000  }
0xc0: {  	_ =	swait.ge [sflag:s22], $0x2000  }
0xc1: {  	[sflag:s22] =	ssyncset.done $0x0  }
0xc2: {  	s21 =	sadd.s32 $0x1, s21;
	s18 =	sadd.s32 $0xC0, s12;
	[sflag:s22] =	ssyncadd.s32 $0xFFFFE000  }
0xc3: {  	[tilespmem:s30], [sflag:$0x2] =	stream.indirect.gather [hbm4b:s5+s23], $0x80, s18, s23, $0xb8;
	[tilespmem:$0x16200] =	vst v63  }
0xc4: {  	p0 =	sne.s32 s21, $0x27;
	s20 =	sadd.s32 $0x31C0, s12  }
0xc5: {  	[tilespmem:s1], [sflag:$0x2] =	stream.indirect.gather [hbm4b:s6+s23], $0x80, s20, s23, $0xb8;
	[tilespmem:$0x16200] =	vst v63  }
.Ltmp2:
0xc6: {  	_ = 	snop;
	(pc) =	sbr.rel @p0 .LBB2_2-.Ltmp2, $4  }
0xc7: {  	_ = 	snop  }
0xc8: {  	[tilespmem:s0], [sflag:$0x2] =	stream.indirect.gather [hbm4b:s2+s23], $0x80, s18, s23, $0xb8;
	[tilespmem:$0x16200] =	vst v63  }
0xc9: {  	_ = 	snop  }
0xca: {  	[tilespmem:s16], [sflag:$0x2] =	stream.indirect.gather [hbm4b:s2+s23], $0x80, s20, s23, $0xb8;
	[tilespmem:$0x16200] =	vst v63  }
0xcb: {  	_ =	swait.ge [sflag:s17], $0x2000  }
0xcc: {  	[sflag:s17] =	ssyncset.done $0x0  }
0xcd: {  	[sflag:s17] =	ssyncadd.s32 $0xFFFFE000  }
0xce: {  	_ =	swait.ge [sflag:s17], $0x2000  }
0xcf: {  	[sflag:s17] =	ssyncset.done $0x0  }
0xd0: {  	[sflag:s17] =	ssyncadd.s32 $0xFFFFE000  }
0xd1: {  	_ =	swait.ge [sflag:s17], $0x2000  }
0xd2: {  	[sflag:s17] =	ssyncset.done $0x0  }
0xd3: {  	[sflag:s17] =	ssyncadd.s32 $0xFFFFE000  }
0xd4: {  	_ =	swait.ge [sflag:s17], $0x2000  }
0xd5: {  	[sflag:s17] =	ssyncset.done $0x0  }
0xd6: {  	s12 =	simm.s32 $0x0;
	[sflag:s17] =	ssyncadd.s32 $0xFFFFE000  }
0xd7: {  	v7 =	vld [tilespmem:s12+$0xC200]  }
0xd8: {  	v11 =	vld [tilespmem:s12+$0xC210]  }
0xd9: {  	v5 =	vld [tilespmem:s12+$0xC220]  }
0xda: {  	v4 =	vld [tilespmem:s12+$0xC230]  }
0xdb: {  	v3 =	vld [tilespmem:s12+$0xC240]  }
0xdc: {  	v2 =	vld [tilespmem:s12+$0xC250]  }
0xdd: {  	v1 =	vld [tilespmem:s12+$0xC260]  }
0xde: {  	v0 =	vld [tilespmem:s12+$0xC270]  }
0xdf: {  	v12 =	vld [tilespmem:s12+$0xA200]  }
0xe0: {  	v13 =	vld [tilespmem:s12+$0xA210]  }
0xe1: {  	v10 =	vld [tilespmem:s12+$0xA220]  }
0xe2: {  	v9 =	vld [tilespmem:s12+$0xA230]  }
0xe3: {  	v8 =	vld [tilespmem:s12+$0xA240]  }
0xe4: {  	v6 =	vld [tilespmem:s12+$0xA250];
	v12 =	vsub.f32 v12, v7  }
0xe5: {  	s18 =	simm.s32 $0x200;
	v11 =	vsub.f32 v13, v11;
	v7 =	vld [tilespmem:s12+$0xA260]  }
.LBB2_8:
0xe6: {  	s3 =	sshra.s32 s18, $0x2;
	p0 =	sne.s32 s18, $0x7E00;
	[tilespmem:s12+$0xA200] =	vst v12;
	v5 =	vsub.f32 v10, v5;
	v10 =	vld [tilespmem:s12+$0xA270]  }
0xe7: {  	v12 =	vld [tilespmem:s3+$0xC200];
	[tilespmem:s12+$0xA210] =	vst v11;
	v4 =	vsub.f32 v9, v4  }
0xe8: {  	v11 =	vld [tilespmem:s3+$0xC210];
	[tilespmem:s12+$0xA220] =	vst v5;
	v3 =	vsub.f32 v8, v3  }
0xe9: {  	v5 =	vld [tilespmem:s3+$0xC220];
	[tilespmem:s12+$0xA230] =	vst v4;
	v2 =	vsub.f32 v6, v2  }
0xea: {  	v4 =	vld [tilespmem:s3+$0xC230];
	[tilespmem:s12+$0xA240] =	vst v3;
	v1 =	vsub.f32 v7, v1  }
0xeb: {  	v3 =	vld [tilespmem:s3+$0xC240];
	[tilespmem:s12+$0xA250] =	vst v2;
	v0 =	vsub.f32 v10, v0  }
0xec: {  	v2 =	vld [tilespmem:s3+$0xC250];
	[tilespmem:s12+$0xA260] =	vst v1  }
0xed: {  	v1 =	vld [tilespmem:s3+$0xC260];
	[tilespmem:s12+$0xA270] =	vst v0;
	s12 =	smov.u32 s3  }
0xee: {  	v0 =	vld [tilespmem:s12+$0xC270]  }
0xef: {  	v6 =	vld [tilespmem:s12+$0xA200]  }
0xf0: {  	v7 =	vld [tilespmem:s12+$0xA210]  }
.Ltmp3:
0xf1: {  	v10 =	vld [tilespmem:s12+$0xA220];
	(pc) =	sbr.rel @p0 .LBB2_8-.Ltmp3, $4  }
0xf2: {  	v9 =	vld [tilespmem:s12+$0xA230]  }
0xf3: {  	v8 =	vld [tilespmem:s12+$0xA240]  }
0xf4: {  	v12 =	vsub.f32 v6, v12;
	v6 =	vld [tilespmem:s12+$0xA250]  }
0xf5: {  	s18 =	sadd.s32 $0x200, s18;
	v11 =	vsub.f32 v7, v11;
	v7 =	vld [tilespmem:s12+$0xA260]  }
0xf6: {  	[tilespmem:s12+$0xA200] =	vst v12;
	v5 =	vsub.f32 v10, v5;
	v10 =	vld [tilespmem:s12+$0xA270]  }
0xf7: {  	[tilespmem:s12+$0xA210] =	vst v11;
	v4 =	vsub.f32 v9, v4  }
0xf8: {  	[tilespmem:s12+$0xA220] =	vst v5;
	v3 =	vsub.f32 v8, v3  }
0xf9: {  	[tilespmem:s12+$0xA230] =	vst v4;
	v2 =	vsub.f32 v6, v2  }
0xfa: {  	[tilespmem:s12+$0xA240] =	vst v3;
	v1 =	vsub.f32 v7, v1  }
0xfb: {  	[tilespmem:s12+$0xA250] =	vst v2;
	v0 =	vsub.f32 v10, v0  }
0xfc: {  	[tilespmem:s12+$0xA260] =	vst v1  }
0xfd: {  	s3 =	simm.s32 $0x0;
	s18 =	rddreg [dreg:$0x8];
	[tilespmem:s12+$0xA270] =	vst v0  }
0xfe: {  	[hbm4b:s18+s3] =	stream.linear.scatter [tilespmem:s24], [sflag:$0x3], $0x2000, $0x38;
	[tilespmem:$0x16200] =	vst v63  }
0xff: {  	s20 =	rddreg [dreg:$0x9]  }
0x100: {  	[hbm4b:s20+s3] =	stream.linear.scatter [tilespmem:s25], [sflag:$0x3], $0x2000, $0x38;
	[tilespmem:$0x16200] =	vst v63  }
0x101: {  	s21 =	rddreg [dreg:$0xa]  }
0x102: {  	[hbm4b:s21+s3] =	stream.linear.scatter [tilespmem:s26], [sflag:$0x3], $0x2000, $0x38;
	[tilespmem:$0x16200] =	vst v63  }
0x103: {  	_ =	swait.ge [sflag:s31], $0x2000  }
0x104: {  	[sflag:s31] =	ssyncset.done $0x0  }
0x105: {  	[sflag:s31] =	ssyncadd.s32 $0xFFFFE000  }
0x106: {  	_ =	swait.ge [sflag:s31], $0x2000  }
0x107: {  	[sflag:s31] =	ssyncset.done $0x0  }
0x108: {  	[sflag:s31] =	ssyncadd.s32 $0xFFFFE000  }
0x109: {  	_ =	swait.ge [sflag:s31], $0x2000  }
0x10a: {  	[sflag:s31] =	ssyncset.done $0x0  }
0x10b: {  	[sflag:s31] =	ssyncadd.s32 $0xFFFFE000  }
0x10c: {  	_ =	swait.ge [sflag:s31], $0x2000  }
0x10d: {  	[sflag:s31] =	ssyncset.done $0x0  }
0x10e: {  	s12 =	simm.s32 $0x0;
	[sflag:s31] =	ssyncadd.s32 $0xFFFFE000  }
0x10f: {  	v7 =	vld [tilespmem:s12+$0x14200]  }
0x110: {  	v11 =	vld [tilespmem:s12+$0x14210]  }
0x111: {  	v5 =	vld [tilespmem:s12+$0x14220]  }
0x112: {  	v4 =	vld [tilespmem:s12+$0x14230]  }
0x113: {  	v3 =	vld [tilespmem:s12+$0x14240]  }
0x114: {  	v2 =	vld [tilespmem:s12+$0x14250]  }
0x115: {  	v1 =	vld [tilespmem:s12+$0x14260]  }
0x116: {  	v0 =	vld [tilespmem:s12+$0x14270]  }
0x117: {  	v12 =	vld [tilespmem:s12+$0x12200]  }
0x118: {  	v13 =	vld [tilespmem:s12+$0x12210]  }
0x119: {  	v10 =	vld [tilespmem:s12+$0x12220]  }
0x11a: {  	v9 =	vld [tilespmem:s12+$0x12230]  }
0x11b: {  	v8 =	vld [tilespmem:s12+$0x12240]  }
0x11c: {  	v6 =	vld [tilespmem:s12+$0x12250];
	v12 =	vsub.f32 v12, v7  }
0x11d: {  	s18 =	simm.s32 $0x200;
	v11 =	vsub.f32 v13, v11;
	v7 =	vld [tilespmem:s12+$0x12260]  }
.LBB2_10:
0x11e: {  	s3 =	sshra.s32 s18, $0x2;
	p0 =	sne.s32 s18, $0x7E00;
	[tilespmem:s12+$0x12200] =	vst v12;
	v5 =	vsub.f32 v10, v5;
	v10 =	vld [tilespmem:s12+$0x12270]  }
0x11f: {  	v12 =	vld [tilespmem:s3+$0x14200];
	[tilespmem:s12+$0x12210] =	vst v11;
	v4 =	vsub.f32 v9, v4  }
0x120: {  	v11 =	vld [tilespmem:s3+$0x14210];
	[tilespmem:s12+$0x12220] =	vst v5;
	v3 =	vsub.f32 v8, v3  }
0x121: {  	v5 =	vld [tilespmem:s3+$0x14220];
	[tilespmem:s12+$0x12230] =	vst v4;
	v2 =	vsub.f32 v6, v2  }
0x122: {  	v4 =	vld [tilespmem:s3+$0x14230];
	[tilespmem:s12+$0x12240] =	vst v3;
	v1 =	vsub.f32 v7, v1  }
0x123: {  	v3 =	vld [tilespmem:s3+$0x14240];
	[tilespmem:s12+$0x12250] =	vst v2;
	v0 =	vsub.f32 v10, v0  }
0x124: {  	v2 =	vld [tilespmem:s3+$0x14250];
	[tilespmem:s12+$0x12260] =	vst v1  }
0x125: {  	v1 =	vld [tilespmem:s3+$0x14260];
	[tilespmem:s12+$0x12270] =	vst v0;
	s12 =	smov.u32 s3  }
0x126: {  	v0 =	vld [tilespmem:s12+$0x14270]  }
0x127: {  	v6 =	vld [tilespmem:s12+$0x12200]  }
0x128: {  	v7 =	vld [tilespmem:s12+$0x12210]  }
.Ltmp4:
0x129: {  	v10 =	vld [tilespmem:s12+$0x12220];
	(pc) =	sbr.rel @p0 .LBB2_10-.Ltmp4, $4  }
0x12a: {  	v9 =	vld [tilespmem:s12+$0x12230]  }
0x12b: {  	v8 =	vld [tilespmem:s12+$0x12240]  }
0x12c: {  	v12 =	vsub.f32 v6, v12;
	v6 =	vld [tilespmem:s12+$0x12250]  }
0x12d: {  	s18 =	sadd.s32 $0x200, s18;
	v11 =	vsub.f32 v7, v11;
	v7 =	vld [tilespmem:s12+$0x12260]  }
0x12e: {  	[tilespmem:s12+$0x12200] =	vst v12;
	v5 =	vsub.f32 v10, v5;
	v63 =	vld [tilespmem:s12+$0x12270]  }
0x12f: {  	[tilespmem:s12+$0x12210] =	vst v11;
	v4 =	vsub.f32 v9, v4  }
0x130: {  	[tilespmem:s12+$0x12220] =	vst v5;
	v3 =	vsub.f32 v8, v3  }
0x131: {  	[tilespmem:s12+$0x12230] =	vst v4;
	v2 =	vsub.f32 v6, v2  }
0x132: {  	[tilespmem:s12+$0x12240] =	vst v3;
	v1 =	vsub.f32 v7, v1  }
0x133: {  	[tilespmem:s12+$0x12250] =	vst v2;
	v0 =	vsub.f32 v63, v0  }
0x134: {  	[tilespmem:s12+$0x12260] =	vst v1  }
0x135: {  	s21 =	simm.s32 $0x0;
	s3 =	rddreg [dreg:$0xb];
	[tilespmem:s12+$0x12270] =	vst v0  }
0x136: {  	[hbm4b:s3+s21] =	stream.linear.scatter [tilespmem:s30], [sflag:$0x4], $0x2000, $0x38;
	[tilespmem:$0x16200] =	vst v63  }
0x137: {  	s20 =	rddreg [dreg:$0xc]  }
0x138: {  	[hbm4b:s20+s21] =	stream.linear.scatter [tilespmem:s1], [sflag:$0x4], $0x2000, $0x38;
	[tilespmem:$0x16200] =	vst v63  }
0x139: {  	s12 =	rddreg [dreg:$0xd]  }
0x13a: {  	[hbm4b:s12+s21] =	stream.linear.scatter [tilespmem:s0], [sflag:$0x4], $0x2000, $0x38;
	[tilespmem:$0x16200] =	vst v63  }
0x13b: {  	_ =	swait.ge [sflag:s19], $0x2000  }
0x13c: {  	[sflag:s19] =	ssyncset.done $0x0  }
0x13d: {  	[sflag:s19] =	ssyncadd.s32 $0xFFFFE000  }
0x13e: {  	_ =	swait.ge [sflag:s19], $0x2000  }
0x13f: {  	[sflag:s19] =	ssyncset.done $0x0  }
0x140: {  	[sflag:s19] =	ssyncadd.s32 $0xFFFFE000  }
0x141: {  	_ =	swait.ge [sflag:s19], $0x2000  }
0x142: {  	[sflag:s19] =	ssyncset.done $0x0  }
0x143: {  	[sflag:s19] =	ssyncadd.s32 $0xFFFFE000  }
0x144: {  	_ =	swait.ge [sflag:s22], $0x2000  }
0x145: {  	[sflag:s22] =	ssyncset.done $0x0  }
0x146: {  	[sflag:s22] =	ssyncadd.s32 $0xFFFFE000  }
0x147: {  	_ =	swait.ge [sflag:s22], $0x2000  }
0x148: {  	[sflag:s22] =	ssyncset.done $0x0  }
0x149: {  	[sflag:s22] =	ssyncadd.s32 $0xFFFFE000  }
0x14a: {  	_ =	swait.ge [sflag:s22], $0x2000  }
0x14b: {  	[sflag:s22] =	ssyncset.done $0x0  }
0x14c: {  	s12 =	simm.s32 $0x5;
	s18 =	rddreg [dreg:$0xe];
	[sflag:s22] =	ssyncadd.s32 $0xFFFFE000  }
0x14d: {  	[tilespmem:s21], [sflag:$0x5] =	stream.linear.gather [hbm4b:s18+s21], $0x3100, $0x38;
	[tilespmem:$0x16200] =	vst v63  }
0x14e: {  	_ =	swait.ge [sflag:s12], $0x3100  }
0x14f: {  	[sflag:s12] =	ssyncset.done $0x0  }
0x150: {  	s18 =	simm.s32 $0x3100;
	s20 =	rddreg [dreg:$0xf];
	[sflag:s12] =	ssyncadd.s32 $0xFFFFCF00  }
0x151: {  	[tilespmem:s18], [sflag:$0x5] =	stream.linear.gather [hbm4b:s20+s21], $0x3100, $0x38;
	[tilespmem:$0x16200] =	vst v63  }
0x152: {  	_ =	swait.ge [sflag:s12], $0x3100  }
0x153: {  	[sflag:s12] =	ssyncset.done $0x0  }
0x154: {  	[sflag:s12] =	ssyncadd.s32 $0xFFFFCF00  }
0x155: {  	s12 =	rddreg [dreg:$0x2]  }
0x156: {  	[tilespmem:s24], [sflag:$0x1] =	stream.indirect.gather [hbm4b:s12+s23], $0x80, s21, s23, $0xb8;
	[tilespmem:$0x16200] =	vst v63  }
0x157: {  	_ = 	snop  }
0x158: {  	[tilespmem:s25], [sflag:$0x1] =	stream.indirect.gather [hbm4b:s7+s23], $0x80, s18, s23, $0xb8;
	[tilespmem:$0x16200] =	vst v63  }
0x159: {  	_ = 	snop  }
0x15a: {  	[tilespmem:s26], [sflag:$0x1] =	stream.indirect.gather [hbm4b:s8+s23], $0x80, s21, s23, $0xb8;
	[tilespmem:$0x16200] =	vst v63  }
0x15b: {  	_ = 	snop  }
0x15c: {  	[tilespmem:s28], [sflag:$0x1] =	stream.indirect.gather [hbm4b:s2+s23], $0x80, s18, s23, $0xb8;
	[tilespmem:$0x16200] =	vst v63  }
0x15d: {  	_ = 	snop  }
0x15e: {  	[tilespmem:s30], [sflag:$0x2] =	stream.indirect.gather [hbm4b:s12+s23], $0x80, s23, s23, $0xb8;
	[tilespmem:$0x16200] =	vst v63  }
0x15f: {  	s20 =	simm.s32 $0x3140  }
0x160: {  	[tilespmem:s1], [sflag:$0x2] =	stream.indirect.gather [hbm4b:s7+s23], $0x80, s20, s23, $0xb8;
	[tilespmem:$0x16200] =	vst v63  }
0x161: {  	_ = 	snop  }
0x162: {  	[tilespmem:s0], [sflag:$0x2] =	stream.indirect.gather [hbm4b:s8+s23], $0x80, s23, s23, $0xb8;
	[tilespmem:$0x16200] =	vst v63  }
0x163: {  	_ = 	snop  }
0x164: {  	[tilespmem:s16], [sflag:$0x2] =	stream.indirect.gather [hbm4b:s2+s23], $0x80, s20, s23, $0xb8;
	[tilespmem:$0x16200] =	vst v63  }
.LBB2_12:
0x165: {  	_ =	swait.ge [sflag:s17], $0x2000  }
0x166: {  	[sflag:s17] =	ssyncset.done $0x0  }
0x167: {  	[sflag:s17] =	ssyncadd.s32 $0xFFFFE000  }
0x168: {  	_ =	swait.ge [sflag:s17], $0x2000  }
0x169: {  	[sflag:s17] =	ssyncset.done $0x0  }
0x16a: {  	[sflag:s17] =	ssyncadd.s32 $0xFFFFE000  }
0x16b: {  	_ =	swait.ge [sflag:s17], $0x2000  }
0x16c: {  	[sflag:s17] =	ssyncset.done $0x0  }
0x16d: {  	[sflag:s17] =	ssyncadd.s32 $0xFFFFE000  }
0x16e: {  	_ =	swait.ge [sflag:s17], $0x2000  }
0x16f: {  	[sflag:s17] =	ssyncset.done $0x0  }
0x170: {  	s12 =	simm.s32 $0x0;
	[sflag:s17] =	ssyncadd.s32 $0xFFFFE000  }
0x171: {  	v7 =	vld [tilespmem:s12+$0xC200]  }
0x172: {  	v11 =	vld [tilespmem:s12+$0xC210]  }
0x173: {  	v5 =	vld [tilespmem:s12+$0xC220]  }
0x174: {  	v4 =	vld [tilespmem:s12+$0xC230]  }
0x175: {  	v3 =	vld [tilespmem:s12+$0xC240]  }
0x176: {  	v2 =	vld [tilespmem:s12+$0xC250]  }
0x177: {  	v1 =	vld [tilespmem:s12+$0xC260]  }
0x178: {  	v0 =	vld [tilespmem:s12+$0xC270]  }
0x179: {  	v12 =	vld [tilespmem:s12+$0xA200]  }
0x17a: {  	v13 =	vld [tilespmem:s12+$0xA210]  }
0x17b: {  	v10 =	vld [tilespmem:s12+$0xA220]  }
0x17c: {  	v9 =	vld [tilespmem:s12+$0xA230]  }
0x17d: {  	v8 =	vld [tilespmem:s12+$0xA240]  }
0x17e: {  	v6 =	vld [tilespmem:s12+$0xA250];
	v12 =	vsub.f32 v12, v7  }
0x17f: {  	s18 =	simm.s32 $0x200;
	v11 =	vsub.f32 v13, v11;
	v7 =	vld [tilespmem:s12+$0xA260]  }
.LBB2_13:
0x180: {  	s3 =	sshra.s32 s18, $0x2;
	p0 =	sne.s32 s18, $0x7E00;
	[tilespmem:s12+$0xA200] =	vst v12;
	v5 =	vsub.f32 v10, v5;
	v10 =	vld [tilespmem:s12+$0xA270]  }
0x181: {  	v12 =	vld [tilespmem:s3+$0xC200];
	[tilespmem:s12+$0xA210] =	vst v11;
	v4 =	vsub.f32 v9, v4  }
0x182: {  	v11 =	vld [tilespmem:s3+$0xC210];
	[tilespmem:s12+$0xA220] =	vst v5;
	v3 =	vsub.f32 v8, v3  }
0x183: {  	v5 =	vld [tilespmem:s3+$0xC220];
	[tilespmem:s12+$0xA230] =	vst v4;
	v2 =	vsub.f32 v6, v2  }
0x184: {  	v4 =	vld [tilespmem:s3+$0xC230];
	[tilespmem:s12+$0xA240] =	vst v3;
	v1 =	vsub.f32 v7, v1  }
0x185: {  	v3 =	vld [tilespmem:s3+$0xC240];
	[tilespmem:s12+$0xA250] =	vst v2;
	v0 =	vsub.f32 v10, v0  }
0x186: {  	v2 =	vld [tilespmem:s3+$0xC250];
	[tilespmem:s12+$0xA260] =	vst v1  }
0x187: {  	v1 =	vld [tilespmem:s3+$0xC260];
	[tilespmem:s12+$0xA270] =	vst v0;
	s12 =	smov.u32 s3  }
0x188: {  	v0 =	vld [tilespmem:s12+$0xC270]  }
0x189: {  	v6 =	vld [tilespmem:s12+$0xA200]  }
0x18a: {  	v7 =	vld [tilespmem:s12+$0xA210]  }
.Ltmp5:
0x18b: {  	v10 =	vld [tilespmem:s12+$0xA220];
	(pc) =	sbr.rel @p0 .LBB2_13-.Ltmp5, $4  }
0x18c: {  	v9 =	vld [tilespmem:s12+$0xA230]  }
0x18d: {  	v8 =	vld [tilespmem:s12+$0xA240]  }
0x18e: {  	v12 =	vsub.f32 v6, v12;
	v6 =	vld [tilespmem:s12+$0xA250]  }
0x18f: {  	s18 =	sadd.s32 $0x200, s18;
	v11 =	vsub.f32 v7, v11;
	v7 =	vld [tilespmem:s12+$0xA260]  }
0x190: {  	[tilespmem:s12+$0xA200] =	vst v12;
	v5 =	vsub.f32 v10, v5;
	v10 =	vld [tilespmem:s12+$0xA270]  }
0x191: {  	[tilespmem:s12+$0xA210] =	vst v11;
	v4 =	vsub.f32 v9, v4  }
0x192: {  	[tilespmem:s12+$0xA220] =	vst v5;
	v3 =	vsub.f32 v8, v3  }
0x193: {  	[tilespmem:s12+$0xA230] =	vst v4;
	v2 =	vsub.f32 v6, v2  }
0x194: {  	s3 =	sshll.u32 s21, $0xE;
	[tilespmem:s12+$0xA240] =	vst v3;
	v1 =	vsub.f32 v7, v1  }
0x195: {  	s3 =	sadd.s32 s29, s3;
	[tilespmem:s12+$0xA250] =	vst v2;
	v0 =	vsub.f32 v10, v0  }
0x196: {  	s3 =	sshrl.u32 s3, $0x3;
	[tilespmem:s12+$0xA260] =	vst v1  }
0x197: {  	s18 =	simm.s32 $0x0;
	s20 =	sadd.s32 s13, s3;
	[tilespmem:s12+$0xA270] =	vst v0  }
0x198: {  	[hbm4b:s20+s18] =	stream.linear.scatter [tilespmem:s24], [sflag:$0x3], $0x2000, $0x38;
	[tilespmem:$0x16200] =	vst v63  }
0x199: {  	s20 =	sadd.s32 s14, s3  }
0x19a: {  	[hbm4b:s20+s18] =	stream.linear.scatter [tilespmem:s25], [sflag:$0x3], $0x2000, $0x38;
	[tilespmem:$0x16200] =	vst v63  }
0x19b: {  	s3 =	sadd.s32 s15, s3  }
0x19c: {  	[hbm4b:s3+s18] =	stream.linear.scatter [tilespmem:s26], [sflag:$0x3], $0x2000, $0x38;
	[tilespmem:$0x16200] =	vst v63  }
0x19d: {  	_ =	swait.ge [sflag:s19], $0x2000  }
0x19e: {  	[sflag:s19] =	ssyncset.done $0x0  }
0x19f: {  	[sflag:s19] =	ssyncadd.s32 $0xFFFFE000  }
0x1a0: {  	_ =	swait.ge [sflag:s19], $0x2000  }
0x1a1: {  	[sflag:s19] =	ssyncset.done $0x0  }
0x1a2: {  	[sflag:s19] =	ssyncadd.s32 $0xFFFFE000  }
0x1a3: {  	_ =	swait.ge [sflag:s19], $0x2000  }
0x1a4: {  	[sflag:s19] =	ssyncset.done $0x0  }
0x1a5: {  	s12 =	sshll.u32 s21, $0x7;
	[sflag:s19] =	ssyncadd.s32 $0xFFFFE000  }
0x1a6: {  	s3 =	sadd.s32 $0x80, s12;
	s20 =	rddreg [dreg:$0x2]  }
0x1a7: {  	[tilespmem:s24], [sflag:$0x1] =	stream.indirect.gather [hbm4b:s20+s23], $0x80, s3, s23, $0xb8;
	[tilespmem:$0x16200] =	vst v63  }
0x1a8: {  	s20 =	sadd.s32 $0x3180, s12  }
0x1a9: {  	[tilespmem:s25], [sflag:$0x1] =	stream.indirect.gather [hbm4b:s7+s23], $0x80, s20, s23, $0xb8;
	[tilespmem:$0x16200] =	vst v63  }
0x1aa: {  	_ = 	snop  }
0x1ab: {  	[tilespmem:s26], [sflag:$0x1] =	stream.indirect.gather [hbm4b:s8+s23], $0x80, s3, s23, $0xb8;
	[tilespmem:$0x16200] =	vst v63  }
0x1ac: {  	_ = 	snop  }
0x1ad: {  	[tilespmem:s28], [sflag:$0x1] =	stream.indirect.gather [hbm4b:s2+s23], $0x80, s20, s23, $0xb8;
	[tilespmem:$0x16200] =	vst v63  }
0x1ae: {  	_ =	swait.ge [sflag:s31], $0x2000  }
0x1af: {  	[sflag:s31] =	ssyncset.done $0x0  }
0x1b0: {  	[sflag:s31] =	ssyncadd.s32 $0xFFFFE000  }
0x1b1: {  	_ =	swait.ge [sflag:s31], $0x2000  }
0x1b2: {  	[sflag:s31] =	ssyncset.done $0x0  }
0x1b3: {  	[sflag:s31] =	ssyncadd.s32 $0xFFFFE000  }
0x1b4: {  	_ =	swait.ge [sflag:s31], $0x2000  }
0x1b5: {  	[sflag:s31] =	ssyncset.done $0x0  }
0x1b6: {  	[sflag:s31] =	ssyncadd.s32 $0xFFFFE000  }
0x1b7: {  	_ =	swait.ge [sflag:s31], $0x2000  }
0x1b8: {  	[sflag:s31] =	ssyncset.done $0x0  }
0x1b9: {  	s18 =	simm.s32 $0x0;
	[sflag:s31] =	ssyncadd.s32 $0xFFFFE000  }
0x1ba: {  	v7 =	vld [tilespmem:s18+$0x14200]  }
0x1bb: {  	v11 =	vld [tilespmem:s18+$0x14210]  }
0x1bc: {  	v5 =	vld [tilespmem:s18+$0x14220]  }
0x1bd: {  	v4 =	vld [tilespmem:s18+$0x14230]  }
0x1be: {  	v3 =	vld [tilespmem:s18+$0x14240]  }
0x1bf: {  	v2 =	vld [tilespmem:s18+$0x14250]  }
0x1c0: {  	v1 =	vld [tilespmem:s18+$0x14260]  }
0x1c1: {  	v0 =	vld [tilespmem:s18+$0x14270]  }
0x1c2: {  	v12 =	vld [tilespmem:s18+$0x12200]  }
0x1c3: {  	v13 =	vld [tilespmem:s18+$0x12210]  }
0x1c4: {  	v10 =	vld [tilespmem:s18+$0x12220]  }
0x1c5: {  	v9 =	vld [tilespmem:s18+$0x12230]  }
0x1c6: {  	v8 =	vld [tilespmem:s18+$0x12240]  }
0x1c7: {  	v6 =	vld [tilespmem:s18+$0x12250];
	v12 =	vsub.f32 v12, v7  }
0x1c8: {  	s20 =	simm.s32 $0x200;
	v11 =	vsub.f32 v13, v11;
	v7 =	vld [tilespmem:s18+$0x12260]  }
.LBB2_15:
0x1c9: {  	s3 =	sshra.s32 s20, $0x2;
	p0 =	sne.s32 s20, $0x7E00;
	[tilespmem:s18+$0x12200] =	vst v12;
	v5 =	vsub.f32 v10, v5;
	v10 =	vld [tilespmem:s18+$0x12270]  }
0x1ca: {  	v12 =	vld [tilespmem:s3+$0x14200];
	[tilespmem:s18+$0x12210] =	vst v11;
	v4 =	vsub.f32 v9, v4  }
0x1cb: {  	v11 =	vld [tilespmem:s3+$0x14210];
	[tilespmem:s18+$0x12220] =	vst v5;
	v3 =	vsub.f32 v8, v3  }
0x1cc: {  	v5 =	vld [tilespmem:s3+$0x14220];
	[tilespmem:s18+$0x12230] =	vst v4;
	v2 =	vsub.f32 v6, v2  }
0x1cd: {  	v4 =	vld [tilespmem:s3+$0x14230];
	[tilespmem:s18+$0x12240] =	vst v3;
	v1 =	vsub.f32 v7, v1  }
0x1ce: {  	v3 =	vld [tilespmem:s3+$0x14240];
	[tilespmem:s18+$0x12250] =	vst v2;
	v0 =	vsub.f32 v10, v0  }
0x1cf: {  	v2 =	vld [tilespmem:s3+$0x14250];
	[tilespmem:s18+$0x12260] =	vst v1  }
0x1d0: {  	v1 =	vld [tilespmem:s3+$0x14260];
	[tilespmem:s18+$0x12270] =	vst v0;
	s18 =	smov.u32 s3  }
0x1d1: {  	v0 =	vld [tilespmem:s18+$0x14270]  }
0x1d2: {  	v6 =	vld [tilespmem:s18+$0x12200]  }
0x1d3: {  	v7 =	vld [tilespmem:s18+$0x12210]  }
.Ltmp6:
0x1d4: {  	v10 =	vld [tilespmem:s18+$0x12220];
	(pc) =	sbr.rel @p0 .LBB2_15-.Ltmp6, $4  }
0x1d5: {  	v9 =	vld [tilespmem:s18+$0x12230]  }
0x1d6: {  	v8 =	vld [tilespmem:s18+$0x12240]  }
0x1d7: {  	v12 =	vsub.f32 v6, v12;
	v6 =	vld [tilespmem:s18+$0x12250]  }
0x1d8: {  	s20 =	sadd.s32 $0x200, s20;
	v11 =	vsub.f32 v7, v11;
	v7 =	vld [tilespmem:s18+$0x12260]  }
0x1d9: {  	[tilespmem:s18+$0x12200] =	vst v12;
	v5 =	vsub.f32 v10, v5;
	v63 =	vld [tilespmem:s18+$0x12270]  }
0x1da: {  	[tilespmem:s18+$0x12210] =	vst v11;
	v4 =	vsub.f32 v9, v4  }
0x1db: {  	[tilespmem:s18+$0x12220] =	vst v5;
	v3 =	vsub.f32 v8, v3  }
0x1dc: {  	[tilespmem:s18+$0x12230] =	vst v4;
	v2 =	vsub.f32 v6, v2  }
0x1dd: {  	s3 =	rddreg [dreg:$0x10];
	[tilespmem:s18+$0x12240] =	vst v3;
	v1 =	vsub.f32 v7, v1  }
0x1de: {  	s3 =	sadd.s32 s12, s3;
	[tilespmem:s18+$0x12250] =	vst v2;
	v0 =	vsub.f32 v63, v0  }
0x1df: {  	s3 =	sshll.u32 s3, $0x4;
	[tilespmem:s18+$0x12260] =	vst v1  }
0x1e0: {  	s20 =	sadd.s32 s13, s3;
	[tilespmem:s18+$0x12270] =	vst v0  }
0x1e1: {  	[hbm4b:s20+s4] =	stream.linear.scatter [tilespmem:s30], [sflag:$0x4], $0x2000, $0x38;
	[tilespmem:$0x16200] =	vst v63  }
0x1e2: {  	s20 =	sadd.s32 s14, s3  }
0x1e3: {  	[hbm4b:s20+s4] =	stream.linear.scatter [tilespmem:s1], [sflag:$0x4], $0x2000, $0x38;
	[tilespmem:$0x16200] =	vst v63  }
0x1e4: {  	s3 =	sadd.s32 s15, s3  }
0x1e5: {  	[hbm4b:s3+s4] =	stream.linear.scatter [tilespmem:s0], [sflag:$0x4], $0x2000, $0x38;
	[tilespmem:$0x16200] =	vst v63  }
0x1e6: {  	_ =	swait.ge [sflag:s22], $0x2000  }
0x1e7: {  	[sflag:s22] =	ssyncset.done $0x0  }
0x1e8: {  	[sflag:s22] =	ssyncadd.s32 $0xFFFFE000  }
0x1e9: {  	_ =	swait.ge [sflag:s22], $0x2000  }
0x1ea: {  	[sflag:s22] =	ssyncset.done $0x0  }
0x1eb: {  	[sflag:s22] =	ssyncadd.s32 $0xFFFFE000  }
0x1ec: {  	_ =	swait.ge [sflag:s22], $0x2000  }
0x1ed: {  	[sflag:s22] =	ssyncset.done $0x0  }
0x1ee: {  	[sflag:s22] =	ssyncadd.s32 $0xFFFFE000  }
0x1ef: {  	s21 =	sadd.s32 $0x1, s21;
	s3 =	sadd.s32 $0xC0, s12;
	s20 =	rddreg [dreg:$0x2]  }
0x1f0: {  	[tilespmem:s30], [sflag:$0x2] =	stream.indirect.gather [hbm4b:s20+s23], $0x80, s3, s23, $0xb8;
	[tilespmem:$0x16200] =	vst v63  }
0x1f1: {  	p0 =	sne.s32 s21, $0x61;
	s20 =	sadd.s32 $0x31C0, s12  }
0x1f2: {  	[tilespmem:s1], [sflag:$0x2] =	stream.indirect.gather [hbm4b:s7+s23], $0x80, s20, s23, $0xb8;
	[tilespmem:$0x16200] =	vst v63  }
.Ltmp7:
0x1f3: {  	_ = 	snop;
	(pc) =	sbr.rel @p0 .LBB2_12-.Ltmp7, $4  }
0x1f4: {  	_ = 	snop  }
0x1f5: {  	[tilespmem:s0], [sflag:$0x2] =	stream.indirect.gather [hbm4b:s8+s23], $0x80, s3, s23, $0xb8;
	[tilespmem:$0x16200] =	vst v63  }
0x1f6: {  	_ = 	snop  }
0x1f7: {  	[tilespmem:s16], [sflag:$0x2] =	stream.indirect.gather [hbm4b:s2+s23], $0x80, s20, s23, $0xb8;
	[tilespmem:$0x16200] =	vst v63  }
0x1f8: {  	_ =	swait.ge [sflag:s17], $0x2000  }
0x1f9: {  	[sflag:s17] =	ssyncset.done $0x0  }
0x1fa: {  	[sflag:s17] =	ssyncadd.s32 $0xFFFFE000  }
0x1fb: {  	_ =	swait.ge [sflag:s17], $0x2000  }
0x1fc: {  	[sflag:s17] =	ssyncset.done $0x0  }
0x1fd: {  	[sflag:s17] =	ssyncadd.s32 $0xFFFFE000  }
0x1fe: {  	_ =	swait.ge [sflag:s17], $0x2000  }
0x1ff: {  	[sflag:s17] =	ssyncset.done $0x0  }
0x200: {  	[sflag:s17] =	ssyncadd.s32 $0xFFFFE000  }
0x201: {  	_ =	swait.ge [sflag:s17], $0x2000  }
0x202: {  	[sflag:s17] =	ssyncset.done $0x0  }
0x203: {  	s12 =	simm.s32 $0x0;
	[sflag:s17] =	ssyncadd.s32 $0xFFFFE000  }
0x204: {  	v7 =	vld [tilespmem:s12+$0xC200]  }
0x205: {  	v11 =	vld [tilespmem:s12+$0xC210]  }
0x206: {  	v5 =	vld [tilespmem:s12+$0xC220]  }
0x207: {  	v4 =	vld [tilespmem:s12+$0xC230]  }
0x208: {  	v3 =	vld [tilespmem:s12+$0xC240]  }
0x209: {  	v2 =	vld [tilespmem:s12+$0xC250]  }
0x20a: {  	v1 =	vld [tilespmem:s12+$0xC260]  }
0x20b: {  	v0 =	vld [tilespmem:s12+$0xC270]  }
0x20c: {  	v12 =	vld [tilespmem:s12+$0xA200]  }
0x20d: {  	v13 =	vld [tilespmem:s12+$0xA210]  }
0x20e: {  	v10 =	vld [tilespmem:s12+$0xA220]  }
0x20f: {  	v9 =	vld [tilespmem:s12+$0xA230]  }
0x210: {  	v8 =	vld [tilespmem:s12+$0xA240]  }
0x211: {  	v6 =	vld [tilespmem:s12+$0xA250];
	v12 =	vsub.f32 v12, v7  }
0x212: {  	s18 =	simm.s32 $0x200;
	v11 =	vsub.f32 v13, v11;
	v7 =	vld [tilespmem:s12+$0xA260]  }
.LBB2_18:
0x213: {  	s3 =	sshra.s32 s18, $0x2;
	p0 =	sne.s32 s18, $0x7E00;
	[tilespmem:s12+$0xA200] =	vst v12;
	v5 =	vsub.f32 v10, v5;
	v10 =	vld [tilespmem:s12+$0xA270]  }
0x214: {  	v12 =	vld [tilespmem:s3+$0xC200];
	[tilespmem:s12+$0xA210] =	vst v11;
	v4 =	vsub.f32 v9, v4  }
0x215: {  	v11 =	vld [tilespmem:s3+$0xC210];
	[tilespmem:s12+$0xA220] =	vst v5;
	v3 =	vsub.f32 v8, v3  }
0x216: {  	v5 =	vld [tilespmem:s3+$0xC220];
	[tilespmem:s12+$0xA230] =	vst v4;
	v2 =	vsub.f32 v6, v2  }
0x217: {  	v4 =	vld [tilespmem:s3+$0xC230];
	[tilespmem:s12+$0xA240] =	vst v3;
	v1 =	vsub.f32 v7, v1  }
0x218: {  	v3 =	vld [tilespmem:s3+$0xC240];
	[tilespmem:s12+$0xA250] =	vst v2;
	v0 =	vsub.f32 v10, v0  }
0x219: {  	v2 =	vld [tilespmem:s3+$0xC250];
	[tilespmem:s12+$0xA260] =	vst v1  }
0x21a: {  	v1 =	vld [tilespmem:s3+$0xC260];
	[tilespmem:s12+$0xA270] =	vst v0;
	s12 =	smov.u32 s3  }
0x21b: {  	v0 =	vld [tilespmem:s12+$0xC270]  }
0x21c: {  	v6 =	vld [tilespmem:s12+$0xA200]  }
0x21d: {  	v7 =	vld [tilespmem:s12+$0xA210]  }
.Ltmp8:
0x21e: {  	v10 =	vld [tilespmem:s12+$0xA220];
	(pc) =	sbr.rel @p0 .LBB2_18-.Ltmp8, $4  }
0x21f: {  	v9 =	vld [tilespmem:s12+$0xA230]  }
0x220: {  	v8 =	vld [tilespmem:s12+$0xA240]  }
0x221: {  	v12 =	vsub.f32 v6, v12;
	v6 =	vld [tilespmem:s12+$0xA250]  }
0x222: {  	s18 =	sadd.s32 $0x200, s18;
	v11 =	vsub.f32 v7, v11;
	v7 =	vld [tilespmem:s12+$0xA260]  }
0x223: {  	[tilespmem:s12+$0xA200] =	vst v12;
	v5 =	vsub.f32 v10, v5;
	v10 =	vld [tilespmem:s12+$0xA270]  }
0x224: {  	[tilespmem:s12+$0xA210] =	vst v11;
	v4 =	vsub.f32 v9, v4  }
0x225: {  	[tilespmem:s12+$0xA220] =	vst v5;
	v3 =	vsub.f32 v8, v3  }
0x226: {  	[tilespmem:s12+$0xA230] =	vst v4;
	v2 =	vsub.f32 v6, v2  }
0x227: {  	[tilespmem:s12+$0xA240] =	vst v3;
	v1 =	vsub.f32 v7, v1  }
0x228: {  	[tilespmem:s12+$0xA250] =	vst v2;
	v0 =	vsub.f32 v10, v0  }
0x229: {  	[tilespmem:s12+$0xA260] =	vst v1  }
0x22a: {  	s3 =	simm.s32 $0x0;
	s18 =	rddreg [dreg:$0x11];
	[tilespmem:s12+$0xA270] =	vst v0  }
0x22b: {  	[hbm4b:s18+s3] =	stream.linear.scatter [tilespmem:s24], [sflag:$0x3], $0x2000, $0x38;
	[tilespmem:$0x16200] =	vst v63  }
0x22c: {  	s20 =	rddreg [dreg:$0x12]  }
0x22d: {  	[hbm4b:s20+s3] =	stream.linear.scatter [tilespmem:s25], [sflag:$0x3], $0x2000, $0x38;
	[tilespmem:$0x16200] =	vst v63  }
0x22e: {  	s21 =	rddreg [dreg:$0x13]  }
0x22f: {  	[hbm4b:s21+s3] =	stream.linear.scatter [tilespmem:s26], [sflag:$0x3], $0x2000, $0x38;
	[tilespmem:$0x16200] =	vst v63  }
0x230: {  	_ =	swait.ge [sflag:s31], $0x2000  }
0x231: {  	[sflag:s31] =	ssyncset.done $0x0  }
0x232: {  	[sflag:s31] =	ssyncadd.s32 $0xFFFFE000  }
0x233: {  	_ =	swait.ge [sflag:s31], $0x2000  }
0x234: {  	[sflag:s31] =	ssyncset.done $0x0  }
0x235: {  	[sflag:s31] =	ssyncadd.s32 $0xFFFFE000  }
0x236: {  	_ =	swait.ge [sflag:s31], $0x2000  }
0x237: {  	[sflag:s31] =	ssyncset.done $0x0  }
0x238: {  	[sflag:s31] =	ssyncadd.s32 $0xFFFFE000  }
0x239: {  	_ =	swait.ge [sflag:s31], $0x2000  }
0x23a: {  	[sflag:s31] =	ssyncset.done $0x0  }
0x23b: {  	s12 =	simm.s32 $0x0;
	[sflag:s31] =	ssyncadd.s32 $0xFFFFE000  }
0x23c: {  	v7 =	vld [tilespmem:s12+$0x14200]  }
0x23d: {  	v11 =	vld [tilespmem:s12+$0x14210]  }
0x23e: {  	v5 =	vld [tilespmem:s12+$0x14220]  }
0x23f: {  	v4 =	vld [tilespmem:s12+$0x14230]  }
0x240: {  	v3 =	vld [tilespmem:s12+$0x14240]  }
0x241: {  	v2 =	vld [tilespmem:s12+$0x14250]  }
0x242: {  	v1 =	vld [tilespmem:s12+$0x14260]  }
0x243: {  	v0 =	vld [tilespmem:s12+$0x14270]  }
0x244: {  	v12 =	vld [tilespmem:s12+$0x12200]  }
0x245: {  	v13 =	vld [tilespmem:s12+$0x12210]  }
0x246: {  	v10 =	vld [tilespmem:s12+$0x12220]  }
0x247: {  	v9 =	vld [tilespmem:s12+$0x12230]  }
0x248: {  	v8 =	vld [tilespmem:s12+$0x12240]  }
0x249: {  	v6 =	vld [tilespmem:s12+$0x12250];
	v12 =	vsub.f32 v12, v7  }
0x24a: {  	s18 =	simm.s32 $0x200;
	v11 =	vsub.f32 v13, v11;
	v7 =	vld [tilespmem:s12+$0x12260]  }
.LBB2_20:
0x24b: {  	s3 =	sshra.s32 s18, $0x2;
	p0 =	sne.s32 s18, $0x7E00;
	[tilespmem:s12+$0x12200] =	vst v12;
	v5 =	vsub.f32 v10, v5;
	v10 =	vld [tilespmem:s12+$0x12270]  }
0x24c: {  	v12 =	vld [tilespmem:s3+$0x14200];
	[tilespmem:s12+$0x12210] =	vst v11;
	v4 =	vsub.f32 v9, v4  }
0x24d: {  	v11 =	vld [tilespmem:s3+$0x14210];
	[tilespmem:s12+$0x12220] =	vst v5;
	v3 =	vsub.f32 v8, v3  }
0x24e: {  	v5 =	vld [tilespmem:s3+$0x14220];
	[tilespmem:s12+$0x12230] =	vst v4;
	v2 =	vsub.f32 v6, v2  }
0x24f: {  	v4 =	vld [tilespmem:s3+$0x14230];
	[tilespmem:s12+$0x12240] =	vst v3;
	v1 =	vsub.f32 v7, v1  }
0x250: {  	v3 =	vld [tilespmem:s3+$0x14240];
	[tilespmem:s12+$0x12250] =	vst v2;
	v0 =	vsub.f32 v10, v0  }
0x251: {  	v2 =	vld [tilespmem:s3+$0x14250];
	[tilespmem:s12+$0x12260] =	vst v1  }
0x252: {  	v1 =	vld [tilespmem:s3+$0x14260];
	[tilespmem:s12+$0x12270] =	vst v0;
	s12 =	smov.u32 s3  }
0x253: {  	v0 =	vld [tilespmem:s12+$0x14270]  }
0x254: {  	v6 =	vld [tilespmem:s12+$0x12200]  }
0x255: {  	v7 =	vld [tilespmem:s12+$0x12210]  }
.Ltmp9:
0x256: {  	v10 =	vld [tilespmem:s12+$0x12220];
	(pc) =	sbr.rel @p0 .LBB2_20-.Ltmp9, $4  }
0x257: {  	v9 =	vld [tilespmem:s12+$0x12230]  }
0x258: {  	v8 =	vld [tilespmem:s12+$0x12240]  }
0x259: {  	v12 =	vsub.f32 v6, v12;
	v6 =	vld [tilespmem:s12+$0x12250]  }
0x25a: {  	s18 =	sadd.s32 $0x200, s18;
	v11 =	vsub.f32 v7, v11;
	v7 =	vld [tilespmem:s12+$0x12260]  }
0x25b: {  	[tilespmem:s12+$0x12200] =	vst v12;
	v5 =	vsub.f32 v10, v5;
	v63 =	vld [tilespmem:s12+$0x12270]  }
0x25c: {  	[tilespmem:s12+$0x12210] =	vst v11;
	v4 =	vsub.f32 v9, v4  }
0x25d: {  	[tilespmem:s12+$0x12220] =	vst v5;
	v3 =	vsub.f32 v8, v3  }
0x25e: {  	[tilespmem:s12+$0x12230] =	vst v4;
	v2 =	vsub.f32 v6, v2  }
0x25f: {  	[tilespmem:s12+$0x12240] =	vst v3;
	v1 =	vsub.f32 v7, v1  }
0x260: {  	[tilespmem:s12+$0x12250] =	vst v2;
	v0 =	vsub.f32 v63, v0  }
0x261: {  	[tilespmem:s12+$0x12260] =	vst v1  }
0x262: {  	s3 =	rddreg [dreg:$0x14];
	[tilespmem:s12+$0x12270] =	vst v0  }
0x263: {  	[hbm4b:s3+s4] =	stream.linear.scatter [tilespmem:s30], [sflag:$0x4], $0x2000, $0x38;
	[tilespmem:$0x16200] =	vst v63  }
0x264: {  	s12 =	rddreg [dreg:$0x15]  }
0x265: {  	[hbm4b:s12+s4] =	stream.linear.scatter [tilespmem:s1], [sflag:$0x4], $0x2000, $0x38;
	[tilespmem:$0x16200] =	vst v63  }
0x266: {  	s18 =	rddreg [dreg:$0x16]  }
0x267: {  	[hbm4b:s18+s4] =	stream.linear.scatter [tilespmem:s0], [sflag:$0x4], $0x2000, $0x38;
	[tilespmem:$0x16200] =	vst v63  }
0x268: {  	_ =	swait.ge [sflag:s19], $0x2000  }
0x269: {  	[sflag:s19] =	ssyncset.done $0x0  }
0x26a: {  	[sflag:s19] =	ssyncadd.s32 $0xFFFFE000  }
0x26b: {  	_ =	swait.ge [sflag:s19], $0x2000  }
0x26c: {  	[sflag:s19] =	ssyncset.done $0x0  }
0x26d: {  	[sflag:s19] =	ssyncadd.s32 $0xFFFFE000  }
0x26e: {  	_ =	swait.ge [sflag:s19], $0x2000  }
0x26f: {  	[sflag:s19] =	ssyncset.done $0x0  }
0x270: {  	[sflag:s19] =	ssyncadd.s32 $0xFFFFE000  }
0x271: {  	_ =	swait.ge [sflag:s22], $0x2000  }
0x272: {  	[sflag:s22] =	ssyncset.done $0x0  }
0x273: {  	[sflag:s22] =	ssyncadd.s32 $0xFFFFE000  }
0x274: {  	_ =	swait.ge [sflag:s22], $0x2000  }
0x275: {  	[sflag:s22] =	ssyncset.done $0x0  }
0x276: {  	[sflag:s22] =	ssyncadd.s32 $0xFFFFE000  }
0x277: {  	_ =	swait.ge [sflag:s22], $0x2000  }
0x278: {  	s20 =	rddreg [dreg:$0x18]  }
0x279: {  	s21 =	rddreg [dreg:$0x17];
	s12 =	sadd.s32 $0x1, s20  }
0x27a: {  	p0 =	sne.s32 s12, s21  }
.Ltmp10:
0x27b: {  	_ = 	snop;
	(pc) =	sbr.rel @p0 .LBB2_1-.Ltmp10, $3  }
0x27c: {  	_ =	sdelay $0x1  }
0x27d: {  	[sflag:s22] =	ssyncset.done $0x0  }
0x27e: {  	[sflag:s22] =	ssyncadd.s32 $0xFFFFE000  }
0x27f: {  	_ =	sfence.sel $0x180000  }
0x280: {  	[bflag:$0x0] =	sbarrier.arrive $0xFFFF  }
0x281: {  	_ =	strace $0x90000047  }
0x282: {  	s0 =	stileid.u32;
	[bflag:$0x2] =	sbarrier.arrive $0xFFFF  }
0x283: {  	p0 =	sne.s32 s0, $0x0;
	s0 =	rddreg [dreg:$0x3]  }
0x284: {  	s0 =	sadd.s32 @!p0 $0x100000, s0  }
0x285: {  	[sflag:s0] =	ssyncadd.tile.s32 @!p0 $0x1;
	_ =	shalt  }
.Lfunc_end2:
_tile_overlayer_lowered:
.L_overlay_start_2:
0x286: {  	(tag) =	ssettag $0x2  }
0x287: {  	s0 =	rddreg [dreg:$0x0];
	s2 =	stileid.u32  }
0x288: {  	s1 =	rddreg [dreg:$0x1];
	p0 =	sne.s32 s2, $0x0  }
0x289: {  	s3 =	rddreg [dreg:$0x2];
	[bflag:$0x3] =	sbarrier.arrive $0xFFFF;
	s2 =	simm.s32 @!p0 $0x1C05  }
0x28a: {  	[timem:s3], [sflag:s2] =	dma.local @!p0 [hbm:s0], s1  }
0x28b: {  	s0 =	simm.s32 @!p0 $0x5  }
0x28c: {  	_ =	swait.ge @!p0 [sflag:s0], s1  }
0x28d: {  	s1 =	ssub.s32 @!p0 $0x0, s1;
	[sflag:s0] =	ssyncset.done @!p0 $0x0  }
0x28e: {  	[sflag:s0] =	ssyncadd.s32 @!p0 s1  }
0x28f: {  	[bflag:$0x3] =	sbarrier.arrive $0xFFFF  }
0x290: {  	_ =	shalt  }

// kernel: kernel.13.cloned.1.call-start
scs
__scs_entry_jumppad:
0x0: {  	(pc) =	sbr.rel $0x88, $3  }
0x1: {  	(tag) =	ssettag $0x0;
	lr =	simm.s32 $0x1  }
0x2: {  	[smem:$0x3F87] =	sst lr;
	_ =	strace $0xD0000000  }
0x3: {  	_ = 	snop  }
0x4: {  	_ = 	snop  }
0x5: {  	_ = 	snop  }
0x6: {  	_ = 	snop  }
0x7: {  	_ = 	snop  }
__scs_overlays_trampoline_lowered:
0x8: {  	[smem:$0x3F96] =	sst s0  }
0x9: {  	[smem:$0x3F97] =	sst s1  }
0xa: {  	[smem:$0x3F98] =	sst s2  }
0xb: {  	[smem:$0x3F99] =	sst s3  }
0xc: {  	[smem:$0x3F9A] =	sst s4  }
0xd: {  	[smem:$0x3F9B] =	sst s5  }
0xe: {  	[smem:$0x3F9C] =	sst s6  }
0xf: {  	[smem:$0x3F9D] =	sst s7  }
0x10: {  	[smem:$0x3F9E] =	sst s8  }
0x11: {  	[smem:$0x3F9F] =	sst s9;
	s0 =	simm.s32 @!p0 $0x0  }
0x12: {  	s1 =	sld [smem:$0x3F85];
	s0 =	simm.s32 @p0 $0x1  }
0x13: {  	[smem:$0x3FA0] =	sst s0;
	s0 =	simm.s32 @!p1 $0x0  }
0x14: {  	s2 =	sld [smem:$0x3F84];
	s0 =	simm.s32 @p1 $0x1  }
0x15: {  	[smem:$0x3FA1] =	sst s0;
	s0 =	simm.s32 @!p2 $0x0  }
0x16: {  	s3 =	sld [smem:$0x3FDB];
	s0 =	simm.s32 @p2 $0x1  }
0x17: {  	s4 =	simm.s32 $0x1BF5;
	[smem:$0x3FA3] =	sst s0  }
0x18: {  	s0 =	sld [smem:$0x3F86];
	_ =	swait.ge [sflag:s4], $0x0  }
0x19: {  	s7 =	sld [smem:$0x3F87]  }
0x1a: {  	s8 =	sadd.s32 $0xFFFFE003, lr  }
0x1b: {  	s9 =	sadd.s32 $0xFFFFFEF7, lr;
	s5 =	simm.s32 $0xFFFFFFFF;
	p2 =	slt.u32 s8, $0xFFFFF086  }
0x1c: {  	p1 =	slt.u32 s9, $0xF7A;
	s5 =	simm.s32 @!p2 $0x0  }
0x1d: {  	s5 =	simm.s32 @p1 $0x1;
	p0 =	seq.s32 s7, s2  }
0x1e: {  	s7 =	smul.u32 @!p0 $0xF7A, s2;
	p2 =	seq.s32 @!p0 s5, $0x0  }
0x1f: {  	s9 =	smul.u32 $0xF7A, s1;
	s8 =	simm.s32 @!p0 $0x1BF5;
	p2 =	por !p2, p0  }
0x20: {  	[sflag:s8] =	ssyncset.s32 @!p0 $0xFFFFF086;
	s6 =	sadd.s32 @!p0 s3, s7;
	s7 =	simm.s32 @!p0 $0x108  }
0x21: {  	s3 =	sadd.s32 s3, s9;
	s6 =	sadd.s32 @!p0 $0x88, s6;
	s7 =	simm.s32 @p2 $0x1082  }
0x22: {  	[simem:s7], [sflag:s8] =	dma.local @!p0 [hbm:s6], $0xF7A  }
0x23: {  	s9 =	sor.u32 $0xD0000000, s2;
	s6 =	simm.s32 $0x108;
	_ =	swait.ge @!p0 [sflag:s8], $0x0  }
0x24: {  	s3 =	sadd.s32 $0x88, s3;
	s6 =	simm.s32 @!p1 $0x1082;
	[sflag:s4] =	ssyncset.s32 $0xFFFFF086  }
0x25: {  	[simem:s6], [sflag:s4] =	dma.local [hbm:s3], $0xF7A  }
0x26: {  	[smem:$0x3F87] =	sst s1;
	(tag) =	ssettag s2;
	_ =	strace s9  }
0x27: {  	s1 =	sld [smem:$0x3F97]  }
0x28: {  	s2 =	sld [smem:$0x3F98]  }
0x29: {  	s4 =	sld [smem:$0x3F9A]  }
0x2a: {  	p0 =	seq.s32 s5, $0x0;
	s5 =	sld [smem:$0x3F9B]  }
0x2b: {  	s6 =	sld [smem:$0x3F9C]  }
0x2c: {  	s7 =	sld [smem:$0x3F9D]  }
0x2d: {  	s3 =	simm.s32 $0x108;
	s8 =	sld [smem:$0x3F9E]  }
0x2e: {  	s3 =	simm.s32 @!p0 $0x1082;
	s9 =	sld [smem:$0x3F9F]  }
0x2f: {  	lr =	sadd.s32 s0, s3;
	s0 =	sld [smem:$0x3F96]  }
0x30: {  	s3 =	sld [smem:$0x3F99]  }
0x31: {  	[smem:$0x3FA2] =	sst s10  }
0x32: {  	s10 =	sld [smem:$0x3FA0];
	_ =	sdelay $0x3  }
0x33: {  	p0 =	seq.s32 s10, $0x1;
	s10 =	sld [smem:$0x3FA2];
	_ =	sdelay $0x3  }
0x34: {  	[smem:$0x3FA2] =	sst s10  }
0x35: {  	s10 =	sld [smem:$0x3FA1];
	_ =	sdelay $0x3  }
0x36: {  	p1 =	seq.s32 s10, $0x1;
	s10 =	sld [smem:$0x3FA2];
	_ =	sdelay $0x3  }
0x37: {  	[smem:$0x3FA2] =	sst s10  }
0x38: {  	s10 =	sld [smem:$0x3FA3]  }
0x39: {  	_ = 	snop;
	(pc) =	sbr.ind lr, $3  }
0x3a: {  	_ = 	snop  }
0x3b: {  	_ = 	snop  }
0x3c: {  	p2 =	seq.s32 s10, $0x1;
	s10 =	sld [smem:$0x3FA2]  }
0x3d: {  	_ =	shalt  }
0x3e: {  	_ =	shalt  }
0x3f: {  	_ =	shalt  }
0x40: {  	_ =	shalt  }
0x41: {  	_ =	shalt  }
0x42: {  	_ =	shalt  }
0x43: {  	_ =	shalt  }
0x44: {  	_ =	shalt  }
0x45: {  	_ =	shalt  }
0x46: {  	_ =	shalt  }
0x47: {  	_ =	shalt  }
0x48: {  	_ =	shalt  }
0x49: {  	_ =	shalt  }
0x4a: {  	_ =	shalt  }
0x4b: {  	_ =	shalt  }
0x4c: {  	_ =	shalt  }
0x4d: {  	_ =	shalt  }
0x4e: {  	_ =	shalt  }
0x4f: {  	_ =	shalt  }
0x50: {  	_ =	shalt  }
0x51: {  	_ =	shalt  }
0x52: {  	_ =	shalt  }
0x53: {  	_ =	shalt  }
0x54: {  	_ =	shalt  }
0x55: {  	_ =	shalt  }
0x56: {  	_ =	shalt  }
0x57: {  	_ =	shalt  }
0x58: {  	_ =	shalt  }
0x59: {  	_ =	shalt  }
0x5a: {  	_ =	shalt  }
0x5b: {  	_ =	shalt  }
0x5c: {  	_ =	shalt  }
0x5d: {  	_ =	shalt  }
0x5e: {  	_ =	shalt  }
0x5f: {  	_ =	shalt  }
0x60: {  	_ =	shalt  }
0x61: {  	_ =	shalt  }
0x62: {  	_ =	shalt  }
0x63: {  	_ =	shalt  }
0x64: {  	_ =	shalt  }
0x65: {  	_ =	shalt  }
0x66: {  	_ =	shalt  }
0x67: {  	_ =	shalt  }
0x68: {  	_ =	shalt  }
0x69: {  	_ =	shalt  }
0x6a: {  	_ =	shalt  }
0x6b: {  	_ =	shalt  }
0x6c: {  	_ =	shalt  }
0x6d: {  	_ =	shalt  }
0x6e: {  	_ =	shalt  }
0x6f: {  	_ =	shalt  }
0x70: {  	_ =	shalt  }
0x71: {  	_ =	shalt  }
0x72: {  	_ =	shalt  }
0x73: {  	_ =	shalt  }
0x74: {  	_ =	shalt  }
0x75: {  	_ =	shalt  }
0x76: {  	_ =	shalt  }
0x77: {  	_ =	shalt  }
0x78: {  	_ =	shalt  }
0x79: {  	_ =	shalt  }
0x7a: {  	_ =	shalt  }
0x7b: {  	_ =	shalt  }
0x7c: {  	_ =	shalt  }
0x7d: {  	_ =	shalt  }
0x7e: {  	_ =	shalt  }
0x7f: {  	_ =	shalt  }
0x80: {  	_ =	shalt  }
0x81: {  	_ =	shalt  }
0x82: {  	_ =	shalt  }
0x83: {  	_ =	shalt  }
0x84: {  	_ =	shalt  }
0x85: {  	_ =	shalt  }
0x86: {  	_ =	shalt  }
0x87: {  	_ =	shalt  }
.Lfunc_end0:
.L_simem_size_0:
called_computation.1_lowered:
.L_overlay_start_0:
0x88: {  	s2 =	sld [smem:$0x3FD9]  }
0x89: {  	s3 =	sld [smem:$0x3FFE];
	_ =	sdelay $0x1  }
0x8a: {  	s1 =	srdreg.scid  }
0x8b: {  	s0 =	sand.u32 $0x1, s1  }
0x8c: {  	s15 =	sshll.u32 s0, $0xA;
	s2 =	sadd.s32 s3, s2  }
0x8d: {  	s2 =	sadd.s32 s2, s15  }
0x8e: {  	[smem:$0x3FAE] =	sst s2  }
0x8f: {  	_ = 	snop  }
0x90: {  	s2 =	sld [smem:$0x3FD0];
	_ =	sdelay $0x2  }
0x91: {  	s16 =	simm.s32 $0xB;
	s4 =	simm.s32 $0x10  }
0x92: {  	[smem:s4], [sflag:s16] =	dma.local [hbm:s2], $0x1  }
0x93: {  	_ =	swait.eq [sflag:s16], $0x1  }
0x94: {  	[sflag:s16] =	ssyncset.done $0x0  }
0x95: {  	[sflag:s16] =	ssyncadd.s32 $0xFFFFFFFF  }
0x96: {  	s17 =	sld [smem:$0x11];
	(tm) =	ssettm $0x1  }
0x97: {  	s18 =	sld [smem:$0x3FFB];
	_ =	sdelay $0x3  }
0x98: {  	_ =	strace s18  }
0x99: {  	s2 =	sld [smem:$0x3FFC];
	_ =	sdelay $0x3  }
0x9a: {  	_ =	strace s2  }
0x9b: {  	s2 =	sld [smem:$0x3FFD];
	_ =	sdelay $0x3  }
0x9c: {  	_ =	strace s2  }
0x9d: {  	_ =	strace $0x8FFFFFFF  }
0x9e: {  	s19 =	sld [smem:$0x3FDB];
	_ =	sdelay $0x1  }
0x9f: {  	s20 =	simm.s32 $_scs_section_size  }
0xa0: {  	s5 =	simm.s32 $_size__tile_overlayer_lowered;
	s6 =	simm.s32 $_tile_overlayer_lowered  }
0xa1: {  	s7 =	simm.s32 $0x1BFF;
	s21 =	sshll.u32 s6, $0x1;
	s4 =	sadd.s32 s20, s19  }
0xa2: {  	s22 =	simm.s32 $0x0;
	s5 =	sshll.u32 s5, $0x1;
	s6 =	sadd.s32 s21, s4  }
0xa3: {  	[timem:s22], [sflag:s7] =	dma.local [hbm:s6], s5  }
0xa4: {  	_ =	swait.ge [sflag:s7], s5  }
0xa5: {  	s5 =	ssub.s32 $0x0, s5;
	[sflag:s7] =	ssyncset.done $0x0  }
0xa6: {  	[sflag:s7] =	ssyncadd.s32 s5;
	_ =	sdelay $0x1  }
0xa7: {  	s23 =	simm.s32 $0x1B8B  }
0xa8: {  	_ =	swait.ge [sflag:s23], $0x1  }
0xa9: {  	[sflag:s23] =	ssyncset.done $0x0  }
0xaa: {  	[sflag:s23] =	ssyncadd.s32 $0xFFFFFFFF  }
0xab: {  	s5 =	sld [smem:$0x0]  }
0xac: {  	s6 =	sand.u32 $0xFFFFFFFE, s1  }
0xad: {  	p0 =	sne.s32 s1, s6  }
0xae: {  	s6 =	sshll.u32 @p0 s6, $0xE  }
0xaf: {  	s6 =	sadd.s32 @p0 $0x11B8D, s6;
	s7 =	sshll.u32 @p0 s5, $0x11  }
0xb0: {  	s6 =	sor.u32 @p0 s7, s6  }
0xb1: {  	[sflag:s6] =	ssyncadd.remote.s32 @p0 $0x1;
	_ =	sdelay $0x1  }
0xb2: {  	s6 =	simm.s32 @p0 $0x1B8D  }
0xb3: {  	_ =	swait.eq @p0 [sflag:s6], $0x1  }
0xb4: {  	[sflag:s6] =	ssyncadd.s32 @p0 $0xFFFFFFFF  }
0xb5: {  	s7 =	sshll.u32 @!p0 s1, $0xE  }
0xb6: {  	s7 =	sor.u32 @!p0 $0x4000, s7;
	s6 =	simm.s32 @!p0 $0x1B8D  }
0xb7: {  	s5 =	sshll.u32 @!p0 s5, $0x11;
	s7 =	sadd.s32 @!p0 $0x11B8D, s7;
	_ =	swait.eq @!p0 [sflag:s6], $0x1  }
0xb8: {  	s5 =	sor.u32 @!p0 s5, s7;
	[sflag:s6] =	ssyncadd.s32 @!p0 $0xFFFFFFFF  }
0xb9: {  	s25 =	simm.s32 $0x1B8E;
	s24 =	sld [smem:$0x3FFE];
	[sflag:s5] =	ssyncadd.remote.s32 @!p0 $0x1  }
0xba: {  	s26 =	simm.s32 $execute0_lowered;
	[smem:$0x3FD2] =	sst s25  }
0xbb: {  	s6 =	sshll.u32 s26, $0x1;
	_ =	strace $0x8000004C;
	[dreg:$0x1] =	wrdreg $0xFFFFFFFF  }
0xbc: {  	s28 =	simm.s32 $_size_execute0_lowered;
	s4 =	sadd.s32 s4, s6;
	[dreg:$0x0] =	wrdreg $0x0  }
0xbd: {  	s6 =	sshll.u32 s28, $0x1;
	[dreg:$0x2] =	wrdreg s4  }
0xbe: {  	[dreg:$0x3] =	wrdreg s6  }
0xbf: {  	[dreg:$0x4] =	wrdreg $0xC0  }
0xc0: {  	_ =	task [dreg:s22], $0x5FFFF  }
0xc1: {  	[dreg:$0x1] =	wrdreg $0xFFFFFFFF  }
0xc2: {  	[dreg:$0x0] =	wrdreg $0x60  }
0xc3: {  	[dreg:$0x2] =	wrdreg s24  }
0xc4: {  	[dreg:$0x3] =	wrdreg s17  }
0xc5: {  	[dreg:$0x4] =	wrdreg $0x81000  }
0xc6: {  	[dreg:$0x5] =	wrdreg $0x9  }
0xc7: {  	_ =	task.clear_ibuf [dreg:s22], $0x6FFFF;
	_ =	strace $0x9000004C  }
0xc8: {  	s29 =	simm.s32 $0x9;
	_ =	strace $0x8000004E  }
0xc9: {  	_ =	swait.ge [sflag:s29], $0x1  }
0xca: {  	[sflag:s29] =	ssyncadd.s32 $0xFFFFFFFF  }
0xcb: {  	_ =	strace $0x9000004E  }
0xcc: {  	_ =	sfence  }
0xcd: {  	s30 =	sld [smem:$0x0];
	_ =	sdelay $0x2  }
0xce: {  	s31 =	sshll.u32 s1, $0xD;
	s1 =	sshrl.u32 s1, $0x2  }
0xcf: {  	s4 =	sand.u32 $0x4000, s31;
	s1 =	sadd.s32 s1, s30  }
0xd0: {  	s0 =	sor.u32 s4, s0;
	s1 =	sshll.u32 s1, $0x11  }
0xd1: {  	s0 =	sor.u32 s1, s0  }
0xd2: {  	s0 =	sadd.s32 $0x8F2B, s0  }
0xd3: {  	[sflag:s0] =	ssyncadd.remote.s32 $0x1  }
0xd4: {  	_ =	sfence.sel $0xFFFF  }
0xd5: {  	[dreg:$0x0] =	wrdreg $0xFFFFFFFF;
	(pc) =	sbr.abs _section_cstart, $3  }
0xd6: {  	[dreg:$0x1] =	wrdreg $0xFFFFFFFF  }
0xd7: {  	_ =	task.clear_ibuf [dreg:s22], $0x2FFFF;
	_ =	strace $0x9FFFFFFF  }
0xd8: {  	(tm) =	ssettm $0x7FFFFFFF  }
0xd9: {  	_ =	shalt  }
tec
execute0_lowered:
.L_overlay_start_1:
0x0: {  	(tag) =	ssettag $0x1  }
0x1: {  	s2 =	rddreg [dreg:$0x0]  }
0x2: {  	s5 =	rddreg [dreg:$0x1]  }
0x3: {  	s1 =	rddreg [dreg:$0x2]  }
0x4: {  	s3 =	simm.s32 $0x0;
	s23 =	stileid.u32;
	s7 =	srdreg.scid  }
0x5: {  	s28 =	simm.s32 $0x4100;
	s29 =	simm.s32 $0x1;
	s30 =	simm.s32 $0x2  }
0x6: {  	s31 =	simm.s32 $0x0;
	[smem:$0x7FF] =	sst s3;
	s0 =	sadd.s32 $0xB3200, s2  }
0x7: {  	s6 =	smul.u32 $0x13C00, s23;
	s8 =	sadd.s32 $0x1D99C00, s2;
	s4 =	sadd.s32 $0xB8200, s2  }
0x8: {  	s18 =	sand.u32 $0x1, s7;
	s19 =	sadd.s32 $0x2019C00, s2;
	s12 =	smul.u32 $0x4F000, s23  }
0x9: {  	s14 =	sshll.u32 s23, $0x6;
	_ =	strace $0x8000004D;
	s11 =	sshll.u32 s18, $0x4  }
0xa: {  	s9 =	ssub.s32 $0x2, s18;
	s26 =	sshrl.u32 s6, $0x3;
	s13 =	sor.u32 s23, s11  }
0xb: {  	s10 =	sshrl.u32 s9, $0x1;
	s12 =	sshrl.u32 s12, $0x2;
	s15 =	smul.u32 $0x1400, s13  }
0xc: {  	s2 =	sadd.s32 s26, s2;
	s7 =	sadd.s32 s12, s1;
	s20 =	smul.u32 $0x14000, s13  }
0xd: {  	s17 =	ssub.s32 s9, s10;
	s10 =	smul.u32 $0x310000, s18;
	[dreg:$0x4] =	wrdreg s7  }
0xe: {  	s2 =	sadd.s32 $0x5A00, s2;
	s7 =	sor.u32 $0x1C03, s14;
	s14 =	smul.u32 $0x3100, s13  }
0xf: {  	s13 =	smul.u32 $0x31000, s13;
	s17 =	smax.u32 s17, $0x1;
	[dreg:$0x5] =	wrdreg s2  }
0x10: {  	s16 =	sshrl.u32 s15, $0x3;
	s21 =	sor.u32 $0x80, s15;
	s15 =	smul.u32 $0x13C000, s18  }
0x11: {  	s9 =	sadd.s32 s8, s20;
	s20 =	smul.u32 $0x140000, s18;
	s2 =	sadd.s32 s0, s16  }
0x12: {  	s22 =	sshrl.u32 s21, $0x3;
	[dreg:$0x7] =	wrdreg s9;
	s24 =	sshll.u32 s21, $0x4  }
0x13: {  	s25 =	sshrl.u32 s14, $0x3;
	s26 =	sor.u32 $0x80, s14;
	s13 =	sadd.s32 s19, s13  }
0x14: {  	s21 =	smul.u32 $0x14000, s23;
	[dreg:$0x6] =	wrdreg s2;
	s2 =	sadd.s32 s0, s22  }
0x15: {  	s11 =	sadd.s32 s8, s24;
	s12 =	sadd.s32 s4, s25;
	s14 =	sshrl.u32 s26, $0x3  }
0x16: {  	s6 =	sadd.s32 s6, s15;
	s22 =	smul.u32 $0x14000, s18;
	s9 =	sadd.s32 s20, s8  }
0x17: {  	s20 =	smul.u32 $0x31000, s18;
	[dreg:$0x8] =	wrdreg s2;
	s6 =	sshrl.u32 s6, $0x3  }
0x18: {  	s2 =	sshll.u32 s26, $0x4;
	s16 =	sadd.s32 s5, s6;
	s6 =	smul.u32 $0x1400, s23  }
0x19: {  	s14 =	sadd.s32 s4, s14;
	s15 =	sadd.s32 s19, s2;
	s5 =	sadd.s32 s21, s9  }
0x1a: {  	s18 =	sadd.s32 $0x1800, s5;
	s2 =	sadd.s32 s6, s22;
	s22 =	smul.u32 $0x3100, s23  }
0x1b: {  	s6 =	sadd.s32 s10, s19;
	s23 =	smul.u32 $0x31000, s23;
	s21 =	sor.u32 $0x180, s2  }
0x1c: {  	s2 =	sor.u32 $0x100, s2;
	s5 =	sshrl.u32 s21, $0x3;
	s24 =	sadd.s32 s22, s20  }
0x1d: {  	s2 =	sshrl.u32 s2, $0x3;
	s6 =	sadd.s32 s23, s6;
	s19 =	sadd.s32 s5, s0  }
0x1e: {  	s25 =	sadd.s32 $0x180, s24;
	s20 =	sadd.s32 s2, s0;
	s8 =	sadd.s32 $0x1800, s6  }
0x1f: {  	s23 =	sadd.s32 $0x100, s24;
	s24 =	simm.s32 $0x3;
	s26 =	sshrl.u32 s25, $0x3  }
0x20: {  	s25 =	simm.s32 $0x100;
	s22 =	sadd.s32 s26, s4;
	s26 =	simm.s32 $0x80  }
.LBB2_1:
0x21: {  	s0 =	rddreg [dreg:$0x4]  }
0x22: {  	s2 =	rddreg [dreg:$0x5];
	s0 =	sshrl.u32 s0, $0x3  }
0x23: {  	[spmem:s0], [sflag:s7] =	dma.local [hbm:s2], $0x2780  }
0x24: {  	_ =	swait.ge [sflag:s24], $0x2780  }
0x25: {  	[sflag:s24] =	ssyncset.done $0x0  }
0x26: {  	[sflag:s24] =	ssyncadd.s32 $0xFFFFD880  }
0x27: {  	[bflag:$0x0] =	sbarrier.arrive $0xFFFF  }
0x28: {  	s21 =	rddreg [dreg:$0x6]  }
0x29: {  	[tilespmem:s3], [sflag:$0x1] =	stream.linear.gather [hbm4b:s21+s3], $0x80, $0x38;
	[tilespmem:$0x1BD00] =	vst v63  }
0x2a: {  	s5 =	rddreg [dreg:$0x7]  }
0x2b: {  	[tilespmem:s25], [sflag:$0x1] =	stream.linear.gather [hbm4b:s5+s3], $0x4000, $0x38;
	[tilespmem:$0x1BD00] =	vst v63  }
0x2c: {  	s6 =	rddreg [dreg:$0x8]  }
0x2d: {  	[tilespmem:s26], [sflag:$0x2] =	stream.linear.gather [hbm4b:s6+s3], $0x80, $0x38;
	[tilespmem:$0x1BD00] =	vst v63  }
0x2e: {  	_ = 	snop  }
0x2f: {  	[tilespmem:s28], [sflag:$0x2] =	stream.linear.gather [hbm4b:s11+s3], $0x4000, $0x38;
	[tilespmem:$0x1BD00] =	vst v63  }
0x30: {  	_ =	swait.ge [sflag:s29], $0x80  }
0x31: {  	[sflag:s29] =	ssyncset.done $0x0  }
0x32: {  	[sflag:s29] =	ssyncadd.s32 $0xFFFFFF80  }
0x33: {  	_ =	swait.ge [sflag:s29], $0x4000  }
0x34: {  	[sflag:s29] =	ssyncset.done $0x0  }
0x35: {  	[sflag:s29] =	ssyncadd.s32 $0xFFFFC000  }
0x36: {  	[spmem:s1] =	stream.indirect.scatter.add.f32 [tilespmem:s25], [sflag:$0x3], $0x80, s3, s26, $0xb8;
	[tilespmem:$0x1BD00] =	vst v63  }
0x37: {  	_ =	swait.ge [sflag:s24], $0x4000  }
0x38: {  	[sflag:s24] =	ssyncset.done $0x0  }
0x39: {  	s9 =	sadd.s32 $0x0, s20;
	[sflag:s24] =	ssyncadd.s32 $0xFFFFC000  }
0x3a: {  	[tilespmem:s3], [sflag:$0x1] =	stream.linear.gather [hbm4b:s9+s3], $0x80, $0x38;
	[tilespmem:$0x1BD00] =	vst v63  }
0x3b: {  	s10 =	sadd.s32 $0xFFFFF800, s18  }
0x3c: {  	[tilespmem:s25], [sflag:$0x1] =	stream.linear.gather [hbm4b:s10+s3], $0x4000, $0x38;
	[tilespmem:$0x1BD00] =	vst v63  }
0x3d: {  	_ =	swait.ge [sflag:s30], $0x80  }
0x3e: {  	[sflag:s30] =	ssyncset.done $0x0  }
0x3f: {  	[sflag:s30] =	ssyncadd.s32 $0xFFFFFF80  }
0x40: {  	_ =	swait.ge [sflag:s30], $0x4000  }
0x41: {  	[sflag:s30] =	ssyncset.done $0x0  }
0x42: {  	[sflag:s30] =	ssyncadd.s32 $0xFFFFC000  }
0x43: {  	[spmem:s1] =	stream.indirect.scatter.add.f32 [tilespmem:s28], [sflag:$0x3], $0x80, s26, s26, $0xb8;
	[tilespmem:$0x1BD00] =	vst v63  }
0x44: {  	_ =	swait.ge [sflag:s24], $0x4000  }
0x45: {  	s2 =	simm.s32 $0x20;
	s21 =	sadd.s32 $0x0, s19;
	[sflag:s24] =	ssyncset.done $0x0  }
0x46: {  	s5 =	sadd.s32 $0x1000, s18;
	s6 =	smov.u32 s18;
	[sflag:s24] =	ssyncadd.s32 $0xFFFFC000  }
0x47: {  	[tilespmem:s26], [sflag:$0x2] =	stream.linear.gather [hbm4b:s21+s3], $0x80, $0x38;
	[tilespmem:$0x1BD00] =	vst v63  }
.LBB2_2:
0x48: {  	[tilespmem:s28], [sflag:$0x2] =	stream.linear.gather [hbm4b:s6+s3], $0x4000, $0x38;
	[tilespmem:$0x1BD00] =	vst v63  }
0x49: {  	s21 =	smov.u32 s2;
	s6 =	smov.u32 s5  }
0x4a: {  	p0 =	sne.s32 s2, $0x240;
	s2 =	sadd.s32 $0x20, s2;
	_ =	swait.ge [sflag:s29], $0x80  }
0x4b: {  	[sflag:s29] =	ssyncset.done $0x0  }
0x4c: {  	[sflag:s29] =	ssyncadd.s32 $0xFFFFFF80  }
0x4d: {  	_ =	swait.ge [sflag:s29], $0x4000  }
0x4e: {  	[sflag:s29] =	ssyncset.done $0x0  }
0x4f: {  	[sflag:s29] =	ssyncadd.s32 $0xFFFFC000  }
0x50: {  	[spmem:s1] =	stream.indirect.scatter.add.f32 [tilespmem:s25], [sflag:$0x3], $0x80, s3, s26, $0xb8;
	[tilespmem:$0x1BD00] =	vst v63  }
0x51: {  	_ =	swait.ge [sflag:s24], $0x4000  }
0x52: {  	[sflag:s24] =	ssyncset.done $0x0  }
0x53: {  	s9 =	sadd.s32 s21, s20;
	[sflag:s24] =	ssyncadd.s32 $0xFFFFC000  }
0x54: {  	[tilespmem:s3], [sflag:$0x1] =	stream.linear.gather [hbm4b:s9+s3], $0x80, $0x38;
	[tilespmem:$0x1BD00] =	vst v63  }
0x55: {  	s9 =	sadd.s32 $0xFFFFF800, s5  }
0x56: {  	[tilespmem:s25], [sflag:$0x1] =	stream.linear.gather [hbm4b:s9+s3], $0x4000, $0x38;
	[tilespmem:$0x1BD00] =	vst v63  }
0x57: {  	_ =	swait.ge [sflag:s30], $0x80  }
0x58: {  	[sflag:s30] =	ssyncset.done $0x0  }
0x59: {  	[sflag:s30] =	ssyncadd.s32 $0xFFFFFF80  }
0x5a: {  	_ =	swait.ge [sflag:s30], $0x4000  }
0x5b: {  	[sflag:s30] =	ssyncset.done $0x0  }
0x5c: {  	[sflag:s30] =	ssyncadd.s32 $0xFFFFC000  }
0x5d: {  	[spmem:s1] =	stream.indirect.scatter.add.f32 [tilespmem:s28], [sflag:$0x3], $0x80, s26, s26, $0xb8;
	[tilespmem:$0x1BD00] =	vst v63  }
.Ltmp0:
0x5e: {  	_ =	swait.ge [sflag:s24], $0x4000;
	(pc) =	sbr.rel @p0 .LBB2_2-.Ltmp0, $4  }
0x5f: {  	[sflag:s24] =	ssyncset.done $0x0  }
0x60: {  	s9 =	sadd.s32 s21, s19;
	[sflag:s24] =	ssyncadd.s32 $0xFFFFC000  }
0x61: {  	[tilespmem:s26], [sflag:$0x2] =	stream.linear.gather [hbm4b:s9+s3], $0x80, $0x38;
	[tilespmem:$0x1BD00] =	vst v63  }
0x62: {  	s5 =	sadd.s32 $0x1000, s5  }
0x63: {  	[tilespmem:s28], [sflag:$0x2] =	stream.linear.gather [hbm4b:s6+s3], $0x4000, $0x38;
	[tilespmem:$0x1BD00] =	vst v63  }
0x64: {  	_ =	swait.ge [sflag:s29], $0x80  }
0x65: {  	[sflag:s29] =	ssyncset.done $0x0  }
0x66: {  	[sflag:s29] =	ssyncadd.s32 $0xFFFFFF80  }
0x67: {  	_ =	swait.ge [sflag:s29], $0x4000  }
0x68: {  	[sflag:s29] =	ssyncset.done $0x0  }
0x69: {  	s2 =	simm.s32 $0x0;
	[sflag:s29] =	ssyncadd.s32 $0xFFFFC000  }
0x6a: {  	[spmem:s1] =	stream.indirect.scatter.add.f32 [tilespmem:s25], [sflag:$0x3], $0x80, s2, s26, $0xb8;
	[tilespmem:$0x1BD00] =	vst v63  }
0x6b: {  	_ =	swait.ge [sflag:s24], $0x4000  }
0x6c: {  	[sflag:s24] =	ssyncset.done $0x0  }
0x6d: {  	[sflag:s24] =	ssyncadd.s32 $0xFFFFC000  }
0x6e: {  	_ =	swait.ge [sflag:s30], $0x80  }
0x6f: {  	[sflag:s30] =	ssyncset.done $0x0  }
0x70: {  	[sflag:s30] =	ssyncadd.s32 $0xFFFFFF80  }
0x71: {  	_ =	swait.ge [sflag:s30], $0x4000  }
0x72: {  	[sflag:s30] =	ssyncset.done $0x0  }
0x73: {  	[sflag:s30] =	ssyncadd.s32 $0xFFFFC000  }
0x74: {  	[spmem:s1] =	stream.indirect.scatter.add.f32 [tilespmem:s28], [sflag:$0x3], $0x80, s26, s26, $0xb8;
	[tilespmem:$0x1BD00] =	vst v63  }
0x75: {  	_ =	swait.ge [sflag:s24], $0x4000  }
0x76: {  	[sflag:s24] =	ssyncset.done $0x0  }
0x77: {  	[sflag:s24] =	ssyncadd.s32 $0xFFFFC000  }
0x78: {  	[tilespmem:s2], [sflag:$0x1] =	stream.linear.gather [hbm4b:s12+s2], $0x80, $0x38;
	[tilespmem:$0x1BD00] =	vst v63  }
0x79: {  	_ = 	snop  }
0x7a: {  	[tilespmem:s25], [sflag:$0x1] =	stream.linear.gather [hbm4b:s13+s2], $0x4000, $0x38;
	[tilespmem:$0x1BD00] =	vst v63  }
0x7b: {  	_ = 	snop  }
0x7c: {  	[tilespmem:s26], [sflag:$0x2] =	stream.linear.gather [hbm4b:s14+s2], $0x80, $0x38;
	[tilespmem:$0x1BD00] =	vst v63  }
0x7d: {  	_ = 	snop  }
0x7e: {  	[tilespmem:s28], [sflag:$0x2] =	stream.linear.gather [hbm4b:s15+s2], $0x4000, $0x38;
	[tilespmem:$0x1BD00] =	vst v63  }
0x7f: {  	_ =	swait.ge [sflag:s29], $0x80  }
0x80: {  	[sflag:s29] =	ssyncset.done $0x0  }
0x81: {  	[sflag:s29] =	ssyncadd.s32 $0xFFFFFF80  }
0x82: {  	_ =	swait.ge [sflag:s29], $0x4000  }
0x83: {  	[sflag:s29] =	ssyncset.done $0x0  }
0x84: {  	[sflag:s29] =	ssyncadd.s32 $0xFFFFC000  }
0x85: {  	[spmem:s1] =	stream.indirect.scatter.add.f32 [tilespmem:s25], [sflag:$0x3], $0x80, s3, s26, $0xb8;
	[tilespmem:$0x1BD00] =	vst v63  }
0x86: {  	_ =	swait.ge [sflag:s24], $0x4000  }
0x87: {  	s9 =	sshrl.u32 s23, $0x3;
	[sflag:s24] =	ssyncset.done $0x0  }
0x88: {  	s2 =	sadd.s32 s4, s9;
	[sflag:s24] =	ssyncadd.s32 $0xFFFFC000  }
0x89: {  	[tilespmem:s3], [sflag:$0x1] =	stream.linear.gather [hbm4b:s2+s3], $0x80, $0x38;
	[tilespmem:$0x1BD00] =	vst v63  }
0x8a: {  	s10 =	sadd.s32 $0xFFFFF800, s8  }
0x8b: {  	[tilespmem:s25], [sflag:$0x1] =	stream.linear.gather [hbm4b:s10+s3], $0x4000, $0x38;
	[tilespmem:$0x1BD00] =	vst v63  }
0x8c: {  	_ =	swait.ge [sflag:s30], $0x80  }
0x8d: {  	[sflag:s30] =	ssyncset.done $0x0  }
0x8e: {  	[sflag:s30] =	ssyncadd.s32 $0xFFFFFF80  }
0x8f: {  	_ =	swait.ge [sflag:s30], $0x4000  }
0x90: {  	[sflag:s30] =	ssyncset.done $0x0  }
0x91: {  	[sflag:s30] =	ssyncadd.s32 $0xFFFFC000  }
0x92: {  	[spmem:s1] =	stream.indirect.scatter.add.f32 [tilespmem:s28], [sflag:$0x3], $0x80, s26, s26, $0xb8;
	[tilespmem:$0x1BD00] =	vst v63  }
0x93: {  	_ =	swait.ge [sflag:s24], $0x4000  }
0x94: {  	[sflag:s24] =	ssyncset.done $0x0  }
0x95: {  	s21 =	sadd.s32 $0x0, s22;
	s5 =	sadd.s32 $0x1000, s8;
	[sflag:s24] =	ssyncadd.s32 $0xFFFFC000  }
0x96: {  	[tilespmem:s26], [sflag:$0x2] =	stream.linear.gather [hbm4b:s21+s3], $0x80, $0x38;
	[tilespmem:$0x1BD00] =	vst v63  }
0x97: {  	s6 =	sadd.s32 $0x100, s23;
	s2 =	simm.s32 $0x20;
	s21 =	smov.u32 s8  }
.LBB2_4:
0x98: {  	[tilespmem:s28], [sflag:$0x2] =	stream.linear.gather [hbm4b:s21+s3], $0x4000, $0x38;
	[tilespmem:$0x1BD00] =	vst v63  }
0x99: {  	s9 =	smov.u32 s2;
	s21 =	smov.u32 s5  }
0x9a: {  	p0 =	sne.s32 s2, $0x5E0;
	s2 =	sadd.s32 $0x20, s2;
	_ =	swait.ge [sflag:s29], $0x80  }
0x9b: {  	[sflag:s29] =	ssyncset.done $0x0  }
0x9c: {  	[sflag:s29] =	ssyncadd.s32 $0xFFFFFF80  }
0x9d: {  	_ =	swait.ge [sflag:s29], $0x4000  }
0x9e: {  	[sflag:s29] =	ssyncset.done $0x0  }
0x9f: {  	[sflag:s29] =	ssyncadd.s32 $0xFFFFC000  }
0xa0: {  	[spmem:s1] =	stream.indirect.scatter.add.f32 [tilespmem:s25], [sflag:$0x3], $0x80, s3, s26, $0xb8;
	[tilespmem:$0x1BD00] =	vst v63  }
0xa1: {  	_ =	swait.ge [sflag:s24], $0x4000  }
0xa2: {  	s10 =	sshrl.u32 s6, $0x3;
	[sflag:s24] =	ssyncset.done $0x0  }
0xa3: {  	s10 =	sadd.s32 s4, s10;
	[sflag:s24] =	ssyncadd.s32 $0xFFFFC000  }
0xa4: {  	[tilespmem:s3], [sflag:$0x1] =	stream.linear.gather [hbm4b:s10+s3], $0x80, $0x38;
	[tilespmem:$0x1BD00] =	vst v63  }
0xa5: {  	s10 =	sadd.s32 $0xFFFFF800, s5  }
0xa6: {  	[tilespmem:s25], [sflag:$0x1] =	stream.linear.gather [hbm4b:s10+s3], $0x4000, $0x38;
	[tilespmem:$0x1BD00] =	vst v63  }
0xa7: {  	_ =	swait.ge [sflag:s30], $0x80  }
0xa8: {  	[sflag:s30] =	ssyncset.done $0x0  }
0xa9: {  	[sflag:s30] =	ssyncadd.s32 $0xFFFFFF80  }
0xaa: {  	_ =	swait.ge [sflag:s30], $0x4000  }
0xab: {  	[sflag:s30] =	ssyncset.done $0x0  }
0xac: {  	[sflag:s30] =	ssyncadd.s32 $0xFFFFC000  }
0xad: {  	[spmem:s1] =	stream.indirect.scatter.add.f32 [tilespmem:s28], [sflag:$0x3], $0x80, s26, s26, $0xb8;
	[tilespmem:$0x1BD00] =	vst v63  }
.Ltmp1:
0xae: {  	_ =	swait.ge [sflag:s24], $0x4000;
	(pc) =	sbr.rel @p0 .LBB2_4-.Ltmp1, $4  }
0xaf: {  	[sflag:s24] =	ssyncset.done $0x0  }
0xb0: {  	s9 =	sadd.s32 s9, s22;
	[sflag:s24] =	ssyncadd.s32 $0xFFFFC000  }
0xb1: {  	[tilespmem:s26], [sflag:$0x2] =	stream.linear.gather [hbm4b:s9+s3], $0x80, $0x38;
	[tilespmem:$0x1BD00] =	vst v63  }
0xb2: {  	s6 =	sadd.s32 $0x100, s6;
	s5 =	sadd.s32 $0x1000, s5  }
0xb3: {  	[tilespmem:s28], [sflag:$0x2] =	stream.linear.gather [hbm4b:s21+s3], $0x4000, $0x38;
	[tilespmem:$0x1BD00] =	vst v63  }
0xb4: {  	_ =	swait.ge [sflag:s29], $0x80  }
0xb5: {  	[sflag:s29] =	ssyncset.done $0x0  }
0xb6: {  	[sflag:s29] =	ssyncadd.s32 $0xFFFFFF80  }
0xb7: {  	_ =	swait.ge [sflag:s29], $0x4000  }
0xb8: {  	[sflag:s29] =	ssyncset.done $0x0  }
0xb9: {  	[sflag:s29] =	ssyncadd.s32 $0xFFFFC000  }
0xba: {  	[spmem:s1] =	stream.indirect.scatter.add.f32 [tilespmem:s25], [sflag:$0x3], $0x80, s3, s26, $0xb8;
	[tilespmem:$0x1BD00] =	vst v63  }
0xbb: {  	_ =	swait.ge [sflag:s24], $0x4000  }
0xbc: {  	[sflag:s24] =	ssyncset.done $0x0  }
0xbd: {  	[sflag:s24] =	ssyncadd.s32 $0xFFFFC000  }
0xbe: {  	_ =	swait.ge [sflag:s30], $0x80  }
0xbf: {  	[sflag:s30] =	ssyncset.done $0x0  }
0xc0: {  	[sflag:s30] =	ssyncadd.s32 $0xFFFFFF80  }
0xc1: {  	_ =	swait.ge [sflag:s30], $0x4000  }
0xc2: {  	[sflag:s30] =	ssyncset.done $0x0  }
0xc3: {  	[sflag:s30] =	ssyncadd.s32 $0xFFFFC000  }
0xc4: {  	[spmem:s1] =	stream.indirect.scatter.add.f32 [tilespmem:s28], [sflag:$0x3], $0x80, s26, s26, $0xb8;
	[tilespmem:$0x1BD00] =	vst v63  }
0xc5: {  	_ =	swait.ge [sflag:s24], $0x4000  }
0xc6: {  	s31 =	sadd.s32 $0x1, s31;
	[sflag:s24] =	ssyncset.done $0x0  }
0xc7: {  	p0 =	sne.s32 s31, s17;
	[sflag:s24] =	ssyncadd.s32 $0xFFFFC000  }
.Ltmp2:
0xc8: {  	[bflag:$0x0] =	sbarrier.arrive $0xFFFF;
	(pc) =	sbr.rel @p0 .LBB2_1-.Ltmp2, $4  }
0xc9: {  	[hbm:s16], [sflag:s7] =	dma.local [spmem:s0], $0x2780  }
0xca: {  	_ =	swait.ge [sflag:s24], $0x2780  }
0xcb: {  	[sflag:s24] =	ssyncset.done $0x0  }
0xcc: {  	[sflag:s24] =	ssyncadd.s32 $0xFFFFD880  }
0xcd: {  	_ =	sfence.sel $0x180000  }
0xce: {  	[bflag:$0x0] =	sbarrier.arrive $0xFFFF  }
0xcf: {  	_ =	strace $0x9000004D  }
0xd0: {  	s0 =	stileid.u32;
	[bflag:$0x2] =	sbarrier.arrive $0xFFFF  }
0xd1: {  	p0 =	sne.s32 s0, $0x0;
	s0 =	rddreg [dreg:$0x3]  }
0xd2: {  	s0 =	sadd.s32 @!p0 $0x100000, s0  }
0xd3: {  	[sflag:s0] =	ssyncadd.tile.s32 @!p0 $0x1;
	_ =	shalt  }
.Lfunc_end2:
_tile_overlayer_lowered:
.L_overlay_start_2:
0xd4: {  	(tag) =	ssettag $0x2  }
0xd5: {  	s0 =	rddreg [dreg:$0x0];
	s2 =	stileid.u32  }
0xd6: {  	s1 =	rddreg [dreg:$0x1];
	p0 =	sne.s32 s2, $0x0  }
0xd7: {  	s3 =	rddreg [dreg:$0x2];
	[bflag:$0x3] =	sbarrier.arrive $0xFFFF;
	s2 =	simm.s32 @!p0 $0x1C03  }
0xd8: {  	[timem:s3], [sflag:s2] =	dma.local @!p0 [hbm:s0], s1  }
0xd9: {  	s0 =	simm.s32 @!p0 $0x3  }
0xda: {  	_ =	swait.ge @!p0 [sflag:s0], s1  }
0xdb: {  	s1 =	ssub.s32 @!p0 $0x0, s1;
	[sflag:s0] =	ssyncset.done @!p0 $0x0  }
0xdc: {  	[sflag:s0] =	ssyncadd.s32 @!p0 s1  }
0xdd: {  	[bflag:$0x3] =	sbarrier.arrive $0xFFFF  }
0xde: {  	_ =	shalt  }

// kernel: kernel.16.cloned.1.call-start
scs
__scs_entry_jumppad:
0x0: {  	(pc) =	sbr.rel $0x88, $3  }
0x1: {  	(tag) =	ssettag $0x0;
	lr =	simm.s32 $0x1  }
0x2: {  	[smem:$0x3F87] =	sst lr;
	_ =	strace $0xD0000000  }
0x3: {  	_ = 	snop  }
0x4: {  	_ = 	snop  }
0x5: {  	_ = 	snop  }
0x6: {  	_ = 	snop  }
0x7: {  	_ = 	snop  }
__scs_overlays_trampoline_lowered:
0x8: {  	[smem:$0x3F96] =	sst s0  }
0x9: {  	[smem:$0x3F97] =	sst s1  }
0xa: {  	[smem:$0x3F98] =	sst s2  }
0xb: {  	[smem:$0x3F99] =	sst s3  }
0xc: {  	[smem:$0x3F9A] =	sst s4  }
0xd: {  	[smem:$0x3F9B] =	sst s5  }
0xe: {  	[smem:$0x3F9C] =	sst s6  }
0xf: {  	[smem:$0x3F9D] =	sst s7  }
0x10: {  	[smem:$0x3F9E] =	sst s8  }
0x11: {  	[smem:$0x3F9F] =	sst s9;
	s0 =	simm.s32 @!p0 $0x0  }
0x12: {  	s1 =	sld [smem:$0x3F85];
	s0 =	simm.s32 @p0 $0x1  }
0x13: {  	[smem:$0x3FA0] =	sst s0;
	s0 =	simm.s32 @!p1 $0x0  }
0x14: {  	s2 =	sld [smem:$0x3F84];
	s0 =	simm.s32 @p1 $0x1  }
0x15: {  	[smem:$0x3FA1] =	sst s0;
	s0 =	simm.s32 @!p2 $0x0  }
0x16: {  	s3 =	sld [smem:$0x3FDB];
	s0 =	simm.s32 @p2 $0x1  }
0x17: {  	s4 =	simm.s32 $0x1BF5;
	[smem:$0x3FA3] =	sst s0  }
0x18: {  	s0 =	sld [smem:$0x3F86];
	_ =	swait.ge [sflag:s4], $0x0  }
0x19: {  	s7 =	sld [smem:$0x3F87]  }
0x1a: {  	s8 =	sadd.s32 $0xFFFFE003, lr  }
0x1b: {  	s9 =	sadd.s32 $0xFFFFFEF7, lr;
	s5 =	simm.s32 $0xFFFFFFFF;
	p2 =	slt.u32 s8, $0xFFFFF086  }
0x1c: {  	p1 =	slt.u32 s9, $0xF7A;
	s5 =	simm.s32 @!p2 $0x0  }
0x1d: {  	s5 =	simm.s32 @p1 $0x1;
	p0 =	seq.s32 s7, s2  }
0x1e: {  	s7 =	smul.u32 @!p0 $0xF7A, s2;
	p2 =	seq.s32 @!p0 s5, $0x0  }
0x1f: {  	s9 =	smul.u32 $0xF7A, s1;
	s8 =	simm.s32 @!p0 $0x1BF5;
	p2 =	por !p2, p0  }
0x20: {  	[sflag:s8] =	ssyncset.s32 @!p0 $0xFFFFF086;
	s6 =	sadd.s32 @!p0 s3, s7;
	s7 =	simm.s32 @!p0 $0x108  }
0x21: {  	s3 =	sadd.s32 s3, s9;
	s6 =	sadd.s32 @!p0 $0x88, s6;
	s7 =	simm.s32 @p2 $0x1082  }
0x22: {  	[simem:s7], [sflag:s8] =	dma.local @!p0 [hbm:s6], $0xF7A  }
0x23: {  	s9 =	sor.u32 $0xD0000000, s2;
	s6 =	simm.s32 $0x108;
	_ =	swait.ge @!p0 [sflag:s8], $0x0  }
0x24: {  	s3 =	sadd.s32 $0x88, s3;
	s6 =	simm.s32 @!p1 $0x1082;
	[sflag:s4] =	ssyncset.s32 $0xFFFFF086  }
0x25: {  	[simem:s6], [sflag:s4] =	dma.local [hbm:s3], $0xF7A  }
0x26: {  	[smem:$0x3F87] =	sst s1;
	(tag) =	ssettag s2;
	_ =	strace s9  }
0x27: {  	s1 =	sld [smem:$0x3F97]  }
0x28: {  	s2 =	sld [smem:$0x3F98]  }
0x29: {  	s4 =	sld [smem:$0x3F9A]  }
0x2a: {  	p0 =	seq.s32 s5, $0x0;
	s5 =	sld [smem:$0x3F9B]  }
0x2b: {  	s6 =	sld [smem:$0x3F9C]  }
0x2c: {  	s7 =	sld [smem:$0x3F9D]  }
0x2d: {  	s3 =	simm.s32 $0x108;
	s8 =	sld [smem:$0x3F9E]  }
0x2e: {  	s3 =	simm.s32 @!p0 $0x1082;
	s9 =	sld [smem:$0x3F9F]  }
0x2f: {  	lr =	sadd.s32 s0, s3;
	s0 =	sld [smem:$0x3F96]  }
0x30: {  	s3 =	sld [smem:$0x3F99]  }
0x31: {  	[smem:$0x3FA2] =	sst s10  }
0x32: {  	s10 =	sld [smem:$0x3FA0];
	_ =	sdelay $0x3  }
0x33: {  	p0 =	seq.s32 s10, $0x1;
	s10 =	sld [smem:$0x3FA2];
	_ =	sdelay $0x3  }
0x34: {  	[smem:$0x3FA2] =	sst s10  }
0x35: {  	s10 =	sld [smem:$0x3FA1];
	_ =	sdelay $0x3  }
0x36: {  	p1 =	seq.s32 s10, $0x1;
	s10 =	sld [smem:$0x3FA2];
	_ =	sdelay $0x3  }
0x37: {  	[smem:$0x3FA2] =	sst s10  }
0x38: {  	s10 =	sld [smem:$0x3FA3]  }
0x39: {  	_ = 	snop;
	(pc) =	sbr.ind lr, $3  }
0x3a: {  	_ = 	snop  }
0x3b: {  	_ = 	snop  }
0x3c: {  	p2 =	seq.s32 s10, $0x1;
	s10 =	sld [smem:$0x3FA2]  }
0x3d: {  	_ =	shalt  }
0x3e: {  	_ =	shalt  }
0x3f: {  	_ =	shalt  }
0x40: {  	_ =	shalt  }
0x41: {  	_ =	shalt  }
0x42: {  	_ =	shalt  }
0x43: {  	_ =	shalt  }
0x44: {  	_ =	shalt  }
0x45: {  	_ =	shalt  }
0x46: {  	_ =	shalt  }
0x47: {  	_ =	shalt  }
0x48: {  	_ =	shalt  }
0x49: {  	_ =	shalt  }
0x4a: {  	_ =	shalt  }
0x4b: {  	_ =	shalt  }
0x4c: {  	_ =	shalt  }
0x4d: {  	_ =	shalt  }
0x4e: {  	_ =	shalt  }
0x4f: {  	_ =	shalt  }
0x50: {  	_ =	shalt  }
0x51: {  	_ =	shalt  }
0x52: {  	_ =	shalt  }
0x53: {  	_ =	shalt  }
0x54: {  	_ =	shalt  }
0x55: {  	_ =	shalt  }
0x56: {  	_ =	shalt  }
0x57: {  	_ =	shalt  }
0x58: {  	_ =	shalt  }
0x59: {  	_ =	shalt  }
0x5a: {  	_ =	shalt  }
0x5b: {  	_ =	shalt  }
0x5c: {  	_ =	shalt  }
0x5d: {  	_ =	shalt  }
0x5e: {  	_ =	shalt  }
0x5f: {  	_ =	shalt  }
0x60: {  	_ =	shalt  }
0x61: {  	_ =	shalt  }
0x62: {  	_ =	shalt  }
0x63: {  	_ =	shalt  }
0x64: {  	_ =	shalt  }
0x65: {  	_ =	shalt  }
0x66: {  	_ =	shalt  }
0x67: {  	_ =	shalt  }
0x68: {  	_ =	shalt  }
0x69: {  	_ =	shalt  }
0x6a: {  	_ =	shalt  }
0x6b: {  	_ =	shalt  }
0x6c: {  	_ =	shalt  }
0x6d: {  	_ =	shalt  }
0x6e: {  	_ =	shalt  }
0x6f: {  	_ =	shalt  }
0x70: {  	_ =	shalt  }
0x71: {  	_ =	shalt  }
0x72: {  	_ =	shalt  }
0x73: {  	_ =	shalt  }
0x74: {  	_ =	shalt  }
0x75: {  	_ =	shalt  }
0x76: {  	_ =	shalt  }
0x77: {  	_ =	shalt  }
0x78: {  	_ =	shalt  }
0x79: {  	_ =	shalt  }
0x7a: {  	_ =	shalt  }
0x7b: {  	_ =	shalt  }
0x7c: {  	_ =	shalt  }
0x7d: {  	_ =	shalt  }
0x7e: {  	_ =	shalt  }
0x7f: {  	_ =	shalt  }
0x80: {  	_ =	shalt  }
0x81: {  	_ =	shalt  }
0x82: {  	_ =	shalt  }
0x83: {  	_ =	shalt  }
0x84: {  	_ =	shalt  }
0x85: {  	_ =	shalt  }
0x86: {  	_ =	shalt  }
0x87: {  	_ =	shalt  }
.Lfunc_end0:
.L_simem_size_0:
called_computation.2_lowered:
.L_overlay_start_0:
0x88: {  	s2 =	sld [smem:$0x3FD9]  }
0x89: {  	s3 =	sld [smem:$0x3FFE];
	_ =	sdelay $0x1  }
0x8a: {  	s1 =	srdreg.scid  }
0x8b: {  	s0 =	sand.u32 $0x1, s1  }
0x8c: {  	s16 =	sshll.u32 s0, $0xA;
	s2 =	sadd.s32 s3, s2  }
0x8d: {  	s2 =	sadd.s32 s2, s16  }
0x8e: {  	[smem:$0x3FAE] =	sst s2  }
0x8f: {  	_ = 	snop  }
0x90: {  	(tm) =	ssettm $0x1  }
0x91: {  	s17 =	sld [smem:$0x3FFB];
	_ =	sdelay $0x3  }
0x92: {  	_ =	strace s17  }
0x93: {  	s2 =	sld [smem:$0x3FFC];
	_ =	sdelay $0x3  }
0x94: {  	_ =	strace s2  }
0x95: {  	s2 =	sld [smem:$0x3FFD];
	_ =	sdelay $0x3  }
0x96: {  	_ =	strace s2  }
0x97: {  	_ =	strace $0x8FFFFFFF  }
0x98: {  	s18 =	sld [smem:$0x3FDB];
	_ =	sdelay $0x1  }
0x99: {  	s19 =	simm.s32 $_scs_section_size  }
0x9a: {  	s4 =	simm.s32 $_size__tile_overlayer_lowered;
	s5 =	simm.s32 $_tile_overlayer_lowered  }
0x9b: {  	s22 =	simm.s32 $0x1BFF;
	s21 =	sshll.u32 s5, $0x1;
	s2 =	sadd.s32 s19, s18  }
0x9c: {  	s6 =	simm.s32 $0x0;
	s20 =	sshll.u32 s4, $0x1;
	s4 =	sadd.s32 s21, s2  }
0x9d: {  	[timem:s6], [sflag:s22] =	dma.local [hbm:s4], s20  }
0x9e: {  	_ =	swait.ge [sflag:s22], s20  }
0x9f: {  	s3 =	ssub.s32 $0x0, s20;
	[sflag:s22] =	ssyncset.done $0x0  }
0xa0: {  	[sflag:s22] =	ssyncadd.s32 s3;
	_ =	sdelay $0x1  }
0xa1: {  	s23 =	simm.s32 $0x1B8B  }
0xa2: {  	_ =	swait.ge [sflag:s23], $0x1  }
0xa3: {  	[sflag:s23] =	ssyncset.done $0x0  }
0xa4: {  	s25 =	simm.s32 $0x1B8E;
	s24 =	sld [smem:$0x3FFE];
	[sflag:s23] =	ssyncadd.s32 $0xFFFFFFFF  }
0xa5: {  	s26 =	simm.s32 $execute0_lowered;
	[smem:$0x3FD2] =	sst s25  }
0xa6: {  	s4 =	sshll.u32 s26, $0x1;
	_ =	strace $0x80000049;
	[dreg:$0x1] =	wrdreg $0xFFFFFFFF  }
0xa7: {  	s28 =	simm.s32 $_size_execute0_lowered;
	s2 =	sadd.s32 s2, s4;
	[dreg:$0x0] =	wrdreg $0x0  }
0xa8: {  	s4 =	sshll.u32 s28, $0x1;
	[dreg:$0x2] =	wrdreg s2  }
0xa9: {  	[dreg:$0x3] =	wrdreg s4  }
0xaa: {  	[dreg:$0x4] =	wrdreg $0xC0  }
0xab: {  	_ =	task [dreg:s6], $0x5FFFF  }
0xac: {  	[dreg:$0x1] =	wrdreg $0xFFFFFFFF  }
0xad: {  	[dreg:$0x0] =	wrdreg $0x60  }
0xae: {  	[dreg:$0x2] =	wrdreg s24  }
0xaf: {  	[dreg:$0x3] =	wrdreg $0x81000  }
0xb0: {  	[dreg:$0x4] =	wrdreg $0xA  }
0xb1: {  	_ =	task.clear_ibuf [dreg:s6], $0x5FFFF;
	_ =	strace $0x90000049  }
0xb2: {  	s29 =	simm.s32 $0xA;
	_ =	strace $0x8000004B  }
0xb3: {  	_ =	swait.ge [sflag:s29], $0x1  }
0xb4: {  	[sflag:s29] =	ssyncadd.s32 $0xFFFFFFFF  }
0xb5: {  	_ =	strace $0x9000004B  }
0xb6: {  	_ =	sfence  }
0xb7: {  	s30 =	sld [smem:$0x0];
	_ =	sdelay $0x2  }
0xb8: {  	s31 =	sshll.u32 s1, $0xD;
	s1 =	sshrl.u32 s1, $0x2  }
0xb9: {  	s3 =	sand.u32 $0x4000, s31;
	s1 =	sadd.s32 s1, s30  }
0xba: {  	s0 =	sor.u32 s3, s0;
	s1 =	sshll.u32 s1, $0x11  }
0xbb: {  	s0 =	sor.u32 s1, s0  }
0xbc: {  	s0 =	sadd.s32 $0x8F2B, s0  }
0xbd: {  	[sflag:s0] =	ssyncadd.remote.s32 $0x1  }
0xbe: {  	_ =	sfence.sel $0xFFFF  }
0xbf: {  	[dreg:$0x0] =	wrdreg $0xFFFFFFFF;
	(pc) =	sbr.abs _section_cstart, $3  }
0xc0: {  	[dreg:$0x1] =	wrdreg $0xFFFFFFFF  }
0xc1: {  	_ =	task.clear_ibuf [dreg:s6], $0x2FFFF;
	_ =	strace $0x9FFFFFFF  }
0xc2: {  	(tm) =	ssettm $0x7FFFFFFF  }
0xc3: {  	_ =	shalt  }
tec
execute0_lowered:
.L_overlay_start_1:
0x0: {  	(tag) =	ssettag $0x1  }
0x1: {  	s1 =	rddreg [dreg:$0x0]  }
0x2: {  	s2 =	rddreg [dreg:$0x1];
	s3 =	simm.s32 $0x0  }
0x3: {  	s22 =	stileid.u32;
	s0 =	srdreg.scid;
	s28 =	simm.s32 $0x4100  }
0x4: {  	s29 =	simm.s32 $0x1;
	s30 =	simm.s32 $0x2;
	s31 =	simm.s32 $0x0  }
0x5: {  	[smem:$0x7FF] =	sst s3;
	s5 =	smul.u32 $0x13C00, s22;
	s6 =	sand.u32 $0x1, s0  }
0x6: {  	s0 =	sadd.s32 $0xB3200, s1;
	s8 =	sadd.s32 $0x1B19C00, s1;
	s12 =	smul.u32 $0x4F000, s22  }
0x7: {  	s4 =	sadd.s32 $0xB8200, s1;
	s19 =	sadd.s32 $0xC4600, s1;
	s26 =	smul.u32 $0x1400, s22  }
0x8: {  	s17 =	sshll.u32 s22, $0x6;
	_ =	strace $0x8000004A;
	s7 =	smul.u32 $0x13C000, s6  }
0x9: {  	s15 =	ssub.s32 $0x2, s6;
	s11 =	sshll.u32 s6, $0x4;
	s9 =	sshrl.u32 s5, $0x3  }
0xa: {  	s10 =	sshrl.u32 s15, $0x1;
	s13 =	sor.u32 s22, s11;
	s16 =	sshrl.u32 s12, $0x2  }
0xb: {  	s5 =	sadd.s32 s5, s7;
	s14 =	sadd.s32 s9, s1;
	s11 =	smul.u32 $0x1400, s13  }
0xc: {  	s9 =	sadd.s32 s16, s2;
	s20 =	smul.u32 $0x14000, s13;
	s5 =	sshrl.u32 s5, $0x3  }
0xd: {  	[dreg:$0x3] =	wrdreg s9;
	s7 =	sadd.s32 $0x5A00, s14;
	s14 =	smul.u32 $0x3100, s13  }
0xe: {  	s13 =	smul.u32 $0x31000, s13;
	s1 =	sadd.s32 s5, s1;
	s5 =	ssub.s32 s15, s10  }
0xf: {  	[dreg:$0x4] =	wrdreg s7;
	s7 =	sor.u32 $0x1C03, s17;
	s18 =	sshrl.u32 s11, $0x3  }
0x10: {  	s11 =	sor.u32 $0x80, s11;
	s23 =	sadd.s32 s8, s20;
	s20 =	smul.u32 $0x14000, s22  }
0x11: {  	s10 =	smul.u32 $0x310000, s6;
	s9 =	sadd.s32 s0, s18;
	s21 =	sshrl.u32 s11, $0x3  }
0x12: {  	[dreg:$0x6] =	wrdreg s23;
	s11 =	sshll.u32 s11, $0x4;
	s25 =	sshrl.u32 s14, $0x3  }
0x13: {  	s15 =	sor.u32 $0x80, s14;
	s18 =	smul.u32 $0x140000, s6;
	s13 =	sadd.s32 s19, s13  }
0x14: {  	s16 =	sadd.s32 $0x2D200, s1;
	s17 =	smax.u32 s5, $0x1;
	[dreg:$0x5] =	wrdreg s9  }
0x15: {  	s24 =	sadd.s32 s0, s21;
	s11 =	sadd.s32 s8, s11;
	s12 =	sadd.s32 s4, s25  }
0x16: {  	s14 =	sshrl.u32 s15, $0x3;
	s15 =	sshll.u32 s15, $0x4;
	s21 =	smul.u32 $0x14000, s6  }
0x17: {  	s6 =	smul.u32 $0x31000, s6;
	[dreg:$0x7] =	wrdreg s24;
	s14 =	sadd.s32 s4, s14  }
0x18: {  	s15 =	sadd.s32 s19, s15;
	s9 =	sadd.s32 s18, s8;
	s8 =	sadd.s32 s10, s19  }
0x19: {  	s5 =	sadd.s32 s20, s9;
	s1 =	sadd.s32 s26, s21;
	s21 =	smul.u32 $0x3100, s22  }
0x1a: {  	s22 =	smul.u32 $0x31000, s22;
	s18 =	sadd.s32 $0x1800, s5;
	s20 =	sor.u32 $0x180, s1  }
0x1b: {  	s1 =	sor.u32 $0x100, s1;
	s5 =	sshrl.u32 s20, $0x3;
	s23 =	sadd.s32 s21, s6  }
0x1c: {  	s1 =	sshrl.u32 s1, $0x3;
	s24 =	sadd.s32 s22, s8;
	s19 =	sadd.s32 s5, s0  }
0x1d: {  	s25 =	sadd.s32 $0x180, s23;
	s20 =	sadd.s32 s1, s0;
	s8 =	sadd.s32 $0x1800, s24  }
0x1e: {  	s23 =	sadd.s32 $0x100, s23;
	s24 =	simm.s32 $0x3;
	s26 =	sshrl.u32 s25, $0x3  }
0x1f: {  	s25 =	simm.s32 $0x100;
	s22 =	sadd.s32 s26, s4;
	s26 =	simm.s32 $0x80  }
.LBB2_1:
0x20: {  	s0 =	rddreg [dreg:$0x3]  }
0x21: {  	s1 =	rddreg [dreg:$0x4];
	s0 =	sshrl.u32 s0, $0x3  }
0x22: {  	[spmem:s0], [sflag:s7] =	dma.local [hbm:s1], $0x2780  }
0x23: {  	_ =	swait.ge [sflag:s24], $0x2780  }
0x24: {  	[sflag:s24] =	ssyncset.done $0x0  }
0x25: {  	[sflag:s24] =	ssyncadd.s32 $0xFFFFD880  }
0x26: {  	[bflag:$0x0] =	sbarrier.arrive $0xFFFF  }
0x27: {  	s21 =	rddreg [dreg:$0x5]  }
0x28: {  	[tilespmem:s3], [sflag:$0x1] =	stream.linear.gather [hbm4b:s21+s3], $0x80, $0x38;
	[tilespmem:$0x1BD00] =	vst v63  }
0x29: {  	s5 =	rddreg [dreg:$0x6]  }
0x2a: {  	[tilespmem:s25], [sflag:$0x1] =	stream.linear.gather [hbm4b:s5+s3], $0x4000, $0x38;
	[tilespmem:$0x1BD00] =	vst v63  }
0x2b: {  	s6 =	rddreg [dreg:$0x7]  }
0x2c: {  	[tilespmem:s26], [sflag:$0x2] =	stream.linear.gather [hbm4b:s6+s3], $0x80, $0x38;
	[tilespmem:$0x1BD00] =	vst v63  }
0x2d: {  	_ = 	snop  }
0x2e: {  	[tilespmem:s28], [sflag:$0x2] =	stream.linear.gather [hbm4b:s11+s3], $0x4000, $0x38;
	[tilespmem:$0x1BD00] =	vst v63  }
0x2f: {  	_ =	swait.ge [sflag:s29], $0x80  }
0x30: {  	[sflag:s29] =	ssyncset.done $0x0  }
0x31: {  	[sflag:s29] =	ssyncadd.s32 $0xFFFFFF80  }
0x32: {  	_ =	swait.ge [sflag:s29], $0x4000  }
0x33: {  	[sflag:s29] =	ssyncset.done $0x0  }
0x34: {  	[sflag:s29] =	ssyncadd.s32 $0xFFFFC000  }
0x35: {  	[spmem:s2] =	stream.indirect.scatter.add.f32 [tilespmem:s25], [sflag:$0x3], $0x80, s3, s26, $0xb8;
	[tilespmem:$0x1BD00] =	vst v63  }
0x36: {  	_ =	swait.ge [sflag:s24], $0x4000  }
0x37: {  	[sflag:s24] =	ssyncset.done $0x0  }
0x38: {  	s9 =	sadd.s32 $0x0, s20;
	[sflag:s24] =	ssyncadd.s32 $0xFFFFC000  }
0x39: {  	[tilespmem:s3], [sflag:$0x1] =	stream.linear.gather [hbm4b:s9+s3], $0x80, $0x38;
	[tilespmem:$0x1BD00] =	vst v63  }
0x3a: {  	s10 =	sadd.s32 $0xFFFFF800, s18  }
0x3b: {  	[tilespmem:s25], [sflag:$0x1] =	stream.linear.gather [hbm4b:s10+s3], $0x4000, $0x38;
	[tilespmem:$0x1BD00] =	vst v63  }
0x3c: {  	_ =	swait.ge [sflag:s30], $0x80  }
0x3d: {  	[sflag:s30] =	ssyncset.done $0x0  }
0x3e: {  	[sflag:s30] =	ssyncadd.s32 $0xFFFFFF80  }
0x3f: {  	_ =	swait.ge [sflag:s30], $0x4000  }
0x40: {  	[sflag:s30] =	ssyncset.done $0x0  }
0x41: {  	[sflag:s30] =	ssyncadd.s32 $0xFFFFC000  }
0x42: {  	[spmem:s2] =	stream.indirect.scatter.add.f32 [tilespmem:s28], [sflag:$0x3], $0x80, s26, s26, $0xb8;
	[tilespmem:$0x1BD00] =	vst v63  }
0x43: {  	_ =	swait.ge [sflag:s24], $0x4000  }
0x44: {  	s1 =	simm.s32 $0x20;
	s21 =	sadd.s32 $0x0, s19;
	[sflag:s24] =	ssyncset.done $0x0  }
0x45: {  	s5 =	sadd.s32 $0x1000, s18;
	s6 =	smov.u32 s18;
	[sflag:s24] =	ssyncadd.s32 $0xFFFFC000  }
0x46: {  	[tilespmem:s26], [sflag:$0x2] =	stream.linear.gather [hbm4b:s21+s3], $0x80, $0x38;
	[tilespmem:$0x1BD00] =	vst v63  }
.LBB2_2:
0x47: {  	[tilespmem:s28], [sflag:$0x2] =	stream.linear.gather [hbm4b:s6+s3], $0x4000, $0x38;
	[tilespmem:$0x1BD00] =	vst v63  }
0x48: {  	s21 =	smov.u32 s1;
	s6 =	smov.u32 s5  }
0x49: {  	p0 =	sne.s32 s1, $0x240;
	s1 =	sadd.s32 $0x20, s1;
	_ =	swait.ge [sflag:s29], $0x80  }
0x4a: {  	[sflag:s29] =	ssyncset.done $0x0  }
0x4b: {  	[sflag:s29] =	ssyncadd.s32 $0xFFFFFF80  }
0x4c: {  	_ =	swait.ge [sflag:s29], $0x4000  }
0x4d: {  	[sflag:s29] =	ssyncset.done $0x0  }
0x4e: {  	[sflag:s29] =	ssyncadd.s32 $0xFFFFC000  }
0x4f: {  	[spmem:s2] =	stream.indirect.scatter.add.f32 [tilespmem:s25], [sflag:$0x3], $0x80, s3, s26, $0xb8;
	[tilespmem:$0x1BD00] =	vst v63  }
0x50: {  	_ =	swait.ge [sflag:s24], $0x4000  }
0x51: {  	[sflag:s24] =	ssyncset.done $0x0  }
0x52: {  	s9 =	sadd.s32 s21, s20;
	[sflag:s24] =	ssyncadd.s32 $0xFFFFC000  }
0x53: {  	[tilespmem:s3], [sflag:$0x1] =	stream.linear.gather [hbm4b:s9+s3], $0x80, $0x38;
	[tilespmem:$0x1BD00] =	vst v63  }
0x54: {  	s9 =	sadd.s32 $0xFFFFF800, s5  }
0x55: {  	[tilespmem:s25], [sflag:$0x1] =	stream.linear.gather [hbm4b:s9+s3], $0x4000, $0x38;
	[tilespmem:$0x1BD00] =	vst v63  }
0x56: {  	_ =	swait.ge [sflag:s30], $0x80  }
0x57: {  	[sflag:s30] =	ssyncset.done $0x0  }
0x58: {  	[sflag:s30] =	ssyncadd.s32 $0xFFFFFF80  }
0x59: {  	_ =	swait.ge [sflag:s30], $0x4000  }
0x5a: {  	[sflag:s30] =	ssyncset.done $0x0  }
0x5b: {  	[sflag:s30] =	ssyncadd.s32 $0xFFFFC000  }
0x5c: {  	[spmem:s2] =	stream.indirect.scatter.add.f32 [tilespmem:s28], [sflag:$0x3], $0x80, s26, s26, $0xb8;
	[tilespmem:$0x1BD00] =	vst v63  }
.Ltmp0:
0x5d: {  	_ =	swait.ge [sflag:s24], $0x4000;
	(pc) =	sbr.rel @p0 .LBB2_2-.Ltmp0, $4  }
0x5e: {  	[sflag:s24] =	ssyncset.done $0x0  }
0x5f: {  	s9 =	sadd.s32 s21, s19;
	[sflag:s24] =	ssyncadd.s32 $0xFFFFC000  }
0x60: {  	[tilespmem:s26], [sflag:$0x2] =	stream.linear.gather [hbm4b:s9+s3], $0x80, $0x38;
	[tilespmem:$0x1BD00] =	vst v63  }
0x61: {  	s5 =	sadd.s32 $0x1000, s5  }
0x62: {  	[tilespmem:s28], [sflag:$0x2] =	stream.linear.gather [hbm4b:s6+s3], $0x4000, $0x38;
	[tilespmem:$0x1BD00] =	vst v63  }
0x63: {  	_ =	swait.ge [sflag:s29], $0x80  }
0x64: {  	[sflag:s29] =	ssyncset.done $0x0  }
0x65: {  	[sflag:s29] =	ssyncadd.s32 $0xFFFFFF80  }
0x66: {  	_ =	swait.ge [sflag:s29], $0x4000  }
0x67: {  	[sflag:s29] =	ssyncset.done $0x0  }
0x68: {  	s1 =	simm.s32 $0x0;
	[sflag:s29] =	ssyncadd.s32 $0xFFFFC000  }
0x69: {  	[spmem:s2] =	stream.indirect.scatter.add.f32 [tilespmem:s25], [sflag:$0x3], $0x80, s1, s26, $0xb8;
	[tilespmem:$0x1BD00] =	vst v63  }
0x6a: {  	_ =	swait.ge [sflag:s24], $0x4000  }
0x6b: {  	[sflag:s24] =	ssyncset.done $0x0  }
0x6c: {  	[sflag:s24] =	ssyncadd.s32 $0xFFFFC000  }
0x6d: {  	_ =	swait.ge [sflag:s30], $0x80  }
0x6e: {  	[sflag:s30] =	ssyncset.done $0x0  }
0x6f: {  	[sflag:s30] =	ssyncadd.s32 $0xFFFFFF80  }
0x70: {  	_ =	swait.ge [sflag:s30], $0x4000  }
0x71: {  	[sflag:s30] =	ssyncset.done $0x0  }
0x72: {  	[sflag:s30] =	ssyncadd.s32 $0xFFFFC000  }
0x73: {  	[spmem:s2] =	stream.indirect.scatter.add.f32 [tilespmem:s28], [sflag:$0x3], $0x80, s26, s26, $0xb8;
	[tilespmem:$0x1BD00] =	vst v63  }
0x74: {  	_ =	swait.ge [sflag:s24], $0x4000  }
0x75: {  	[sflag:s24] =	ssyncset.done $0x0  }
0x76: {  	[sflag:s24] =	ssyncadd.s32 $0xFFFFC000  }
0x77: {  	[tilespmem:s1], [sflag:$0x1] =	stream.linear.gather [hbm4b:s12+s1], $0x80, $0x38;
	[tilespmem:$0x1BD00] =	vst v63  }
0x78: {  	_ = 	snop  }
0x79: {  	[tilespmem:s25], [sflag:$0x1] =	stream.linear.gather [hbm4b:s13+s1], $0x4000, $0x38;
	[tilespmem:$0x1BD00] =	vst v63  }
0x7a: {  	_ = 	snop  }
0x7b: {  	[tilespmem:s26], [sflag:$0x2] =	stream.linear.gather [hbm4b:s14+s1], $0x80, $0x38;
	[tilespmem:$0x1BD00] =	vst v63  }
0x7c: {  	_ = 	snop  }
0x7d: {  	[tilespmem:s28], [sflag:$0x2] =	stream.linear.gather [hbm4b:s15+s1], $0x4000, $0x38;
	[tilespmem:$0x1BD00] =	vst v63  }
0x7e: {  	_ =	swait.ge [sflag:s29], $0x80  }
0x7f: {  	[sflag:s29] =	ssyncset.done $0x0  }
0x80: {  	[sflag:s29] =	ssyncadd.s32 $0xFFFFFF80  }
0x81: {  	_ =	swait.ge [sflag:s29], $0x4000  }
0x82: {  	[sflag:s29] =	ssyncset.done $0x0  }
0x83: {  	[sflag:s29] =	ssyncadd.s32 $0xFFFFC000  }
0x84: {  	[spmem:s2] =	stream.indirect.scatter.add.f32 [tilespmem:s25], [sflag:$0x3], $0x80, s3, s26, $0xb8;
	[tilespmem:$0x1BD00] =	vst v63  }
0x85: {  	_ =	swait.ge [sflag:s24], $0x4000  }
0x86: {  	s9 =	sshrl.u32 s23, $0x3;
	[sflag:s24] =	ssyncset.done $0x0  }
0x87: {  	s1 =	sadd.s32 s4, s9;
	[sflag:s24] =	ssyncadd.s32 $0xFFFFC000  }
0x88: {  	[tilespmem:s3], [sflag:$0x1] =	stream.linear.gather [hbm4b:s1+s3], $0x80, $0x38;
	[tilespmem:$0x1BD00] =	vst v63  }
0x89: {  	s10 =	sadd.s32 $0xFFFFF800, s8  }
0x8a: {  	[tilespmem:s25], [sflag:$0x1] =	stream.linear.gather [hbm4b:s10+s3], $0x4000, $0x38;
	[tilespmem:$0x1BD00] =	vst v63  }
0x8b: {  	_ =	swait.ge [sflag:s30], $0x80  }
0x8c: {  	[sflag:s30] =	ssyncset.done $0x0  }
0x8d: {  	[sflag:s30] =	ssyncadd.s32 $0xFFFFFF80  }
0x8e: {  	_ =	swait.ge [sflag:s30], $0x4000  }
0x8f: {  	[sflag:s30] =	ssyncset.done $0x0  }
0x90: {  	[sflag:s30] =	ssyncadd.s32 $0xFFFFC000  }
0x91: {  	[spmem:s2] =	stream.indirect.scatter.add.f32 [tilespmem:s28], [sflag:$0x3], $0x80, s26, s26, $0xb8;
	[tilespmem:$0x1BD00] =	vst v63  }
0x92: {  	_ =	swait.ge [sflag:s24], $0x4000  }
0x93: {  	[sflag:s24] =	ssyncset.done $0x0  }
0x94: {  	s21 =	sadd.s32 $0x0, s22;
	s5 =	sadd.s32 $0x1000, s8;
	[sflag:s24] =	ssyncadd.s32 $0xFFFFC000  }
0x95: {  	[tilespmem:s26], [sflag:$0x2] =	stream.linear.gather [hbm4b:s21+s3], $0x80, $0x38;
	[tilespmem:$0x1BD00] =	vst v63  }
0x96: {  	s6 =	sadd.s32 $0x100, s23;
	s1 =	simm.s32 $0x20;
	s21 =	smov.u32 s8  }
.LBB2_4:
0x97: {  	[tilespmem:s28], [sflag:$0x2] =	stream.linear.gather [hbm4b:s21+s3], $0x4000, $0x38;
	[tilespmem:$0x1BD00] =	vst v63  }
0x98: {  	s9 =	smov.u32 s1;
	s21 =	smov.u32 s5  }
0x99: {  	p0 =	sne.s32 s1, $0x5E0;
	s1 =	sadd.s32 $0x20, s1;
	_ =	swait.ge [sflag:s29], $0x80  }
0x9a: {  	[sflag:s29] =	ssyncset.done $0x0  }
0x9b: {  	[sflag:s29] =	ssyncadd.s32 $0xFFFFFF80  }
0x9c: {  	_ =	swait.ge [sflag:s29], $0x4000  }
0x9d: {  	[sflag:s29] =	ssyncset.done $0x0  }
0x9e: {  	[sflag:s29] =	ssyncadd.s32 $0xFFFFC000  }
0x9f: {  	[spmem:s2] =	stream.indirect.scatter.add.f32 [tilespmem:s25], [sflag:$0x3], $0x80, s3, s26, $0xb8;
	[tilespmem:$0x1BD00] =	vst v63  }
0xa0: {  	_ =	swait.ge [sflag:s24], $0x4000  }
0xa1: {  	s10 =	sshrl.u32 s6, $0x3;
	[sflag:s24] =	ssyncset.done $0x0  }
0xa2: {  	s10 =	sadd.s32 s4, s10;
	[sflag:s24] =	ssyncadd.s32 $0xFFFFC000  }
0xa3: {  	[tilespmem:s3], [sflag:$0x1] =	stream.linear.gather [hbm4b:s10+s3], $0x80, $0x38;
	[tilespmem:$0x1BD00] =	vst v63  }
0xa4: {  	s10 =	sadd.s32 $0xFFFFF800, s5  }
0xa5: {  	[tilespmem:s25], [sflag:$0x1] =	stream.linear.gather [hbm4b:s10+s3], $0x4000, $0x38;
	[tilespmem:$0x1BD00] =	vst v63  }
0xa6: {  	_ =	swait.ge [sflag:s30], $0x80  }
0xa7: {  	[sflag:s30] =	ssyncset.done $0x0  }
0xa8: {  	[sflag:s30] =	ssyncadd.s32 $0xFFFFFF80  }
0xa9: {  	_ =	swait.ge [sflag:s30], $0x4000  }
0xaa: {  	[sflag:s30] =	ssyncset.done $0x0  }
0xab: {  	[sflag:s30] =	ssyncadd.s32 $0xFFFFC000  }
0xac: {  	[spmem:s2] =	stream.indirect.scatter.add.f32 [tilespmem:s28], [sflag:$0x3], $0x80, s26, s26, $0xb8;
	[tilespmem:$0x1BD00] =	vst v63  }
.Ltmp1:
0xad: {  	_ =	swait.ge [sflag:s24], $0x4000;
	(pc) =	sbr.rel @p0 .LBB2_4-.Ltmp1, $4  }
0xae: {  	[sflag:s24] =	ssyncset.done $0x0  }
0xaf: {  	s9 =	sadd.s32 s9, s22;
	[sflag:s24] =	ssyncadd.s32 $0xFFFFC000  }
0xb0: {  	[tilespmem:s26], [sflag:$0x2] =	stream.linear.gather [hbm4b:s9+s3], $0x80, $0x38;
	[tilespmem:$0x1BD00] =	vst v63  }
0xb1: {  	s6 =	sadd.s32 $0x100, s6;
	s5 =	sadd.s32 $0x1000, s5  }
0xb2: {  	[tilespmem:s28], [sflag:$0x2] =	stream.linear.gather [hbm4b:s21+s3], $0x4000, $0x38;
	[tilespmem:$0x1BD00] =	vst v63  }
0xb3: {  	_ =	swait.ge [sflag:s29], $0x80  }
0xb4: {  	[sflag:s29] =	ssyncset.done $0x0  }
0xb5: {  	[sflag:s29] =	ssyncadd.s32 $0xFFFFFF80  }
0xb6: {  	_ =	swait.ge [sflag:s29], $0x4000  }
0xb7: {  	[sflag:s29] =	ssyncset.done $0x0  }
0xb8: {  	[sflag:s29] =	ssyncadd.s32 $0xFFFFC000  }
0xb9: {  	[spmem:s2] =	stream.indirect.scatter.add.f32 [tilespmem:s25], [sflag:$0x3], $0x80, s3, s26, $0xb8;
	[tilespmem:$0x1BD00] =	vst v63  }
0xba: {  	_ =	swait.ge [sflag:s24], $0x4000  }
0xbb: {  	[sflag:s24] =	ssyncset.done $0x0  }
0xbc: {  	[sflag:s24] =	ssyncadd.s32 $0xFFFFC000  }
0xbd: {  	_ =	swait.ge [sflag:s30], $0x80  }
0xbe: {  	[sflag:s30] =	ssyncset.done $0x0  }
0xbf: {  	[sflag:s30] =	ssyncadd.s32 $0xFFFFFF80  }
0xc0: {  	_ =	swait.ge [sflag:s30], $0x4000  }
0xc1: {  	[sflag:s30] =	ssyncset.done $0x0  }
0xc2: {  	[sflag:s30] =	ssyncadd.s32 $0xFFFFC000  }
0xc3: {  	[spmem:s2] =	stream.indirect.scatter.add.f32 [tilespmem:s28], [sflag:$0x3], $0x80, s26, s26, $0xb8;
	[tilespmem:$0x1BD00] =	vst v63  }
0xc4: {  	_ =	swait.ge [sflag:s24], $0x4000  }
0xc5: {  	s31 =	sadd.s32 $0x1, s31;
	[sflag:s24] =	ssyncset.done $0x0  }
0xc6: {  	p0 =	sne.s32 s31, s17;
	[sflag:s24] =	ssyncadd.s32 $0xFFFFC000  }
.Ltmp2:
0xc7: {  	[bflag:$0x0] =	sbarrier.arrive $0xFFFF;
	(pc) =	sbr.rel @p0 .LBB2_1-.Ltmp2, $4  }
0xc8: {  	[hbm:s16], [sflag:s7] =	dma.local [spmem:s0], $0x2780  }
0xc9: {  	_ =	swait.ge [sflag:s24], $0x2780  }
0xca: {  	[sflag:s24] =	ssyncset.done $0x0  }
0xcb: {  	[sflag:s24] =	ssyncadd.s32 $0xFFFFD880  }
0xcc: {  	_ =	sfence.sel $0x180000  }
0xcd: {  	[bflag:$0x0] =	sbarrier.arrive $0xFFFF  }
0xce: {  	_ =	strace $0x9000004A  }
0xcf: {  	s0 =	stileid.u32;
	[bflag:$0x2] =	sbarrier.arrive $0xFFFF  }
0xd0: {  	p0 =	sne.s32 s0, $0x0;
	s0 =	rddreg [dreg:$0x2]  }
0xd1: {  	s0 =	sadd.s32 @!p0 $0x100000, s0  }
0xd2: {  	[sflag:s0] =	ssyncadd.tile.s32 @!p0 $0x1;
	_ =	shalt  }
.Lfunc_end2:
_tile_overlayer_lowered:
.L_overlay_start_2:
0xd3: {  	(tag) =	ssettag $0x2  }
0xd4: {  	s0 =	rddreg [dreg:$0x0];
	s2 =	stileid.u32  }
0xd5: {  	s1 =	rddreg [dreg:$0x1];
	p0 =	sne.s32 s2, $0x0  }
0xd6: {  	s3 =	rddreg [dreg:$0x2];
	[bflag:$0x3] =	sbarrier.arrive $0xFFFF;
	s2 =	simm.s32 @!p0 $0x1C03  }
0xd7: {  	[timem:s3], [sflag:s2] =	dma.local @!p0 [hbm:s0], s1  }
0xd8: {  	s0 =	simm.s32 @!p0 $0x3  }
0xd9: {  	_ =	swait.ge @!p0 [sflag:s0], s1  }
0xda: {  	s1 =	ssub.s32 @!p0 $0x0, s1;
	[sflag:s0] =	ssyncset.done @!p0 $0x0  }
0xdb: {  	[sflag:s0] =	ssyncadd.s32 @!p0 s1  }
0xdc: {  	[bflag:$0x3] =	sbarrier.arrive $0xFFFF  }
0xdd: {  	_ =	shalt  }

</sc_bundles>
